<compile_context>
chip_gen: v7x
topology: tpu7x:2x2x1
jax: 0.10.2.dev20260603
libtpu: 0.0.44.dev20260713+nightly
codegen_flags: <defaults>
</compile_context>

<pallas_src>
import functools

import jax
import jax.numpy as jnp
from jax import lax
from jax.experimental import pallas as pl
from jax.experimental.pallas import tpu as pltpu
from jax.experimental.pallas import tpu_sc as plsc

NC = 2
NS = 16
K = 128



def _spmm_partials(table, src_idx, dst_idx, n, nwin):
    w = table.shape[1]
    np_rows = -(-(n + 16) // (NS * K)) * NS * K
    rpt = np_rows // NS

    mesh = plsc.VectorSubcoreMesh(core_axis_name="c", subcore_axis_name="s")

    @functools.partial(
        pl.kernel,
        out_type=jax.ShapeDtypeStruct((NC, np_rows, w), jnp.float32),
        mesh=mesh,
        scratch_types=[
            pltpu.VMEM((nwin, K), jnp.int32),
            pltpu.VMEM((nwin, K), jnp.int32),
            pltpu.VMEM((K, w), jnp.float32),
            pltpu.VMEM_SHARED((np_rows, w), jnp.float32),
            pltpu.SemaphoreType.DMA,
        ],
    )
    def k(table_h, src_h, dst_h, out_h, src_v, dst_v, rows_v, acc, sem):
        c = lax.axis_index("c")
        s = lax.axis_index("s")
        pltpu.sync_copy(src_h.at[c, s], src_v)
        pltpu.sync_copy(dst_h.at[c, s], dst_v)

        def zfill(i, carry):
            for j in range(w // 16):
                rows_v[i, pl.ds(j * 16, 16)] = jnp.zeros((16,), jnp.float32)
            return carry

        lax.fori_loop(0, K, zfill, 0)
        for j in range(rpt // K):
            pltpu.sync_copy(rows_v, acc.at[pl.ds(s * rpt + j * K, K)])
        plsc.subcore_barrier()

        def body(i, carry):
            pltpu.async_copy(table_h.at[src_v.at[i]], rows_v, sem).wait()
            pltpu.sync_copy(rows_v, acc.at[dst_v.at[i]], add=True)
            return carry

        lax.fori_loop(0, nwin, body, 0)
        plsc.subcore_barrier()
        pltpu.sync_copy(acc.at[pl.ds(s * rpt, rpt)], out_h.at[c, pl.ds(s * rpt, rpt)])

    return k(table, src_idx, dst_idx)


def _degree_partials(dst_idx, n, nwin):
    ndp = -(-(n + 16) // (NS * 16)) * NS * 16
    ept = ndp // NS

    mesh = plsc.VectorSubcoreMesh(core_axis_name="c", subcore_axis_name="s")

    @functools.partial(
        pl.kernel,
        out_type=(jax.ShapeDtypeStruct((ndp,), jnp.float32),
                  jax.ShapeDtypeStruct((ndp,), jnp.float32)),
        mesh=mesh,
        scratch_types=[
            pltpu.VMEM((nwin, K), jnp.int32),
            pltpu.VMEM((K,), jnp.float32),
            pltpu.VMEM((ept,), jnp.float32),
            pltpu.VMEM_SHARED((ndp,), jnp.float32),
        ],
    )
    def k(dst_h, out0_h, out1_h, dst_v, ones_v, stage_v, acc):
        c = lax.axis_index("c")
        s = lax.axis_index("s")
        pltpu.sync_copy(dst_h.at[c, s], dst_v)
        for j in range(K // 16):
            ones_v[pl.ds(j * 16, 16)] = jnp.ones((16,), jnp.float32)
        for j in range(ept // 16):
            stage_v[pl.ds(j * 16, 16)] = jnp.zeros((16,), jnp.float32)
        pltpu.sync_copy(stage_v, acc.at[pl.ds(s * ept, ept)])
        plsc.subcore_barrier()

        def body(i, carry):
            pltpu.sync_copy(ones_v, acc.at[dst_v.at[i]], add=True)
            return carry

        lax.fori_loop(0, nwin, body, 0)
        plsc.subcore_barrier()
        pltpu.sync_copy(acc.at[pl.ds(s * ept, ept)], stage_v)

        @pl.when(c == 0)
        def _():
            pltpu.sync_copy(stage_v, out0_h.at[pl.ds(s * ept, ept)])

        @pl.when(c == 1)
        def _():
            pltpu.sync_copy(stage_v, out1_h.at[pl.ds(s * ept, ept)])

    return k(dst_idx)



def _ln(t, g, b):
    mu = jnp.mean(t, axis=-1, keepdims=True)
    var = jnp.mean(jnp.square(t - mu), axis=-1, keepdims=True)
    return g * (t - mu) * lax.rsqrt(var + 1e-5) + b


def _prep_weights(W_c, Wf3, b_c, bf2):
    d_h, d_out = W_c.shape[1], W_c.shape[2]

    def body(wc_ref, wf_ref, bc_ref, bf_ref, wcf_ref, bfold_ref):
        acc = bf_ref[...]
        for s in range(wc_ref.shape[0]):
            wcf_ref[s] = jnp.dot(wc_ref[s], wf_ref[s],
                                 preferred_element_type=jnp.float32)
            acc = acc + jnp.dot(bc_ref[s:s + 1, :], wf_ref[s],
                                preferred_element_type=jnp.float32)
        bfold_ref[...] = acc

    return pl.pallas_call(
        body,
        out_shape=(jax.ShapeDtypeStruct((3, d_h, d_out), jnp.float32),
                   jax.ShapeDtypeStruct((1, d_out), jnp.float32)),
    )(W_c, Wf3, b_c, bf2)


def _stage1(deg_t, x, rb):
    n, d = x.shape

    def body(deg_ref, x_ref, dinv_ref, xs_ref):
        dinv = lax.rsqrt(deg_ref[:, 0:1] + deg_ref[:, 1:2] + 1.0)
        dinv_ref[...] = dinv
        xs_ref[...] = x_ref[...] * dinv

    return pl.pallas_call(
        body,
        grid=(n // rb,),
        in_specs=[
            pl.BlockSpec((rb, NC), lambda i: (i, 0)),
            pl.BlockSpec((rb, d), lambda i: (i, 0)),
        ],
        out_specs=(pl.BlockSpec((rb, 1), lambda i: (i, 0)),
                   pl.BlockSpec((rb, d), lambda i: (i, 0))),
        out_shape=(jax.ShapeDtypeStruct((n, 1), jnp.float32),
                   jax.ShapeDtypeStruct((n, d), jnp.float32)),
    )(deg_t, x)


def _stage2(S0p, Xs, dinv, W_a, b_a, W_b, ln_g, ln_b, rb):
    n, d = Xs.shape
    ns = W_a.shape[0]

    def body(s0_ref, xs_ref, dinv_ref, wa_ref, ba_ref, wb_ref, g_ref, b_ref, z_ref):
        dinv = dinv_ref[...]
        p0 = dinv * (s0_ref[0] + s0_ref[1] + xs_ref[...])
        for s in range(ns):
            t = jnp.dot(p0, wa_ref[s], preferred_element_type=jnp.float32)
            t = jnp.maximum(t + ba_ref[s:s + 1, :], 0.0)
            t = _ln(t, g_ref[3 * s:3 * s + 1, :], b_ref[3 * s:3 * s + 1, :])
            z_ref[s] = jnp.dot(t, wb_ref[s], preferred_element_type=jnp.float32) * dinv

    return pl.pallas_call(
        body,
        grid=(n // rb,),
        in_specs=[
            pl.BlockSpec((NC, rb, d), lambda i: (0, i, 0)),
            pl.BlockSpec((rb, d), lambda i: (i, 0)),
            pl.BlockSpec((rb, 1), lambda i: (i, 0)),
            pl.BlockSpec(W_a.shape, lambda i: (0, 0, 0)),
            pl.BlockSpec(b_a.shape, lambda i: (0, 0)),
            pl.BlockSpec(W_b.shape, lambda i: (0, 0, 0)),
            pl.BlockSpec(ln_g.shape, lambda i: (0, 0)),
            pl.BlockSpec(ln_b.shape, lambda i: (0, 0)),
        ],
        out_specs=pl.BlockSpec((ns, rb, d), lambda i: (0, i, 0)),
        out_shape=jax.ShapeDtypeStruct((ns, n, d), jnp.float32),
    )(S0p, Xs, dinv, W_a, b_a, W_b, ln_g, ln_b)


def _stage3(S1p, Z, dinv, b_b, W_cf, ln_g, ln_b, rb):
    ns, n, d = Z.shape
    d_out = W_cf.shape[2]

    def body(s1_ref, z_ref, dinv_ref, bb_ref, wcf_ref, g_ref, b_ref, us_ref):
        dinv = dinv_ref[...]
        rows = s1_ref.shape[2]
        acc = jnp.zeros((rows, d_out), jnp.float32)
        for s in range(ns):
            p1 = dinv * (s1_ref[s, 0] + s1_ref[s, 1] + z_ref[s])
            t = jnp.maximum(p1 + bb_ref[s:s + 1, :], 0.0)
            t = _ln(t, g_ref[3 * s + 1:3 * s + 2, :], b_ref[3 * s + 1:3 * s + 2, :])
            acc = acc + jnp.dot(t, wcf_ref[s], preferred_element_type=jnp.float32)
        us_ref[...] = jnp.concatenate(
            [acc * dinv, jnp.zeros((rows, 128 - d_out), jnp.float32)], axis=-1)

    return pl.pallas_call(
        body,
        grid=(n // rb,),
        in_specs=[
            pl.BlockSpec((ns, NC, rb, d), lambda i: (0, 0, i, 0)),
            pl.BlockSpec((ns, rb, d), lambda i: (0, i, 0)),
            pl.BlockSpec((rb, 1), lambda i: (i, 0)),
            pl.BlockSpec(b_b.shape, lambda i: (0, 0)),
            pl.BlockSpec(W_cf.shape, lambda i: (0, 0, 0)),
            pl.BlockSpec(ln_g.shape, lambda i: (0, 0)),
            pl.BlockSpec(ln_b.shape, lambda i: (0, 0)),
        ],
        out_specs=pl.BlockSpec((rb, 128), lambda i: (i, 0)),
        out_shape=jax.ShapeDtypeStruct((n, 128), jnp.float32),
    )(S1p, Z, dinv, b_b, W_cf, ln_g, ln_b)


def _stage4(S2p, Us, dinv, bfold, d_out, rb):
    n, wp = Us.shape

    def body(s2_ref, us_ref, dinv_ref, bf_ref, out_ref):
        t = s2_ref[0] + s2_ref[1] + us_ref[...]
        out_ref[...] = dinv_ref[...] * t[:, :d_out] + bf_ref[...]

    return pl.pallas_call(
        body,
        grid=(n // rb,),
        in_specs=[
            pl.BlockSpec((NC, rb, wp), lambda i: (0, i, 0)),
            pl.BlockSpec((rb, wp), lambda i: (i, 0)),
            pl.BlockSpec((rb, 1), lambda i: (i, 0)),
            pl.BlockSpec((1, d_out), lambda i: (0, 0)),
        ],
        out_specs=pl.BlockSpec((rb, d_out), lambda i: (i, 0)),
        out_shape=jax.ShapeDtypeStruct((n, d_out), jnp.float32),
    )(S2p, Us, dinv, bfold)



def kernel(x, edge_index, W_a, b_a, W_b, b_b, W_c, b_c, ln_g, ln_b, Wf, bf):
    n, d_in = x.shape
    e = edge_index.shape[1]
    ns = W_a.shape[0]
    d_out = W_c.shape[2]
    rb = 1000

    ept = -(-e // (NC * NS))
    nwin = -(-ept // K)
    pad = NC * NS * nwin * K - e
    kpad = jnp.arange(pad, dtype=jnp.int32)
    src = jnp.concatenate([edge_index[0].astype(jnp.int32), (kpad * 97) % n])
    dst = jnp.concatenate([edge_index[1].astype(jnp.int32), n + (kpad % 16)])
    src_idx = src.reshape(NC, NS, nwin, K)
    dst_idx = dst.reshape(NC, NS, nwin, K)

    deg0, deg1 = _degree_partials(dst_idx, n, nwin)
    deg_t = jnp.stack([deg0, deg1], axis=1)
    dinv, Xs = _stage1(deg_t, x, rb)
    S0p = _spmm_partials(Xs, src_idx, dst_idx, n, nwin)
    Z = _stage2(S0p, Xs, dinv, W_a, b_a, W_b, ln_g, ln_b, rb)
    S1p = jnp.stack([
        _spmm_partials(Z[s], src_idx, dst_idx, n, nwin) for s in range(ns)
    ])
    W_cf, bfold = _prep_weights(W_c, Wf.reshape(ns, d_out, d_out),
                                b_c, bf.reshape(1, d_out))
    Us = _stage3(S1p, Z, dinv, b_b, W_cf, ln_g, ln_b, rb)
    S2p = _spmm_partials(Us, src_idx, dst_idx, n, nwin)
    return _stage4(S2p, Us, dinv, bfold, d_out, rb)

# --- scband reference (transcript-rebuilt; emitter-appended) ---
"""Pipeline reference for scband-multi-scale-gnn-35210141893311 (READ-ONLY COPY).

The authoritative reference and input builder live on the scoring server;
editing this copy changes nothing except your own understanding.
"""

import jax, jax.numpy as jnp
import numpy as np

N_NODES = 10000
N_EDGES = 320000
D_IN = 128
D_H = 128
D_OUT = 64
N_SCALES = 3
N_LAYERS = 3


def setup_inputs(seed: int = 0) -> dict:
    key = jax.random.key(seed)
    ks = jax.random.split(key, 8)
    x = jax.random.normal(ks[0], (N_NODES, D_IN), dtype=jnp.float32)
    edge_index = jax.random.randint(ks[1], (2, N_EDGES), 0, N_NODES)

    def init_w(k, shape, fan_in):
        return jax.random.normal(k, shape, dtype=jnp.float32) * (1.0 / np.sqrt(fan_in))

    # Stacked GCNConv weights per scale: layer a (in->hid), b (hid->hid), c (hid->out)
    W_a = init_w(ks[2], (N_SCALES, D_IN, D_H), D_IN)
    b_a = jnp.zeros((N_SCALES, D_H), dtype=jnp.float32)
    W_b = init_w(ks[3], (N_SCALES, D_H, D_H), D_H)
    b_b = jnp.zeros((N_SCALES, D_H), dtype=jnp.float32)
    W_c = init_w(ks[4], (N_SCALES, D_H, D_OUT), D_H)
    b_c = jnp.zeros((N_SCALES, D_OUT), dtype=jnp.float32)
    # LayerNorms: num_layers * num_scales = 9, each over hidden_dim
    ln_g = jnp.ones((N_LAYERS * N_SCALES, D_H), dtype=jnp.float32)
    ln_b = jnp.zeros((N_LAYERS * N_SCALES, D_H), dtype=jnp.float32)
    # Fusion layer: (output_dim * num_scales) -> output_dim
    Wf = init_w(ks[5], (N_SCALES * D_OUT, D_OUT), N_SCALES * D_OUT)
    bf = jnp.zeros((D_OUT,), dtype=jnp.float32)
    return {"x": x, "edge_index": edge_index, "W_a": W_a, "b_a": b_a,
            "W_b": W_b, "b_b": b_b, "W_c": W_c, "b_c": b_c,
            "ln_g": ln_g, "ln_b": ln_b, "Wf": Wf, "bf": bf}


def _layer_norm(h, g, b):
    mu = jnp.mean(h, axis=-1, keepdims=True)
    var = jnp.mean(jnp.square(h - mu), axis=-1, keepdims=True)
    return g * (h - mu) / jnp.sqrt(var + 1e-5) + b


def _gcn_conv(h, src, dst, norm, W, b, n):
    # PyG-style GCNConv: out = scatter_add(norm * (h W)[src] -> dst) + b
    xw = h @ W
    msg = xw[src] * norm[:, None]
    out = jax.ops.segment_sum(msg, dst, num_segments=n)
    return out + b


def reference(x, edge_index, W_a, b_a, W_b, b_b, W_c, b_c, ln_g, ln_b, Wf, bf):
    n = x.shape[0]
    loop = jnp.arange(n, dtype=edge_index.dtype)
    src = jnp.concatenate([edge_index[0], loop])
    dst = jnp.concatenate([edge_index[1], loop])
    deg = jax.ops.segment_sum(jnp.ones(src.shape[0], dtype=x.dtype), dst, num_segments=n)
    dinv = jnp.where(deg > 0, 1.0 / jnp.sqrt(deg), 0.0)
    norm = dinv[src] * dinv[dst]

    scale_outputs = []
    for s in range(N_SCALES):
        h = _gcn_conv(x, src, dst, norm, W_a[s], b_a[s], n)
        h = jax.nn.relu(h)
        h = _layer_norm(h, ln_g[s * N_LAYERS + 0], ln_b[s * N_LAYERS + 0])
        # dropout: identity in eval
        h = _gcn_conv(h, src, dst, norm, W_b[s], b_b[s], n)
        h = jax.nn.relu(h)
        h = _layer_norm(h, ln_g[s * N_LAYERS + 1], ln_b[s * N_LAYERS + 1])
        h = _gcn_conv(h, src, dst, norm, W_c[s], b_c[s], n)
        scale_outputs.append(h)

    fused = jnp.concatenate(scale_outputs, axis=-1)
    return fused @ Wf + bf

if __name__ == "__main__":
    import jax
    _d = setup_inputs()
    print(jax.jit(kernel)(*tuple(_d.values())))

</pallas_src>

<mosaic_0001>
#map = affine_map<(d0, d1) -> (0, 0)>
#map1 = affine_map<(d0, d1) -> (0, 0, 0, 0)>
#map2 = affine_map<(d0, d1) -> (0, 0, 0)>
module attributes {stable_mosaic.version = 14 : i64} {
  func.func @k(%arg0: i32, %arg1: i32, %arg2: memref<10000x128xf32, #tpu.memory_space<hbm>>, %arg3: memref<2x16x79x128xi32, #tpu.memory_space<hbm>>, %arg4: memref<2x16x79x128xi32, #tpu.memory_space<hbm>>, %arg5: memref<2x10240x128xf32, #tpu.memory_space<hbm>>, %arg6: memref<79x128xi32, #tpu.memory_space<vmem>>, %arg7: memref<79x128xi32, #tpu.memory_space<vmem>>, %arg8: memref<128x128xf32, #tpu.memory_space<vmem>>, %arg9: memref<10240x128xf32, #tpu.memory_space<vmem_shared>>, %arg10: memref<!tpu.dma_semaphore, #tpu.memory_space<semaphore_mem>>) attributes {dimension_semantics = [#tpu.dimension_semantics<core_parallel>, #tpu.dimension_semantics<subcore_parallel>], iteration_bounds = array<i64: 2, 16>, scalar_prefetch = 0 : i64, scratch_operands = 5 : i64, tpu.core_type = #tpu.core_type<sc_vector_subcore>, window_params = [{transform_indices = #map}, {transform_indices = #map1}, {transform_indices = #map1}, {transform_indices = #map2}]} {
    "tpu.region"() ({
      %run_scoped3A = tpu.sem_alloc : memref<!tpu.dma_semaphore, #tpu.memory_space<semaphore_mem>>
      %dma_start3A = arith.constant 0 : i32
      %dma_start3A_34 = arith.constant 0 : i32
      %dma_start3A_35 = tpu.memref_slice %arg3[%arg0, %arg1, %dma_start3A, %dma_start3A_34] : memref<2x16x79x128xi32, #tpu.memory_space<hbm>> -> memref<1x1x79x128xi32, #tpu.memory_space<hbm>>
      %dma_start3A_36 = tpu.memref_squeeze %dma_start3A_35 : memref<1x1x79x128xi32, #tpu.memory_space<hbm>> -> memref<79x128xi32, #tpu.memory_space<hbm>>
      %dma_start3A_37 = arith.constant 0 : i32
      %dma_start3A_38 = arith.constant 0 : i32
      %dma_start3A_39 = tpu.memref_slice %arg3[%arg0, %arg1, %dma_start3A_37, %dma_start3A_38] : memref<2x16x79x128xi32, #tpu.memory_space<hbm>> -> memref<1x1x79x128xi32, #tpu.memory_space<hbm>>
      %dma_start3A_40 = tpu.memref_squeeze %dma_start3A_39 : memref<1x1x79x128xi32, #tpu.memory_space<hbm>> -> memref<79x128xi32, #tpu.memory_space<hbm>>
      tpu.enqueue_dma source(%dma_start3A_40 : memref<79x128xi32, #tpu.memory_space<hbm>>) target(%arg6 : memref<79x128xi32, #tpu.memory_space<vmem>>) target_semaphore(%run_scoped3A : memref<!tpu.dma_semaphore, #tpu.memory_space<semaphore_mem>>)
      %dma_wait3A = arith.constant 0 : i32
      %dma_wait3A_41 = arith.constant 0 : i32
      %dma_wait3A_42 = tpu.memref_slice %arg3[%arg0, %arg1, %dma_wait3A, %dma_wait3A_41] : memref<2x16x79x128xi32, #tpu.memory_space<hbm>> -> memref<1x1x79x128xi32, #tpu.memory_space<hbm>>
      %dma_wait3A_43 = tpu.memref_squeeze %dma_wait3A_42 : memref<1x1x79x128xi32, #tpu.memory_space<hbm>> -> memref<79x128xi32, #tpu.memory_space<hbm>>
      %dma_wait3A_44 = arith.constant 0 : i32
      %dma_wait3A_45 = arith.constant 0 : i32
      %dma_wait3A_46 = tpu.memref_slice %arg3[%arg0, %arg1, %dma_wait3A_44, %dma_wait3A_45] : memref<2x16x79x128xi32, #tpu.memory_space<hbm>> -> memref<1x1x79x128xi32, #tpu.memory_space<hbm>>
      %dma_wait3A_47 = tpu.memref_squeeze %dma_wait3A_46 : memref<1x1x79x128xi32, #tpu.memory_space<hbm>> -> memref<79x128xi32, #tpu.memory_space<hbm>>
      tpu.wait_dma2 semaphore(%run_scoped3A : memref<!tpu.dma_semaphore, #tpu.memory_space<semaphore_mem>>) src(%dma_wait3A_47 : memref<79x128xi32, #tpu.memory_space<hbm>>) dst(%arg6 : memref<79x128xi32, #tpu.memory_space<vmem>>)
      tpu.yield
    }) : () -> ()
    "tpu.region"() ({
      %run_scoped3A = tpu.sem_alloc : memref<!tpu.dma_semaphore, #tpu.memory_space<semaphore_mem>>
      %dma_start3A = arith.constant 0 : i32
      %dma_start3A_34 = arith.constant 0 : i32
      %dma_start3A_35 = tpu.memref_slice %arg4[%arg0, %arg1, %dma_start3A, %dma_start3A_34] : memref<2x16x79x128xi32, #tpu.memory_space<hbm>> -> memref<1x1x79x128xi32, #tpu.memory_space<hbm>>
      %dma_start3A_36 = tpu.memref_squeeze %dma_start3A_35 : memref<1x1x79x128xi32, #tpu.memory_space<hbm>> -> memref<79x128xi32, #tpu.memory_space<hbm>>
      %dma_start3A_37 = arith.constant 0 : i32
      %dma_start3A_38 = arith.constant 0 : i32
      %dma_start3A_39 = tpu.memref_slice %arg4[%arg0, %arg1, %dma_start3A_37, %dma_start3A_38] : memref<2x16x79x128xi32, #tpu.memory_space<hbm>> -> memref<1x1x79x128xi32, #tpu.memory_space<hbm>>
      %dma_start3A_40 = tpu.memref_squeeze %dma_start3A_39 : memref<1x1x79x128xi32, #tpu.memory_space<hbm>> -> memref<79x128xi32, #tpu.memory_space<hbm>>
      tpu.enqueue_dma source(%dma_start3A_40 : memref<79x128xi32, #tpu.memory_space<hbm>>) target(%arg7 : memref<79x128xi32, #tpu.memory_space<vmem>>) target_semaphore(%run_scoped3A : memref<!tpu.dma_semaphore, #tpu.memory_space<semaphore_mem>>)
      %dma_wait3A = arith.constant 0 : i32
      %dma_wait3A_41 = arith.constant 0 : i32
      %dma_wait3A_42 = tpu.memref_slice %arg4[%arg0, %arg1, %dma_wait3A, %dma_wait3A_41] : memref<2x16x79x128xi32, #tpu.memory_space<hbm>> -> memref<1x1x79x128xi32, #tpu.memory_space<hbm>>
      %dma_wait3A_43 = tpu.memref_squeeze %dma_wait3A_42 : memref<1x1x79x128xi32, #tpu.memory_space<hbm>> -> memref<79x128xi32, #tpu.memory_space<hbm>>
      %dma_wait3A_44 = arith.constant 0 : i32
      %dma_wait3A_45 = arith.constant 0 : i32
      %dma_wait3A_46 = tpu.memref_slice %arg4[%arg0, %arg1, %dma_wait3A_44, %dma_wait3A_45] : memref<2x16x79x128xi32, #tpu.memory_space<hbm>> -> memref<1x1x79x128xi32, #tpu.memory_space<hbm>>
      %dma_wait3A_47 = tpu.memref_squeeze %dma_wait3A_46 : memref<1x1x79x128xi32, #tpu.memory_space<hbm>> -> memref<79x128xi32, #tpu.memory_space<hbm>>
      tpu.wait_dma2 semaphore(%run_scoped3A : memref<!tpu.dma_semaphore, #tpu.memory_space<semaphore_mem>>) src(%dma_wait3A_47 : memref<79x128xi32, #tpu.memory_space<hbm>>) dst(%arg7 : memref<79x128xi32, #tpu.memory_space<vmem>>)
      tpu.yield
    }) : () -> ()
    %scan3A = arith.constant 0 : i32
    %scan3A_0 = arith.constant 0 : i32
    %scan3A_1 = arith.constant 128 : i32
    %scan3A_2 = arith.addi %scan3A_0, %scan3A_1 : i32
    %scan3A_3 = arith.constant 1 : i32
    scf.for %scan3A_34 = %scan3A_0 to %scan3A_2 step %scan3A_3  : i32 {
      %broadcast_in_dim3A = arith.constant 0.000000e+00 : f32
      %broadcast_in_dim3A_35 = vector.broadcast %broadcast_in_dim3A : f32 to vector<16xf32>
      %swap3A = arith.index_cast %scan3A_34 : i32 to index
      %swap3A_36 = arith.constant 0 : index
      %swap3A_37 = tpu.vector_load %arg8[%swap3A, %swap3A_36] {strides = array<i32>} : memref<128x128xf32, #tpu.memory_space<vmem>>, vector<1x16xf32>,
      %swap3A_38 = vector.shape_cast %swap3A_37 : vector<1x16xf32> to vector<16xf32>
      %swap3A_39 = vector.shape_cast %broadcast_in_dim3A_35 : vector<16xf32> to vector<1x16xf32>
      tpu.vector_store %arg8[%swap3A, %swap3A_36], %swap3A_39 {strides = array<i32>} : memref<128x128xf32, #tpu.memory_space<vmem>>, vector<1x16xf32>,
      %broadcast_in_dim3A_40 = arith.constant 0.000000e+00 : f32
      %broadcast_in_dim3A_41 = vector.broadcast %broadcast_in_dim3A_40 : f32 to vector<16xf32>
      %swap3A_42 = arith.index_cast %scan3A_34 : i32 to index
      %swap3A_43 = arith.constant 16 : index
      %swap3A_44 = tpu.vector_load %arg8[%swap3A_42, %swap3A_43] {strides = array<i32>} : memref<128x128xf32, #tpu.memory_space<vmem>>, vector<1x16xf32>,
      %swap3A_45 = vector.shape_cast %swap3A_44 : vector<1x16xf32> to vector<16xf32>
      %swap3A_46 = vector.shape_cast %broadcast_in_dim3A_41 : vector<16xf32> to vector<1x16xf32>
      tpu.vector_store %arg8[%swap3A_42, %swap3A_43], %swap3A_46 {strides = array<i32>} : memref<128x128xf32, #tpu.memory_space<vmem>>, vector<1x16xf32>,
      %broadcast_in_dim3A_47 = arith.constant 0.000000e+00 : f32
      %broadcast_in_dim3A_48 = vector.broadcast %broadcast_in_dim3A_47 : f32 to vector<16xf32>
      %swap3A_49 = arith.index_cast %scan3A_34 : i32 to index
      %swap3A_50 = arith.constant 32 : index
      %swap3A_51 = tpu.vector_load %arg8[%swap3A_49, %swap3A_50] {strides = array<i32>} : memref<128x128xf32, #tpu.memory_space<vmem>>, vector<1x16xf32>,
      %swap3A_52 = vector.shape_cast %swap3A_51 : vector<1x16xf32> to vector<16xf32>
      %swap3A_53 = vector.shape_cast %broadcast_in_dim3A_48 : vector<16xf32> to vector<1x16xf32>
      tpu.vector_store %arg8[%swap3A_49, %swap3A_50], %swap3A_53 {strides = array<i32>} : memref<128x128xf32, #tpu.memory_space<vmem>>, vector<1x16xf32>,
      %broadcast_in_dim3A_54 = arith.constant 0.000000e+00 : f32
      %broadcast_in_dim3A_55 = vector.broadcast %broadcast_in_dim3A_54 : f32 to vector<16xf32>
      %swap3A_56 = arith.index_cast %scan3A_34 : i32 to index
      %swap3A_57 = arith.constant 48 : index
      %swap3A_58 = tpu.vector_load %arg8[%swap3A_56, %swap3A_57] {strides = array<i32>} : memref<128x128xf32, #tpu.memory_space<vmem>>, vector<1x16xf32>,
      %swap3A_59 = vector.shape_cast %swap3A_58 : vector<1x16xf32> to vector<16xf32>
      %swap3A_60 = vector.shape_cast %broadcast_in_dim3A_55 : vector<16xf32> to vector<1x16xf32>
      tpu.vector_store %arg8[%swap3A_56, %swap3A_57], %swap3A_60 {strides = array<i32>} : memref<128x128xf32, #tpu.memory_space<vmem>>, vector<1x16xf32>,
      %broadcast_in_dim3A_61 = arith.constant 0.000000e+00 : f32
      %broadcast_in_dim3A_62 = vector.broadcast %broadcast_in_dim3A_61 : f32 to vector<16xf32>
      %swap3A_63 = arith.index_cast %scan3A_34 : i32 to index
      %swap3A_64 = arith.constant 64 : index
      %swap3A_65 = tpu.vector_load %arg8[%swap3A_63, %swap3A_64] {strides = array<i32>} : memref<128x128xf32, #tpu.memory_space<vmem>>, vector<1x16xf32>,
      %swap3A_66 = vector.shape_cast %swap3A_65 : vector<1x16xf32> to vector<16xf32>
      %swap3A_67 = vector.shape_cast %broadcast_in_dim3A_62 : vector<16xf32> to vector<1x16xf32>
      tpu.vector_store %arg8[%swap3A_63, %swap3A_64], %swap3A_67 {strides = array<i32>} : memref<128x128xf32, #tpu.memory_space<vmem>>, vector<1x16xf32>,
      %broadcast_in_dim3A_68 = arith.constant 0.000000e+00 : f32
      %broadcast_in_dim3A_69 = vector.broadcast %broadcast_in_dim3A_68 : f32 to vector<16xf32>
      %swap3A_70 = arith.index_cast %scan3A_34 : i32 to index
      %swap3A_71 = arith.constant 80 : index
      %swap3A_72 = tpu.vector_load %arg8[%swap3A_70, %swap3A_71] {strides = array<i32>} : memref<128x128xf32, #tpu.memory_space<vmem>>, vector<1x16xf32>,
      %swap3A_73 = vector.shape_cast %swap3A_72 : vector<1x16xf32> to vector<16xf32>
      %swap3A_74 = vector.shape_cast %broadcast_in_dim3A_69 : vector<16xf32> to vector<1x16xf32>
      tpu.vector_store %arg8[%swap3A_70, %swap3A_71], %swap3A_74 {strides = array<i32>} : memref<128x128xf32, #tpu.memory_space<vmem>>, vector<1x16xf32>,
      %broadcast_in_dim3A_75 = arith.constant 0.000000e+00 : f32
      %broadcast_in_dim3A_76 = vector.broadcast %broadcast_in_dim3A_75 : f32 to vector<16xf32>
      %swap3A_77 = arith.index_cast %scan3A_34 : i32 to index
      %swap3A_78 = arith.constant 96 : index
      %swap3A_79 = tpu.vector_load %arg8[%swap3A_77, %swap3A_78] {strides = array<i32>} : memref<128x128xf32, #tpu.memory_space<vmem>>, vector<1x16xf32>,
      %swap3A_80 = vector.shape_cast %swap3A_79 : vector<1x16xf32> to vector<16xf32>
      %swap3A_81 = vector.shape_cast %broadcast_in_dim3A_76 : vector<16xf32> to vector<1x16xf32>
      tpu.vector_store %arg8[%swap3A_77, %swap3A_78], %swap3A_81 {strides = array<i32>} : memref<128x128xf32, #tpu.memory_space<vmem>>, vector<1x16xf32>,
      %broadcast_in_dim3A_82 = arith.constant 0.000000e+00 : f32
      %broadcast_in_dim3A_83 = vector.broadcast %broadcast_in_dim3A_82 : f32 to vector<16xf32>
      %swap3A_84 = arith.index_cast %scan3A_34 : i32 to index
      %swap3A_85 = arith.constant 112 : index
      %swap3A_86 = tpu.vector_load %arg8[%swap3A_84, %swap3A_85] {strides = array<i32>} : memref<128x128xf32, #tpu.memory_space<vmem>>, vector<1x16xf32>,
      %swap3A_87 = vector.shape_cast %swap3A_86 : vector<1x16xf32> to vector<16xf32>
      %swap3A_88 = vector.shape_cast %broadcast_in_dim3A_83 : vector<16xf32> to vector<1x16xf32>
      tpu.vector_store %arg8[%swap3A_84, %swap3A_85], %swap3A_88 {strides = array<i32>} : memref<128x128xf32, #tpu.memory_space<vmem>>, vector<1x16xf32>,
    }
    %scan3A_4 = arith.constant 128 : i32
    %mul3A = arith.constant 640 : i32
    %mul3A_5 = arith.muli %arg1, %mul3A : i32
    %add3A = arith.constant 0 : i32
    %add3A_6 = arith.addi %mul3A_5, %add3A : i32
    "tpu.region"() ({
      %run_scoped3A = tpu.sem_alloc : memref<!tpu.dma_semaphore, #tpu.memory_space<semaphore_mem>>
      %dma_start3A = arith.constant 0 : i32
      %dma_start3A_34 = tpu.memref_slice %arg9[%add3A_6, %dma_start3A] : memref<10240x128xf32, #tpu.memory_space<vmem_shared>> -> memref<128x128xf32, #tpu.memory_space<vmem_shared>>
      %dma_start3A_35 = arith.constant 0 : i32
      %dma_start3A_36 = tpu.memref_slice %arg9[%add3A_6, %dma_start3A_35] : memref<10240x128xf32, #tpu.memory_space<vmem_shared>> -> memref<128x128xf32, #tpu.memory_space<vmem_shared>>
      tpu.enqueue_dma source(%arg8 : memref<128x128xf32, #tpu.memory_space<vmem>>) target(%dma_start3A_36 : memref<128x128xf32, #tpu.memory_space<vmem_shared>>) target_semaphore(%run_scoped3A : memref<!tpu.dma_semaphore, #tpu.memory_space<semaphore_mem>>)
      %dma_wait3A = arith.constant 0 : i32
      %dma_wait3A_37 = tpu.memref_slice %arg9[%add3A_6, %dma_wait3A] : memref<10240x128xf32, #tpu.memory_space<vmem_shared>> -> memref<128x128xf32, #tpu.memory_space<vmem_shared>>
      %dma_wait3A_38 = arith.constant 0 : i32
      %dma_wait3A_39 = tpu.memref_slice %arg9[%add3A_6, %dma_wait3A_38] : memref<10240x128xf32, #tpu.memory_space<vmem_shared>> -> memref<128x128xf32, #tpu.memory_space<vmem_shared>>
      tpu.wait_dma2 semaphore(%run_scoped3A : memref<!tpu.dma_semaphore, #tpu.memory_space<semaphore_mem>>) src(%arg8 : memref<128x128xf32, #tpu.memory_space<vmem>>) dst(%dma_wait3A_39 : memref<128x128xf32, #tpu.memory_space<vmem_shared>>)
      tpu.yield
    }) : () -> ()
    %mul3A_7 = arith.constant 640 : i32
    %mul3A_8 = arith.muli %arg1, %mul3A_7 : i32
    %add3A_9 = arith.constant 128 : i32
    %add3A_10 = arith.addi %mul3A_8, %add3A_9 : i32
    "tpu.region"() ({
      %run_scoped3A = tpu.sem_alloc : memref<!tpu.dma_semaphore, #tpu.memory_space<semaphore_mem>>
      %dma_start3A = arith.constant 0 : i32
      %dma_start3A_34 = tpu.memref_slice %arg9[%add3A_10, %dma_start3A] : memref<10240x128xf32, #tpu.memory_space<vmem_shared>> -> memref<128x128xf32, #tpu.memory_space<vmem_shared>>
      %dma_start3A_35 = arith.constant 0 : i32
      %dma_start3A_36 = tpu.memref_slice %arg9[%add3A_10, %dma_start3A_35] : memref<10240x128xf32, #tpu.memory_space<vmem_shared>> -> memref<128x128xf32, #tpu.memory_space<vmem_shared>>
      tpu.enqueue_dma source(%arg8 : memref<128x128xf32, #tpu.memory_space<vmem>>) target(%dma_start3A_36 : memref<128x128xf32, #tpu.memory_space<vmem_shared>>) target_semaphore(%run_scoped3A : memref<!tpu.dma_semaphore, #tpu.memory_space<semaphore_mem>>)
      %dma_wait3A = arith.constant 0 : i32
      %dma_wait3A_37 = tpu.memref_slice %arg9[%add3A_10, %dma_wait3A] : memref<10240x128xf32, #tpu.memory_space<vmem_shared>> -> memref<128x128xf32, #tpu.memory_space<vmem_shared>>
      %dma_wait3A_38 = arith.constant 0 : i32
      %dma_wait3A_39 = tpu.memref_slice %arg9[%add3A_10, %dma_wait3A_38] : memref<10240x128xf32, #tpu.memory_space<vmem_shared>> -> memref<128x128xf32, #tpu.memory_space<vmem_shared>>
      tpu.wait_dma2 semaphore(%run_scoped3A : memref<!tpu.dma_semaphore, #tpu.memory_space<semaphore_mem>>) src(%arg8 : memref<128x128xf32, #tpu.memory_space<vmem>>) dst(%dma_wait3A_39 : memref<128x128xf32, #tpu.memory_space<vmem_shared>>)
      tpu.yield
    }) : () -> ()
    %mul3A_11 = arith.constant 640 : i32
    %mul3A_12 = arith.muli %arg1, %mul3A_11 : i32
    %add3A_13 = arith.constant 256 : i32
    %add3A_14 = arith.addi %mul3A_12, %add3A_13 : i32
    "tpu.region"() ({
      %run_scoped3A = tpu.sem_alloc : memref<!tpu.dma_semaphore, #tpu.memory_space<semaphore_mem>>
      %dma_start3A = arith.constant 0 : i32
      %dma_start3A_34 = tpu.memref_slice %arg9[%add3A_14, %dma_start3A] : memref<10240x128xf32, #tpu.memory_space<vmem_shared>> -> memref<128x128xf32, #tpu.memory_space<vmem_shared>>
      %dma_start3A_35 = arith.constant 0 : i32
      %dma_start3A_36 = tpu.memref_slice %arg9[%add3A_14, %dma_start3A_35] : memref<10240x128xf32, #tpu.memory_space<vmem_shared>> -> memref<128x128xf32, #tpu.memory_space<vmem_shared>>
      tpu.enqueue_dma source(%arg8 : memref<128x128xf32, #tpu.memory_space<vmem>>) target(%dma_start3A_36 : memref<128x128xf32, #tpu.memory_space<vmem_shared>>) target_semaphore(%run_scoped3A : memref<!tpu.dma_semaphore, #tpu.memory_space<semaphore_mem>>)
      %dma_wait3A = arith.constant 0 : i32
      %dma_wait3A_37 = tpu.memref_slice %arg9[%add3A_14, %dma_wait3A] : memref<10240x128xf32, #tpu.memory_space<vmem_shared>> -> memref<128x128xf32, #tpu.memory_space<vmem_shared>>
      %dma_wait3A_38 = arith.constant 0 : i32
      %dma_wait3A_39 = tpu.memref_slice %arg9[%add3A_14, %dma_wait3A_38] : memref<10240x128xf32, #tpu.memory_space<vmem_shared>> -> memref<128x128xf32, #tpu.memory_space<vmem_shared>>
      tpu.wait_dma2 semaphore(%run_scoped3A : memref<!tpu.dma_semaphore, #tpu.memory_space<semaphore_mem>>) src(%arg8 : memref<128x128xf32, #tpu.memory_space<vmem>>) dst(%dma_wait3A_39 : memref<128x128xf32, #tpu.memory_space<vmem_shared>>)
      tpu.yield
    }) : () -> ()
    %mul3A_15 = arith.constant 640 : i32
    %mul3A_16 = arith.muli %arg1, %mul3A_15 : i32
    %add3A_17 = arith.constant 384 : i32
    %add3A_18 = arith.addi %mul3A_16, %add3A_17 : i32
    "tpu.region"() ({
      %run_scoped3A = tpu.sem_alloc : memref<!tpu.dma_semaphore, #tpu.memory_space<semaphore_mem>>
      %dma_start3A = arith.constant 0 : i32
      %dma_start3A_34 = tpu.memref_slice %arg9[%add3A_18, %dma_start3A] : memref<10240x128xf32, #tpu.memory_space<vmem_shared>> -> memref<128x128xf32, #tpu.memory_space<vmem_shared>>
      %dma_start3A_35 = arith.constant 0 : i32
      %dma_start3A_36 = tpu.memref_slice %arg9[%add3A_18, %dma_start3A_35] : memref<10240x128xf32, #tpu.memory_space<vmem_shared>> -> memref<128x128xf32, #tpu.memory_space<vmem_shared>>
      tpu.enqueue_dma source(%arg8 : memref<128x128xf32, #tpu.memory_space<vmem>>) target(%dma_start3A_36 : memref<128x128xf32, #tpu.memory_space<vmem_shared>>) target_semaphore(%run_scoped3A : memref<!tpu.dma_semaphore, #tpu.memory_space<semaphore_mem>>)
      %dma_wait3A = arith.constant 0 : i32
      %dma_wait3A_37 = tpu.memref_slice %arg9[%add3A_18, %dma_wait3A] : memref<10240x128xf32, #tpu.memory_space<vmem_shared>> -> memref<128x128xf32, #tpu.memory_space<vmem_shared>>
      %dma_wait3A_38 = arith.constant 0 : i32
      %dma_wait3A_39 = tpu.memref_slice %arg9[%add3A_18, %dma_wait3A_38] : memref<10240x128xf32, #tpu.memory_space<vmem_shared>> -> memref<128x128xf32, #tpu.memory_space<vmem_shared>>
      tpu.wait_dma2 semaphore(%run_scoped3A : memref<!tpu.dma_semaphore, #tpu.memory_space<semaphore_mem>>) src(%arg8 : memref<128x128xf32, #tpu.memory_space<vmem>>) dst(%dma_wait3A_39 : memref<128x128xf32, #tpu.memory_space<vmem_shared>>)
      tpu.yield
    }) : () -> ()
    %mul3A_19 = arith.constant 640 : i32
    %mul3A_20 = arith.muli %arg1, %mul3A_19 : i32
    %add3A_21 = arith.constant 512 : i32
    %add3A_22 = arith.addi %mul3A_20, %add3A_21 : i32
    "tpu.region"() ({
      %run_scoped3A = tpu.sem_alloc : memref<!tpu.dma_semaphore, #tpu.memory_space<semaphore_mem>>
      %dma_start3A = arith.constant 0 : i32
      %dma_start3A_34 = tpu.memref_slice %arg9[%add3A_22, %dma_start3A] : memref<10240x128xf32, #tpu.memory_space<vmem_shared>> -> memref<128x128xf32, #tpu.memory_space<vmem_shared>>
      %dma_start3A_35 = arith.constant 0 : i32
      %dma_start3A_36 = tpu.memref_slice %arg9[%add3A_22, %dma_start3A_35] : memref<10240x128xf32, #tpu.memory_space<vmem_shared>> -> memref<128x128xf32, #tpu.memory_space<vmem_shared>>
      tpu.enqueue_dma source(%arg8 : memref<128x128xf32, #tpu.memory_space<vmem>>) target(%dma_start3A_36 : memref<128x128xf32, #tpu.memory_space<vmem_shared>>) target_semaphore(%run_scoped3A : memref<!tpu.dma_semaphore, #tpu.memory_space<semaphore_mem>>)
      %dma_wait3A = arith.constant 0 : i32
      %dma_wait3A_37 = tpu.memref_slice %arg9[%add3A_22, %dma_wait3A] : memref<10240x128xf32, #tpu.memory_space<vmem_shared>> -> memref<128x128xf32, #tpu.memory_space<vmem_shared>>
      %dma_wait3A_38 = arith.constant 0 : i32
      %dma_wait3A_39 = tpu.memref_slice %arg9[%add3A_22, %dma_wait3A_38] : memref<10240x128xf32, #tpu.memory_space<vmem_shared>> -> memref<128x128xf32, #tpu.memory_space<vmem_shared>>
      tpu.wait_dma2 semaphore(%run_scoped3A : memref<!tpu.dma_semaphore, #tpu.memory_space<semaphore_mem>>) src(%arg8 : memref<128x128xf32, #tpu.memory_space<vmem>>) dst(%dma_wait3A_39 : memref<128x128xf32, #tpu.memory_space<vmem_shared>>)
      tpu.yield
    }) : () -> ()
    %barrier3A = arith.constant 0 : index
    tpu.barrier barrier_id(%barrier3A)
    %scan3A_23 = arith.constant 0 : i32
    %scan3A_24 = arith.constant 0 : i32
    %scan3A_25 = arith.constant 79 : i32
    %scan3A_26 = arith.addi %scan3A_24, %scan3A_25 : i32
    %scan3A_27 = arith.constant 1 : i32
    scf.for %scan3A_34 = %scan3A_24 to %scan3A_26 step %scan3A_27  : i32 {
      %dma_start3A = arith.constant 0 : i32
      %dma_start3A_35 = tpu.memref_slice %arg6[%scan3A_34, %dma_start3A] : memref<79x128xi32, #tpu.memory_space<vmem>> -> memref<1x128xi32, #tpu.memory_space<vmem>>
      %dma_start3A_36 = tpu.memref_squeeze %dma_start3A_35 : memref<1x128xi32, #tpu.memory_space<vmem>> -> memref<128xi32, #tpu.memory_space<vmem>>
      %dma_start3A_37 = arith.constant 0 : i32
      %dma_start3A_38 = arith.constant 0 : i32
      %dma_start3A_39 = tpu.memref_slice %arg2[%dma_start3A_37, %dma_start3A_38] : memref<10000x128xf32, #tpu.memory_space<hbm>> -> memref<10000x128xf32, #tpu.memory_space<hbm>>
      tpu.enqueue_indirect_dma source(%dma_start3A_39 : memref<10000x128xf32, #tpu.memory_space<hbm>>) target(%arg8 : memref<128x128xf32, #tpu.memory_space<vmem>>) offsets(%dma_start3A_36 : memref<128xi32, #tpu.memory_space<vmem>>) semaphore(%arg10 : memref<!tpu.dma_semaphore, #tpu.memory_space<semaphore_mem>>)
      %dma_wait3A = arith.constant 0 : i32
      %dma_wait3A_40 = tpu.memref_slice %arg6[%scan3A_34, %dma_wait3A] : memref<79x128xi32, #tpu.memory_space<vmem>> -> memref<1x128xi32, #tpu.memory_space<vmem>>
      %dma_wait3A_41 = tpu.memref_squeeze %dma_wait3A_40 : memref<1x128xi32, #tpu.memory_space<vmem>> -> memref<128xi32, #tpu.memory_space<vmem>>
      %dma_wait3A_42 = arith.constant 0 : i32
      %dma_wait3A_43 = arith.constant 0 : i32
      %dma_wait3A_44 = tpu.memref_slice %arg2[%dma_wait3A_42, %dma_wait3A_43] : memref<10000x128xf32, #tpu.memory_space<hbm>> -> memref<10000x128xf32, #tpu.memory_space<hbm>>
      tpu.wait_indirect_dma semaphore(%arg10 : memref<!tpu.dma_semaphore, #tpu.memory_space<semaphore_mem>>) src(%dma_wait3A_44 : memref<10000x128xf32, #tpu.memory_space<hbm>>) dst(%arg8 : memref<128x128xf32, #tpu.memory_space<vmem>>)
      "tpu.region"() ({
        %run_scoped3A = tpu.sem_alloc : memref<!tpu.dma_semaphore, #tpu.memory_space<semaphore_mem>>
        %dma_start3A_45 = arith.constant 0 : i32
        %dma_start3A_46 = tpu.memref_slice %arg7[%scan3A_34, %dma_start3A_45] : memref<79x128xi32, #tpu.memory_space<vmem>> -> memref<1x128xi32, #tpu.memory_space<vmem>>
        %dma_start3A_47 = tpu.memref_squeeze %dma_start3A_46 : memref<1x128xi32, #tpu.memory_space<vmem>> -> memref<128xi32, #tpu.memory_space<vmem>>
        %dma_start3A_48 = arith.constant 0 : i32
        %dma_start3A_49 = arith.constant 0 : i32
        %dma_start3A_50 = tpu.memref_slice %arg9[%dma_start3A_48, %dma_start3A_49] : memref<10240x128xf32, #tpu.memory_space<vmem_shared>> -> memref<10240x128xf32, #tpu.memory_space<vmem_shared>>
        tpu.enqueue_indirect_dma source(%arg8 : memref<128x128xf32, #tpu.memory_space<vmem>>) target(%dma_start3A_50 : memref<10240x128xf32, #tpu.memory_space<vmem_shared>>) offsets(%dma_start3A_47 : memref<128xi32, #tpu.memory_space<vmem>>) semaphore(%run_scoped3A : memref<!tpu.dma_semaphore, #tpu.memory_space<semaphore_mem>>) {add = true}
        %dma_wait3A_51 = arith.constant 0 : i32
        %dma_wait3A_52 = tpu.memref_slice %arg7[%scan3A_34, %dma_wait3A_51] : memref<79x128xi32, #tpu.memory_space<vmem>> -> memref<1x128xi32, #tpu.memory_space<vmem>>
        %dma_wait3A_53 = tpu.memref_squeeze %dma_wait3A_52 : memref<1x128xi32, #tpu.memory_space<vmem>> -> memref<128xi32, #tpu.memory_space<vmem>>
        %dma_wait3A_54 = arith.constant 0 : i32
        %dma_wait3A_55 = arith.constant 0 : i32
        %dma_wait3A_56 = tpu.memref_slice %arg9[%dma_wait3A_54, %dma_wait3A_55] : memref<10240x128xf32, #tpu.memory_space<vmem_shared>> -> memref<10240x128xf32, #tpu.memory_space<vmem_shared>>
        tpu.wait_indirect_dma semaphore(%run_scoped3A : memref<!tpu.dma_semaphore, #tpu.memory_space<semaphore_mem>>) src(%arg8 : memref<128x128xf32, #tpu.memory_space<vmem>>) dst(%dma_wait3A_56 : memref<10240x128xf32, #tpu.memory_space<vmem_shared>>)
        tpu.yield
      }) : () -> ()
    }
    %scan3A_28 = arith.constant 79 : i32
    %barrier3A_29 = arith.constant 0 : index
    tpu.barrier barrier_id(%barrier3A_29)
    %mul3A_30 = arith.constant 640 : i32
    %mul3A_31 = arith.muli %arg1, %mul3A_30 : i32
    %mul3A_32 = arith.constant 640 : i32
    %mul3A_33 = arith.muli %arg1, %mul3A_32 : i32
    "tpu.region"() ({
      %run_scoped3A = tpu.sem_alloc : memref<!tpu.dma_semaphore, #tpu.memory_space<semaphore_mem>>
      %dma_start3A = arith.constant 0 : i32
      %dma_start3A_34 = tpu.memref_slice %arg5[%arg0, %mul3A_33, %dma_start3A] : memref<2x10240x128xf32, #tpu.memory_space<hbm>> -> memref<1x640x128xf32, #tpu.memory_space<hbm>>
      %dma_start3A_35 = tpu.memref_squeeze %dma_start3A_34 : memref<1x640x128xf32, #tpu.memory_space<hbm>> -> memref<640x128xf32, #tpu.memory_space<hbm>>
      %dma_start3A_36 = arith.constant 0 : i32
      %dma_start3A_37 = tpu.memref_slice %arg9[%mul3A_31, %dma_start3A_36] : memref<10240x128xf32, #tpu.memory_space<vmem_shared>> -> memref<640x128xf32, #tpu.memory_space<vmem_shared>>
      tpu.enqueue_dma source(%dma_start3A_37 : memref<640x128xf32, #tpu.memory_space<vmem_shared>>) target(%dma_start3A_35 : memref<640x128xf32, #tpu.memory_space<hbm>>) target_semaphore(%run_scoped3A : memref<!tpu.dma_semaphore, #tpu.memory_space<semaphore_mem>>)
      %dma_wait3A = arith.constant 0 : i32
      %dma_wait3A_38 = tpu.memref_slice %arg5[%arg0, %mul3A_33, %dma_wait3A] : memref<2x10240x128xf32, #tpu.memory_space<hbm>> -> memref<1x640x128xf32, #tpu.memory_space<hbm>>
      %dma_wait3A_39 = tpu.memref_squeeze %dma_wait3A_38 : memref<1x640x128xf32, #tpu.memory_space<hbm>> -> memref<640x128xf32, #tpu.memory_space<hbm>>
      %dma_wait3A_40 = arith.constant 0 : i32
      %dma_wait3A_41 = tpu.memref_slice %arg9[%mul3A_31, %dma_wait3A_40] : memref<10240x128xf32, #tpu.memory_space<vmem_shared>> -> memref<640x128xf32, #tpu.memory_space<vmem_shared>>
      tpu.wait_dma2 semaphore(%run_scoped3A : memref<!tpu.dma_semaphore, #tpu.memory_space<semaphore_mem>>) src(%dma_wait3A_41 : memref<640x128xf32, #tpu.memory_space<vmem_shared>>) dst(%dma_wait3A_39 : memref<640x128xf32, #tpu.memory_space<hbm>>)
      tpu.yield
    }) : () -> ()
    return
  }
}

#map = affine_map<(d0, d1) -> (0, 0, 0, 0)>
#map1 = affine_map<(d0, d1) -> (0)>
module attributes {stable_mosaic.version = 14 : i64} {
  func.func @k(%arg0: i32, %arg1: i32, %arg2: memref<2x16x79x128xi32, #tpu.memory_space<hbm>>, %arg3: memref<10240xf32, #tpu.memory_space<hbm>>, %arg4: memref<10240xf32, #tpu.memory_space<hbm>>, %arg5: memref<79x128xi32, #tpu.memory_space<vmem>>, %arg6: memref<128xf32, #tpu.memory_space<vmem>>, %arg7: memref<640xf32, #tpu.memory_space<vmem>>, %arg8: memref<10240xf32, #tpu.memory_space<vmem_shared>>) attributes {dimension_semantics = [#tpu.dimension_semantics<core_parallel>, #tpu.dimension_semantics<subcore_parallel>], iteration_bounds = array<i64: 2, 16>, scalar_prefetch = 0 : i64, scratch_operands = 4 : i64, tpu.core_type = #tpu.core_type<sc_vector_subcore>, window_params = [{transform_indices = #map}, {transform_indices = #map1}, {transform_indices = #map1}]} {
    "tpu.region"() ({
      %run_scoped3A = tpu.sem_alloc : memref<!tpu.dma_semaphore, #tpu.memory_space<semaphore_mem>>
      %dma_start3A = arith.constant 0 : i32
      %dma_start3A_302 = arith.constant 0 : i32
      %dma_start3A_303 = tpu.memref_slice %arg2[%arg0, %arg1, %dma_start3A, %dma_start3A_302] : memref<2x16x79x128xi32, #tpu.memory_space<hbm>> -> memref<1x1x79x128xi32, #tpu.memory_space<hbm>>
      %dma_start3A_304 = tpu.memref_squeeze %dma_start3A_303 : memref<1x1x79x128xi32, #tpu.memory_space<hbm>> -> memref<79x128xi32, #tpu.memory_space<hbm>>
      %dma_start3A_305 = arith.constant 0 : i32
      %dma_start3A_306 = arith.constant 0 : i32
      %dma_start3A_307 = tpu.memref_slice %arg2[%arg0, %arg1, %dma_start3A_305, %dma_start3A_306] : memref<2x16x79x128xi32, #tpu.memory_space<hbm>> -> memref<1x1x79x128xi32, #tpu.memory_space<hbm>>
      %dma_start3A_308 = tpu.memref_squeeze %dma_start3A_307 : memref<1x1x79x128xi32, #tpu.memory_space<hbm>> -> memref<79x128xi32, #tpu.memory_space<hbm>>
      tpu.enqueue_dma source(%dma_start3A_308 : memref<79x128xi32, #tpu.memory_space<hbm>>) target(%arg5 : memref<79x128xi32, #tpu.memory_space<vmem>>) target_semaphore(%run_scoped3A : memref<!tpu.dma_semaphore, #tpu.memory_space<semaphore_mem>>)
      %dma_wait3A = arith.constant 0 : i32
      %dma_wait3A_309 = arith.constant 0 : i32
      %dma_wait3A_310 = tpu.memref_slice %arg2[%arg0, %arg1, %dma_wait3A, %dma_wait3A_309] : memref<2x16x79x128xi32, #tpu.memory_space<hbm>> -> memref<1x1x79x128xi32, #tpu.memory_space<hbm>>
      %dma_wait3A_311 = tpu.memref_squeeze %dma_wait3A_310 : memref<1x1x79x128xi32, #tpu.memory_space<hbm>> -> memref<79x128xi32, #tpu.memory_space<hbm>>
      %dma_wait3A_312 = arith.constant 0 : i32
      %dma_wait3A_313 = arith.constant 0 : i32
      %dma_wait3A_314 = tpu.memref_slice %arg2[%arg0, %arg1, %dma_wait3A_312, %dma_wait3A_313] : memref<2x16x79x128xi32, #tpu.memory_space<hbm>> -> memref<1x1x79x128xi32, #tpu.memory_space<hbm>>
      %dma_wait3A_315 = tpu.memref_squeeze %dma_wait3A_314 : memref<1x1x79x128xi32, #tpu.memory_space<hbm>> -> memref<79x128xi32, #tpu.memory_space<hbm>>
      tpu.wait_dma2 semaphore(%run_scoped3A : memref<!tpu.dma_semaphore, #tpu.memory_space<semaphore_mem>>) src(%dma_wait3A_315 : memref<79x128xi32, #tpu.memory_space<hbm>>) dst(%arg5 : memref<79x128xi32, #tpu.memory_space<vmem>>)
      tpu.yield
    }) : () -> ()
    %broadcast_in_dim3A = arith.constant 1.000000e+00 : f32
    %broadcast_in_dim3A_0 = vector.broadcast %broadcast_in_dim3A : f32 to vector<16xf32>
    %swap3A = arith.constant 0 : index
    %swap3A_1 = tpu.vector_load %arg6[%swap3A] {strides = array<i32>} : memref<128xf32, #tpu.memory_space<vmem>>, vector<16xf32>,
    %swap3A_2 = vector.shape_cast %swap3A_1 : vector<16xf32> to vector<16xf32>
    %swap3A_3 = vector.shape_cast %broadcast_in_dim3A_0 : vector<16xf32> to vector<16xf32>
    tpu.vector_store %arg6[%swap3A], %swap3A_3 {strides = array<i32>} : memref<128xf32, #tpu.memory_space<vmem>>, vector<16xf32>,
    %broadcast_in_dim3A_4 = arith.constant 1.000000e+00 : f32
    %broadcast_in_dim3A_5 = vector.broadcast %broadcast_in_dim3A_4 : f32 to vector<16xf32>
    %swap3A_6 = arith.constant 16 : index
    %swap3A_7 = tpu.vector_load %arg6[%swap3A_6] {strides = array<i32>} : memref<128xf32, #tpu.memory_space<vmem>>, vector<16xf32>,
    %swap3A_8 = vector.shape_cast %swap3A_7 : vector<16xf32> to vector<16xf32>
    %swap3A_9 = vector.shape_cast %broadcast_in_dim3A_5 : vector<16xf32> to vector<16xf32>
    tpu.vector_store %arg6[%swap3A_6], %swap3A_9 {strides = array<i32>} : memref<128xf32, #tpu.memory_space<vmem>>, vector<16xf32>,
    %broadcast_in_dim3A_10 = arith.constant 1.000000e+00 : f32
    %broadcast_in_dim3A_11 = vector.broadcast %broadcast_in_dim3A_10 : f32 to vector<16xf32>
    %swap3A_12 = arith.constant 32 : index
    %swap3A_13 = tpu.vector_load %arg6[%swap3A_12] {strides = array<i32>} : memref<128xf32, #tpu.memory_space<vmem>>, vector<16xf32>,
    %swap3A_14 = vector.shape_cast %swap3A_13 : vector<16xf32> to vector<16xf32>
    %swap3A_15 = vector.shape_cast %broadcast_in_dim3A_11 : vector<16xf32> to vector<16xf32>
    tpu.vector_store %arg6[%swap3A_12], %swap3A_15 {strides = array<i32>} : memref<128xf32, #tpu.memory_space<vmem>>, vector<16xf32>,
    %broadcast_in_dim3A_16 = arith.constant 1.000000e+00 : f32
    %broadcast_in_dim3A_17 = vector.broadcast %broadcast_in_dim3A_16 : f32 to vector<16xf32>
    %swap3A_18 = arith.constant 48 : index
    %swap3A_19 = tpu.vector_load %arg6[%swap3A_18] {strides = array<i32>} : memref<128xf32, #tpu.memory_space<vmem>>, vector<16xf32>,
    %swap3A_20 = vector.shape_cast %swap3A_19 : vector<16xf32> to vector<16xf32>
    %swap3A_21 = vector.shape_cast %broadcast_in_dim3A_17 : vector<16xf32> to vector<16xf32>
    tpu.vector_store %arg6[%swap3A_18], %swap3A_21 {strides = array<i32>} : memref<128xf32, #tpu.memory_space<vmem>>, vector<16xf32>,
    %broadcast_in_dim3A_22 = arith.constant 1.000000e+00 : f32
    %broadcast_in_dim3A_23 = vector.broadcast %broadcast_in_dim3A_22 : f32 to vector<16xf32>
    %swap3A_24 = arith.constant 64 : index
    %swap3A_25 = tpu.vector_load %arg6[%swap3A_24] {strides = array<i32>} : memref<128xf32, #tpu.memory_space<vmem>>, vector<16xf32>,
    %swap3A_26 = vector.shape_cast %swap3A_25 : vector<16xf32> to vector<16xf32>
    %swap3A_27 = vector.shape_cast %broadcast_in_dim3A_23 : vector<16xf32> to vector<16xf32>
    tpu.vector_store %arg6[%swap3A_24], %swap3A_27 {strides = array<i32>} : memref<128xf32, #tpu.memory_space<vmem>>, vector<16xf32>,
    %broadcast_in_dim3A_28 = arith.constant 1.000000e+00 : f32
    %broadcast_in_dim3A_29 = vector.broadcast %broadcast_in_dim3A_28 : f32 to vector<16xf32>
    %swap3A_30 = arith.constant 80 : index
    %swap3A_31 = tpu.vector_load %arg6[%swap3A_30] {strides = array<i32>} : memref<128xf32, #tpu.memory_space<vmem>>, vector<16xf32>,
    %swap3A_32 = vector.shape_cast %swap3A_31 : vector<16xf32> to vector<16xf32>
    %swap3A_33 = vector.shape_cast %broadcast_in_dim3A_29 : vector<16xf32> to vector<16xf32>
    tpu.vector_store %arg6[%swap3A_30], %swap3A_33 {strides = array<i32>} : memref<128xf32, #tpu.memory_space<vmem>>, vector<16xf32>,
    %broadcast_in_dim3A_34 = arith.constant 1.000000e+00 : f32
    %broadcast_in_dim3A_35 = vector.broadcast %broadcast_in_dim3A_34 : f32 to vector<16xf32>
    %swap3A_36 = arith.constant 96 : index
    %swap3A_37 = tpu.vector_load %arg6[%swap3A_36] {strides = array<i32>} : memref<128xf32, #tpu.memory_space<vmem>>, vector<16xf32>,
    %swap3A_38 = vector.shape_cast %swap3A_37 : vector<16xf32> to vector<16xf32>
    %swap3A_39 = vector.shape_cast %broadcast_in_dim3A_35 : vector<16xf32> to vector<16xf32>
    tpu.vector_store %arg6[%swap3A_36], %swap3A_39 {strides = array<i32>} : memref<128xf32, #tpu.memory_space<vmem>>, vector<16xf32>,
    %broadcast_in_dim3A_40 = arith.constant 1.000000e+00 : f32
    %broadcast_in_dim3A_41 = vector.broadcast %broadcast_in_dim3A_40 : f32 to vector<16xf32>
    %swap3A_42 = arith.constant 112 : index
    %swap3A_43 = tpu.vector_load %arg6[%swap3A_42] {strides = array<i32>} : memref<128xf32, #tpu.memory_space<vmem>>, vector<16xf32>,
    %swap3A_44 = vector.shape_cast %swap3A_43 : vector<16xf32> to vector<16xf32>
    %swap3A_45 = vector.shape_cast %broadcast_in_dim3A_41 : vector<16xf32> to vector<16xf32>
    tpu.vector_store %arg6[%swap3A_42], %swap3A_45 {strides = array<i32>} : memref<128xf32, #tpu.memory_space<vmem>>, vector<16xf32>,
    %broadcast_in_dim3A_46 = arith.constant 0.000000e+00 : f32
    %broadcast_in_dim3A_47 = vector.broadcast %broadcast_in_dim3A_46 : f32 to vector<16xf32>
    %swap3A_48 = arith.constant 0 : index
    %swap3A_49 = tpu.vector_load %arg7[%swap3A_48] {strides = array<i32>} : memref<640xf32, #tpu.memory_space<vmem>>, vector<16xf32>,
    %swap3A_50 = vector.shape_cast %swap3A_49 : vector<16xf32> to vector<16xf32>
    %swap3A_51 = vector.shape_cast %broadcast_in_dim3A_47 : vector<16xf32> to vector<16xf32>
    tpu.vector_store %arg7[%swap3A_48], %swap3A_51 {strides = array<i32>} : memref<640xf32, #tpu.memory_space<vmem>>, vector<16xf32>,
    %broadcast_in_dim3A_52 = arith.constant 0.000000e+00 : f32
    %broadcast_in_dim3A_53 = vector.broadcast %broadcast_in_dim3A_52 : f32 to vector<16xf32>
    %swap3A_54 = arith.constant 16 : index
    %swap3A_55 = tpu.vector_load %arg7[%swap3A_54] {strides = array<i32>} : memref<640xf32, #tpu.memory_space<vmem>>, vector<16xf32>,
    %swap3A_56 = vector.shape_cast %swap3A_55 : vector<16xf32> to vector<16xf32>
    %swap3A_57 = vector.shape_cast %broadcast_in_dim3A_53 : vector<16xf32> to vector<16xf32>
    tpu.vector_store %arg7[%swap3A_54], %swap3A_57 {strides = array<i32>} : memref<640xf32, #tpu.memory_space<vmem>>, vector<16xf32>,
    %broadcast_in_dim3A_58 = arith.constant 0.000000e+00 : f32
    %broadcast_in_dim3A_59 = vector.broadcast %broadcast_in_dim3A_58 : f32 to vector<16xf32>
    %swap3A_60 = arith.constant 32 : index
    %swap3A_61 = tpu.vector_load %arg7[%swap3A_60] {strides = array<i32>} : memref<640xf32, #tpu.memory_space<vmem>>, vector<16xf32>,
    %swap3A_62 = vector.shape_cast %swap3A_61 : vector<16xf32> to vector<16xf32>
    %swap3A_63 = vector.shape_cast %broadcast_in_dim3A_59 : vector<16xf32> to vector<16xf32>
    tpu.vector_store %arg7[%swap3A_60], %swap3A_63 {strides = array<i32>} : memref<640xf32, #tpu.memory_space<vmem>>, vector<16xf32>,
    %broadcast_in_dim3A_64 = arith.constant 0.000000e+00 : f32
    %broadcast_in_dim3A_65 = vector.broadcast %broadcast_in_dim3A_64 : f32 to vector<16xf32>
    %swap3A_66 = arith.constant 48 : index
    %swap3A_67 = tpu.vector_load %arg7[%swap3A_66] {strides = array<i32>} : memref<640xf32, #tpu.memory_space<vmem>>, vector<16xf32>,
    %swap3A_68 = vector.shape_cast %swap3A_67 : vector<16xf32> to vector<16xf32>
    %swap3A_69 = vector.shape_cast %broadcast_in_dim3A_65 : vector<16xf32> to vector<16xf32>
    tpu.vector_store %arg7[%swap3A_66], %swap3A_69 {strides = array<i32>} : memref<640xf32, #tpu.memory_space<vmem>>, vector<16xf32>,
    %broadcast_in_dim3A_70 = arith.constant 0.000000e+00 : f32
    %broadcast_in_dim3A_71 = vector.broadcast %broadcast_in_dim3A_70 : f32 to vector<16xf32>
    %swap3A_72 = arith.constant 64 : index
    %swap3A_73 = tpu.vector_load %arg7[%swap3A_72] {strides = array<i32>} : memref<640xf32, #tpu.memory_space<vmem>>, vector<16xf32>,
    %swap3A_74 = vector.shape_cast %swap3A_73 : vector<16xf32> to vector<16xf32>
    %swap3A_75 = vector.shape_cast %broadcast_in_dim3A_71 : vector<16xf32> to vector<16xf32>
    tpu.vector_store %arg7[%swap3A_72], %swap3A_75 {strides = array<i32>} : memref<640xf32, #tpu.memory_space<vmem>>, vector<16xf32>,
    %broadcast_in_dim3A_76 = arith.constant 0.000000e+00 : f32
    %broadcast_in_dim3A_77 = vector.broadcast %broadcast_in_dim3A_76 : f32 to vector<16xf32>
    %swap3A_78 = arith.constant 80 : index
    %swap3A_79 = tpu.vector_load %arg7[%swap3A_78] {strides = array<i32>} : memref<640xf32, #tpu.memory_space<vmem>>, vector<16xf32>,
    %swap3A_80 = vector.shape_cast %swap3A_79 : vector<16xf32> to vector<16xf32>
    %swap3A_81 = vector.shape_cast %broadcast_in_dim3A_77 : vector<16xf32> to vector<16xf32>
    tpu.vector_store %arg7[%swap3A_78], %swap3A_81 {strides = array<i32>} : memref<640xf32, #tpu.memory_space<vmem>>, vector<16xf32>,
    %broadcast_in_dim3A_82 = arith.constant 0.000000e+00 : f32
    %broadcast_in_dim3A_83 = vector.broadcast %broadcast_in_dim3A_82 : f32 to vector<16xf32>
    %swap3A_84 = arith.constant 96 : index
    %swap3A_85 = tpu.vector_load %arg7[%swap3A_84] {strides = array<i32>} : memref<640xf32, #tpu.memory_space<vmem>>, vector<16xf32>,
    %swap3A_86 = vector.shape_cast %swap3A_85 : vector<16xf32> to vector<16xf32>
    %swap3A_87 = vector.shape_cast %broadcast_in_dim3A_83 : vector<16xf32> to vector<16xf32>
    tpu.vector_store %arg7[%swap3A_84], %swap3A_87 {strides = array<i32>} : memref<640xf32, #tpu.memory_space<vmem>>, vector<16xf32>,
    %broadcast_in_dim3A_88 = arith.constant 0.000000e+00 : f32
    %broadcast_in_dim3A_89 = vector.broadcast %broadcast_in_dim3A_88 : f32 to vector<16xf32>
    %swap3A_90 = arith.constant 112 : index
    %swap3A_91 = tpu.vector_load %arg7[%swap3A_90] {strides = array<i32>} : memref<640xf32, #tpu.memory_space<vmem>>, vector<16xf32>,
    %swap3A_92 = vector.shape_cast %swap3A_91 : vector<16xf32> to vector<16xf32>
    %swap3A_93 = vector.shape_cast %broadcast_in_dim3A_89 : vector<16xf32> to vector<16xf32>
    tpu.vector_store %arg7[%swap3A_90], %swap3A_93 {strides = array<i32>} : memref<640xf32, #tpu.memory_space<vmem>>, vector<16xf32>,
    %broadcast_in_dim3A_94 = arith.constant 0.000000e+00 : f32
    %broadcast_in_dim3A_95 = vector.broadcast %broadcast_in_dim3A_94 : f32 to vector<16xf32>
    %swap3A_96 = arith.constant 128 : index
    %swap3A_97 = tpu.vector_load %arg7[%swap3A_96] {strides = array<i32>} : memref<640xf32, #tpu.memory_space<vmem>>, vector<16xf32>,
    %swap3A_98 = vector.shape_cast %swap3A_97 : vector<16xf32> to vector<16xf32>
    %swap3A_99 = vector.shape_cast %broadcast_in_dim3A_95 : vector<16xf32> to vector<16xf32>
    tpu.vector_store %arg7[%swap3A_96], %swap3A_99 {strides = array<i32>} : memref<640xf32, #tpu.memory_space<vmem>>, vector<16xf32>,
    %broadcast_in_dim3A_100 = arith.constant 0.000000e+00 : f32
    %broadcast_in_dim3A_101 = vector.broadcast %broadcast_in_dim3A_100 : f32 to vector<16xf32>
    %swap3A_102 = arith.constant 144 : index
    %swap3A_103 = tpu.vector_load %arg7[%swap3A_102] {strides = array<i32>} : memref<640xf32, #tpu.memory_space<vmem>>, vector<16xf32>,
    %swap3A_104 = vector.shape_cast %swap3A_103 : vector<16xf32> to vector<16xf32>
    %swap3A_105 = vector.shape_cast %broadcast_in_dim3A_101 : vector<16xf32> to vector<16xf32>
    tpu.vector_store %arg7[%swap3A_102], %swap3A_105 {strides = array<i32>} : memref<640xf32, #tpu.memory_space<vmem>>, vector<16xf32>,
    %broadcast_in_dim3A_106 = arith.constant 0.000000e+00 : f32
    %broadcast_in_dim3A_107 = vector.broadcast %broadcast_in_dim3A_106 : f32 to vector<16xf32>
    %swap3A_108 = arith.constant 160 : index
    %swap3A_109 = tpu.vector_load %arg7[%swap3A_108] {strides = array<i32>} : memref<640xf32, #tpu.memory_space<vmem>>, vector<16xf32>,
    %swap3A_110 = vector.shape_cast %swap3A_109 : vector<16xf32> to vector<16xf32>
    %swap3A_111 = vector.shape_cast %broadcast_in_dim3A_107 : vector<16xf32> to vector<16xf32>
    tpu.vector_store %arg7[%swap3A_108], %swap3A_111 {strides = array<i32>} : memref<640xf32, #tpu.memory_space<vmem>>, vector<16xf32>,
    %broadcast_in_dim3A_112 = arith.constant 0.000000e+00 : f32
    %broadcast_in_dim3A_113 = vector.broadcast %broadcast_in_dim3A_112 : f32 to vector<16xf32>
    %swap3A_114 = arith.constant 176 : index
    %swap3A_115 = tpu.vector_load %arg7[%swap3A_114] {strides = array<i32>} : memref<640xf32, #tpu.memory_space<vmem>>, vector<16xf32>,
    %swap3A_116 = vector.shape_cast %swap3A_115 : vector<16xf32> to vector<16xf32>
    %swap3A_117 = vector.shape_cast %broadcast_in_dim3A_113 : vector<16xf32> to vector<16xf32>
    tpu.vector_store %arg7[%swap3A_114], %swap3A_117 {strides = array<i32>} : memref<640xf32, #tpu.memory_space<vmem>>, vector<16xf32>,
    %broadcast_in_dim3A_118 = arith.constant 0.000000e+00 : f32
    %broadcast_in_dim3A_119 = vector.broadcast %broadcast_in_dim3A_118 : f32 to vector<16xf32>
    %swap3A_120 = arith.constant 192 : index
    %swap3A_121 = tpu.vector_load %arg7[%swap3A_120] {strides = array<i32>} : memref<640xf32, #tpu.memory_space<vmem>>, vector<16xf32>,
    %swap3A_122 = vector.shape_cast %swap3A_121 : vector<16xf32> to vector<16xf32>
    %swap3A_123 = vector.shape_cast %broadcast_in_dim3A_119 : vector<16xf32> to vector<16xf32>
    tpu.vector_store %arg7[%swap3A_120], %swap3A_123 {strides = array<i32>} : memref<640xf32, #tpu.memory_space<vmem>>, vector<16xf32>,
    %broadcast_in_dim3A_124 = arith.constant 0.000000e+00 : f32
    %broadcast_in_dim3A_125 = vector.broadcast %broadcast_in_dim3A_124 : f32 to vector<16xf32>
    %swap3A_126 = arith.constant 208 : index
    %swap3A_127 = tpu.vector_load %arg7[%swap3A_126] {strides = array<i32>} : memref<640xf32, #tpu.memory_space<vmem>>, vector<16xf32>,
    %swap3A_128 = vector.shape_cast %swap3A_127 : vector<16xf32> to vector<16xf32>
    %swap3A_129 = vector.shape_cast %broadcast_in_dim3A_125 : vector<16xf32> to vector<16xf32>
    tpu.vector_store %arg7[%swap3A_126], %swap3A_129 {strides = array<i32>} : memref<640xf32, #tpu.memory_space<vmem>>, vector<16xf32>,
    %broadcast_in_dim3A_130 = arith.constant 0.000000e+00 : f32
    %broadcast_in_dim3A_131 = vector.broadcast %broadcast_in_dim3A_130 : f32 to vector<16xf32>
    %swap3A_132 = arith.constant 224 : index
    %swap3A_133 = tpu.vector_load %arg7[%swap3A_132] {strides = array<i32>} : memref<640xf32, #tpu.memory_space<vmem>>, vector<16xf32>,
    %swap3A_134 = vector.shape_cast %swap3A_133 : vector<16xf32> to vector<16xf32>
    %swap3A_135 = vector.shape_cast %broadcast_in_dim3A_131 : vector<16xf32> to vector<16xf32>
    tpu.vector_store %arg7[%swap3A_132], %swap3A_135 {strides = array<i32>} : memref<640xf32, #tpu.memory_space<vmem>>, vector<16xf32>,
    %broadcast_in_dim3A_136 = arith.constant 0.000000e+00 : f32
    %broadcast_in_dim3A_137 = vector.broadcast %broadcast_in_dim3A_136 : f32 to vector<16xf32>
    %swap3A_138 = arith.constant 240 : index
    %swap3A_139 = tpu.vector_load %arg7[%swap3A_138] {strides = array<i32>} : memref<640xf32, #tpu.memory_space<vmem>>, vector<16xf32>,
    %swap3A_140 = vector.shape_cast %swap3A_139 : vector<16xf32> to vector<16xf32>
    %swap3A_141 = vector.shape_cast %broadcast_in_dim3A_137 : vector<16xf32> to vector<16xf32>
    tpu.vector_store %arg7[%swap3A_138], %swap3A_141 {strides = array<i32>} : memref<640xf32, #tpu.memory_space<vmem>>, vector<16xf32>,
    %broadcast_in_dim3A_142 = arith.constant 0.000000e+00 : f32
    %broadcast_in_dim3A_143 = vector.broadcast %broadcast_in_dim3A_142 : f32 to vector<16xf32>
    %swap3A_144 = arith.constant 256 : index
    %swap3A_145 = tpu.vector_load %arg7[%swap3A_144] {strides = array<i32>} : memref<640xf32, #tpu.memory_space<vmem>>, vector<16xf32>,
    %swap3A_146 = vector.shape_cast %swap3A_145 : vector<16xf32> to vector<16xf32>
    %swap3A_147 = vector.shape_cast %broadcast_in_dim3A_143 : vector<16xf32> to vector<16xf32>
    tpu.vector_store %arg7[%swap3A_144], %swap3A_147 {strides = array<i32>} : memref<640xf32, #tpu.memory_space<vmem>>, vector<16xf32>,
    %broadcast_in_dim3A_148 = arith.constant 0.000000e+00 : f32
    %broadcast_in_dim3A_149 = vector.broadcast %broadcast_in_dim3A_148 : f32 to vector<16xf32>
    %swap3A_150 = arith.constant 272 : index
    %swap3A_151 = tpu.vector_load %arg7[%swap3A_150] {strides = array<i32>} : memref<640xf32, #tpu.memory_space<vmem>>, vector<16xf32>,
    %swap3A_152 = vector.shape_cast %swap3A_151 : vector<16xf32> to vector<16xf32>
    %swap3A_153 = vector.shape_cast %broadcast_in_dim3A_149 : vector<16xf32> to vector<16xf32>
    tpu.vector_store %arg7[%swap3A_150], %swap3A_153 {strides = array<i32>} : memref<640xf32, #tpu.memory_space<vmem>>, vector<16xf32>,
    %broadcast_in_dim3A_154 = arith.constant 0.000000e+00 : f32
    %broadcast_in_dim3A_155 = vector.broadcast %broadcast_in_dim3A_154 : f32 to vector<16xf32>
    %swap3A_156 = arith.constant 288 : index
    %swap3A_157 = tpu.vector_load %arg7[%swap3A_156] {strides = array<i32>} : memref<640xf32, #tpu.memory_space<vmem>>, vector<16xf32>,
    %swap3A_158 = vector.shape_cast %swap3A_157 : vector<16xf32> to vector<16xf32>
    %swap3A_159 = vector.shape_cast %broadcast_in_dim3A_155 : vector<16xf32> to vector<16xf32>
    tpu.vector_store %arg7[%swap3A_156], %swap3A_159 {strides = array<i32>} : memref<640xf32, #tpu.memory_space<vmem>>, vector<16xf32>,
    %broadcast_in_dim3A_160 = arith.constant 0.000000e+00 : f32
    %broadcast_in_dim3A_161 = vector.broadcast %broadcast_in_dim3A_160 : f32 to vector<16xf32>
    %swap3A_162 = arith.constant 304 : index
    %swap3A_163 = tpu.vector_load %arg7[%swap3A_162] {strides = array<i32>} : memref<640xf32, #tpu.memory_space<vmem>>, vector<16xf32>,
    %swap3A_164 = vector.shape_cast %swap3A_163 : vector<16xf32> to vector<16xf32>
    %swap3A_165 = vector.shape_cast %broadcast_in_dim3A_161 : vector<16xf32> to vector<16xf32>
    tpu.vector_store %arg7[%swap3A_162], %swap3A_165 {strides = array<i32>} : memref<640xf32, #tpu.memory_space<vmem>>, vector<16xf32>,
    %broadcast_in_dim3A_166 = arith.constant 0.000000e+00 : f32
    %broadcast_in_dim3A_167 = vector.broadcast %broadcast_in_dim3A_166 : f32 to vector<16xf32>
    %swap3A_168 = arith.constant 320 : index
    %swap3A_169 = tpu.vector_load %arg7[%swap3A_168] {strides = array<i32>} : memref<640xf32, #tpu.memory_space<vmem>>, vector<16xf32>,
    %swap3A_170 = vector.shape_cast %swap3A_169 : vector<16xf32> to vector<16xf32>
    %swap3A_171 = vector.shape_cast %broadcast_in_dim3A_167 : vector<16xf32> to vector<16xf32>
    tpu.vector_store %arg7[%swap3A_168], %swap3A_171 {strides = array<i32>} : memref<640xf32, #tpu.memory_space<vmem>>, vector<16xf32>,
    %broadcast_in_dim3A_172 = arith.constant 0.000000e+00 : f32
    %broadcast_in_dim3A_173 = vector.broadcast %broadcast_in_dim3A_172 : f32 to vector<16xf32>
    %swap3A_174 = arith.constant 336 : index
    %swap3A_175 = tpu.vector_load %arg7[%swap3A_174] {strides = array<i32>} : memref<640xf32, #tpu.memory_space<vmem>>, vector<16xf32>,
    %swap3A_176 = vector.shape_cast %swap3A_175 : vector<16xf32> to vector<16xf32>
    %swap3A_177 = vector.shape_cast %broadcast_in_dim3A_173 : vector<16xf32> to vector<16xf32>
    tpu.vector_store %arg7[%swap3A_174], %swap3A_177 {strides = array<i32>} : memref<640xf32, #tpu.memory_space<vmem>>, vector<16xf32>,
    %broadcast_in_dim3A_178 = arith.constant 0.000000e+00 : f32
    %broadcast_in_dim3A_179 = vector.broadcast %broadcast_in_dim3A_178 : f32 to vector<16xf32>
    %swap3A_180 = arith.constant 352 : index
    %swap3A_181 = tpu.vector_load %arg7[%swap3A_180] {strides = array<i32>} : memref<640xf32, #tpu.memory_space<vmem>>, vector<16xf32>,
    %swap3A_182 = vector.shape_cast %swap3A_181 : vector<16xf32> to vector<16xf32>
    %swap3A_183 = vector.shape_cast %broadcast_in_dim3A_179 : vector<16xf32> to vector<16xf32>
    tpu.vector_store %arg7[%swap3A_180], %swap3A_183 {strides = array<i32>} : memref<640xf32, #tpu.memory_space<vmem>>, vector<16xf32>,
    %broadcast_in_dim3A_184 = arith.constant 0.000000e+00 : f32
    %broadcast_in_dim3A_185 = vector.broadcast %broadcast_in_dim3A_184 : f32 to vector<16xf32>
    %swap3A_186 = arith.constant 368 : index
    %swap3A_187 = tpu.vector_load %arg7[%swap3A_186] {strides = array<i32>} : memref<640xf32, #tpu.memory_space<vmem>>, vector<16xf32>,
    %swap3A_188 = vector.shape_cast %swap3A_187 : vector<16xf32> to vector<16xf32>
    %swap3A_189 = vector.shape_cast %broadcast_in_dim3A_185 : vector<16xf32> to vector<16xf32>
    tpu.vector_store %arg7[%swap3A_186], %swap3A_189 {strides = array<i32>} : memref<640xf32, #tpu.memory_space<vmem>>, vector<16xf32>,
    %broadcast_in_dim3A_190 = arith.constant 0.000000e+00 : f32
    %broadcast_in_dim3A_191 = vector.broadcast %broadcast_in_dim3A_190 : f32 to vector<16xf32>
    %swap3A_192 = arith.constant 384 : index
    %swap3A_193 = tpu.vector_load %arg7[%swap3A_192] {strides = array<i32>} : memref<640xf32, #tpu.memory_space<vmem>>, vector<16xf32>,
    %swap3A_194 = vector.shape_cast %swap3A_193 : vector<16xf32> to vector<16xf32>
    %swap3A_195 = vector.shape_cast %broadcast_in_dim3A_191 : vector<16xf32> to vector<16xf32>
    tpu.vector_store %arg7[%swap3A_192], %swap3A_195 {strides = array<i32>} : memref<640xf32, #tpu.memory_space<vmem>>, vector<16xf32>,
    %broadcast_in_dim3A_196 = arith.constant 0.000000e+00 : f32
    %broadcast_in_dim3A_197 = vector.broadcast %broadcast_in_dim3A_196 : f32 to vector<16xf32>
    %swap3A_198 = arith.constant 400 : index
    %swap3A_199 = tpu.vector_load %arg7[%swap3A_198] {strides = array<i32>} : memref<640xf32, #tpu.memory_space<vmem>>, vector<16xf32>,
    %swap3A_200 = vector.shape_cast %swap3A_199 : vector<16xf32> to vector<16xf32>
    %swap3A_201 = vector.shape_cast %broadcast_in_dim3A_197 : vector<16xf32> to vector<16xf32>
    tpu.vector_store %arg7[%swap3A_198], %swap3A_201 {strides = array<i32>} : memref<640xf32, #tpu.memory_space<vmem>>, vector<16xf32>,
    %broadcast_in_dim3A_202 = arith.constant 0.000000e+00 : f32
    %broadcast_in_dim3A_203 = vector.broadcast %broadcast_in_dim3A_202 : f32 to vector<16xf32>
    %swap3A_204 = arith.constant 416 : index
    %swap3A_205 = tpu.vector_load %arg7[%swap3A_204] {strides = array<i32>} : memref<640xf32, #tpu.memory_space<vmem>>, vector<16xf32>,
    %swap3A_206 = vector.shape_cast %swap3A_205 : vector<16xf32> to vector<16xf32>
    %swap3A_207 = vector.shape_cast %broadcast_in_dim3A_203 : vector<16xf32> to vector<16xf32>
    tpu.vector_store %arg7[%swap3A_204], %swap3A_207 {strides = array<i32>} : memref<640xf32, #tpu.memory_space<vmem>>, vector<16xf32>,
    %broadcast_in_dim3A_208 = arith.constant 0.000000e+00 : f32
    %broadcast_in_dim3A_209 = vector.broadcast %broadcast_in_dim3A_208 : f32 to vector<16xf32>
    %swap3A_210 = arith.constant 432 : index
    %swap3A_211 = tpu.vector_load %arg7[%swap3A_210] {strides = array<i32>} : memref<640xf32, #tpu.memory_space<vmem>>, vector<16xf32>,
    %swap3A_212 = vector.shape_cast %swap3A_211 : vector<16xf32> to vector<16xf32>
    %swap3A_213 = vector.shape_cast %broadcast_in_dim3A_209 : vector<16xf32> to vector<16xf32>
    tpu.vector_store %arg7[%swap3A_210], %swap3A_213 {strides = array<i32>} : memref<640xf32, #tpu.memory_space<vmem>>, vector<16xf32>,
    %broadcast_in_dim3A_214 = arith.constant 0.000000e+00 : f32
    %broadcast_in_dim3A_215 = vector.broadcast %broadcast_in_dim3A_214 : f32 to vector<16xf32>
    %swap3A_216 = arith.constant 448 : index
    %swap3A_217 = tpu.vector_load %arg7[%swap3A_216] {strides = array<i32>} : memref<640xf32, #tpu.memory_space<vmem>>, vector<16xf32>,
    %swap3A_218 = vector.shape_cast %swap3A_217 : vector<16xf32> to vector<16xf32>
    %swap3A_219 = vector.shape_cast %broadcast_in_dim3A_215 : vector<16xf32> to vector<16xf32>
    tpu.vector_store %arg7[%swap3A_216], %swap3A_219 {strides = array<i32>} : memref<640xf32, #tpu.memory_space<vmem>>, vector<16xf32>,
    %broadcast_in_dim3A_220 = arith.constant 0.000000e+00 : f32
    %broadcast_in_dim3A_221 = vector.broadcast %broadcast_in_dim3A_220 : f32 to vector<16xf32>
    %swap3A_222 = arith.constant 464 : index
    %swap3A_223 = tpu.vector_load %arg7[%swap3A_222] {strides = array<i32>} : memref<640xf32, #tpu.memory_space<vmem>>, vector<16xf32>,
    %swap3A_224 = vector.shape_cast %swap3A_223 : vector<16xf32> to vector<16xf32>
    %swap3A_225 = vector.shape_cast %broadcast_in_dim3A_221 : vector<16xf32> to vector<16xf32>
    tpu.vector_store %arg7[%swap3A_222], %swap3A_225 {strides = array<i32>} : memref<640xf32, #tpu.memory_space<vmem>>, vector<16xf32>,
    %broadcast_in_dim3A_226 = arith.constant 0.000000e+00 : f32
    %broadcast_in_dim3A_227 = vector.broadcast %broadcast_in_dim3A_226 : f32 to vector<16xf32>
    %swap3A_228 = arith.constant 480 : index
    %swap3A_229 = tpu.vector_load %arg7[%swap3A_228] {strides = array<i32>} : memref<640xf32, #tpu.memory_space<vmem>>, vector<16xf32>,
    %swap3A_230 = vector.shape_cast %swap3A_229 : vector<16xf32> to vector<16xf32>
    %swap3A_231 = vector.shape_cast %broadcast_in_dim3A_227 : vector<16xf32> to vector<16xf32>
    tpu.vector_store %arg7[%swap3A_228], %swap3A_231 {strides = array<i32>} : memref<640xf32, #tpu.memory_space<vmem>>, vector<16xf32>,
    %broadcast_in_dim3A_232 = arith.constant 0.000000e+00 : f32
    %broadcast_in_dim3A_233 = vector.broadcast %broadcast_in_dim3A_232 : f32 to vector<16xf32>
    %swap3A_234 = arith.constant 496 : index
    %swap3A_235 = tpu.vector_load %arg7[%swap3A_234] {strides = array<i32>} : memref<640xf32, #tpu.memory_space<vmem>>, vector<16xf32>,
    %swap3A_236 = vector.shape_cast %swap3A_235 : vector<16xf32> to vector<16xf32>
    %swap3A_237 = vector.shape_cast %broadcast_in_dim3A_233 : vector<16xf32> to vector<16xf32>
    tpu.vector_store %arg7[%swap3A_234], %swap3A_237 {strides = array<i32>} : memref<640xf32, #tpu.memory_space<vmem>>, vector<16xf32>,
    %broadcast_in_dim3A_238 = arith.constant 0.000000e+00 : f32
    %broadcast_in_dim3A_239 = vector.broadcast %broadcast_in_dim3A_238 : f32 to vector<16xf32>
    %swap3A_240 = arith.constant 512 : index
    %swap3A_241 = tpu.vector_load %arg7[%swap3A_240] {strides = array<i32>} : memref<640xf32, #tpu.memory_space<vmem>>, vector<16xf32>,
    %swap3A_242 = vector.shape_cast %swap3A_241 : vector<16xf32> to vector<16xf32>
    %swap3A_243 = vector.shape_cast %broadcast_in_dim3A_239 : vector<16xf32> to vector<16xf32>
    tpu.vector_store %arg7[%swap3A_240], %swap3A_243 {strides = array<i32>} : memref<640xf32, #tpu.memory_space<vmem>>, vector<16xf32>,
    %broadcast_in_dim3A_244 = arith.constant 0.000000e+00 : f32
    %broadcast_in_dim3A_245 = vector.broadcast %broadcast_in_dim3A_244 : f32 to vector<16xf32>
    %swap3A_246 = arith.constant 528 : index
    %swap3A_247 = tpu.vector_load %arg7[%swap3A_246] {strides = array<i32>} : memref<640xf32, #tpu.memory_space<vmem>>, vector<16xf32>,
    %swap3A_248 = vector.shape_cast %swap3A_247 : vector<16xf32> to vector<16xf32>
    %swap3A_249 = vector.shape_cast %broadcast_in_dim3A_245 : vector<16xf32> to vector<16xf32>
    tpu.vector_store %arg7[%swap3A_246], %swap3A_249 {strides = array<i32>} : memref<640xf32, #tpu.memory_space<vmem>>, vector<16xf32>,
    %broadcast_in_dim3A_250 = arith.constant 0.000000e+00 : f32
    %broadcast_in_dim3A_251 = vector.broadcast %broadcast_in_dim3A_250 : f32 to vector<16xf32>
    %swap3A_252 = arith.constant 544 : index
    %swap3A_253 = tpu.vector_load %arg7[%swap3A_252] {strides = array<i32>} : memref<640xf32, #tpu.memory_space<vmem>>, vector<16xf32>,
    %swap3A_254 = vector.shape_cast %swap3A_253 : vector<16xf32> to vector<16xf32>
    %swap3A_255 = vector.shape_cast %broadcast_in_dim3A_251 : vector<16xf32> to vector<16xf32>
    tpu.vector_store %arg7[%swap3A_252], %swap3A_255 {strides = array<i32>} : memref<640xf32, #tpu.memory_space<vmem>>, vector<16xf32>,
    %broadcast_in_dim3A_256 = arith.constant 0.000000e+00 : f32
    %broadcast_in_dim3A_257 = vector.broadcast %broadcast_in_dim3A_256 : f32 to vector<16xf32>
    %swap3A_258 = arith.constant 560 : index
    %swap3A_259 = tpu.vector_load %arg7[%swap3A_258] {strides = array<i32>} : memref<640xf32, #tpu.memory_space<vmem>>, vector<16xf32>,
    %swap3A_260 = vector.shape_cast %swap3A_259 : vector<16xf32> to vector<16xf32>
    %swap3A_261 = vector.shape_cast %broadcast_in_dim3A_257 : vector<16xf32> to vector<16xf32>
    tpu.vector_store %arg7[%swap3A_258], %swap3A_261 {strides = array<i32>} : memref<640xf32, #tpu.memory_space<vmem>>, vector<16xf32>,
    %broadcast_in_dim3A_262 = arith.constant 0.000000e+00 : f32
    %broadcast_in_dim3A_263 = vector.broadcast %broadcast_in_dim3A_262 : f32 to vector<16xf32>
    %swap3A_264 = arith.constant 576 : index
    %swap3A_265 = tpu.vector_load %arg7[%swap3A_264] {strides = array<i32>} : memref<640xf32, #tpu.memory_space<vmem>>, vector<16xf32>,
    %swap3A_266 = vector.shape_cast %swap3A_265 : vector<16xf32> to vector<16xf32>
    %swap3A_267 = vector.shape_cast %broadcast_in_dim3A_263 : vector<16xf32> to vector<16xf32>
    tpu.vector_store %arg7[%swap3A_264], %swap3A_267 {strides = array<i32>} : memref<640xf32, #tpu.memory_space<vmem>>, vector<16xf32>,
    %broadcast_in_dim3A_268 = arith.constant 0.000000e+00 : f32
    %broadcast_in_dim3A_269 = vector.broadcast %broadcast_in_dim3A_268 : f32 to vector<16xf32>
    %swap3A_270 = arith.constant 592 : index
    %swap3A_271 = tpu.vector_load %arg7[%swap3A_270] {strides = array<i32>} : memref<640xf32, #tpu.memory_space<vmem>>, vector<16xf32>,
    %swap3A_272 = vector.shape_cast %swap3A_271 : vector<16xf32> to vector<16xf32>
    %swap3A_273 = vector.shape_cast %broadcast_in_dim3A_269 : vector<16xf32> to vector<16xf32>
    tpu.vector_store %arg7[%swap3A_270], %swap3A_273 {strides = array<i32>} : memref<640xf32, #tpu.memory_space<vmem>>, vector<16xf32>,
    %broadcast_in_dim3A_274 = arith.constant 0.000000e+00 : f32
    %broadcast_in_dim3A_275 = vector.broadcast %broadcast_in_dim3A_274 : f32 to vector<16xf32>
    %swap3A_276 = arith.constant 608 : index
    %swap3A_277 = tpu.vector_load %arg7[%swap3A_276] {strides = array<i32>} : memref<640xf32, #tpu.memory_space<vmem>>, vector<16xf32>,
    %swap3A_278 = vector.shape_cast %swap3A_277 : vector<16xf32> to vector<16xf32>
    %swap3A_279 = vector.shape_cast %broadcast_in_dim3A_275 : vector<16xf32> to vector<16xf32>
    tpu.vector_store %arg7[%swap3A_276], %swap3A_279 {strides = array<i32>} : memref<640xf32, #tpu.memory_space<vmem>>, vector<16xf32>,
    %broadcast_in_dim3A_280 = arith.constant 0.000000e+00 : f32
    %broadcast_in_dim3A_281 = vector.broadcast %broadcast_in_dim3A_280 : f32 to vector<16xf32>
    %swap3A_282 = arith.constant 624 : index
    %swap3A_283 = tpu.vector_load %arg7[%swap3A_282] {strides = array<i32>} : memref<640xf32, #tpu.memory_space<vmem>>, vector<16xf32>,
    %swap3A_284 = vector.shape_cast %swap3A_283 : vector<16xf32> to vector<16xf32>
    %swap3A_285 = vector.shape_cast %broadcast_in_dim3A_281 : vector<16xf32> to vector<16xf32>
    tpu.vector_store %arg7[%swap3A_282], %swap3A_285 {strides = array<i32>} : memref<640xf32, #tpu.memory_space<vmem>>, vector<16xf32>,
    %mul3A = arith.constant 640 : i32
    %mul3A_286 = arith.muli %arg1, %mul3A : i32
    "tpu.region"() ({
      %run_scoped3A = tpu.sem_alloc : memref<!tpu.dma_semaphore, #tpu.memory_space<semaphore_mem>>
      %dma_start3A = tpu.memref_slice %arg8[%mul3A_286] : memref<10240xf32, #tpu.memory_space<vmem_shared>> -> memref<640xf32, #tpu.memory_space<vmem_shared>>
      %dma_start3A_302 = tpu.memref_slice %arg8[%mul3A_286] : memref<10240xf32, #tpu.memory_space<vmem_shared>> -> memref<640xf32, #tpu.memory_space<vmem_shared>>
      tpu.enqueue_dma source(%arg7 : memref<640xf32, #tpu.memory_space<vmem>>) target(%dma_start3A_302 : memref<640xf32, #tpu.memory_space<vmem_shared>>) target_semaphore(%run_scoped3A : memref<!tpu.dma_semaphore, #tpu.memory_space<semaphore_mem>>)
      %dma_wait3A = tpu.memref_slice %arg8[%mul3A_286] : memref<10240xf32, #tpu.memory_space<vmem_shared>> -> memref<640xf32, #tpu.memory_space<vmem_shared>>
      %dma_wait3A_303 = tpu.memref_slice %arg8[%mul3A_286] : memref<10240xf32, #tpu.memory_space<vmem_shared>> -> memref<640xf32, #tpu.memory_space<vmem_shared>>
      tpu.wait_dma2 semaphore(%run_scoped3A : memref<!tpu.dma_semaphore, #tpu.memory_space<semaphore_mem>>) src(%arg7 : memref<640xf32, #tpu.memory_space<vmem>>) dst(%dma_wait3A_303 : memref<640xf32, #tpu.memory_space<vmem_shared>>)
      tpu.yield
    }) : () -> ()
    %barrier3A = arith.constant 0 : index
    tpu.barrier barrier_id(%barrier3A)
    %scan3A = arith.constant 0 : i32
    %scan3A_287 = arith.constant 0 : i32
    %scan3A_288 = arith.constant 79 : i32
    %scan3A_289 = arith.addi %scan3A_287, %scan3A_288 : i32
    %scan3A_290 = arith.constant 1 : i32
    scf.for %scan3A_302 = %scan3A_287 to %scan3A_289 step %scan3A_290  : i32 {
      "tpu.region"() ({
        %run_scoped3A = tpu.sem_alloc : memref<!tpu.dma_semaphore, #tpu.memory_space<semaphore_mem>>
        %dma_start3A = arith.constant 0 : i32
        %dma_start3A_303 = tpu.memref_slice %arg5[%scan3A_302, %dma_start3A] : memref<79x128xi32, #tpu.memory_space<vmem>> -> memref<1x128xi32, #tpu.memory_space<vmem>>
        %dma_start3A_304 = tpu.memref_squeeze %dma_start3A_303 : memref<1x128xi32, #tpu.memory_space<vmem>> -> memref<128xi32, #tpu.memory_space<vmem>>
        %dma_start3A_305 = arith.constant 0 : i32
        %dma_start3A_306 = tpu.memref_slice %arg8[%dma_start3A_305] : memref<10240xf32, #tpu.memory_space<vmem_shared>> -> memref<10240xf32, #tpu.memory_space<vmem_shared>>
        tpu.enqueue_indirect_dma source(%arg6 : memref<128xf32, #tpu.memory_space<vmem>>) target(%dma_start3A_306 : memref<10240xf32, #tpu.memory_space<vmem_shared>>) offsets(%dma_start3A_304 : memref<128xi32, #tpu.memory_space<vmem>>) semaphore(%run_scoped3A : memref<!tpu.dma_semaphore, #tpu.memory_space<semaphore_mem>>) {add = true}
        %dma_wait3A = arith.constant 0 : i32
        %dma_wait3A_307 = tpu.memref_slice %arg5[%scan3A_302, %dma_wait3A] : memref<79x128xi32, #tpu.memory_space<vmem>> -> memref<1x128xi32, #tpu.memory_space<vmem>>
        %dma_wait3A_308 = tpu.memref_squeeze %dma_wait3A_307 : memref<1x128xi32, #tpu.memory_space<vmem>> -> memref<128xi32, #tpu.memory_space<vmem>>
        %dma_wait3A_309 = arith.constant 0 : i32
        %dma_wait3A_310 = tpu.memref_slice %arg8[%dma_wait3A_309] : memref<10240xf32, #tpu.memory_space<vmem_shared>> -> memref<10240xf32, #tpu.memory_space<vmem_shared>>
        tpu.wait_indirect_dma semaphore(%run_scoped3A : memref<!tpu.dma_semaphore, #tpu.memory_space<semaphore_mem>>) src(%arg6 : memref<128xf32, #tpu.memory_space<vmem>>) dst(%dma_wait3A_310 : memref<10240xf32, #tpu.memory_space<vmem_shared>>)
        tpu.yield
      }) : () -> ()
    }
    %scan3A_291 = arith.constant 79 : i32
    %barrier3A_292 = arith.constant 0 : index
    tpu.barrier barrier_id(%barrier3A_292)
    %mul3A_293 = arith.constant 640 : i32
    %mul3A_294 = arith.muli %arg1, %mul3A_293 : i32
    "tpu.region"() ({
      %run_scoped3A = tpu.sem_alloc : memref<!tpu.dma_semaphore, #tpu.memory_space<semaphore_mem>>
      %dma_start3A = tpu.memref_slice %arg8[%mul3A_294] : memref<10240xf32, #tpu.memory_space<vmem_shared>> -> memref<640xf32, #tpu.memory_space<vmem_shared>>
      %dma_start3A_302 = tpu.memref_slice %arg8[%mul3A_294] : memref<10240xf32, #tpu.memory_space<vmem_shared>> -> memref<640xf32, #tpu.memory_space<vmem_shared>>
      tpu.enqueue_dma source(%dma_start3A_302 : memref<640xf32, #tpu.memory_space<vmem_shared>>) target(%arg7 : memref<640xf32, #tpu.memory_space<vmem>>) target_semaphore(%run_scoped3A : memref<!tpu.dma_semaphore, #tpu.memory_space<semaphore_mem>>)
      %dma_wait3A = tpu.memref_slice %arg8[%mul3A_294] : memref<10240xf32, #tpu.memory_space<vmem_shared>> -> memref<640xf32, #tpu.memory_space<vmem_shared>>
      %dma_wait3A_303 = tpu.memref_slice %arg8[%mul3A_294] : memref<10240xf32, #tpu.memory_space<vmem_shared>> -> memref<640xf32, #tpu.memory_space<vmem_shared>>
      tpu.wait_dma2 semaphore(%run_scoped3A : memref<!tpu.dma_semaphore, #tpu.memory_space<semaphore_mem>>) src(%dma_wait3A_303 : memref<640xf32, #tpu.memory_space<vmem_shared>>) dst(%arg7 : memref<640xf32, #tpu.memory_space<vmem>>)
      tpu.yield
    }) : () -> ()
    %eq3A = arith.constant 0 : i32
    %eq3A_295 = arith.cmpi eq, %arg0, %eq3A : i32
    %convert_element_type3A = arith.extui %eq3A_295 : i1 to i32
    %cond3A = arith.constant 0 : i32
    %cond3A_296 = arith.cmpi ne, %convert_element_type3A, %cond3A : i32
    scf.if %cond3A_296 {
      %mul3A_302 = arith.constant 640 : i32
      %mul3A_303 = arith.muli %arg1, %mul3A_302 : i32
      "tpu.region"() ({
        %run_scoped3A = tpu.sem_alloc : memref<!tpu.dma_semaphore, #tpu.memory_space<semaphore_mem>>
        %dma_start3A = tpu.memref_slice %arg3[%mul3A_303] : memref<10240xf32, #tpu.memory_space<hbm>> -> memref<640xf32, #tpu.memory_space<hbm>>
        %dma_start3A_304 = tpu.memref_slice %arg3[%mul3A_303] : memref<10240xf32, #tpu.memory_space<hbm>> -> memref<640xf32, #tpu.memory_space<hbm>>
        tpu.enqueue_dma source(%arg7 : memref<640xf32, #tpu.memory_space<vmem>>) target(%dma_start3A_304 : memref<640xf32, #tpu.memory_space<hbm>>) target_semaphore(%run_scoped3A : memref<!tpu.dma_semaphore, #tpu.memory_space<semaphore_mem>>)
        %dma_wait3A = tpu.memref_slice %arg3[%mul3A_303] : memref<10240xf32, #tpu.memory_space<hbm>> -> memref<640xf32, #tpu.memory_space<hbm>>
        %dma_wait3A_305 = tpu.memref_slice %arg3[%mul3A_303] : memref<10240xf32, #tpu.memory_space<hbm>> -> memref<640xf32, #tpu.memory_space<hbm>>
        tpu.wait_dma2 semaphore(%run_scoped3A : memref<!tpu.dma_semaphore, #tpu.memory_space<semaphore_mem>>) src(%arg7 : memref<640xf32, #tpu.memory_space<vmem>>) dst(%dma_wait3A_305 : memref<640xf32, #tpu.memory_space<hbm>>)
        tpu.yield
      }) : () -> ()
    } else {
    }
    %eq3A_297 = arith.constant 1 : i32
    %eq3A_298 = arith.cmpi eq, %arg0, %eq3A_297 : i32
    %convert_element_type3A_299 = arith.extui %eq3A_298 : i1 to i32
    %cond3A_300 = arith.constant 0 : i32
    %cond3A_301 = arith.cmpi ne, %convert_element_type3A_299, %cond3A_300 : i32
    scf.if %cond3A_301 {
      %mul3A_302 = arith.constant 640 : i32
      %mul3A_303 = arith.muli %arg1, %mul3A_302 : i32
      "tpu.region"() ({
        %run_scoped3A = tpu.sem_alloc : memref<!tpu.dma_semaphore, #tpu.memory_space<semaphore_mem>>
        %dma_start3A = tpu.memref_slice %arg4[%mul3A_303] : memref<10240xf32, #tpu.memory_space<hbm>> -> memref<640xf32, #tpu.memory_space<hbm>>
        %dma_start3A_304 = tpu.memref_slice %arg4[%mul3A_303] : memref<10240xf32, #tpu.memory_space<hbm>> -> memref<640xf32, #tpu.memory_space<hbm>>
        tpu.enqueue_dma source(%arg7 : memref<640xf32, #tpu.memory_space<vmem>>) target(%dma_start3A_304 : memref<640xf32, #tpu.memory_space<hbm>>) target_semaphore(%run_scoped3A : memref<!tpu.dma_semaphore, #tpu.memory_space<semaphore_mem>>)
        %dma_wait3A = tpu.memref_slice %arg4[%mul3A_303] : memref<10240xf32, #tpu.memory_space<hbm>> -> memref<640xf32, #tpu.memory_space<hbm>>
        %dma_wait3A_305 = tpu.memref_slice %arg4[%mul3A_303] : memref<10240xf32, #tpu.memory_space<hbm>> -> memref<640xf32, #tpu.memory_space<hbm>>
        tpu.wait_dma2 semaphore(%run_scoped3A : memref<!tpu.dma_semaphore, #tpu.memory_space<semaphore_mem>>) src(%arg7 : memref<640xf32, #tpu.memory_space<vmem>>) dst(%dma_wait3A_305 : memref<640xf32, #tpu.memory_space<hbm>>)
        tpu.yield
      }) : () -> ()
    } else {
    }
    return
  }
}

#map = affine_map<(d0, d1) -> (0, 0)>
#map1 = affine_map<(d0, d1) -> (0, 0, 0, 0)>
#map2 = affine_map<(d0, d1) -> (0, 0, 0)>
module attributes {stable_mosaic.version = 14 : i64} {
  func.func @k(%arg0: i32, %arg1: i32, %arg2: memref<10000x128xf32, #tpu.memory_space<hbm>>, %arg3: memref<2x16x79x128xi32, #tpu.memory_space<hbm>>, %arg4: memref<2x16x79x128xi32, #tpu.memory_space<hbm>>, %arg5: memref<2x10240x128xf32, #tpu.memory_space<hbm>>, %arg6: memref<79x128xi32, #tpu.memory_space<vmem>>, %arg7: memref<79x128xi32, #tpu.memory_space<vmem>>, %arg8: memref<128x128xf32, #tpu.memory_space<vmem>>, %arg9: memref<10240x128xf32, #tpu.memory_space<vmem_shared>>, %arg10: memref<!tpu.dma_semaphore, #tpu.memory_space<semaphore_mem>>) attributes {dimension_semantics = [#tpu.dimension_semantics<core_parallel>, #tpu.dimension_semantics<subcore_parallel>], iteration_bounds = array<i64: 2, 16>, scalar_prefetch = 0 : i64, scratch_operands = 5 : i64, tpu.core_type = #tpu.core_type<sc_vector_subcore>, window_params = [{transform_indices = #map}, {transform_indices = #map1}, {transform_indices = #map1}, {transform_indices = #map2}]} {
    "tpu.region"() ({
      %run_scoped3A = tpu.sem_alloc : memref<!tpu.dma_semaphore, #tpu.memory_space<semaphore_mem>>
      %dma_start3A = arith.constant 0 : i32
      %dma_start3A_34 = arith.constant 0 : i32
      %dma_start3A_35 = tpu.memref_slice %arg3[%arg0, %arg1, %dma_start3A, %dma_start3A_34] : memref<2x16x79x128xi32, #tpu.memory_space<hbm>> -> memref<1x1x79x128xi32, #tpu.memory_space<hbm>>
      %dma_start3A_36 = tpu.memref_squeeze %dma_start3A_35 : memref<1x1x79x128xi32, #tpu.memory_space<hbm>> -> memref<79x128xi32, #tpu.memory_space<hbm>>
      %dma_start3A_37 = arith.constant 0 : i32
      %dma_start3A_38 = arith.constant 0 : i32
      %dma_start3A_39 = tpu.memref_slice %arg3[%arg0, %arg1, %dma_start3A_37, %dma_start3A_38] : memref<2x16x79x128xi32, #tpu.memory_space<hbm>> -> memref<1x1x79x128xi32, #tpu.memory_space<hbm>>
      %dma_start3A_40 = tpu.memref_squeeze %dma_start3A_39 : memref<1x1x79x128xi32, #tpu.memory_space<hbm>> -> memref<79x128xi32, #tpu.memory_space<hbm>>
      tpu.enqueue_dma source(%dma_start3A_40 : memref<79x128xi32, #tpu.memory_space<hbm>>) target(%arg6 : memref<79x128xi32, #tpu.memory_space<vmem>>) target_semaphore(%run_scoped3A : memref<!tpu.dma_semaphore, #tpu.memory_space<semaphore_mem>>)
      %dma_wait3A = arith.constant 0 : i32
      %dma_wait3A_41 = arith.constant 0 : i32
      %dma_wait3A_42 = tpu.memref_slice %arg3[%arg0, %arg1, %dma_wait3A, %dma_wait3A_41] : memref<2x16x79x128xi32, #tpu.memory_space<hbm>> -> memref<1x1x79x128xi32, #tpu.memory_space<hbm>>
      %dma_wait3A_43 = tpu.memref_squeeze %dma_wait3A_42 : memref<1x1x79x128xi32, #tpu.memory_space<hbm>> -> memref<79x128xi32, #tpu.memory_space<hbm>>
      %dma_wait3A_44 = arith.constant 0 : i32
      %dma_wait3A_45 = arith.constant 0 : i32
      %dma_wait3A_46 = tpu.memref_slice %arg3[%arg0, %arg1, %dma_wait3A_44, %dma_wait3A_45] : memref<2x16x79x128xi32, #tpu.memory_space<hbm>> -> memref<1x1x79x128xi32, #tpu.memory_space<hbm>>
      %dma_wait3A_47 = tpu.memref_squeeze %dma_wait3A_46 : memref<1x1x79x128xi32, #tpu.memory_space<hbm>> -> memref<79x128xi32, #tpu.memory_space<hbm>>
      tpu.wait_dma2 semaphore(%run_scoped3A : memref<!tpu.dma_semaphore, #tpu.memory_space<semaphore_mem>>) src(%dma_wait3A_47 : memref<79x128xi32, #tpu.memory_space<hbm>>) dst(%arg6 : memref<79x128xi32, #tpu.memory_space<vmem>>)
      tpu.yield
    }) : () -> ()
    "tpu.region"() ({
      %run_scoped3A = tpu.sem_alloc : memref<!tpu.dma_semaphore, #tpu.memory_space<semaphore_mem>>
      %dma_start3A = arith.constant 0 : i32
      %dma_start3A_34 = arith.constant 0 : i32
      %dma_start3A_35 = tpu.memref_slice %arg4[%arg0, %arg1, %dma_start3A, %dma_start3A_34] : memref<2x16x79x128xi32, #tpu.memory_space<hbm>> -> memref<1x1x79x128xi32, #tpu.memory_space<hbm>>
      %dma_start3A_36 = tpu.memref_squeeze %dma_start3A_35 : memref<1x1x79x128xi32, #tpu.memory_space<hbm>> -> memref<79x128xi32, #tpu.memory_space<hbm>>
      %dma_start3A_37 = arith.constant 0 : i32
      %dma_start3A_38 = arith.constant 0 : i32
      %dma_start3A_39 = tpu.memref_slice %arg4[%arg0, %arg1, %dma_start3A_37, %dma_start3A_38] : memref<2x16x79x128xi32, #tpu.memory_space<hbm>> -> memref<1x1x79x128xi32, #tpu.memory_space<hbm>>
      %dma_start3A_40 = tpu.memref_squeeze %dma_start3A_39 : memref<1x1x79x128xi32, #tpu.memory_space<hbm>> -> memref<79x128xi32, #tpu.memory_space<hbm>>
      tpu.enqueue_dma source(%dma_start3A_40 : memref<79x128xi32, #tpu.memory_space<hbm>>) target(%arg7 : memref<79x128xi32, #tpu.memory_space<vmem>>) target_semaphore(%run_scoped3A : memref<!tpu.dma_semaphore, #tpu.memory_space<semaphore_mem>>)
      %dma_wait3A = arith.constant 0 : i32
      %dma_wait3A_41 = arith.constant 0 : i32
      %dma_wait3A_42 = tpu.memref_slice %arg4[%arg0, %arg1, %dma_wait3A, %dma_wait3A_41] : memref<2x16x79x128xi32, #tpu.memory_space<hbm>> -> memref<1x1x79x128xi32, #tpu.memory_space<hbm>>
      %dma_wait3A_43 = tpu.memref_squeeze %dma_wait3A_42 : memref<1x1x79x128xi32, #tpu.memory_space<hbm>> -> memref<79x128xi32, #tpu.memory_space<hbm>>
      %dma_wait3A_44 = arith.constant 0 : i32
      %dma_wait3A_45 = arith.constant 0 : i32
      %dma_wait3A_46 = tpu.memref_slice %arg4[%arg0, %arg1, %dma_wait3A_44, %dma_wait3A_45] : memref<2x16x79x128xi32, #tpu.memory_space<hbm>> -> memref<1x1x79x128xi32, #tpu.memory_space<hbm>>
      %dma_wait3A_47 = tpu.memref_squeeze %dma_wait3A_46 : memref<1x1x79x128xi32, #tpu.memory_space<hbm>> -> memref<79x128xi32, #tpu.memory_space<hbm>>
      tpu.wait_dma2 semaphore(%run_scoped3A : memref<!tpu.dma_semaphore, #tpu.memory_space<semaphore_mem>>) src(%dma_wait3A_47 : memref<79x128xi32, #tpu.memory_space<hbm>>) dst(%arg7 : memref<79x128xi32, #tpu.memory_space<vmem>>)
      tpu.yield
    }) : () -> ()
    %scan3A = arith.constant 0 : i32
    %scan3A_0 = arith.constant 0 : i32
    %scan3A_1 = arith.constant 128 : i32
    %scan3A_2 = arith.addi %scan3A_0, %scan3A_1 : i32
    %scan3A_3 = arith.constant 1 : i32
    scf.for %scan3A_34 = %scan3A_0 to %scan3A_2 step %scan3A_3  : i32 {
      %broadcast_in_dim3A = arith.constant 0.000000e+00 : f32
      %broadcast_in_dim3A_35 = vector.broadcast %broadcast_in_dim3A : f32 to vector<16xf32>
      %swap3A = arith.index_cast %scan3A_34 : i32 to index
      %swap3A_36 = arith.constant 0 : index
      %swap3A_37 = tpu.vector_load %arg8[%swap3A, %swap3A_36] {strides = array<i32>} : memref<128x128xf32, #tpu.memory_space<vmem>>, vector<1x16xf32>,
      %swap3A_38 = vector.shape_cast %swap3A_37 : vector<1x16xf32> to vector<16xf32>
      %swap3A_39 = vector.shape_cast %broadcast_in_dim3A_35 : vector<16xf32> to vector<1x16xf32>
      tpu.vector_store %arg8[%swap3A, %swap3A_36], %swap3A_39 {strides = array<i32>} : memref<128x128xf32, #tpu.memory_space<vmem>>, vector<1x16xf32>,
      %broadcast_in_dim3A_40 = arith.constant 0.000000e+00 : f32
      %broadcast_in_dim3A_41 = vector.broadcast %broadcast_in_dim3A_40 : f32 to vector<16xf32>
      %swap3A_42 = arith.index_cast %scan3A_34 : i32 to index
      %swap3A_43 = arith.constant 16 : index
      %swap3A_44 = tpu.vector_load %arg8[%swap3A_42, %swap3A_43] {strides = array<i32>} : memref<128x128xf32, #tpu.memory_space<vmem>>, vector<1x16xf32>,
      %swap3A_45 = vector.shape_cast %swap3A_44 : vector<1x16xf32> to vector<16xf32>
      %swap3A_46 = vector.shape_cast %broadcast_in_dim3A_41 : vector<16xf32> to vector<1x16xf32>
      tpu.vector_store %arg8[%swap3A_42, %swap3A_43], %swap3A_46 {strides = array<i32>} : memref<128x128xf32, #tpu.memory_space<vmem>>, vector<1x16xf32>,
      %broadcast_in_dim3A_47 = arith.constant 0.000000e+00 : f32
      %broadcast_in_dim3A_48 = vector.broadcast %broadcast_in_dim3A_47 : f32 to vector<16xf32>
      %swap3A_49 = arith.index_cast %scan3A_34 : i32 to index
      %swap3A_50 = arith.constant 32 : index
      %swap3A_51 = tpu.vector_load %arg8[%swap3A_49, %swap3A_50] {strides = array<i32>} : memref<128x128xf32, #tpu.memory_space<vmem>>, vector<1x16xf32>,
      %swap3A_52 = vector.shape_cast %swap3A_51 : vector<1x16xf32> to vector<16xf32>
      %swap3A_53 = vector.shape_cast %broadcast_in_dim3A_48 : vector<16xf32> to vector<1x16xf32>
      tpu.vector_store %arg8[%swap3A_49, %swap3A_50], %swap3A_53 {strides = array<i32>} : memref<128x128xf32, #tpu.memory_space<vmem>>, vector<1x16xf32>,
      %broadcast_in_dim3A_54 = arith.constant 0.000000e+00 : f32
      %broadcast_in_dim3A_55 = vector.broadcast %broadcast_in_dim3A_54 : f32 to vector<16xf32>
      %swap3A_56 = arith.index_cast %scan3A_34 : i32 to index
      %swap3A_57 = arith.constant 48 : index
      %swap3A_58 = tpu.vector_load %arg8[%swap3A_56, %swap3A_57] {strides = array<i32>} : memref<128x128xf32, #tpu.memory_space<vmem>>, vector<1x16xf32>,
      %swap3A_59 = vector.shape_cast %swap3A_58 : vector<1x16xf32> to vector<16xf32>
      %swap3A_60 = vector.shape_cast %broadcast_in_dim3A_55 : vector<16xf32> to vector<1x16xf32>
      tpu.vector_store %arg8[%swap3A_56, %swap3A_57], %swap3A_60 {strides = array<i32>} : memref<128x128xf32, #tpu.memory_space<vmem>>, vector<1x16xf32>,
      %broadcast_in_dim3A_61 = arith.constant 0.000000e+00 : f32
      %broadcast_in_dim3A_62 = vector.broadcast %broadcast_in_dim3A_61 : f32 to vector<16xf32>
      %swap3A_63 = arith.index_cast %scan3A_34 : i32 to index
      %swap3A_64 = arith.constant 64 : index
      %swap3A_65 = tpu.vector_load %arg8[%swap3A_63, %swap3A_64] {strides = array<i32>} : memref<128x128xf32, #tpu.memory_space<vmem>>, vector<1x16xf32>,
      %swap3A_66 = vector.shape_cast %swap3A_65 : vector<1x16xf32> to vector<16xf32>
      %swap3A_67 = vector.shape_cast %broadcast_in_dim3A_62 : vector<16xf32> to vector<1x16xf32>
      tpu.vector_store %arg8[%swap3A_63, %swap3A_64], %swap3A_67 {strides = array<i32>} : memref<128x128xf32, #tpu.memory_space<vmem>>, vector<1x16xf32>,
      %broadcast_in_dim3A_68 = arith.constant 0.000000e+00 : f32
      %broadcast_in_dim3A_69 = vector.broadcast %broadcast_in_dim3A_68 : f32 to vector<16xf32>
      %swap3A_70 = arith.index_cast %scan3A_34 : i32 to index
      %swap3A_71 = arith.constant 80 : index
      %swap3A_72 = tpu.vector_load %arg8[%swap3A_70, %swap3A_71] {strides = array<i32>} : memref<128x128xf32, #tpu.memory_space<vmem>>, vector<1x16xf32>,
      %swap3A_73 = vector.shape_cast %swap3A_72 : vector<1x16xf32> to vector<16xf32>
      %swap3A_74 = vector.shape_cast %broadcast_in_dim3A_69 : vector<16xf32> to vector<1x16xf32>
      tpu.vector_store %arg8[%swap3A_70, %swap3A_71], %swap3A_74 {strides = array<i32>} : memref<128x128xf32, #tpu.memory_space<vmem>>, vector<1x16xf32>,
      %broadcast_in_dim3A_75 = arith.constant 0.000000e+00 : f32
      %broadcast_in_dim3A_76 = vector.broadcast %broadcast_in_dim3A_75 : f32 to vector<16xf32>
      %swap3A_77 = arith.index_cast %scan3A_34 : i32 to index
      %swap3A_78 = arith.constant 96 : index
      %swap3A_79 = tpu.vector_load %arg8[%swap3A_77, %swap3A_78] {strides = array<i32>} : memref<128x128xf32, #tpu.memory_space<vmem>>, vector<1x16xf32>,
      %swap3A_80 = vector.shape_cast %swap3A_79 : vector<1x16xf32> to vector<16xf32>
      %swap3A_81 = vector.shape_cast %broadcast_in_dim3A_76 : vector<16xf32> to vector<1x16xf32>
      tpu.vector_store %arg8[%swap3A_77, %swap3A_78], %swap3A_81 {strides = array<i32>} : memref<128x128xf32, #tpu.memory_space<vmem>>, vector<1x16xf32>,
      %broadcast_in_dim3A_82 = arith.constant 0.000000e+00 : f32
      %broadcast_in_dim3A_83 = vector.broadcast %broadcast_in_dim3A_82 : f32 to vector<16xf32>
      %swap3A_84 = arith.index_cast %scan3A_34 : i32 to index
      %swap3A_85 = arith.constant 112 : index
      %swap3A_86 = tpu.vector_load %arg8[%swap3A_84, %swap3A_85] {strides = array<i32>} : memref<128x128xf32, #tpu.memory_space<vmem>>, vector<1x16xf32>,
      %swap3A_87 = vector.shape_cast %swap3A_86 : vector<1x16xf32> to vector<16xf32>
      %swap3A_88 = vector.shape_cast %broadcast_in_dim3A_83 : vector<16xf32> to vector<1x16xf32>
      tpu.vector_store %arg8[%swap3A_84, %swap3A_85], %swap3A_88 {strides = array<i32>} : memref<128x128xf32, #tpu.memory_space<vmem>>, vector<1x16xf32>,
    }
    %scan3A_4 = arith.constant 128 : i32
    %mul3A = arith.constant 640 : i32
    %mul3A_5 = arith.muli %arg1, %mul3A : i32
    %add3A = arith.constant 0 : i32
    %add3A_6 = arith.addi %mul3A_5, %add3A : i32
    "tpu.region"() ({
      %run_scoped3A = tpu.sem_alloc : memref<!tpu.dma_semaphore, #tpu.memory_space<semaphore_mem>>
      %dma_start3A = arith.constant 0 : i32
      %dma_start3A_34 = tpu.memref_slice %arg9[%add3A_6, %dma_start3A] : memref<10240x128xf32, #tpu.memory_space<vmem_shared>> -> memref<128x128xf32, #tpu.memory_space<vmem_shared>>
      %dma_start3A_35 = arith.constant 0 : i32
      %dma_start3A_36 = tpu.memref_slice %arg9[%add3A_6, %dma_start3A_35] : memref<10240x128xf32, #tpu.memory_space<vmem_shared>> -> memref<128x128xf32, #tpu.memory_space<vmem_shared>>
      tpu.enqueue_dma source(%arg8 : memref<128x128xf32, #tpu.memory_space<vmem>>) target(%dma_start3A_36 : memref<128x128xf32, #tpu.memory_space<vmem_shared>>) target_semaphore(%run_scoped3A : memref<!tpu.dma_semaphore, #tpu.memory_space<semaphore_mem>>)
      %dma_wait3A = arith.constant 0 : i32
      %dma_wait3A_37 = tpu.memref_slice %arg9[%add3A_6, %dma_wait3A] : memref<10240x128xf32, #tpu.memory_space<vmem_shared>> -> memref<128x128xf32, #tpu.memory_space<vmem_shared>>
      %dma_wait3A_38 = arith.constant 0 : i32
      %dma_wait3A_39 = tpu.memref_slice %arg9[%add3A_6, %dma_wait3A_38] : memref<10240x128xf32, #tpu.memory_space<vmem_shared>> -> memref<128x128xf32, #tpu.memory_space<vmem_shared>>
      tpu.wait_dma2 semaphore(%run_scoped3A : memref<!tpu.dma_semaphore, #tpu.memory_space<semaphore_mem>>) src(%arg8 : memref<128x128xf32, #tpu.memory_space<vmem>>) dst(%dma_wait3A_39 : memref<128x128xf32, #tpu.memory_space<vmem_shared>>)
      tpu.yield
    }) : () -> ()
    %mul3A_7 = arith.constant 640 : i32
    %mul3A_8 = arith.muli %arg1, %mul3A_7 : i32
    %add3A_9 = arith.constant 128 : i32
    %add3A_10 = arith.addi %mul3A_8, %add3A_9 : i32
    "tpu.region"() ({
      %run_scoped3A = tpu.sem_alloc : memref<!tpu.dma_semaphore, #tpu.memory_space<semaphore_mem>>
      %dma_start3A = arith.constant 0 : i32
      %dma_start3A_34 = tpu.memref_slice %arg9[%add3A_10, %dma_start3A] : memref<10240x128xf32, #tpu.memory_space<vmem_shared>> -> memref<128x128xf32, #tpu.memory_space<vmem_shared>>
      %dma_start3A_35 = arith.constant 0 : i32
      %dma_start3A_36 = tpu.memref_slice %arg9[%add3A_10, %dma_start3A_35] : memref<10240x128xf32, #tpu.memory_space<vmem_shared>> -> memref<128x128xf32, #tpu.memory_space<vmem_shared>>
      tpu.enqueue_dma source(%arg8 : memref<128x128xf32, #tpu.memory_space<vmem>>) target(%dma_start3A_36 : memref<128x128xf32, #tpu.memory_space<vmem_shared>>) target_semaphore(%run_scoped3A : memref<!tpu.dma_semaphore, #tpu.memory_space<semaphore_mem>>)
      %dma_wait3A = arith.constant 0 : i32
      %dma_wait3A_37 = tpu.memref_slice %arg9[%add3A_10, %dma_wait3A] : memref<10240x128xf32, #tpu.memory_space<vmem_shared>> -> memref<128x128xf32, #tpu.memory_space<vmem_shared>>
      %dma_wait3A_38 = arith.constant 0 : i32
      %dma_wait3A_39 = tpu.memref_slice %arg9[%add3A_10, %dma_wait3A_38] : memref<10240x128xf32, #tpu.memory_space<vmem_shared>> -> memref<128x128xf32, #tpu.memory_space<vmem_shared>>
      tpu.wait_dma2 semaphore(%run_scoped3A : memref<!tpu.dma_semaphore, #tpu.memory_space<semaphore_mem>>) src(%arg8 : memref<128x128xf32, #tpu.memory_space<vmem>>) dst(%dma_wait3A_39 : memref<128x128xf32, #tpu.memory_space<vmem_shared>>)
      tpu.yield
    }) : () -> ()
    %mul3A_11 = arith.constant 640 : i32
    %mul3A_12 = arith.muli %arg1, %mul3A_11 : i32
    %add3A_13 = arith.constant 256 : i32
    %add3A_14 = arith.addi %mul3A_12, %add3A_13 : i32
    "tpu.region"() ({
      %run_scoped3A = tpu.sem_alloc : memref<!tpu.dma_semaphore, #tpu.memory_space<semaphore_mem>>
      %dma_start3A = arith.constant 0 : i32
      %dma_start3A_34 = tpu.memref_slice %arg9[%add3A_14, %dma_start3A] : memref<10240x128xf32, #tpu.memory_space<vmem_shared>> -> memref<128x128xf32, #tpu.memory_space<vmem_shared>>
      %dma_start3A_35 = arith.constant 0 : i32
      %dma_start3A_36 = tpu.memref_slice %arg9[%add3A_14, %dma_start3A_35] : memref<10240x128xf32, #tpu.memory_space<vmem_shared>> -> memref<128x128xf32, #tpu.memory_space<vmem_shared>>
      tpu.enqueue_dma source(%arg8 : memref<128x128xf32, #tpu.memory_space<vmem>>) target(%dma_start3A_36 : memref<128x128xf32, #tpu.memory_space<vmem_shared>>) target_semaphore(%run_scoped3A : memref<!tpu.dma_semaphore, #tpu.memory_space<semaphore_mem>>)
      %dma_wait3A = arith.constant 0 : i32
      %dma_wait3A_37 = tpu.memref_slice %arg9[%add3A_14, %dma_wait3A] : memref<10240x128xf32, #tpu.memory_space<vmem_shared>> -> memref<128x128xf32, #tpu.memory_space<vmem_shared>>
      %dma_wait3A_38 = arith.constant 0 : i32
      %dma_wait3A_39 = tpu.memref_slice %arg9[%add3A_14, %dma_wait3A_38] : memref<10240x128xf32, #tpu.memory_space<vmem_shared>> -> memref<128x128xf32, #tpu.memory_space<vmem_shared>>
      tpu.wait_dma2 semaphore(%run_scoped3A : memref<!tpu.dma_semaphore, #tpu.memory_space<semaphore_mem>>) src(%arg8 : memref<128x128xf32, #tpu.memory_space<vmem>>) dst(%dma_wait3A_39 : memref<128x128xf32, #tpu.memory_space<vmem_shared>>)
      tpu.yield
    }) : () -> ()
    %mul3A_15 = arith.constant 640 : i32
    %mul3A_16 = arith.muli %arg1, %mul3A_15 : i32
    %add3A_17 = arith.constant 384 : i32
    %add3A_18 = arith.addi %mul3A_16, %add3A_17 : i32
    "tpu.region"() ({
      %run_scoped3A = tpu.sem_alloc : memref<!tpu.dma_semaphore, #tpu.memory_space<semaphore_mem>>
      %dma_start3A = arith.constant 0 : i32
      %dma_start3A_34 = tpu.memref_slice %arg9[%add3A_18, %dma_start3A] : memref<10240x128xf32, #tpu.memory_space<vmem_shared>> -> memref<128x128xf32, #tpu.memory_space<vmem_shared>>
      %dma_start3A_35 = arith.constant 0 : i32
      %dma_start3A_36 = tpu.memref_slice %arg9[%add3A_18, %dma_start3A_35] : memref<10240x128xf32, #tpu.memory_space<vmem_shared>> -> memref<128x128xf32, #tpu.memory_space<vmem_shared>>
      tpu.enqueue_dma source(%arg8 : memref<128x128xf32, #tpu.memory_space<vmem>>) target(%dma_start3A_36 : memref<128x128xf32, #tpu.memory_space<vmem_shared>>) target_semaphore(%run_scoped3A : memref<!tpu.dma_semaphore, #tpu.memory_space<semaphore_mem>>)
      %dma_wait3A = arith.constant 0 : i32
      %dma_wait3A_37 = tpu.memref_slice %arg9[%add3A_18, %dma_wait3A] : memref<10240x128xf32, #tpu.memory_space<vmem_shared>> -> memref<128x128xf32, #tpu.memory_space<vmem_shared>>
      %dma_wait3A_38 = arith.constant 0 : i32
      %dma_wait3A_39 = tpu.memref_slice %arg9[%add3A_18, %dma_wait3A_38] : memref<10240x128xf32, #tpu.memory_space<vmem_shared>> -> memref<128x128xf32, #tpu.memory_space<vmem_shared>>
      tpu.wait_dma2 semaphore(%run_scoped3A : memref<!tpu.dma_semaphore, #tpu.memory_space<semaphore_mem>>) src(%arg8 : memref<128x128xf32, #tpu.memory_space<vmem>>) dst(%dma_wait3A_39 : memref<128x128xf32, #tpu.memory_space<vmem_shared>>)
      tpu.yield
    }) : () -> ()
    %mul3A_19 = arith.constant 640 : i32
    %mul3A_20 = arith.muli %arg1, %mul3A_19 : i32
    %add3A_21 = arith.constant 512 : i32
    %add3A_22 = arith.addi %mul3A_20, %add3A_21 : i32
    "tpu.region"() ({
      %run_scoped3A = tpu.sem_alloc : memref<!tpu.dma_semaphore, #tpu.memory_space<semaphore_mem>>
      %dma_start3A = arith.constant 0 : i32
      %dma_start3A_34 = tpu.memref_slice %arg9[%add3A_22, %dma_start3A] : memref<10240x128xf32, #tpu.memory_space<vmem_shared>> -> memref<128x128xf32, #tpu.memory_space<vmem_shared>>
      %dma_start3A_35 = arith.constant 0 : i32
      %dma_start3A_36 = tpu.memref_slice %arg9[%add3A_22, %dma_start3A_35] : memref<10240x128xf32, #tpu.memory_space<vmem_shared>> -> memref<128x128xf32, #tpu.memory_space<vmem_shared>>
      tpu.enqueue_dma source(%arg8 : memref<128x128xf32, #tpu.memory_space<vmem>>) target(%dma_start3A_36 : memref<128x128xf32, #tpu.memory_space<vmem_shared>>) target_semaphore(%run_scoped3A : memref<!tpu.dma_semaphore, #tpu.memory_space<semaphore_mem>>)
      %dma_wait3A = arith.constant 0 : i32
      %dma_wait3A_37 = tpu.memref_slice %arg9[%add3A_22, %dma_wait3A] : memref<10240x128xf32, #tpu.memory_space<vmem_shared>> -> memref<128x128xf32, #tpu.memory_space<vmem_shared>>
      %dma_wait3A_38 = arith.constant 0 : i32
      %dma_wait3A_39 = tpu.memref_slice %arg9[%add3A_22, %dma_wait3A_38] : memref<10240x128xf32, #tpu.memory_space<vmem_shared>> -> memref<128x128xf32, #tpu.memory_space<vmem_shared>>
      tpu.wait_dma2 semaphore(%run_scoped3A : memref<!tpu.dma_semaphore, #tpu.memory_space<semaphore_mem>>) src(%arg8 : memref<128x128xf32, #tpu.memory_space<vmem>>) dst(%dma_wait3A_39 : memref<128x128xf32, #tpu.memory_space<vmem_shared>>)
      tpu.yield
    }) : () -> ()
    %barrier3A = arith.constant 0 : index
    tpu.barrier barrier_id(%barrier3A)
    %scan3A_23 = arith.constant 0 : i32
    %scan3A_24 = arith.constant 0 : i32
    %scan3A_25 = arith.constant 79 : i32
    %scan3A_26 = arith.addi %scan3A_24, %scan3A_25 : i32
    %scan3A_27 = arith.constant 1 : i32
    scf.for %scan3A_34 = %scan3A_24 to %scan3A_26 step %scan3A_27  : i32 {
      %dma_start3A = arith.constant 0 : i32
      %dma_start3A_35 = tpu.memref_slice %arg6[%scan3A_34, %dma_start3A] : memref<79x128xi32, #tpu.memory_space<vmem>> -> memref<1x128xi32, #tpu.memory_space<vmem>>
      %dma_start3A_36 = tpu.memref_squeeze %dma_start3A_35 : memref<1x128xi32, #tpu.memory_space<vmem>> -> memref<128xi32, #tpu.memory_space<vmem>>
      %dma_start3A_37 = arith.constant 0 : i32
      %dma_start3A_38 = arith.constant 0 : i32
      %dma_start3A_39 = tpu.memref_slice %arg2[%dma_start3A_37, %dma_start3A_38] : memref<10000x128xf32, #tpu.memory_space<hbm>> -> memref<10000x128xf32, #tpu.memory_space<hbm>>
      tpu.enqueue_indirect_dma source(%dma_start3A_39 : memref<10000x128xf32, #tpu.memory_space<hbm>>) target(%arg8 : memref<128x128xf32, #tpu.memory_space<vmem>>) offsets(%dma_start3A_36 : memref<128xi32, #tpu.memory_space<vmem>>) semaphore(%arg10 : memref<!tpu.dma_semaphore, #tpu.memory_space<semaphore_mem>>)
      %dma_wait3A = arith.constant 0 : i32
      %dma_wait3A_40 = tpu.memref_slice %arg6[%scan3A_34, %dma_wait3A] : memref<79x128xi32, #tpu.memory_space<vmem>> -> memref<1x128xi32, #tpu.memory_space<vmem>>
      %dma_wait3A_41 = tpu.memref_squeeze %dma_wait3A_40 : memref<1x128xi32, #tpu.memory_space<vmem>> -> memref<128xi32, #tpu.memory_space<vmem>>
      %dma_wait3A_42 = arith.constant 0 : i32
      %dma_wait3A_43 = arith.constant 0 : i32
      %dma_wait3A_44 = tpu.memref_slice %arg2[%dma_wait3A_42, %dma_wait3A_43] : memref<10000x128xf32, #tpu.memory_space<hbm>> -> memref<10000x128xf32, #tpu.memory_space<hbm>>
      tpu.wait_indirect_dma semaphore(%arg10 : memref<!tpu.dma_semaphore, #tpu.memory_space<semaphore_mem>>) src(%dma_wait3A_44 : memref<10000x128xf32, #tpu.memory_space<hbm>>) dst(%arg8 : memref<128x128xf32, #tpu.memory_space<vmem>>)
      "tpu.region"() ({
        %run_scoped3A = tpu.sem_alloc : memref<!tpu.dma_semaphore, #tpu.memory_space<semaphore_mem>>
        %dma_start3A_45 = arith.constant 0 : i32
        %dma_start3A_46 = tpu.memref_slice %arg7[%scan3A_34, %dma_start3A_45] : memref<79x128xi32, #tpu.memory_space<vmem>> -> memref<1x128xi32, #tpu.memory_space<vmem>>
        %dma_start3A_47 = tpu.memref_squeeze %dma_start3A_46 : memref<1x128xi32, #tpu.memory_space<vmem>> -> memref<128xi32, #tpu.memory_space<vmem>>
        %dma_start3A_48 = arith.constant 0 : i32
        %dma_start3A_49 = arith.constant 0 : i32
        %dma_start3A_50 = tpu.memref_slice %arg9[%dma_start3A_48, %dma_start3A_49] : memref<10240x128xf32, #tpu.memory_space<vmem_shared>> -> memref<10240x128xf32, #tpu.memory_space<vmem_shared>>
        tpu.enqueue_indirect_dma source(%arg8 : memref<128x128xf32, #tpu.memory_space<vmem>>) target(%dma_start3A_50 : memref<10240x128xf32, #tpu.memory_space<vmem_shared>>) offsets(%dma_start3A_47 : memref<128xi32, #tpu.memory_space<vmem>>) semaphore(%run_scoped3A : memref<!tpu.dma_semaphore, #tpu.memory_space<semaphore_mem>>) {add = true}
        %dma_wait3A_51 = arith.constant 0 : i32
        %dma_wait3A_52 = tpu.memref_slice %arg7[%scan3A_34, %dma_wait3A_51] : memref<79x128xi32, #tpu.memory_space<vmem>> -> memref<1x128xi32, #tpu.memory_space<vmem>>
        %dma_wait3A_53 = tpu.memref_squeeze %dma_wait3A_52 : memref<1x128xi32, #tpu.memory_space<vmem>> -> memref<128xi32, #tpu.memory_space<vmem>>
        %dma_wait3A_54 = arith.constant 0 : i32
        %dma_wait3A_55 = arith.constant 0 : i32
        %dma_wait3A_56 = tpu.memref_slice %arg9[%dma_wait3A_54, %dma_wait3A_55] : memref<10240x128xf32, #tpu.memory_space<vmem_shared>> -> memref<10240x128xf32, #tpu.memory_space<vmem_shared>>
        tpu.wait_indirect_dma semaphore(%run_scoped3A : memref<!tpu.dma_semaphore, #tpu.memory_space<semaphore_mem>>) src(%arg8 : memref<128x128xf32, #tpu.memory_space<vmem>>) dst(%dma_wait3A_56 : memref<10240x128xf32, #tpu.memory_space<vmem_shared>>)
        tpu.yield
      }) : () -> ()
    }
    %scan3A_28 = arith.constant 79 : i32
    %barrier3A_29 = arith.constant 0 : index
    tpu.barrier barrier_id(%barrier3A_29)
    %mul3A_30 = arith.constant 640 : i32
    %mul3A_31 = arith.muli %arg1, %mul3A_30 : i32
    %mul3A_32 = arith.constant 640 : i32
    %mul3A_33 = arith.muli %arg1, %mul3A_32 : i32
    "tpu.region"() ({
      %run_scoped3A = tpu.sem_alloc : memref<!tpu.dma_semaphore, #tpu.memory_space<semaphore_mem>>
      %dma_start3A = arith.constant 0 : i32
      %dma_start3A_34 = tpu.memref_slice %arg5[%arg0, %mul3A_33, %dma_start3A] : memref<2x10240x128xf32, #tpu.memory_space<hbm>> -> memref<1x640x128xf32, #tpu.memory_space<hbm>>
      %dma_start3A_35 = tpu.memref_squeeze %dma_start3A_34 : memref<1x640x128xf32, #tpu.memory_space<hbm>> -> memref<640x128xf32, #tpu.memory_space<hbm>>
      %dma_start3A_36 = arith.constant 0 : i32
      %dma_start3A_37 = tpu.memref_slice %arg9[%mul3A_31, %dma_start3A_36] : memref<10240x128xf32, #tpu.memory_space<vmem_shared>> -> memref<640x128xf32, #tpu.memory_space<vmem_shared>>
      tpu.enqueue_dma source(%dma_start3A_37 : memref<640x128xf32, #tpu.memory_space<vmem_shared>>) target(%dma_start3A_35 : memref<640x128xf32, #tpu.memory_space<hbm>>) target_semaphore(%run_scoped3A : memref<!tpu.dma_semaphore, #tpu.memory_space<semaphore_mem>>)
      %dma_wait3A = arith.constant 0 : i32
      %dma_wait3A_38 = tpu.memref_slice %arg5[%arg0, %mul3A_33, %dma_wait3A] : memref<2x10240x128xf32, #tpu.memory_space<hbm>> -> memref<1x640x128xf32, #tpu.memory_space<hbm>>
      %dma_wait3A_39 = tpu.memref_squeeze %dma_wait3A_38 : memref<1x640x128xf32, #tpu.memory_space<hbm>> -> memref<640x128xf32, #tpu.memory_space<hbm>>
      %dma_wait3A_40 = arith.constant 0 : i32
      %dma_wait3A_41 = tpu.memref_slice %arg9[%mul3A_31, %dma_wait3A_40] : memref<10240x128xf32, #tpu.memory_space<vmem_shared>> -> memref<640x128xf32, #tpu.memory_space<vmem_shared>>
      tpu.wait_dma2 semaphore(%run_scoped3A : memref<!tpu.dma_semaphore, #tpu.memory_space<semaphore_mem>>) src(%dma_wait3A_41 : memref<640x128xf32, #tpu.memory_space<vmem_shared>>) dst(%dma_wait3A_39 : memref<640x128xf32, #tpu.memory_space<hbm>>)
      tpu.yield
    }) : () -> ()
    return
  }
}

#map = affine_map<(d0, d1) -> (0, 0)>
#map1 = affine_map<(d0, d1) -> (0, 0, 0, 0)>
#map2 = affine_map<(d0, d1) -> (0, 0, 0)>
module attributes {stable_mosaic.version = 14 : i64} {
  func.func @k(%arg0: i32, %arg1: i32, %arg2: memref<10000x128xf32, #tpu.memory_space<hbm>>, %arg3: memref<2x16x79x128xi32, #tpu.memory_space<hbm>>, %arg4: memref<2x16x79x128xi32, #tpu.memory_space<hbm>>, %arg5: memref<2x10240x128xf32, #tpu.memory_space<hbm>>, %arg6: memref<79x128xi32, #tpu.memory_space<vmem>>, %arg7: memref<79x128xi32, #tpu.memory_space<vmem>>, %arg8: memref<128x128xf32, #tpu.memory_space<vmem>>, %arg9: memref<10240x128xf32, #tpu.memory_space<vmem_shared>>, %arg10: memref<!tpu.dma_semaphore, #tpu.memory_space<semaphore_mem>>) attributes {dimension_semantics = [#tpu.dimension_semantics<core_parallel>, #tpu.dimension_semantics<subcore_parallel>], iteration_bounds = array<i64: 2, 16>, scalar_prefetch = 0 : i64, scratch_operands = 5 : i64, tpu.core_type = #tpu.core_type<sc_vector_subcore>, window_params = [{transform_indices = #map}, {transform_indices = #map1}, {transform_indices = #map1}, {transform_indices = #map2}]} {
    "tpu.region"() ({
      %run_scoped3A = tpu.sem_alloc : memref<!tpu.dma_semaphore, #tpu.memory_space<semaphore_mem>>
      %dma_start3A = arith.constant 0 : i32
      %dma_start3A_34 = arith.constant 0 : i32
      %dma_start3A_35 = tpu.memref_slice %arg3[%arg0, %arg1, %dma_start3A, %dma_start3A_34] : memref<2x16x79x128xi32, #tpu.memory_space<hbm>> -> memref<1x1x79x128xi32, #tpu.memory_space<hbm>>
      %dma_start3A_36 = tpu.memref_squeeze %dma_start3A_35 : memref<1x1x79x128xi32, #tpu.memory_space<hbm>> -> memref<79x128xi32, #tpu.memory_space<hbm>>
      %dma_start3A_37 = arith.constant 0 : i32
      %dma_start3A_38 = arith.constant 0 : i32
      %dma_start3A_39 = tpu.memref_slice %arg3[%arg0, %arg1, %dma_start3A_37, %dma_start3A_38] : memref<2x16x79x128xi32, #tpu.memory_space<hbm>> -> memref<1x1x79x128xi32, #tpu.memory_space<hbm>>
      %dma_start3A_40 = tpu.memref_squeeze %dma_start3A_39 : memref<1x1x79x128xi32, #tpu.memory_space<hbm>> -> memref<79x128xi32, #tpu.memory_space<hbm>>
      tpu.enqueue_dma source(%dma_start3A_40 : memref<79x128xi32, #tpu.memory_space<hbm>>) target(%arg6 : memref<79x128xi32, #tpu.memory_space<vmem>>) target_semaphore(%run_scoped3A : memref<!tpu.dma_semaphore, #tpu.memory_space<semaphore_mem>>)
      %dma_wait3A = arith.constant 0 : i32
      %dma_wait3A_41 = arith.constant 0 : i32
      %dma_wait3A_42 = tpu.memref_slice %arg3[%arg0, %arg1, %dma_wait3A, %dma_wait3A_41] : memref<2x16x79x128xi32, #tpu.memory_space<hbm>> -> memref<1x1x79x128xi32, #tpu.memory_space<hbm>>
      %dma_wait3A_43 = tpu.memref_squeeze %dma_wait3A_42 : memref<1x1x79x128xi32, #tpu.memory_space<hbm>> -> memref<79x128xi32, #tpu.memory_space<hbm>>
      %dma_wait3A_44 = arith.constant 0 : i32
      %dma_wait3A_45 = arith.constant 0 : i32
      %dma_wait3A_46 = tpu.memref_slice %arg3[%arg0, %arg1, %dma_wait3A_44, %dma_wait3A_45] : memref<2x16x79x128xi32, #tpu.memory_space<hbm>> -> memref<1x1x79x128xi32, #tpu.memory_space<hbm>>
      %dma_wait3A_47 = tpu.memref_squeeze %dma_wait3A_46 : memref<1x1x79x128xi32, #tpu.memory_space<hbm>> -> memref<79x128xi32, #tpu.memory_space<hbm>>
      tpu.wait_dma2 semaphore(%run_scoped3A : memref<!tpu.dma_semaphore, #tpu.memory_space<semaphore_mem>>) src(%dma_wait3A_47 : memref<79x128xi32, #tpu.memory_space<hbm>>) dst(%arg6 : memref<79x128xi32, #tpu.memory_space<vmem>>)
      tpu.yield
    }) : () -> ()
    "tpu.region"() ({
      %run_scoped3A = tpu.sem_alloc : memref<!tpu.dma_semaphore, #tpu.memory_space<semaphore_mem>>
      %dma_start3A = arith.constant 0 : i32
      %dma_start3A_34 = arith.constant 0 : i32
      %dma_start3A_35 = tpu.memref_slice %arg4[%arg0, %arg1, %dma_start3A, %dma_start3A_34] : memref<2x16x79x128xi32, #tpu.memory_space<hbm>> -> memref<1x1x79x128xi32, #tpu.memory_space<hbm>>
      %dma_start3A_36 = tpu.memref_squeeze %dma_start3A_35 : memref<1x1x79x128xi32, #tpu.memory_space<hbm>> -> memref<79x128xi32, #tpu.memory_space<hbm>>
      %dma_start3A_37 = arith.constant 0 : i32
      %dma_start3A_38 = arith.constant 0 : i32
      %dma_start3A_39 = tpu.memref_slice %arg4[%arg0, %arg1, %dma_start3A_37, %dma_start3A_38] : memref<2x16x79x128xi32, #tpu.memory_space<hbm>> -> memref<1x1x79x128xi32, #tpu.memory_space<hbm>>
      %dma_start3A_40 = tpu.memref_squeeze %dma_start3A_39 : memref<1x1x79x128xi32, #tpu.memory_space<hbm>> -> memref<79x128xi32, #tpu.memory_space<hbm>>
      tpu.enqueue_dma source(%dma_start3A_40 : memref<79x128xi32, #tpu.memory_space<hbm>>) target(%arg7 : memref<79x128xi32, #tpu.memory_space<vmem>>) target_semaphore(%run_scoped3A : memref<!tpu.dma_semaphore, #tpu.memory_space<semaphore_mem>>)
      %dma_wait3A = arith.constant 0 : i32
      %dma_wait3A_41 = arith.constant 0 : i32
      %dma_wait3A_42 = tpu.memref_slice %arg4[%arg0, %arg1, %dma_wait3A, %dma_wait3A_41] : memref<2x16x79x128xi32, #tpu.memory_space<hbm>> -> memref<1x1x79x128xi32, #tpu.memory_space<hbm>>
      %dma_wait3A_43 = tpu.memref_squeeze %dma_wait3A_42 : memref<1x1x79x128xi32, #tpu.memory_space<hbm>> -> memref<79x128xi32, #tpu.memory_space<hbm>>
      %dma_wait3A_44 = arith.constant 0 : i32
      %dma_wait3A_45 = arith.constant 0 : i32
      %dma_wait3A_46 = tpu.memref_slice %arg4[%arg0, %arg1, %dma_wait3A_44, %dma_wait3A_45] : memref<2x16x79x128xi32, #tpu.memory_space<hbm>> -> memref<1x1x79x128xi32, #tpu.memory_space<hbm>>
      %dma_wait3A_47 = tpu.memref_squeeze %dma_wait3A_46 : memref<1x1x79x128xi32, #tpu.memory_space<hbm>> -> memref<79x128xi32, #tpu.memory_space<hbm>>
      tpu.wait_dma2 semaphore(%run_scoped3A : memref<!tpu.dma_semaphore, #tpu.memory_space<semaphore_mem>>) src(%dma_wait3A_47 : memref<79x128xi32, #tpu.memory_space<hbm>>) dst(%arg7 : memref<79x128xi32, #tpu.memory_space<vmem>>)
      tpu.yield
    }) : () -> ()
    %scan3A = arith.constant 0 : i32
    %scan3A_0 = arith.constant 0 : i32
    %scan3A_1 = arith.constant 128 : i32
    %scan3A_2 = arith.addi %scan3A_0, %scan3A_1 : i32
    %scan3A_3 = arith.constant 1 : i32
    scf.for %scan3A_34 = %scan3A_0 to %scan3A_2 step %scan3A_3  : i32 {
      %broadcast_in_dim3A = arith.constant 0.000000e+00 : f32
      %broadcast_in_dim3A_35 = vector.broadcast %broadcast_in_dim3A : f32 to vector<16xf32>
      %swap3A = arith.index_cast %scan3A_34 : i32 to index
      %swap3A_36 = arith.constant 0 : index
      %swap3A_37 = tpu.vector_load %arg8[%swap3A, %swap3A_36] {strides = array<i32>} : memref<128x128xf32, #tpu.memory_space<vmem>>, vector<1x16xf32>,
      %swap3A_38 = vector.shape_cast %swap3A_37 : vector<1x16xf32> to vector<16xf32>
      %swap3A_39 = vector.shape_cast %broadcast_in_dim3A_35 : vector<16xf32> to vector<1x16xf32>
      tpu.vector_store %arg8[%swap3A, %swap3A_36], %swap3A_39 {strides = array<i32>} : memref<128x128xf32, #tpu.memory_space<vmem>>, vector<1x16xf32>,
      %broadcast_in_dim3A_40 = arith.constant 0.000000e+00 : f32
      %broadcast_in_dim3A_41 = vector.broadcast %broadcast_in_dim3A_40 : f32 to vector<16xf32>
      %swap3A_42 = arith.index_cast %scan3A_34 : i32 to index
      %swap3A_43 = arith.constant 16 : index
      %swap3A_44 = tpu.vector_load %arg8[%swap3A_42, %swap3A_43] {strides = array<i32>} : memref<128x128xf32, #tpu.memory_space<vmem>>, vector<1x16xf32>,
      %swap3A_45 = vector.shape_cast %swap3A_44 : vector<1x16xf32> to vector<16xf32>
      %swap3A_46 = vector.shape_cast %broadcast_in_dim3A_41 : vector<16xf32> to vector<1x16xf32>
      tpu.vector_store %arg8[%swap3A_42, %swap3A_43], %swap3A_46 {strides = array<i32>} : memref<128x128xf32, #tpu.memory_space<vmem>>, vector<1x16xf32>,
      %broadcast_in_dim3A_47 = arith.constant 0.000000e+00 : f32
      %broadcast_in_dim3A_48 = vector.broadcast %broadcast_in_dim3A_47 : f32 to vector<16xf32>
      %swap3A_49 = arith.index_cast %scan3A_34 : i32 to index
      %swap3A_50 = arith.constant 32 : index
      %swap3A_51 = tpu.vector_load %arg8[%swap3A_49, %swap3A_50] {strides = array<i32>} : memref<128x128xf32, #tpu.memory_space<vmem>>, vector<1x16xf32>,
      %swap3A_52 = vector.shape_cast %swap3A_51 : vector<1x16xf32> to vector<16xf32>
      %swap3A_53 = vector.shape_cast %broadcast_in_dim3A_48 : vector<16xf32> to vector<1x16xf32>
      tpu.vector_store %arg8[%swap3A_49, %swap3A_50], %swap3A_53 {strides = array<i32>} : memref<128x128xf32, #tpu.memory_space<vmem>>, vector<1x16xf32>,
      %broadcast_in_dim3A_54 = arith.constant 0.000000e+00 : f32
      %broadcast_in_dim3A_55 = vector.broadcast %broadcast_in_dim3A_54 : f32 to vector<16xf32>
      %swap3A_56 = arith.index_cast %scan3A_34 : i32 to index
      %swap3A_57 = arith.constant 48 : index
      %swap3A_58 = tpu.vector_load %arg8[%swap3A_56, %swap3A_57] {strides = array<i32>} : memref<128x128xf32, #tpu.memory_space<vmem>>, vector<1x16xf32>,
      %swap3A_59 = vector.shape_cast %swap3A_58 : vector<1x16xf32> to vector<16xf32>
      %swap3A_60 = vector.shape_cast %broadcast_in_dim3A_55 : vector<16xf32> to vector<1x16xf32>
      tpu.vector_store %arg8[%swap3A_56, %swap3A_57], %swap3A_60 {strides = array<i32>} : memref<128x128xf32, #tpu.memory_space<vmem>>, vector<1x16xf32>,
      %broadcast_in_dim3A_61 = arith.constant 0.000000e+00 : f32
      %broadcast_in_dim3A_62 = vector.broadcast %broadcast_in_dim3A_61 : f32 to vector<16xf32>
      %swap3A_63 = arith.index_cast %scan3A_34 : i32 to index
      %swap3A_64 = arith.constant 64 : index
      %swap3A_65 = tpu.vector_load %arg8[%swap3A_63, %swap3A_64] {strides = array<i32>} : memref<128x128xf32, #tpu.memory_space<vmem>>, vector<1x16xf32>,
      %swap3A_66 = vector.shape_cast %swap3A_65 : vector<1x16xf32> to vector<16xf32>
      %swap3A_67 = vector.shape_cast %broadcast_in_dim3A_62 : vector<16xf32> to vector<1x16xf32>
      tpu.vector_store %arg8[%swap3A_63, %swap3A_64], %swap3A_67 {strides = array<i32>} : memref<128x128xf32, #tpu.memory_space<vmem>>, vector<1x16xf32>,
      %broadcast_in_dim3A_68 = arith.constant 0.000000e+00 : f32
      %broadcast_in_dim3A_69 = vector.broadcast %broadcast_in_dim3A_68 : f32 to vector<16xf32>
      %swap3A_70 = arith.index_cast %scan3A_34 : i32 to index
      %swap3A_71 = arith.constant 80 : index
      %swap3A_72 = tpu.vector_load %arg8[%swap3A_70, %swap3A_71] {strides = array<i32>} : memref<128x128xf32, #tpu.memory_space<vmem>>, vector<1x16xf32>,
      %swap3A_73 = vector.shape_cast %swap3A_72 : vector<1x16xf32> to vector<16xf32>
      %swap3A_74 = vector.shape_cast %broadcast_in_dim3A_69 : vector<16xf32> to vector<1x16xf32>
      tpu.vector_store %arg8[%swap3A_70, %swap3A_71], %swap3A_74 {strides = array<i32>} : memref<128x128xf32, #tpu.memory_space<vmem>>, vector<1x16xf32>,
      %broadcast_in_dim3A_75 = arith.constant 0.000000e+00 : f32
      %broadcast_in_dim3A_76 = vector.broadcast %broadcast_in_dim3A_75 : f32 to vector<16xf32>
      %swap3A_77 = arith.index_cast %scan3A_34 : i32 to index
      %swap3A_78 = arith.constant 96 : index
      %swap3A_79 = tpu.vector_load %arg8[%swap3A_77, %swap3A_78] {strides = array<i32>} : memref<128x128xf32, #tpu.memory_space<vmem>>, vector<1x16xf32>,
      %swap3A_80 = vector.shape_cast %swap3A_79 : vector<1x16xf32> to vector<16xf32>
      %swap3A_81 = vector.shape_cast %broadcast_in_dim3A_76 : vector<16xf32> to vector<1x16xf32>
      tpu.vector_store %arg8[%swap3A_77, %swap3A_78], %swap3A_81 {strides = array<i32>} : memref<128x128xf32, #tpu.memory_space<vmem>>, vector<1x16xf32>,
      %broadcast_in_dim3A_82 = arith.constant 0.000000e+00 : f32
      %broadcast_in_dim3A_83 = vector.broadcast %broadcast_in_dim3A_82 : f32 to vector<16xf32>
      %swap3A_84 = arith.index_cast %scan3A_34 : i32 to index
      %swap3A_85 = arith.constant 112 : index
      %swap3A_86 = tpu.vector_load %arg8[%swap3A_84, %swap3A_85] {strides = array<i32>} : memref<128x128xf32, #tpu.memory_space<vmem>>, vector<1x16xf32>,
      %swap3A_87 = vector.shape_cast %swap3A_86 : vector<1x16xf32> to vector<16xf32>
      %swap3A_88 = vector.shape_cast %broadcast_in_dim3A_83 : vector<16xf32> to vector<1x16xf32>
      tpu.vector_store %arg8[%swap3A_84, %swap3A_85], %swap3A_88 {strides = array<i32>} : memref<128x128xf32, #tpu.memory_space<vmem>>, vector<1x16xf32>,
    }
    %scan3A_4 = arith.constant 128 : i32
    %mul3A = arith.constant 640 : i32
    %mul3A_5 = arith.muli %arg1, %mul3A : i32
    %add3A = arith.constant 0 : i32
    %add3A_6 = arith.addi %mul3A_5, %add3A : i32
    "tpu.region"() ({
      %run_scoped3A = tpu.sem_alloc : memref<!tpu.dma_semaphore, #tpu.memory_space<semaphore_mem>>
      %dma_start3A = arith.constant 0 : i32
      %dma_start3A_34 = tpu.memref_slice %arg9[%add3A_6, %dma_start3A] : memref<10240x128xf32, #tpu.memory_space<vmem_shared>> -> memref<128x128xf32, #tpu.memory_space<vmem_shared>>
      %dma_start3A_35 = arith.constant 0 : i32
      %dma_start3A_36 = tpu.memref_slice %arg9[%add3A_6, %dma_start3A_35] : memref<10240x128xf32, #tpu.memory_space<vmem_shared>> -> memref<128x128xf32, #tpu.memory_space<vmem_shared>>
      tpu.enqueue_dma source(%arg8 : memref<128x128xf32, #tpu.memory_space<vmem>>) target(%dma_start3A_36 : memref<128x128xf32, #tpu.memory_space<vmem_shared>>) target_semaphore(%run_scoped3A : memref<!tpu.dma_semaphore, #tpu.memory_space<semaphore_mem>>)
      %dma_wait3A = arith.constant 0 : i32
      %dma_wait3A_37 = tpu.memref_slice %arg9[%add3A_6, %dma_wait3A] : memref<10240x128xf32, #tpu.memory_space<vmem_shared>> -> memref<128x128xf32, #tpu.memory_space<vmem_shared>>
      %dma_wait3A_38 = arith.constant 0 : i32
      %dma_wait3A_39 = tpu.memref_slice %arg9[%add3A_6, %dma_wait3A_38] : memref<10240x128xf32, #tpu.memory_space<vmem_shared>> -> memref<128x128xf32, #tpu.memory_space<vmem_shared>>
      tpu.wait_dma2 semaphore(%run_scoped3A : memref<!tpu.dma_semaphore, #tpu.memory_space<semaphore_mem>>) src(%arg8 : memref<128x128xf32, #tpu.memory_space<vmem>>) dst(%dma_wait3A_39 : memref<128x128xf32, #tpu.memory_space<vmem_shared>>)
      tpu.yield
    }) : () -> ()
    %mul3A_7 = arith.constant 640 : i32
    %mul3A_8 = arith.muli %arg1, %mul3A_7 : i32
    %add3A_9 = arith.constant 128 : i32
    %add3A_10 = arith.addi %mul3A_8, %add3A_9 : i32
    "tpu.region"() ({
      %run_scoped3A = tpu.sem_alloc : memref<!tpu.dma_semaphore, #tpu.memory_space<semaphore_mem>>
      %dma_start3A = arith.constant 0 : i32
      %dma_start3A_34 = tpu.memref_slice %arg9[%add3A_10, %dma_start3A] : memref<10240x128xf32, #tpu.memory_space<vmem_shared>> -> memref<128x128xf32, #tpu.memory_space<vmem_shared>>
      %dma_start3A_35 = arith.constant 0 : i32
      %dma_start3A_36 = tpu.memref_slice %arg9[%add3A_10, %dma_start3A_35] : memref<10240x128xf32, #tpu.memory_space<vmem_shared>> -> memref<128x128xf32, #tpu.memory_space<vmem_shared>>
      tpu.enqueue_dma source(%arg8 : memref<128x128xf32, #tpu.memory_space<vmem>>) target(%dma_start3A_36 : memref<128x128xf32, #tpu.memory_space<vmem_shared>>) target_semaphore(%run_scoped3A : memref<!tpu.dma_semaphore, #tpu.memory_space<semaphore_mem>>)
      %dma_wait3A = arith.constant 0 : i32
      %dma_wait3A_37 = tpu.memref_slice %arg9[%add3A_10, %dma_wait3A] : memref<10240x128xf32, #tpu.memory_space<vmem_shared>> -> memref<128x128xf32, #tpu.memory_space<vmem_shared>>
      %dma_wait3A_38 = arith.constant 0 : i32
      %dma_wait3A_39 = tpu.memref_slice %arg9[%add3A_10, %dma_wait3A_38] : memref<10240x128xf32, #tpu.memory_space<vmem_shared>> -> memref<128x128xf32, #tpu.memory_space<vmem_shared>>
      tpu.wait_dma2 semaphore(%run_scoped3A : memref<!tpu.dma_semaphore, #tpu.memory_space<semaphore_mem>>) src(%arg8 : memref<128x128xf32, #tpu.memory_space<vmem>>) dst(%dma_wait3A_39 : memref<128x128xf32, #tpu.memory_space<vmem_shared>>)
      tpu.yield
    }) : () -> ()
    %mul3A_11 = arith.constant 640 : i32
    %mul3A_12 = arith.muli %arg1, %mul3A_11 : i32
    %add3A_13 = arith.constant 256 : i32
    %add3A_14 = arith.addi %mul3A_12, %add3A_13 : i32
    "tpu.region"() ({
      %run_scoped3A = tpu.sem_alloc : memref<!tpu.dma_semaphore, #tpu.memory_space<semaphore_mem>>
      %dma_start3A = arith.constant 0 : i32
      %dma_start3A_34 = tpu.memref_slice %arg9[%add3A_14, %dma_start3A] : memref<10240x128xf32, #tpu.memory_space<vmem_shared>> -> memref<128x128xf32, #tpu.memory_space<vmem_shared>>
      %dma_start3A_35 = arith.constant 0 : i32
      %dma_start3A_36 = tpu.memref_slice %arg9[%add3A_14, %dma_start3A_35] : memref<10240x128xf32, #tpu.memory_space<vmem_shared>> -> memref<128x128xf32, #tpu.memory_space<vmem_shared>>
      tpu.enqueue_dma source(%arg8 : memref<128x128xf32, #tpu.memory_space<vmem>>) target(%dma_start3A_36 : memref<128x128xf32, #tpu.memory_space<vmem_shared>>) target_semaphore(%run_scoped3A : memref<!tpu.dma_semaphore, #tpu.memory_space<semaphore_mem>>)
      %dma_wait3A = arith.constant 0 : i32
      %dma_wait3A_37 = tpu.memref_slice %arg9[%add3A_14, %dma_wait3A] : memref<10240x128xf32, #tpu.memory_space<vmem_shared>> -> memref<128x128xf32, #tpu.memory_space<vmem_shared>>
      %dma_wait3A_38 = arith.constant 0 : i32
      %dma_wait3A_39 = tpu.memref_slice %arg9[%add3A_14, %dma_wait3A_38] : memref<10240x128xf32, #tpu.memory_space<vmem_shared>> -> memref<128x128xf32, #tpu.memory_space<vmem_shared>>
      tpu.wait_dma2 semaphore(%run_scoped3A : memref<!tpu.dma_semaphore, #tpu.memory_space<semaphore_mem>>) src(%arg8 : memref<128x128xf32, #tpu.memory_space<vmem>>) dst(%dma_wait3A_39 : memref<128x128xf32, #tpu.memory_space<vmem_shared>>)
      tpu.yield
    }) : () -> ()
    %mul3A_15 = arith.constant 640 : i32
    %mul3A_16 = arith.muli %arg1, %mul3A_15 : i32
    %add3A_17 = arith.constant 384 : i32
    %add3A_18 = arith.addi %mul3A_16, %add3A_17 : i32
    "tpu.region"() ({
      %run_scoped3A = tpu.sem_alloc : memref<!tpu.dma_semaphore, #tpu.memory_space<semaphore_mem>>
      %dma_start3A = arith.constant 0 : i32
      %dma_start3A_34 = tpu.memref_slice %arg9[%add3A_18, %dma_start3A] : memref<10240x128xf32, #tpu.memory_space<vmem_shared>> -> memref<128x128xf32, #tpu.memory_space<vmem_shared>>
      %dma_start3A_35 = arith.constant 0 : i32
      %dma_start3A_36 = tpu.memref_slice %arg9[%add3A_18, %dma_start3A_35] : memref<10240x128xf32, #tpu.memory_space<vmem_shared>> -> memref<128x128xf32, #tpu.memory_space<vmem_shared>>
      tpu.enqueue_dma source(%arg8 : memref<128x128xf32, #tpu.memory_space<vmem>>) target(%dma_start3A_36 : memref<128x128xf32, #tpu.memory_space<vmem_shared>>) target_semaphore(%run_scoped3A : memref<!tpu.dma_semaphore, #tpu.memory_space<semaphore_mem>>)
      %dma_wait3A = arith.constant 0 : i32
      %dma_wait3A_37 = tpu.memref_slice %arg9[%add3A_18, %dma_wait3A] : memref<10240x128xf32, #tpu.memory_space<vmem_shared>> -> memref<128x128xf32, #tpu.memory_space<vmem_shared>>
      %dma_wait3A_38 = arith.constant 0 : i32
      %dma_wait3A_39 = tpu.memref_slice %arg9[%add3A_18, %dma_wait3A_38] : memref<10240x128xf32, #tpu.memory_space<vmem_shared>> -> memref<128x128xf32, #tpu.memory_space<vmem_shared>>
      tpu.wait_dma2 semaphore(%run_scoped3A : memref<!tpu.dma_semaphore, #tpu.memory_space<semaphore_mem>>) src(%arg8 : memref<128x128xf32, #tpu.memory_space<vmem>>) dst(%dma_wait3A_39 : memref<128x128xf32, #tpu.memory_space<vmem_shared>>)
      tpu.yield
    }) : () -> ()
    %mul3A_19 = arith.constant 640 : i32
    %mul3A_20 = arith.muli %arg1, %mul3A_19 : i32
    %add3A_21 = arith.constant 512 : i32
    %add3A_22 = arith.addi %mul3A_20, %add3A_21 : i32
    "tpu.region"() ({
      %run_scoped3A = tpu.sem_alloc : memref<!tpu.dma_semaphore, #tpu.memory_space<semaphore_mem>>
      %dma_start3A = arith.constant 0 : i32
      %dma_start3A_34 = tpu.memref_slice %arg9[%add3A_22, %dma_start3A] : memref<10240x128xf32, #tpu.memory_space<vmem_shared>> -> memref<128x128xf32, #tpu.memory_space<vmem_shared>>
      %dma_start3A_35 = arith.constant 0 : i32
      %dma_start3A_36 = tpu.memref_slice %arg9[%add3A_22, %dma_start3A_35] : memref<10240x128xf32, #tpu.memory_space<vmem_shared>> -> memref<128x128xf32, #tpu.memory_space<vmem_shared>>
      tpu.enqueue_dma source(%arg8 : memref<128x128xf32, #tpu.memory_space<vmem>>) target(%dma_start3A_36 : memref<128x128xf32, #tpu.memory_space<vmem_shared>>) target_semaphore(%run_scoped3A : memref<!tpu.dma_semaphore, #tpu.memory_space<semaphore_mem>>)
      %dma_wait3A = arith.constant 0 : i32
      %dma_wait3A_37 = tpu.memref_slice %arg9[%add3A_22, %dma_wait3A] : memref<10240x128xf32, #tpu.memory_space<vmem_shared>> -> memref<128x128xf32, #tpu.memory_space<vmem_shared>>
      %dma_wait3A_38 = arith.constant 0 : i32
      %dma_wait3A_39 = tpu.memref_slice %arg9[%add3A_22, %dma_wait3A_38] : memref<10240x128xf32, #tpu.memory_space<vmem_shared>> -> memref<128x128xf32, #tpu.memory_space<vmem_shared>>
      tpu.wait_dma2 semaphore(%run_scoped3A : memref<!tpu.dma_semaphore, #tpu.memory_space<semaphore_mem>>) src(%arg8 : memref<128x128xf32, #tpu.memory_space<vmem>>) dst(%dma_wait3A_39 : memref<128x128xf32, #tpu.memory_space<vmem_shared>>)
      tpu.yield
    }) : () -> ()
    %barrier3A = arith.constant 0 : index
    tpu.barrier barrier_id(%barrier3A)
    %scan3A_23 = arith.constant 0 : i32
    %scan3A_24 = arith.constant 0 : i32
    %scan3A_25 = arith.constant 79 : i32
    %scan3A_26 = arith.addi %scan3A_24, %scan3A_25 : i32
    %scan3A_27 = arith.constant 1 : i32
    scf.for %scan3A_34 = %scan3A_24 to %scan3A_26 step %scan3A_27  : i32 {
      %dma_start3A = arith.constant 0 : i32
      %dma_start3A_35 = tpu.memref_slice %arg6[%scan3A_34, %dma_start3A] : memref<79x128xi32, #tpu.memory_space<vmem>> -> memref<1x128xi32, #tpu.memory_space<vmem>>
      %dma_start3A_36 = tpu.memref_squeeze %dma_start3A_35 : memref<1x128xi32, #tpu.memory_space<vmem>> -> memref<128xi32, #tpu.memory_space<vmem>>
      %dma_start3A_37 = arith.constant 0 : i32
      %dma_start3A_38 = arith.constant 0 : i32
      %dma_start3A_39 = tpu.memref_slice %arg2[%dma_start3A_37, %dma_start3A_38] : memref<10000x128xf32, #tpu.memory_space<hbm>> -> memref<10000x128xf32, #tpu.memory_space<hbm>>
      tpu.enqueue_indirect_dma source(%dma_start3A_39 : memref<10000x128xf32, #tpu.memory_space<hbm>>) target(%arg8 : memref<128x128xf32, #tpu.memory_space<vmem>>) offsets(%dma_start3A_36 : memref<128xi32, #tpu.memory_space<vmem>>) semaphore(%arg10 : memref<!tpu.dma_semaphore, #tpu.memory_space<semaphore_mem>>)
      %dma_wait3A = arith.constant 0 : i32
      %dma_wait3A_40 = tpu.memref_slice %arg6[%scan3A_34, %dma_wait3A] : memref<79x128xi32, #tpu.memory_space<vmem>> -> memref<1x128xi32, #tpu.memory_space<vmem>>
      %dma_wait3A_41 = tpu.memref_squeeze %dma_wait3A_40 : memref<1x128xi32, #tpu.memory_space<vmem>> -> memref<128xi32, #tpu.memory_space<vmem>>
      %dma_wait3A_42 = arith.constant 0 : i32
      %dma_wait3A_43 = arith.constant 0 : i32
      %dma_wait3A_44 = tpu.memref_slice %arg2[%dma_wait3A_42, %dma_wait3A_43] : memref<10000x128xf32, #tpu.memory_space<hbm>> -> memref<10000x128xf32, #tpu.memory_space<hbm>>
      tpu.wait_indirect_dma semaphore(%arg10 : memref<!tpu.dma_semaphore, #tpu.memory_space<semaphore_mem>>) src(%dma_wait3A_44 : memref<10000x128xf32, #tpu.memory_space<hbm>>) dst(%arg8 : memref<128x128xf32, #tpu.memory_space<vmem>>)
      "tpu.region"() ({
        %run_scoped3A = tpu.sem_alloc : memref<!tpu.dma_semaphore, #tpu.memory_space<semaphore_mem>>
        %dma_start3A_45 = arith.constant 0 : i32
        %dma_start3A_46 = tpu.memref_slice %arg7[%scan3A_34, %dma_start3A_45] : memref<79x128xi32, #tpu.memory_space<vmem>> -> memref<1x128xi32, #tpu.memory_space<vmem>>
        %dma_start3A_47 = tpu.memref_squeeze %dma_start3A_46 : memref<1x128xi32, #tpu.memory_space<vmem>> -> memref<128xi32, #tpu.memory_space<vmem>>
        %dma_start3A_48 = arith.constant 0 : i32
        %dma_start3A_49 = arith.constant 0 : i32
        %dma_start3A_50 = tpu.memref_slice %arg9[%dma_start3A_48, %dma_start3A_49] : memref<10240x128xf32, #tpu.memory_space<vmem_shared>> -> memref<10240x128xf32, #tpu.memory_space<vmem_shared>>
        tpu.enqueue_indirect_dma source(%arg8 : memref<128x128xf32, #tpu.memory_space<vmem>>) target(%dma_start3A_50 : memref<10240x128xf32, #tpu.memory_space<vmem_shared>>) offsets(%dma_start3A_47 : memref<128xi32, #tpu.memory_space<vmem>>) semaphore(%run_scoped3A : memref<!tpu.dma_semaphore, #tpu.memory_space<semaphore_mem>>) {add = true}
        %dma_wait3A_51 = arith.constant 0 : i32
        %dma_wait3A_52 = tpu.memref_slice %arg7[%scan3A_34, %dma_wait3A_51] : memref<79x128xi32, #tpu.memory_space<vmem>> -> memref<1x128xi32, #tpu.memory_space<vmem>>
        %dma_wait3A_53 = tpu.memref_squeeze %dma_wait3A_52 : memref<1x128xi32, #tpu.memory_space<vmem>> -> memref<128xi32, #tpu.memory_space<vmem>>
        %dma_wait3A_54 = arith.constant 0 : i32
        %dma_wait3A_55 = arith.constant 0 : i32
        %dma_wait3A_56 = tpu.memref_slice %arg9[%dma_wait3A_54, %dma_wait3A_55] : memref<10240x128xf32, #tpu.memory_space<vmem_shared>> -> memref<10240x128xf32, #tpu.memory_space<vmem_shared>>
        tpu.wait_indirect_dma semaphore(%run_scoped3A : memref<!tpu.dma_semaphore, #tpu.memory_space<semaphore_mem>>) src(%arg8 : memref<128x128xf32, #tpu.memory_space<vmem>>) dst(%dma_wait3A_56 : memref<10240x128xf32, #tpu.memory_space<vmem_shared>>)
        tpu.yield
      }) : () -> ()
    }
    %scan3A_28 = arith.constant 79 : i32
    %barrier3A_29 = arith.constant 0 : index
    tpu.barrier barrier_id(%barrier3A_29)
    %mul3A_30 = arith.constant 640 : i32
    %mul3A_31 = arith.muli %arg1, %mul3A_30 : i32
    %mul3A_32 = arith.constant 640 : i32
    %mul3A_33 = arith.muli %arg1, %mul3A_32 : i32
    "tpu.region"() ({
      %run_scoped3A = tpu.sem_alloc : memref<!tpu.dma_semaphore, #tpu.memory_space<semaphore_mem>>
      %dma_start3A = arith.constant 0 : i32
      %dma_start3A_34 = tpu.memref_slice %arg5[%arg0, %mul3A_33, %dma_start3A] : memref<2x10240x128xf32, #tpu.memory_space<hbm>> -> memref<1x640x128xf32, #tpu.memory_space<hbm>>
      %dma_start3A_35 = tpu.memref_squeeze %dma_start3A_34 : memref<1x640x128xf32, #tpu.memory_space<hbm>> -> memref<640x128xf32, #tpu.memory_space<hbm>>
      %dma_start3A_36 = arith.constant 0 : i32
      %dma_start3A_37 = tpu.memref_slice %arg9[%mul3A_31, %dma_start3A_36] : memref<10240x128xf32, #tpu.memory_space<vmem_shared>> -> memref<640x128xf32, #tpu.memory_space<vmem_shared>>
      tpu.enqueue_dma source(%dma_start3A_37 : memref<640x128xf32, #tpu.memory_space<vmem_shared>>) target(%dma_start3A_35 : memref<640x128xf32, #tpu.memory_space<hbm>>) target_semaphore(%run_scoped3A : memref<!tpu.dma_semaphore, #tpu.memory_space<semaphore_mem>>)
      %dma_wait3A = arith.constant 0 : i32
      %dma_wait3A_38 = tpu.memref_slice %arg5[%arg0, %mul3A_33, %dma_wait3A] : memref<2x10240x128xf32, #tpu.memory_space<hbm>> -> memref<1x640x128xf32, #tpu.memory_space<hbm>>
      %dma_wait3A_39 = tpu.memref_squeeze %dma_wait3A_38 : memref<1x640x128xf32, #tpu.memory_space<hbm>> -> memref<640x128xf32, #tpu.memory_space<hbm>>
      %dma_wait3A_40 = arith.constant 0 : i32
      %dma_wait3A_41 = tpu.memref_slice %arg9[%mul3A_31, %dma_wait3A_40] : memref<10240x128xf32, #tpu.memory_space<vmem_shared>> -> memref<640x128xf32, #tpu.memory_space<vmem_shared>>
      tpu.wait_dma2 semaphore(%run_scoped3A : memref<!tpu.dma_semaphore, #tpu.memory_space<semaphore_mem>>) src(%dma_wait3A_41 : memref<640x128xf32, #tpu.memory_space<vmem_shared>>) dst(%dma_wait3A_39 : memref<640x128xf32, #tpu.memory_space<hbm>>)
      tpu.yield
    }) : () -> ()
    return
  }
}

#map = affine_map<(d0, d1) -> (0, 0)>
#map1 = affine_map<(d0, d1) -> (0, 0, 0, 0)>
#map2 = affine_map<(d0, d1) -> (0, 0, 0)>
module attributes {stable_mosaic.version = 14 : i64} {
  func.func @k(%arg0: i32, %arg1: i32, %arg2: memref<10000x128xf32, #tpu.memory_space<hbm>>, %arg3: memref<2x16x79x128xi32, #tpu.memory_space<hbm>>, %arg4: memref<2x16x79x128xi32, #tpu.memory_space<hbm>>, %arg5: memref<2x10240x128xf32, #tpu.memory_space<hbm>>, %arg6: memref<79x128xi32, #tpu.memory_space<vmem>>, %arg7: memref<79x128xi32, #tpu.memory_space<vmem>>, %arg8: memref<128x128xf32, #tpu.memory_space<vmem>>, %arg9: memref<10240x128xf32, #tpu.memory_space<vmem_shared>>, %arg10: memref<!tpu.dma_semaphore, #tpu.memory_space<semaphore_mem>>) attributes {dimension_semantics = [#tpu.dimension_semantics<core_parallel>, #tpu.dimension_semantics<subcore_parallel>], iteration_bounds = array<i64: 2, 16>, scalar_prefetch = 0 : i64, scratch_operands = 5 : i64, tpu.core_type = #tpu.core_type<sc_vector_subcore>, window_params = [{transform_indices = #map}, {transform_indices = #map1}, {transform_indices = #map1}, {transform_indices = #map2}]} {
    "tpu.region"() ({
      %run_scoped3A = tpu.sem_alloc : memref<!tpu.dma_semaphore, #tpu.memory_space<semaphore_mem>>
      %dma_start3A = arith.constant 0 : i32
      %dma_start3A_34 = arith.constant 0 : i32
      %dma_start3A_35 = tpu.memref_slice %arg3[%arg0, %arg1, %dma_start3A, %dma_start3A_34] : memref<2x16x79x128xi32, #tpu.memory_space<hbm>> -> memref<1x1x79x128xi32, #tpu.memory_space<hbm>>
      %dma_start3A_36 = tpu.memref_squeeze %dma_start3A_35 : memref<1x1x79x128xi32, #tpu.memory_space<hbm>> -> memref<79x128xi32, #tpu.memory_space<hbm>>
      %dma_start3A_37 = arith.constant 0 : i32
      %dma_start3A_38 = arith.constant 0 : i32
      %dma_start3A_39 = tpu.memref_slice %arg3[%arg0, %arg1, %dma_start3A_37, %dma_start3A_38] : memref<2x16x79x128xi32, #tpu.memory_space<hbm>> -> memref<1x1x79x128xi32, #tpu.memory_space<hbm>>
      %dma_start3A_40 = tpu.memref_squeeze %dma_start3A_39 : memref<1x1x79x128xi32, #tpu.memory_space<hbm>> -> memref<79x128xi32, #tpu.memory_space<hbm>>
      tpu.enqueue_dma source(%dma_start3A_40 : memref<79x128xi32, #tpu.memory_space<hbm>>) target(%arg6 : memref<79x128xi32, #tpu.memory_space<vmem>>) target_semaphore(%run_scoped3A : memref<!tpu.dma_semaphore, #tpu.memory_space<semaphore_mem>>)
      %dma_wait3A = arith.constant 0 : i32
      %dma_wait3A_41 = arith.constant 0 : i32
      %dma_wait3A_42 = tpu.memref_slice %arg3[%arg0, %arg1, %dma_wait3A, %dma_wait3A_41] : memref<2x16x79x128xi32, #tpu.memory_space<hbm>> -> memref<1x1x79x128xi32, #tpu.memory_space<hbm>>
      %dma_wait3A_43 = tpu.memref_squeeze %dma_wait3A_42 : memref<1x1x79x128xi32, #tpu.memory_space<hbm>> -> memref<79x128xi32, #tpu.memory_space<hbm>>
      %dma_wait3A_44 = arith.constant 0 : i32
      %dma_wait3A_45 = arith.constant 0 : i32
      %dma_wait3A_46 = tpu.memref_slice %arg3[%arg0, %arg1, %dma_wait3A_44, %dma_wait3A_45] : memref<2x16x79x128xi32, #tpu.memory_space<hbm>> -> memref<1x1x79x128xi32, #tpu.memory_space<hbm>>
      %dma_wait3A_47 = tpu.memref_squeeze %dma_wait3A_46 : memref<1x1x79x128xi32, #tpu.memory_space<hbm>> -> memref<79x128xi32, #tpu.memory_space<hbm>>
      tpu.wait_dma2 semaphore(%run_scoped3A : memref<!tpu.dma_semaphore, #tpu.memory_space<semaphore_mem>>) src(%dma_wait3A_47 : memref<79x128xi32, #tpu.memory_space<hbm>>) dst(%arg6 : memref<79x128xi32, #tpu.memory_space<vmem>>)
      tpu.yield
    }) : () -> ()
    "tpu.region"() ({
      %run_scoped3A = tpu.sem_alloc : memref<!tpu.dma_semaphore, #tpu.memory_space<semaphore_mem>>
      %dma_start3A = arith.constant 0 : i32
      %dma_start3A_34 = arith.constant 0 : i32
      %dma_start3A_35 = tpu.memref_slice %arg4[%arg0, %arg1, %dma_start3A, %dma_start3A_34] : memref<2x16x79x128xi32, #tpu.memory_space<hbm>> -> memref<1x1x79x128xi32, #tpu.memory_space<hbm>>
      %dma_start3A_36 = tpu.memref_squeeze %dma_start3A_35 : memref<1x1x79x128xi32, #tpu.memory_space<hbm>> -> memref<79x128xi32, #tpu.memory_space<hbm>>
      %dma_start3A_37 = arith.constant 0 : i32
      %dma_start3A_38 = arith.constant 0 : i32
      %dma_start3A_39 = tpu.memref_slice %arg4[%arg0, %arg1, %dma_start3A_37, %dma_start3A_38] : memref<2x16x79x128xi32, #tpu.memory_space<hbm>> -> memref<1x1x79x128xi32, #tpu.memory_space<hbm>>
      %dma_start3A_40 = tpu.memref_squeeze %dma_start3A_39 : memref<1x1x79x128xi32, #tpu.memory_space<hbm>> -> memref<79x128xi32, #tpu.memory_space<hbm>>
      tpu.enqueue_dma source(%dma_start3A_40 : memref<79x128xi32, #tpu.memory_space<hbm>>) target(%arg7 : memref<79x128xi32, #tpu.memory_space<vmem>>) target_semaphore(%run_scoped3A : memref<!tpu.dma_semaphore, #tpu.memory_space<semaphore_mem>>)
      %dma_wait3A = arith.constant 0 : i32
      %dma_wait3A_41 = arith.constant 0 : i32
      %dma_wait3A_42 = tpu.memref_slice %arg4[%arg0, %arg1, %dma_wait3A, %dma_wait3A_41] : memref<2x16x79x128xi32, #tpu.memory_space<hbm>> -> memref<1x1x79x128xi32, #tpu.memory_space<hbm>>
      %dma_wait3A_43 = tpu.memref_squeeze %dma_wait3A_42 : memref<1x1x79x128xi32, #tpu.memory_space<hbm>> -> memref<79x128xi32, #tpu.memory_space<hbm>>
      %dma_wait3A_44 = arith.constant 0 : i32
      %dma_wait3A_45 = arith.constant 0 : i32
      %dma_wait3A_46 = tpu.memref_slice %arg4[%arg0, %arg1, %dma_wait3A_44, %dma_wait3A_45] : memref<2x16x79x128xi32, #tpu.memory_space<hbm>> -> memref<1x1x79x128xi32, #tpu.memory_space<hbm>>
      %dma_wait3A_47 = tpu.memref_squeeze %dma_wait3A_46 : memref<1x1x79x128xi32, #tpu.memory_space<hbm>> -> memref<79x128xi32, #tpu.memory_space<hbm>>
      tpu.wait_dma2 semaphore(%run_scoped3A : memref<!tpu.dma_semaphore, #tpu.memory_space<semaphore_mem>>) src(%dma_wait3A_47 : memref<79x128xi32, #tpu.memory_space<hbm>>) dst(%arg7 : memref<79x128xi32, #tpu.memory_space<vmem>>)
      tpu.yield
    }) : () -> ()
    %scan3A = arith.constant 0 : i32
    %scan3A_0 = arith.constant 0 : i32
    %scan3A_1 = arith.constant 128 : i32
    %scan3A_2 = arith.addi %scan3A_0, %scan3A_1 : i32
    %scan3A_3 = arith.constant 1 : i32
    scf.for %scan3A_34 = %scan3A_0 to %scan3A_2 step %scan3A_3  : i32 {
      %broadcast_in_dim3A = arith.constant 0.000000e+00 : f32
      %broadcast_in_dim3A_35 = vector.broadcast %broadcast_in_dim3A : f32 to vector<16xf32>
      %swap3A = arith.index_cast %scan3A_34 : i32 to index
      %swap3A_36 = arith.constant 0 : index
      %swap3A_37 = tpu.vector_load %arg8[%swap3A, %swap3A_36] {strides = array<i32>} : memref<128x128xf32, #tpu.memory_space<vmem>>, vector<1x16xf32>,
      %swap3A_38 = vector.shape_cast %swap3A_37 : vector<1x16xf32> to vector<16xf32>
      %swap3A_39 = vector.shape_cast %broadcast_in_dim3A_35 : vector<16xf32> to vector<1x16xf32>
      tpu.vector_store %arg8[%swap3A, %swap3A_36], %swap3A_39 {strides = array<i32>} : memref<128x128xf32, #tpu.memory_space<vmem>>, vector<1x16xf32>,
      %broadcast_in_dim3A_40 = arith.constant 0.000000e+00 : f32
      %broadcast_in_dim3A_41 = vector.broadcast %broadcast_in_dim3A_40 : f32 to vector<16xf32>
      %swap3A_42 = arith.index_cast %scan3A_34 : i32 to index
      %swap3A_43 = arith.constant 16 : index
      %swap3A_44 = tpu.vector_load %arg8[%swap3A_42, %swap3A_43] {strides = array<i32>} : memref<128x128xf32, #tpu.memory_space<vmem>>, vector<1x16xf32>,
      %swap3A_45 = vector.shape_cast %swap3A_44 : vector<1x16xf32> to vector<16xf32>
      %swap3A_46 = vector.shape_cast %broadcast_in_dim3A_41 : vector<16xf32> to vector<1x16xf32>
      tpu.vector_store %arg8[%swap3A_42, %swap3A_43], %swap3A_46 {strides = array<i32>} : memref<128x128xf32, #tpu.memory_space<vmem>>, vector<1x16xf32>,
      %broadcast_in_dim3A_47 = arith.constant 0.000000e+00 : f32
      %broadcast_in_dim3A_48 = vector.broadcast %broadcast_in_dim3A_47 : f32 to vector<16xf32>
      %swap3A_49 = arith.index_cast %scan3A_34 : i32 to index
      %swap3A_50 = arith.constant 32 : index
      %swap3A_51 = tpu.vector_load %arg8[%swap3A_49, %swap3A_50] {strides = array<i32>} : memref<128x128xf32, #tpu.memory_space<vmem>>, vector<1x16xf32>,
      %swap3A_52 = vector.shape_cast %swap3A_51 : vector<1x16xf32> to vector<16xf32>
      %swap3A_53 = vector.shape_cast %broadcast_in_dim3A_48 : vector<16xf32> to vector<1x16xf32>
      tpu.vector_store %arg8[%swap3A_49, %swap3A_50], %swap3A_53 {strides = array<i32>} : memref<128x128xf32, #tpu.memory_space<vmem>>, vector<1x16xf32>,
      %broadcast_in_dim3A_54 = arith.constant 0.000000e+00 : f32
      %broadcast_in_dim3A_55 = vector.broadcast %broadcast_in_dim3A_54 : f32 to vector<16xf32>
      %swap3A_56 = arith.index_cast %scan3A_34 : i32 to index
      %swap3A_57 = arith.constant 48 : index
      %swap3A_58 = tpu.vector_load %arg8[%swap3A_56, %swap3A_57] {strides = array<i32>} : memref<128x128xf32, #tpu.memory_space<vmem>>, vector<1x16xf32>,
      %swap3A_59 = vector.shape_cast %swap3A_58 : vector<1x16xf32> to vector<16xf32>
      %swap3A_60 = vector.shape_cast %broadcast_in_dim3A_55 : vector<16xf32> to vector<1x16xf32>
      tpu.vector_store %arg8[%swap3A_56, %swap3A_57], %swap3A_60 {strides = array<i32>} : memref<128x128xf32, #tpu.memory_space<vmem>>, vector<1x16xf32>,
      %broadcast_in_dim3A_61 = arith.constant 0.000000e+00 : f32
      %broadcast_in_dim3A_62 = vector.broadcast %broadcast_in_dim3A_61 : f32 to vector<16xf32>
      %swap3A_63 = arith.index_cast %scan3A_34 : i32 to index
      %swap3A_64 = arith.constant 64 : index
      %swap3A_65 = tpu.vector_load %arg8[%swap3A_63, %swap3A_64] {strides = array<i32>} : memref<128x128xf32, #tpu.memory_space<vmem>>, vector<1x16xf32>,
      %swap3A_66 = vector.shape_cast %swap3A_65 : vector<1x16xf32> to vector<16xf32>
      %swap3A_67 = vector.shape_cast %broadcast_in_dim3A_62 : vector<16xf32> to vector<1x16xf32>
      tpu.vector_store %arg8[%swap3A_63, %swap3A_64], %swap3A_67 {strides = array<i32>} : memref<128x128xf32, #tpu.memory_space<vmem>>, vector<1x16xf32>,
      %broadcast_in_dim3A_68 = arith.constant 0.000000e+00 : f32
      %broadcast_in_dim3A_69 = vector.broadcast %broadcast_in_dim3A_68 : f32 to vector<16xf32>
      %swap3A_70 = arith.index_cast %scan3A_34 : i32 to index
      %swap3A_71 = arith.constant 80 : index
      %swap3A_72 = tpu.vector_load %arg8[%swap3A_70, %swap3A_71] {strides = array<i32>} : memref<128x128xf32, #tpu.memory_space<vmem>>, vector<1x16xf32>,
      %swap3A_73 = vector.shape_cast %swap3A_72 : vector<1x16xf32> to vector<16xf32>
      %swap3A_74 = vector.shape_cast %broadcast_in_dim3A_69 : vector<16xf32> to vector<1x16xf32>
      tpu.vector_store %arg8[%swap3A_70, %swap3A_71], %swap3A_74 {strides = array<i32>} : memref<128x128xf32, #tpu.memory_space<vmem>>, vector<1x16xf32>,
      %broadcast_in_dim3A_75 = arith.constant 0.000000e+00 : f32
      %broadcast_in_dim3A_76 = vector.broadcast %broadcast_in_dim3A_75 : f32 to vector<16xf32>
      %swap3A_77 = arith.index_cast %scan3A_34 : i32 to index
      %swap3A_78 = arith.constant 96 : index
      %swap3A_79 = tpu.vector_load %arg8[%swap3A_77, %swap3A_78] {strides = array<i32>} : memref<128x128xf32, #tpu.memory_space<vmem>>, vector<1x16xf32>,
      %swap3A_80 = vector.shape_cast %swap3A_79 : vector<1x16xf32> to vector<16xf32>
      %swap3A_81 = vector.shape_cast %broadcast_in_dim3A_76 : vector<16xf32> to vector<1x16xf32>
      tpu.vector_store %arg8[%swap3A_77, %swap3A_78], %swap3A_81 {strides = array<i32>} : memref<128x128xf32, #tpu.memory_space<vmem>>, vector<1x16xf32>,
      %broadcast_in_dim3A_82 = arith.constant 0.000000e+00 : f32
      %broadcast_in_dim3A_83 = vector.broadcast %broadcast_in_dim3A_82 : f32 to vector<16xf32>
      %swap3A_84 = arith.index_cast %scan3A_34 : i32 to index
      %swap3A_85 = arith.constant 112 : index
      %swap3A_86 = tpu.vector_load %arg8[%swap3A_84, %swap3A_85] {strides = array<i32>} : memref<128x128xf32, #tpu.memory_space<vmem>>, vector<1x16xf32>,
      %swap3A_87 = vector.shape_cast %swap3A_86 : vector<1x16xf32> to vector<16xf32>
      %swap3A_88 = vector.shape_cast %broadcast_in_dim3A_83 : vector<16xf32> to vector<1x16xf32>
      tpu.vector_store %arg8[%swap3A_84, %swap3A_85], %swap3A_88 {strides = array<i32>} : memref<128x128xf32, #tpu.memory_space<vmem>>, vector<1x16xf32>,
    }
    %scan3A_4 = arith.constant 128 : i32
    %mul3A = arith.constant 640 : i32
    %mul3A_5 = arith.muli %arg1, %mul3A : i32
    %add3A = arith.constant 0 : i32
    %add3A_6 = arith.addi %mul3A_5, %add3A : i32
    "tpu.region"() ({
      %run_scoped3A = tpu.sem_alloc : memref<!tpu.dma_semaphore, #tpu.memory_space<semaphore_mem>>
      %dma_start3A = arith.constant 0 : i32
      %dma_start3A_34 = tpu.memref_slice %arg9[%add3A_6, %dma_start3A] : memref<10240x128xf32, #tpu.memory_space<vmem_shared>> -> memref<128x128xf32, #tpu.memory_space<vmem_shared>>
      %dma_start3A_35 = arith.constant 0 : i32
      %dma_start3A_36 = tpu.memref_slice %arg9[%add3A_6, %dma_start3A_35] : memref<10240x128xf32, #tpu.memory_space<vmem_shared>> -> memref<128x128xf32, #tpu.memory_space<vmem_shared>>
      tpu.enqueue_dma source(%arg8 : memref<128x128xf32, #tpu.memory_space<vmem>>) target(%dma_start3A_36 : memref<128x128xf32, #tpu.memory_space<vmem_shared>>) target_semaphore(%run_scoped3A : memref<!tpu.dma_semaphore, #tpu.memory_space<semaphore_mem>>)
      %dma_wait3A = arith.constant 0 : i32
      %dma_wait3A_37 = tpu.memref_slice %arg9[%add3A_6, %dma_wait3A] : memref<10240x128xf32, #tpu.memory_space<vmem_shared>> -> memref<128x128xf32, #tpu.memory_space<vmem_shared>>
      %dma_wait3A_38 = arith.constant 0 : i32
      %dma_wait3A_39 = tpu.memref_slice %arg9[%add3A_6, %dma_wait3A_38] : memref<10240x128xf32, #tpu.memory_space<vmem_shared>> -> memref<128x128xf32, #tpu.memory_space<vmem_shared>>
      tpu.wait_dma2 semaphore(%run_scoped3A : memref<!tpu.dma_semaphore, #tpu.memory_space<semaphore_mem>>) src(%arg8 : memref<128x128xf32, #tpu.memory_space<vmem>>) dst(%dma_wait3A_39 : memref<128x128xf32, #tpu.memory_space<vmem_shared>>)
      tpu.yield
    }) : () -> ()
    %mul3A_7 = arith.constant 640 : i32
    %mul3A_8 = arith.muli %arg1, %mul3A_7 : i32
    %add3A_9 = arith.constant 128 : i32
    %add3A_10 = arith.addi %mul3A_8, %add3A_9 : i32
    "tpu.region"() ({
      %run_scoped3A = tpu.sem_alloc : memref<!tpu.dma_semaphore, #tpu.memory_space<semaphore_mem>>
      %dma_start3A = arith.constant 0 : i32
      %dma_start3A_34 = tpu.memref_slice %arg9[%add3A_10, %dma_start3A] : memref<10240x128xf32, #tpu.memory_space<vmem_shared>> -> memref<128x128xf32, #tpu.memory_space<vmem_shared>>
      %dma_start3A_35 = arith.constant 0 : i32
      %dma_start3A_36 = tpu.memref_slice %arg9[%add3A_10, %dma_start3A_35] : memref<10240x128xf32, #tpu.memory_space<vmem_shared>> -> memref<128x128xf32, #tpu.memory_space<vmem_shared>>
      tpu.enqueue_dma source(%arg8 : memref<128x128xf32, #tpu.memory_space<vmem>>) target(%dma_start3A_36 : memref<128x128xf32, #tpu.memory_space<vmem_shared>>) target_semaphore(%run_scoped3A : memref<!tpu.dma_semaphore, #tpu.memory_space<semaphore_mem>>)
      %dma_wait3A = arith.constant 0 : i32
      %dma_wait3A_37 = tpu.memref_slice %arg9[%add3A_10, %dma_wait3A] : memref<10240x128xf32, #tpu.memory_space<vmem_shared>> -> memref<128x128xf32, #tpu.memory_space<vmem_shared>>
      %dma_wait3A_38 = arith.constant 0 : i32
      %dma_wait3A_39 = tpu.memref_slice %arg9[%add3A_10, %dma_wait3A_38] : memref<10240x128xf32, #tpu.memory_space<vmem_shared>> -> memref<128x128xf32, #tpu.memory_space<vmem_shared>>
      tpu.wait_dma2 semaphore(%run_scoped3A : memref<!tpu.dma_semaphore, #tpu.memory_space<semaphore_mem>>) src(%arg8 : memref<128x128xf32, #tpu.memory_space<vmem>>) dst(%dma_wait3A_39 : memref<128x128xf32, #tpu.memory_space<vmem_shared>>)
      tpu.yield
    }) : () -> ()
    %mul3A_11 = arith.constant 640 : i32
    %mul3A_12 = arith.muli %arg1, %mul3A_11 : i32
    %add3A_13 = arith.constant 256 : i32
    %add3A_14 = arith.addi %mul3A_12, %add3A_13 : i32
    "tpu.region"() ({
      %run_scoped3A = tpu.sem_alloc : memref<!tpu.dma_semaphore, #tpu.memory_space<semaphore_mem>>
      %dma_start3A = arith.constant 0 : i32
      %dma_start3A_34 = tpu.memref_slice %arg9[%add3A_14, %dma_start3A] : memref<10240x128xf32, #tpu.memory_space<vmem_shared>> -> memref<128x128xf32, #tpu.memory_space<vmem_shared>>
      %dma_start3A_35 = arith.constant 0 : i32
      %dma_start3A_36 = tpu.memref_slice %arg9[%add3A_14, %dma_start3A_35] : memref<10240x128xf32, #tpu.memory_space<vmem_shared>> -> memref<128x128xf32, #tpu.memory_space<vmem_shared>>
      tpu.enqueue_dma source(%arg8 : memref<128x128xf32, #tpu.memory_space<vmem>>) target(%dma_start3A_36 : memref<128x128xf32, #tpu.memory_space<vmem_shared>>) target_semaphore(%run_scoped3A : memref<!tpu.dma_semaphore, #tpu.memory_space<semaphore_mem>>)
      %dma_wait3A = arith.constant 0 : i32
      %dma_wait3A_37 = tpu.memref_slice %arg9[%add3A_14, %dma_wait3A] : memref<10240x128xf32, #tpu.memory_space<vmem_shared>> -> memref<128x128xf32, #tpu.memory_space<vmem_shared>>
      %dma_wait3A_38 = arith.constant 0 : i32
      %dma_wait3A_39 = tpu.memref_slice %arg9[%add3A_14, %dma_wait3A_38] : memref<10240x128xf32, #tpu.memory_space<vmem_shared>> -> memref<128x128xf32, #tpu.memory_space<vmem_shared>>
      tpu.wait_dma2 semaphore(%run_scoped3A : memref<!tpu.dma_semaphore, #tpu.memory_space<semaphore_mem>>) src(%arg8 : memref<128x128xf32, #tpu.memory_space<vmem>>) dst(%dma_wait3A_39 : memref<128x128xf32, #tpu.memory_space<vmem_shared>>)
      tpu.yield
    }) : () -> ()
    %mul3A_15 = arith.constant 640 : i32
    %mul3A_16 = arith.muli %arg1, %mul3A_15 : i32
    %add3A_17 = arith.constant 384 : i32
    %add3A_18 = arith.addi %mul3A_16, %add3A_17 : i32
    "tpu.region"() ({
      %run_scoped3A = tpu.sem_alloc : memref<!tpu.dma_semaphore, #tpu.memory_space<semaphore_mem>>
      %dma_start3A = arith.constant 0 : i32
      %dma_start3A_34 = tpu.memref_slice %arg9[%add3A_18, %dma_start3A] : memref<10240x128xf32, #tpu.memory_space<vmem_shared>> -> memref<128x128xf32, #tpu.memory_space<vmem_shared>>
      %dma_start3A_35 = arith.constant 0 : i32
      %dma_start3A_36 = tpu.memref_slice %arg9[%add3A_18, %dma_start3A_35] : memref<10240x128xf32, #tpu.memory_space<vmem_shared>> -> memref<128x128xf32, #tpu.memory_space<vmem_shared>>
      tpu.enqueue_dma source(%arg8 : memref<128x128xf32, #tpu.memory_space<vmem>>) target(%dma_start3A_36 : memref<128x128xf32, #tpu.memory_space<vmem_shared>>) target_semaphore(%run_scoped3A : memref<!tpu.dma_semaphore, #tpu.memory_space<semaphore_mem>>)
      %dma_wait3A = arith.constant 0 : i32
      %dma_wait3A_37 = tpu.memref_slice %arg9[%add3A_18, %dma_wait3A] : memref<10240x128xf32, #tpu.memory_space<vmem_shared>> -> memref<128x128xf32, #tpu.memory_space<vmem_shared>>
      %dma_wait3A_38 = arith.constant 0 : i32
      %dma_wait3A_39 = tpu.memref_slice %arg9[%add3A_18, %dma_wait3A_38] : memref<10240x128xf32, #tpu.memory_space<vmem_shared>> -> memref<128x128xf32, #tpu.memory_space<vmem_shared>>
      tpu.wait_dma2 semaphore(%run_scoped3A : memref<!tpu.dma_semaphore, #tpu.memory_space<semaphore_mem>>) src(%arg8 : memref<128x128xf32, #tpu.memory_space<vmem>>) dst(%dma_wait3A_39 : memref<128x128xf32, #tpu.memory_space<vmem_shared>>)
      tpu.yield
    }) : () -> ()
    %mul3A_19 = arith.constant 640 : i32
    %mul3A_20 = arith.muli %arg1, %mul3A_19 : i32
    %add3A_21 = arith.constant 512 : i32
    %add3A_22 = arith.addi %mul3A_20, %add3A_21 : i32
    "tpu.region"() ({
      %run_scoped3A = tpu.sem_alloc : memref<!tpu.dma_semaphore, #tpu.memory_space<semaphore_mem>>
      %dma_start3A = arith.constant 0 : i32
      %dma_start3A_34 = tpu.memref_slice %arg9[%add3A_22, %dma_start3A] : memref<10240x128xf32, #tpu.memory_space<vmem_shared>> -> memref<128x128xf32, #tpu.memory_space<vmem_shared>>
      %dma_start3A_35 = arith.constant 0 : i32
      %dma_start3A_36 = tpu.memref_slice %arg9[%add3A_22, %dma_start3A_35] : memref<10240x128xf32, #tpu.memory_space<vmem_shared>> -> memref<128x128xf32, #tpu.memory_space<vmem_shared>>
      tpu.enqueue_dma source(%arg8 : memref<128x128xf32, #tpu.memory_space<vmem>>) target(%dma_start3A_36 : memref<128x128xf32, #tpu.memory_space<vmem_shared>>) target_semaphore(%run_scoped3A : memref<!tpu.dma_semaphore, #tpu.memory_space<semaphore_mem>>)
      %dma_wait3A = arith.constant 0 : i32
      %dma_wait3A_37 = tpu.memref_slice %arg9[%add3A_22, %dma_wait3A] : memref<10240x128xf32, #tpu.memory_space<vmem_shared>> -> memref<128x128xf32, #tpu.memory_space<vmem_shared>>
      %dma_wait3A_38 = arith.constant 0 : i32
      %dma_wait3A_39 = tpu.memref_slice %arg9[%add3A_22, %dma_wait3A_38] : memref<10240x128xf32, #tpu.memory_space<vmem_shared>> -> memref<128x128xf32, #tpu.memory_space<vmem_shared>>
      tpu.wait_dma2 semaphore(%run_scoped3A : memref<!tpu.dma_semaphore, #tpu.memory_space<semaphore_mem>>) src(%arg8 : memref<128x128xf32, #tpu.memory_space<vmem>>) dst(%dma_wait3A_39 : memref<128x128xf32, #tpu.memory_space<vmem_shared>>)
      tpu.yield
    }) : () -> ()
    %barrier3A = arith.constant 0 : index
    tpu.barrier barrier_id(%barrier3A)
    %scan3A_23 = arith.constant 0 : i32
    %scan3A_24 = arith.constant 0 : i32
    %scan3A_25 = arith.constant 79 : i32
    %scan3A_26 = arith.addi %scan3A_24, %scan3A_25 : i32
    %scan3A_27 = arith.constant 1 : i32
    scf.for %scan3A_34 = %scan3A_24 to %scan3A_26 step %scan3A_27  : i32 {
      %dma_start3A = arith.constant 0 : i32
      %dma_start3A_35 = tpu.memref_slice %arg6[%scan3A_34, %dma_start3A] : memref<79x128xi32, #tpu.memory_space<vmem>> -> memref<1x128xi32, #tpu.memory_space<vmem>>
      %dma_start3A_36 = tpu.memref_squeeze %dma_start3A_35 : memref<1x128xi32, #tpu.memory_space<vmem>> -> memref<128xi32, #tpu.memory_space<vmem>>
      %dma_start3A_37 = arith.constant 0 : i32
      %dma_start3A_38 = arith.constant 0 : i32
      %dma_start3A_39 = tpu.memref_slice %arg2[%dma_start3A_37, %dma_start3A_38] : memref<10000x128xf32, #tpu.memory_space<hbm>> -> memref<10000x128xf32, #tpu.memory_space<hbm>>
      tpu.enqueue_indirect_dma source(%dma_start3A_39 : memref<10000x128xf32, #tpu.memory_space<hbm>>) target(%arg8 : memref<128x128xf32, #tpu.memory_space<vmem>>) offsets(%dma_start3A_36 : memref<128xi32, #tpu.memory_space<vmem>>) semaphore(%arg10 : memref<!tpu.dma_semaphore, #tpu.memory_space<semaphore_mem>>)
      %dma_wait3A = arith.constant 0 : i32
      %dma_wait3A_40 = tpu.memref_slice %arg6[%scan3A_34, %dma_wait3A] : memref<79x128xi32, #tpu.memory_space<vmem>> -> memref<1x128xi32, #tpu.memory_space<vmem>>
      %dma_wait3A_41 = tpu.memref_squeeze %dma_wait3A_40 : memref<1x128xi32, #tpu.memory_space<vmem>> -> memref<128xi32, #tpu.memory_space<vmem>>
      %dma_wait3A_42 = arith.constant 0 : i32
      %dma_wait3A_43 = arith.constant 0 : i32
      %dma_wait3A_44 = tpu.memref_slice %arg2[%dma_wait3A_42, %dma_wait3A_43] : memref<10000x128xf32, #tpu.memory_space<hbm>> -> memref<10000x128xf32, #tpu.memory_space<hbm>>
      tpu.wait_indirect_dma semaphore(%arg10 : memref<!tpu.dma_semaphore, #tpu.memory_space<semaphore_mem>>) src(%dma_wait3A_44 : memref<10000x128xf32, #tpu.memory_space<hbm>>) dst(%arg8 : memref<128x128xf32, #tpu.memory_space<vmem>>)
      "tpu.region"() ({
        %run_scoped3A = tpu.sem_alloc : memref<!tpu.dma_semaphore, #tpu.memory_space<semaphore_mem>>
        %dma_start3A_45 = arith.constant 0 : i32
        %dma_start3A_46 = tpu.memref_slice %arg7[%scan3A_34, %dma_start3A_45] : memref<79x128xi32, #tpu.memory_space<vmem>> -> memref<1x128xi32, #tpu.memory_space<vmem>>
        %dma_start3A_47 = tpu.memref_squeeze %dma_start3A_46 : memref<1x128xi32, #tpu.memory_space<vmem>> -> memref<128xi32, #tpu.memory_space<vmem>>
        %dma_start3A_48 = arith.constant 0 : i32
        %dma_start3A_49 = arith.constant 0 : i32
        %dma_start3A_50 = tpu.memref_slice %arg9[%dma_start3A_48, %dma_start3A_49] : memref<10240x128xf32, #tpu.memory_space<vmem_shared>> -> memref<10240x128xf32, #tpu.memory_space<vmem_shared>>
        tpu.enqueue_indirect_dma source(%arg8 : memref<128x128xf32, #tpu.memory_space<vmem>>) target(%dma_start3A_50 : memref<10240x128xf32, #tpu.memory_space<vmem_shared>>) offsets(%dma_start3A_47 : memref<128xi32, #tpu.memory_space<vmem>>) semaphore(%run_scoped3A : memref<!tpu.dma_semaphore, #tpu.memory_space<semaphore_mem>>) {add = true}
        %dma_wait3A_51 = arith.constant 0 : i32
        %dma_wait3A_52 = tpu.memref_slice %arg7[%scan3A_34, %dma_wait3A_51] : memref<79x128xi32, #tpu.memory_space<vmem>> -> memref<1x128xi32, #tpu.memory_space<vmem>>
        %dma_wait3A_53 = tpu.memref_squeeze %dma_wait3A_52 : memref<1x128xi32, #tpu.memory_space<vmem>> -> memref<128xi32, #tpu.memory_space<vmem>>
        %dma_wait3A_54 = arith.constant 0 : i32
        %dma_wait3A_55 = arith.constant 0 : i32
        %dma_wait3A_56 = tpu.memref_slice %arg9[%dma_wait3A_54, %dma_wait3A_55] : memref<10240x128xf32, #tpu.memory_space<vmem_shared>> -> memref<10240x128xf32, #tpu.memory_space<vmem_shared>>
        tpu.wait_indirect_dma semaphore(%run_scoped3A : memref<!tpu.dma_semaphore, #tpu.memory_space<semaphore_mem>>) src(%arg8 : memref<128x128xf32, #tpu.memory_space<vmem>>) dst(%dma_wait3A_56 : memref<10240x128xf32, #tpu.memory_space<vmem_shared>>)
        tpu.yield
      }) : () -> ()
    }
    %scan3A_28 = arith.constant 79 : i32
    %barrier3A_29 = arith.constant 0 : index
    tpu.barrier barrier_id(%barrier3A_29)
    %mul3A_30 = arith.constant 640 : i32
    %mul3A_31 = arith.muli %arg1, %mul3A_30 : i32
    %mul3A_32 = arith.constant 640 : i32
    %mul3A_33 = arith.muli %arg1, %mul3A_32 : i32
    "tpu.region"() ({
      %run_scoped3A = tpu.sem_alloc : memref<!tpu.dma_semaphore, #tpu.memory_space<semaphore_mem>>
      %dma_start3A = arith.constant 0 : i32
      %dma_start3A_34 = tpu.memref_slice %arg5[%arg0, %mul3A_33, %dma_start3A] : memref<2x10240x128xf32, #tpu.memory_space<hbm>> -> memref<1x640x128xf32, #tpu.memory_space<hbm>>
      %dma_start3A_35 = tpu.memref_squeeze %dma_start3A_34 : memref<1x640x128xf32, #tpu.memory_space<hbm>> -> memref<640x128xf32, #tpu.memory_space<hbm>>
      %dma_start3A_36 = arith.constant 0 : i32
      %dma_start3A_37 = tpu.memref_slice %arg9[%mul3A_31, %dma_start3A_36] : memref<10240x128xf32, #tpu.memory_space<vmem_shared>> -> memref<640x128xf32, #tpu.memory_space<vmem_shared>>
      tpu.enqueue_dma source(%dma_start3A_37 : memref<640x128xf32, #tpu.memory_space<vmem_shared>>) target(%dma_start3A_35 : memref<640x128xf32, #tpu.memory_space<hbm>>) target_semaphore(%run_scoped3A : memref<!tpu.dma_semaphore, #tpu.memory_space<semaphore_mem>>)
      %dma_wait3A = arith.constant 0 : i32
      %dma_wait3A_38 = tpu.memref_slice %arg5[%arg0, %mul3A_33, %dma_wait3A] : memref<2x10240x128xf32, #tpu.memory_space<hbm>> -> memref<1x640x128xf32, #tpu.memory_space<hbm>>
      %dma_wait3A_39 = tpu.memref_squeeze %dma_wait3A_38 : memref<1x640x128xf32, #tpu.memory_space<hbm>> -> memref<640x128xf32, #tpu.memory_space<hbm>>
      %dma_wait3A_40 = arith.constant 0 : i32
      %dma_wait3A_41 = tpu.memref_slice %arg9[%mul3A_31, %dma_wait3A_40] : memref<10240x128xf32, #tpu.memory_space<vmem_shared>> -> memref<640x128xf32, #tpu.memory_space<vmem_shared>>
      tpu.wait_dma2 semaphore(%run_scoped3A : memref<!tpu.dma_semaphore, #tpu.memory_space<semaphore_mem>>) src(%dma_wait3A_41 : memref<640x128xf32, #tpu.memory_space<vmem_shared>>) dst(%dma_wait3A_39 : memref<640x128xf32, #tpu.memory_space<hbm>>)
      tpu.yield
    }) : () -> ()
    return
  }
}

#map = affine_map<(d0, d1) -> (0, 0)>
#map1 = affine_map<(d0, d1) -> (0, 0, 0, 0)>
#map2 = affine_map<(d0, d1) -> (0, 0, 0)>
module attributes {stable_mosaic.version = 14 : i64} {
  func.func @k(%arg0: i32, %arg1: i32, %arg2: memref<10000x128xf32, #tpu.memory_space<hbm>>, %arg3: memref<2x16x79x128xi32, #tpu.memory_space<hbm>>, %arg4: memref<2x16x79x128xi32, #tpu.memory_space<hbm>>, %arg5: memref<2x10240x128xf32, #tpu.memory_space<hbm>>, %arg6: memref<79x128xi32, #tpu.memory_space<vmem>>, %arg7: memref<79x128xi32, #tpu.memory_space<vmem>>, %arg8: memref<128x128xf32, #tpu.memory_space<vmem>>, %arg9: memref<10240x128xf32, #tpu.memory_space<vmem_shared>>, %arg10: memref<!tpu.dma_semaphore, #tpu.memory_space<semaphore_mem>>) attributes {dimension_semantics = [#tpu.dimension_semantics<core_parallel>, #tpu.dimension_semantics<subcore_parallel>], iteration_bounds = array<i64: 2, 16>, scalar_prefetch = 0 : i64, scratch_operands = 5 : i64, tpu.core_type = #tpu.core_type<sc_vector_subcore>, window_params = [{transform_indices = #map}, {transform_indices = #map1}, {transform_indices = #map1}, {transform_indices = #map2}]} {
    "tpu.region"() ({
      %run_scoped3A = tpu.sem_alloc : memref<!tpu.dma_semaphore, #tpu.memory_space<semaphore_mem>>
      %dma_start3A = arith.constant 0 : i32
      %dma_start3A_34 = arith.constant 0 : i32
      %dma_start3A_35 = tpu.memref_slice %arg3[%arg0, %arg1, %dma_start3A, %dma_start3A_34] : memref<2x16x79x128xi32, #tpu.memory_space<hbm>> -> memref<1x1x79x128xi32, #tpu.memory_space<hbm>>
      %dma_start3A_36 = tpu.memref_squeeze %dma_start3A_35 : memref<1x1x79x128xi32, #tpu.memory_space<hbm>> -> memref<79x128xi32, #tpu.memory_space<hbm>>
      %dma_start3A_37 = arith.constant 0 : i32
      %dma_start3A_38 = arith.constant 0 : i32
      %dma_start3A_39 = tpu.memref_slice %arg3[%arg0, %arg1, %dma_start3A_37, %dma_start3A_38] : memref<2x16x79x128xi32, #tpu.memory_space<hbm>> -> memref<1x1x79x128xi32, #tpu.memory_space<hbm>>
      %dma_start3A_40 = tpu.memref_squeeze %dma_start3A_39 : memref<1x1x79x128xi32, #tpu.memory_space<hbm>> -> memref<79x128xi32, #tpu.memory_space<hbm>>
      tpu.enqueue_dma source(%dma_start3A_40 : memref<79x128xi32, #tpu.memory_space<hbm>>) target(%arg6 : memref<79x128xi32, #tpu.memory_space<vmem>>) target_semaphore(%run_scoped3A : memref<!tpu.dma_semaphore, #tpu.memory_space<semaphore_mem>>)
      %dma_wait3A = arith.constant 0 : i32
      %dma_wait3A_41 = arith.constant 0 : i32
      %dma_wait3A_42 = tpu.memref_slice %arg3[%arg0, %arg1, %dma_wait3A, %dma_wait3A_41] : memref<2x16x79x128xi32, #tpu.memory_space<hbm>> -> memref<1x1x79x128xi32, #tpu.memory_space<hbm>>
      %dma_wait3A_43 = tpu.memref_squeeze %dma_wait3A_42 : memref<1x1x79x128xi32, #tpu.memory_space<hbm>> -> memref<79x128xi32, #tpu.memory_space<hbm>>
      %dma_wait3A_44 = arith.constant 0 : i32
      %dma_wait3A_45 = arith.constant 0 : i32
      %dma_wait3A_46 = tpu.memref_slice %arg3[%arg0, %arg1, %dma_wait3A_44, %dma_wait3A_45] : memref<2x16x79x128xi32, #tpu.memory_space<hbm>> -> memref<1x1x79x128xi32, #tpu.memory_space<hbm>>
      %dma_wait3A_47 = tpu.memref_squeeze %dma_wait3A_46 : memref<1x1x79x128xi32, #tpu.memory_space<hbm>> -> memref<79x128xi32, #tpu.memory_space<hbm>>
      tpu.wait_dma2 semaphore(%run_scoped3A : memref<!tpu.dma_semaphore, #tpu.memory_space<semaphore_mem>>) src(%dma_wait3A_47 : memref<79x128xi32, #tpu.memory_space<hbm>>) dst(%arg6 : memref<79x128xi32, #tpu.memory_space<vmem>>)
      tpu.yield
    }) : () -> ()
    "tpu.region"() ({
      %run_scoped3A = tpu.sem_alloc : memref<!tpu.dma_semaphore, #tpu.memory_space<semaphore_mem>>
      %dma_start3A = arith.constant 0 : i32
      %dma_start3A_34 = arith.constant 0 : i32
      %dma_start3A_35 = tpu.memref_slice %arg4[%arg0, %arg1, %dma_start3A, %dma_start3A_34] : memref<2x16x79x128xi32, #tpu.memory_space<hbm>> -> memref<1x1x79x128xi32, #tpu.memory_space<hbm>>
      %dma_start3A_36 = tpu.memref_squeeze %dma_start3A_35 : memref<1x1x79x128xi32, #tpu.memory_space<hbm>> -> memref<79x128xi32, #tpu.memory_space<hbm>>
      %dma_start3A_37 = arith.constant 0 : i32
      %dma_start3A_38 = arith.constant 0 : i32
      %dma_start3A_39 = tpu.memref_slice %arg4[%arg0, %arg1, %dma_start3A_37, %dma_start3A_38] : memref<2x16x79x128xi32, #tpu.memory_space<hbm>> -> memref<1x1x79x128xi32, #tpu.memory_space<hbm>>
      %dma_start3A_40 = tpu.memref_squeeze %dma_start3A_39 : memref<1x1x79x128xi32, #tpu.memory_space<hbm>> -> memref<79x128xi32, #tpu.memory_space<hbm>>
      tpu.enqueue_dma source(%dma_start3A_40 : memref<79x128xi32, #tpu.memory_space<hbm>>) target(%arg7 : memref<79x128xi32, #tpu.memory_space<vmem>>) target_semaphore(%run_scoped3A : memref<!tpu.dma_semaphore, #tpu.memory_space<semaphore_mem>>)
      %dma_wait3A = arith.constant 0 : i32
      %dma_wait3A_41 = arith.constant 0 : i32
      %dma_wait3A_42 = tpu.memref_slice %arg4[%arg0, %arg1, %dma_wait3A, %dma_wait3A_41] : memref<2x16x79x128xi32, #tpu.memory_space<hbm>> -> memref<1x1x79x128xi32, #tpu.memory_space<hbm>>
      %dma_wait3A_43 = tpu.memref_squeeze %dma_wait3A_42 : memref<1x1x79x128xi32, #tpu.memory_space<hbm>> -> memref<79x128xi32, #tpu.memory_space<hbm>>
      %dma_wait3A_44 = arith.constant 0 : i32
      %dma_wait3A_45 = arith.constant 0 : i32
      %dma_wait3A_46 = tpu.memref_slice %arg4[%arg0, %arg1, %dma_wait3A_44, %dma_wait3A_45] : memref<2x16x79x128xi32, #tpu.memory_space<hbm>> -> memref<1x1x79x128xi32, #tpu.memory_space<hbm>>
      %dma_wait3A_47 = tpu.memref_squeeze %dma_wait3A_46 : memref<1x1x79x128xi32, #tpu.memory_space<hbm>> -> memref<79x128xi32, #tpu.memory_space<hbm>>
      tpu.wait_dma2 semaphore(%run_scoped3A : memref<!tpu.dma_semaphore, #tpu.memory_space<semaphore_mem>>) src(%dma_wait3A_47 : memref<79x128xi32, #tpu.memory_space<hbm>>) dst(%arg7 : memref<79x128xi32, #tpu.memory_space<vmem>>)
      tpu.yield
    }) : () -> ()
    %scan3A = arith.constant 0 : i32
    %scan3A_0 = arith.constant 0 : i32
    %scan3A_1 = arith.constant 128 : i32
    %scan3A_2 = arith.addi %scan3A_0, %scan3A_1 : i32
    %scan3A_3 = arith.constant 1 : i32
    scf.for %scan3A_34 = %scan3A_0 to %scan3A_2 step %scan3A_3  : i32 {
      %broadcast_in_dim3A = arith.constant 0.000000e+00 : f32
      %broadcast_in_dim3A_35 = vector.broadcast %broadcast_in_dim3A : f32 to vector<16xf32>
      %swap3A = arith.index_cast %scan3A_34 : i32 to index
      %swap3A_36 = arith.constant 0 : index
      %swap3A_37 = tpu.vector_load %arg8[%swap3A, %swap3A_36] {strides = array<i32>} : memref<128x128xf32, #tpu.memory_space<vmem>>, vector<1x16xf32>,
      %swap3A_38 = vector.shape_cast %swap3A_37 : vector<1x16xf32> to vector<16xf32>
      %swap3A_39 = vector.shape_cast %broadcast_in_dim3A_35 : vector<16xf32> to vector<1x16xf32>
      tpu.vector_store %arg8[%swap3A, %swap3A_36], %swap3A_39 {strides = array<i32>} : memref<128x128xf32, #tpu.memory_space<vmem>>, vector<1x16xf32>,
      %broadcast_in_dim3A_40 = arith.constant 0.000000e+00 : f32
      %broadcast_in_dim3A_41 = vector.broadcast %broadcast_in_dim3A_40 : f32 to vector<16xf32>
      %swap3A_42 = arith.index_cast %scan3A_34 : i32 to index
      %swap3A_43 = arith.constant 16 : index
      %swap3A_44 = tpu.vector_load %arg8[%swap3A_42, %swap3A_43] {strides = array<i32>} : memref<128x128xf32, #tpu.memory_space<vmem>>, vector<1x16xf32>,
      %swap3A_45 = vector.shape_cast %swap3A_44 : vector<1x16xf32> to vector<16xf32>
      %swap3A_46 = vector.shape_cast %broadcast_in_dim3A_41 : vector<16xf32> to vector<1x16xf32>
      tpu.vector_store %arg8[%swap3A_42, %swap3A_43], %swap3A_46 {strides = array<i32>} : memref<128x128xf32, #tpu.memory_space<vmem>>, vector<1x16xf32>,
      %broadcast_in_dim3A_47 = arith.constant 0.000000e+00 : f32
      %broadcast_in_dim3A_48 = vector.broadcast %broadcast_in_dim3A_47 : f32 to vector<16xf32>
      %swap3A_49 = arith.index_cast %scan3A_34 : i32 to index
      %swap3A_50 = arith.constant 32 : index
      %swap3A_51 = tpu.vector_load %arg8[%swap3A_49, %swap3A_50] {strides = array<i32>} : memref<128x128xf32, #tpu.memory_space<vmem>>, vector<1x16xf32>,
      %swap3A_52 = vector.shape_cast %swap3A_51 : vector<1x16xf32> to vector<16xf32>
      %swap3A_53 = vector.shape_cast %broadcast_in_dim3A_48 : vector<16xf32> to vector<1x16xf32>
      tpu.vector_store %arg8[%swap3A_49, %swap3A_50], %swap3A_53 {strides = array<i32>} : memref<128x128xf32, #tpu.memory_space<vmem>>, vector<1x16xf32>,
      %broadcast_in_dim3A_54 = arith.constant 0.000000e+00 : f32
      %broadcast_in_dim3A_55 = vector.broadcast %broadcast_in_dim3A_54 : f32 to vector<16xf32>
      %swap3A_56 = arith.index_cast %scan3A_34 : i32 to index
      %swap3A_57 = arith.constant 48 : index
      %swap3A_58 = tpu.vector_load %arg8[%swap3A_56, %swap3A_57] {strides = array<i32>} : memref<128x128xf32, #tpu.memory_space<vmem>>, vector<1x16xf32>,
      %swap3A_59 = vector.shape_cast %swap3A_58 : vector<1x16xf32> to vector<16xf32>
      %swap3A_60 = vector.shape_cast %broadcast_in_dim3A_55 : vector<16xf32> to vector<1x16xf32>
      tpu.vector_store %arg8[%swap3A_56, %swap3A_57], %swap3A_60 {strides = array<i32>} : memref<128x128xf32, #tpu.memory_space<vmem>>, vector<1x16xf32>,
      %broadcast_in_dim3A_61 = arith.constant 0.000000e+00 : f32
      %broadcast_in_dim3A_62 = vector.broadcast %broadcast_in_dim3A_61 : f32 to vector<16xf32>
      %swap3A_63 = arith.index_cast %scan3A_34 : i32 to index
      %swap3A_64 = arith.constant 64 : index
      %swap3A_65 = tpu.vector_load %arg8[%swap3A_63, %swap3A_64] {strides = array<i32>} : memref<128x128xf32, #tpu.memory_space<vmem>>, vector<1x16xf32>,
      %swap3A_66 = vector.shape_cast %swap3A_65 : vector<1x16xf32> to vector<16xf32>
      %swap3A_67 = vector.shape_cast %broadcast_in_dim3A_62 : vector<16xf32> to vector<1x16xf32>
      tpu.vector_store %arg8[%swap3A_63, %swap3A_64], %swap3A_67 {strides = array<i32>} : memref<128x128xf32, #tpu.memory_space<vmem>>, vector<1x16xf32>,
      %broadcast_in_dim3A_68 = arith.constant 0.000000e+00 : f32
      %broadcast_in_dim3A_69 = vector.broadcast %broadcast_in_dim3A_68 : f32 to vector<16xf32>
      %swap3A_70 = arith.index_cast %scan3A_34 : i32 to index
      %swap3A_71 = arith.constant 80 : index
      %swap3A_72 = tpu.vector_load %arg8[%swap3A_70, %swap3A_71] {strides = array<i32>} : memref<128x128xf32, #tpu.memory_space<vmem>>, vector<1x16xf32>,
      %swap3A_73 = vector.shape_cast %swap3A_72 : vector<1x16xf32> to vector<16xf32>
      %swap3A_74 = vector.shape_cast %broadcast_in_dim3A_69 : vector<16xf32> to vector<1x16xf32>
      tpu.vector_store %arg8[%swap3A_70, %swap3A_71], %swap3A_74 {strides = array<i32>} : memref<128x128xf32, #tpu.memory_space<vmem>>, vector<1x16xf32>,
      %broadcast_in_dim3A_75 = arith.constant 0.000000e+00 : f32
      %broadcast_in_dim3A_76 = vector.broadcast %broadcast_in_dim3A_75 : f32 to vector<16xf32>
      %swap3A_77 = arith.index_cast %scan3A_34 : i32 to index
      %swap3A_78 = arith.constant 96 : index
      %swap3A_79 = tpu.vector_load %arg8[%swap3A_77, %swap3A_78] {strides = array<i32>} : memref<128x128xf32, #tpu.memory_space<vmem>>, vector<1x16xf32>,
      %swap3A_80 = vector.shape_cast %swap3A_79 : vector<1x16xf32> to vector<16xf32>
      %swap3A_81 = vector.shape_cast %broadcast_in_dim3A_76 : vector<16xf32> to vector<1x16xf32>
      tpu.vector_store %arg8[%swap3A_77, %swap3A_78], %swap3A_81 {strides = array<i32>} : memref<128x128xf32, #tpu.memory_space<vmem>>, vector<1x16xf32>,
      %broadcast_in_dim3A_82 = arith.constant 0.000000e+00 : f32
      %broadcast_in_dim3A_83 = vector.broadcast %broadcast_in_dim3A_82 : f32 to vector<16xf32>
      %swap3A_84 = arith.index_cast %scan3A_34 : i32 to index
      %swap3A_85 = arith.constant 112 : index
      %swap3A_86 = tpu.vector_load %arg8[%swap3A_84, %swap3A_85] {strides = array<i32>} : memref<128x128xf32, #tpu.memory_space<vmem>>, vector<1x16xf32>,
      %swap3A_87 = vector.shape_cast %swap3A_86 : vector<1x16xf32> to vector<16xf32>
      %swap3A_88 = vector.shape_cast %broadcast_in_dim3A_83 : vector<16xf32> to vector<1x16xf32>
      tpu.vector_store %arg8[%swap3A_84, %swap3A_85], %swap3A_88 {strides = array<i32>} : memref<128x128xf32, #tpu.memory_space<vmem>>, vector<1x16xf32>,
    }
    %scan3A_4 = arith.constant 128 : i32
    %mul3A = arith.constant 640 : i32
    %mul3A_5 = arith.muli %arg1, %mul3A : i32
    %add3A = arith.constant 0 : i32
    %add3A_6 = arith.addi %mul3A_5, %add3A : i32
    "tpu.region"() ({
      %run_scoped3A = tpu.sem_alloc : memref<!tpu.dma_semaphore, #tpu.memory_space<semaphore_mem>>
      %dma_start3A = arith.constant 0 : i32
      %dma_start3A_34 = tpu.memref_slice %arg9[%add3A_6, %dma_start3A] : memref<10240x128xf32, #tpu.memory_space<vmem_shared>> -> memref<128x128xf32, #tpu.memory_space<vmem_shared>>
      %dma_start3A_35 = arith.constant 0 : i32
      %dma_start3A_36 = tpu.memref_slice %arg9[%add3A_6, %dma_start3A_35] : memref<10240x128xf32, #tpu.memory_space<vmem_shared>> -> memref<128x128xf32, #tpu.memory_space<vmem_shared>>
      tpu.enqueue_dma source(%arg8 : memref<128x128xf32, #tpu.memory_space<vmem>>) target(%dma_start3A_36 : memref<128x128xf32, #tpu.memory_space<vmem_shared>>) target_semaphore(%run_scoped3A : memref<!tpu.dma_semaphore, #tpu.memory_space<semaphore_mem>>)
      %dma_wait3A = arith.constant 0 : i32
      %dma_wait3A_37 = tpu.memref_slice %arg9[%add3A_6, %dma_wait3A] : memref<10240x128xf32, #tpu.memory_space<vmem_shared>> -> memref<128x128xf32, #tpu.memory_space<vmem_shared>>
      %dma_wait3A_38 = arith.constant 0 : i32
      %dma_wait3A_39 = tpu.memref_slice %arg9[%add3A_6, %dma_wait3A_38] : memref<10240x128xf32, #tpu.memory_space<vmem_shared>> -> memref<128x128xf32, #tpu.memory_space<vmem_shared>>
      tpu.wait_dma2 semaphore(%run_scoped3A : memref<!tpu.dma_semaphore, #tpu.memory_space<semaphore_mem>>) src(%arg8 : memref<128x128xf32, #tpu.memory_space<vmem>>) dst(%dma_wait3A_39 : memref<128x128xf32, #tpu.memory_space<vmem_shared>>)
      tpu.yield
    }) : () -> ()
    %mul3A_7 = arith.constant 640 : i32
    %mul3A_8 = arith.muli %arg1, %mul3A_7 : i32
    %add3A_9 = arith.constant 128 : i32
    %add3A_10 = arith.addi %mul3A_8, %add3A_9 : i32
    "tpu.region"() ({
      %run_scoped3A = tpu.sem_alloc : memref<!tpu.dma_semaphore, #tpu.memory_space<semaphore_mem>>
      %dma_start3A = arith.constant 0 : i32
      %dma_start3A_34 = tpu.memref_slice %arg9[%add3A_10, %dma_start3A] : memref<10240x128xf32, #tpu.memory_space<vmem_shared>> -> memref<128x128xf32, #tpu.memory_space<vmem_shared>>
      %dma_start3A_35 = arith.constant 0 : i32
      %dma_start3A_36 = tpu.memref_slice %arg9[%add3A_10, %dma_start3A_35] : memref<10240x128xf32, #tpu.memory_space<vmem_shared>> -> memref<128x128xf32, #tpu.memory_space<vmem_shared>>
      tpu.enqueue_dma source(%arg8 : memref<128x128xf32, #tpu.memory_space<vmem>>) target(%dma_start3A_36 : memref<128x128xf32, #tpu.memory_space<vmem_shared>>) target_semaphore(%run_scoped3A : memref<!tpu.dma_semaphore, #tpu.memory_space<semaphore_mem>>)
      %dma_wait3A = arith.constant 0 : i32
      %dma_wait3A_37 = tpu.memref_slice %arg9[%add3A_10, %dma_wait3A] : memref<10240x128xf32, #tpu.memory_space<vmem_shared>> -> memref<128x128xf32, #tpu.memory_space<vmem_shared>>
      %dma_wait3A_38 = arith.constant 0 : i32
      %dma_wait3A_39 = tpu.memref_slice %arg9[%add3A_10, %dma_wait3A_38] : memref<10240x128xf32, #tpu.memory_space<vmem_shared>> -> memref<128x128xf32, #tpu.memory_space<vmem_shared>>
      tpu.wait_dma2 semaphore(%run_scoped3A : memref<!tpu.dma_semaphore, #tpu.memory_space<semaphore_mem>>) src(%arg8 : memref<128x128xf32, #tpu.memory_space<vmem>>) dst(%dma_wait3A_39 : memref<128x128xf32, #tpu.memory_space<vmem_shared>>)
      tpu.yield
    }) : () -> ()
    %mul3A_11 = arith.constant 640 : i32
    %mul3A_12 = arith.muli %arg1, %mul3A_11 : i32
    %add3A_13 = arith.constant 256 : i32
    %add3A_14 = arith.addi %mul3A_12, %add3A_13 : i32
    "tpu.region"() ({
      %run_scoped3A = tpu.sem_alloc : memref<!tpu.dma_semaphore, #tpu.memory_space<semaphore_mem>>
      %dma_start3A = arith.constant 0 : i32
      %dma_start3A_34 = tpu.memref_slice %arg9[%add3A_14, %dma_start3A] : memref<10240x128xf32, #tpu.memory_space<vmem_shared>> -> memref<128x128xf32, #tpu.memory_space<vmem_shared>>
      %dma_start3A_35 = arith.constant 0 : i32
      %dma_start3A_36 = tpu.memref_slice %arg9[%add3A_14, %dma_start3A_35] : memref<10240x128xf32, #tpu.memory_space<vmem_shared>> -> memref<128x128xf32, #tpu.memory_space<vmem_shared>>
      tpu.enqueue_dma source(%arg8 : memref<128x128xf32, #tpu.memory_space<vmem>>) target(%dma_start3A_36 : memref<128x128xf32, #tpu.memory_space<vmem_shared>>) target_semaphore(%run_scoped3A : memref<!tpu.dma_semaphore, #tpu.memory_space<semaphore_mem>>)
      %dma_wait3A = arith.constant 0 : i32
      %dma_wait3A_37 = tpu.memref_slice %arg9[%add3A_14, %dma_wait3A] : memref<10240x128xf32, #tpu.memory_space<vmem_shared>> -> memref<128x128xf32, #tpu.memory_space<vmem_shared>>
      %dma_wait3A_38 = arith.constant 0 : i32
      %dma_wait3A_39 = tpu.memref_slice %arg9[%add3A_14, %dma_wait3A_38] : memref<10240x128xf32, #tpu.memory_space<vmem_shared>> -> memref<128x128xf32, #tpu.memory_space<vmem_shared>>
      tpu.wait_dma2 semaphore(%run_scoped3A : memref<!tpu.dma_semaphore, #tpu.memory_space<semaphore_mem>>) src(%arg8 : memref<128x128xf32, #tpu.memory_space<vmem>>) dst(%dma_wait3A_39 : memref<128x128xf32, #tpu.memory_space<vmem_shared>>)
      tpu.yield
    }) : () -> ()
    %mul3A_15 = arith.constant 640 : i32
    %mul3A_16 = arith.muli %arg1, %mul3A_15 : i32
    %add3A_17 = arith.constant 384 : i32
    %add3A_18 = arith.addi %mul3A_16, %add3A_17 : i32
    "tpu.region"() ({
      %run_scoped3A = tpu.sem_alloc : memref<!tpu.dma_semaphore, #tpu.memory_space<semaphore_mem>>
      %dma_start3A = arith.constant 0 : i32
      %dma_start3A_34 = tpu.memref_slice %arg9[%add3A_18, %dma_start3A] : memref<10240x128xf32, #tpu.memory_space<vmem_shared>> -> memref<128x128xf32, #tpu.memory_space<vmem_shared>>
      %dma_start3A_35 = arith.constant 0 : i32
      %dma_start3A_36 = tpu.memref_slice %arg9[%add3A_18, %dma_start3A_35] : memref<10240x128xf32, #tpu.memory_space<vmem_shared>> -> memref<128x128xf32, #tpu.memory_space<vmem_shared>>
      tpu.enqueue_dma source(%arg8 : memref<128x128xf32, #tpu.memory_space<vmem>>) target(%dma_start3A_36 : memref<128x128xf32, #tpu.memory_space<vmem_shared>>) target_semaphore(%run_scoped3A : memref<!tpu.dma_semaphore, #tpu.memory_space<semaphore_mem>>)
      %dma_wait3A = arith.constant 0 : i32
      %dma_wait3A_37 = tpu.memref_slice %arg9[%add3A_18, %dma_wait3A] : memref<10240x128xf32, #tpu.memory_space<vmem_shared>> -> memref<128x128xf32, #tpu.memory_space<vmem_shared>>
      %dma_wait3A_38 = arith.constant 0 : i32
      %dma_wait3A_39 = tpu.memref_slice %arg9[%add3A_18, %dma_wait3A_38] : memref<10240x128xf32, #tpu.memory_space<vmem_shared>> -> memref<128x128xf32, #tpu.memory_space<vmem_shared>>
      tpu.wait_dma2 semaphore(%run_scoped3A : memref<!tpu.dma_semaphore, #tpu.memory_space<semaphore_mem>>) src(%arg8 : memref<128x128xf32, #tpu.memory_space<vmem>>) dst(%dma_wait3A_39 : memref<128x128xf32, #tpu.memory_space<vmem_shared>>)
      tpu.yield
    }) : () -> ()
    %mul3A_19 = arith.constant 640 : i32
    %mul3A_20 = arith.muli %arg1, %mul3A_19 : i32
    %add3A_21 = arith.constant 512 : i32
    %add3A_22 = arith.addi %mul3A_20, %add3A_21 : i32
    "tpu.region"() ({
      %run_scoped3A = tpu.sem_alloc : memref<!tpu.dma_semaphore, #tpu.memory_space<semaphore_mem>>
      %dma_start3A = arith.constant 0 : i32
      %dma_start3A_34 = tpu.memref_slice %arg9[%add3A_22, %dma_start3A] : memref<10240x128xf32, #tpu.memory_space<vmem_shared>> -> memref<128x128xf32, #tpu.memory_space<vmem_shared>>
      %dma_start3A_35 = arith.constant 0 : i32
      %dma_start3A_36 = tpu.memref_slice %arg9[%add3A_22, %dma_start3A_35] : memref<10240x128xf32, #tpu.memory_space<vmem_shared>> -> memref<128x128xf32, #tpu.memory_space<vmem_shared>>
      tpu.enqueue_dma source(%arg8 : memref<128x128xf32, #tpu.memory_space<vmem>>) target(%dma_start3A_36 : memref<128x128xf32, #tpu.memory_space<vmem_shared>>) target_semaphore(%run_scoped3A : memref<!tpu.dma_semaphore, #tpu.memory_space<semaphore_mem>>)
      %dma_wait3A = arith.constant 0 : i32
      %dma_wait3A_37 = tpu.memref_slice %arg9[%add3A_22, %dma_wait3A] : memref<10240x128xf32, #tpu.memory_space<vmem_shared>> -> memref<128x128xf32, #tpu.memory_space<vmem_shared>>
      %dma_wait3A_38 = arith.constant 0 : i32
      %dma_wait3A_39 = tpu.memref_slice %arg9[%add3A_22, %dma_wait3A_38] : memref<10240x128xf32, #tpu.memory_space<vmem_shared>> -> memref<128x128xf32, #tpu.memory_space<vmem_shared>>
      tpu.wait_dma2 semaphore(%run_scoped3A : memref<!tpu.dma_semaphore, #tpu.memory_space<semaphore_mem>>) src(%arg8 : memref<128x128xf32, #tpu.memory_space<vmem>>) dst(%dma_wait3A_39 : memref<128x128xf32, #tpu.memory_space<vmem_shared>>)
      tpu.yield
    }) : () -> ()
    %barrier3A = arith.constant 0 : index
    tpu.barrier barrier_id(%barrier3A)
    %scan3A_23 = arith.constant 0 : i32
    %scan3A_24 = arith.constant 0 : i32
    %scan3A_25 = arith.constant 79 : i32
    %scan3A_26 = arith.addi %scan3A_24, %scan3A_25 : i32
    %scan3A_27 = arith.constant 1 : i32
    scf.for %scan3A_34 = %scan3A_24 to %scan3A_26 step %scan3A_27  : i32 {
      %dma_start3A = arith.constant 0 : i32
      %dma_start3A_35 = tpu.memref_slice %arg6[%scan3A_34, %dma_start3A] : memref<79x128xi32, #tpu.memory_space<vmem>> -> memref<1x128xi32, #tpu.memory_space<vmem>>
      %dma_start3A_36 = tpu.memref_squeeze %dma_start3A_35 : memref<1x128xi32, #tpu.memory_space<vmem>> -> memref<128xi32, #tpu.memory_space<vmem>>
      %dma_start3A_37 = arith.constant 0 : i32
      %dma_start3A_38 = arith.constant 0 : i32
      %dma_start3A_39 = tpu.memref_slice %arg2[%dma_start3A_37, %dma_start3A_38] : memref<10000x128xf32, #tpu.memory_space<hbm>> -> memref<10000x128xf32, #tpu.memory_space<hbm>>
      tpu.enqueue_indirect_dma source(%dma_start3A_39 : memref<10000x128xf32, #tpu.memory_space<hbm>>) target(%arg8 : memref<128x128xf32, #tpu.memory_space<vmem>>) offsets(%dma_start3A_36 : memref<128xi32, #tpu.memory_space<vmem>>) semaphore(%arg10 : memref<!tpu.dma_semaphore, #tpu.memory_space<semaphore_mem>>)
      %dma_wait3A = arith.constant 0 : i32
      %dma_wait3A_40 = tpu.memref_slice %arg6[%scan3A_34, %dma_wait3A] : memref<79x128xi32, #tpu.memory_space<vmem>> -> memref<1x128xi32, #tpu.memory_space<vmem>>
      %dma_wait3A_41 = tpu.memref_squeeze %dma_wait3A_40 : memref<1x128xi32, #tpu.memory_space<vmem>> -> memref<128xi32, #tpu.memory_space<vmem>>
      %dma_wait3A_42 = arith.constant 0 : i32
      %dma_wait3A_43 = arith.constant 0 : i32
      %dma_wait3A_44 = tpu.memref_slice %arg2[%dma_wait3A_42, %dma_wait3A_43] : memref<10000x128xf32, #tpu.memory_space<hbm>> -> memref<10000x128xf32, #tpu.memory_space<hbm>>
      tpu.wait_indirect_dma semaphore(%arg10 : memref<!tpu.dma_semaphore, #tpu.memory_space<semaphore_mem>>) src(%dma_wait3A_44 : memref<10000x128xf32, #tpu.memory_space<hbm>>) dst(%arg8 : memref<128x128xf32, #tpu.memory_space<vmem>>)
      "tpu.region"() ({
        %run_scoped3A = tpu.sem_alloc : memref<!tpu.dma_semaphore, #tpu.memory_space<semaphore_mem>>
        %dma_start3A_45 = arith.constant 0 : i32
        %dma_start3A_46 = tpu.memref_slice %arg7[%scan3A_34, %dma_start3A_45] : memref<79x128xi32, #tpu.memory_space<vmem>> -> memref<1x128xi32, #tpu.memory_space<vmem>>
        %dma_start3A_47 = tpu.memref_squeeze %dma_start3A_46 : memref<1x128xi32, #tpu.memory_space<vmem>> -> memref<128xi32, #tpu.memory_space<vmem>>
        %dma_start3A_48 = arith.constant 0 : i32
        %dma_start3A_49 = arith.constant 0 : i32
        %dma_start3A_50 = tpu.memref_slice %arg9[%dma_start3A_48, %dma_start3A_49] : memref<10240x128xf32, #tpu.memory_space<vmem_shared>> -> memref<10240x128xf32, #tpu.memory_space<vmem_shared>>
        tpu.enqueue_indirect_dma source(%arg8 : memref<128x128xf32, #tpu.memory_space<vmem>>) target(%dma_start3A_50 : memref<10240x128xf32, #tpu.memory_space<vmem_shared>>) offsets(%dma_start3A_47 : memref<128xi32, #tpu.memory_space<vmem>>) semaphore(%run_scoped3A : memref<!tpu.dma_semaphore, #tpu.memory_space<semaphore_mem>>) {add = true}
        %dma_wait3A_51 = arith.constant 0 : i32
        %dma_wait3A_52 = tpu.memref_slice %arg7[%scan3A_34, %dma_wait3A_51] : memref<79x128xi32, #tpu.memory_space<vmem>> -> memref<1x128xi32, #tpu.memory_space<vmem>>
        %dma_wait3A_53 = tpu.memref_squeeze %dma_wait3A_52 : memref<1x128xi32, #tpu.memory_space<vmem>> -> memref<128xi32, #tpu.memory_space<vmem>>
        %dma_wait3A_54 = arith.constant 0 : i32
        %dma_wait3A_55 = arith.constant 0 : i32
        %dma_wait3A_56 = tpu.memref_slice %arg9[%dma_wait3A_54, %dma_wait3A_55] : memref<10240x128xf32, #tpu.memory_space<vmem_shared>> -> memref<10240x128xf32, #tpu.memory_space<vmem_shared>>
        tpu.wait_indirect_dma semaphore(%run_scoped3A : memref<!tpu.dma_semaphore, #tpu.memory_space<semaphore_mem>>) src(%arg8 : memref<128x128xf32, #tpu.memory_space<vmem>>) dst(%dma_wait3A_56 : memref<10240x128xf32, #tpu.memory_space<vmem_shared>>)
        tpu.yield
      }) : () -> ()
    }
    %scan3A_28 = arith.constant 79 : i32
    %barrier3A_29 = arith.constant 0 : index
    tpu.barrier barrier_id(%barrier3A_29)
    %mul3A_30 = arith.constant 640 : i32
    %mul3A_31 = arith.muli %arg1, %mul3A_30 : i32
    %mul3A_32 = arith.constant 640 : i32
    %mul3A_33 = arith.muli %arg1, %mul3A_32 : i32
    "tpu.region"() ({
      %run_scoped3A = tpu.sem_alloc : memref<!tpu.dma_semaphore, #tpu.memory_space<semaphore_mem>>
      %dma_start3A = arith.constant 0 : i32
      %dma_start3A_34 = tpu.memref_slice %arg5[%arg0, %mul3A_33, %dma_start3A] : memref<2x10240x128xf32, #tpu.memory_space<hbm>> -> memref<1x640x128xf32, #tpu.memory_space<hbm>>
      %dma_start3A_35 = tpu.memref_squeeze %dma_start3A_34 : memref<1x640x128xf32, #tpu.memory_space<hbm>> -> memref<640x128xf32, #tpu.memory_space<hbm>>
      %dma_start3A_36 = arith.constant 0 : i32
      %dma_start3A_37 = tpu.memref_slice %arg9[%mul3A_31, %dma_start3A_36] : memref<10240x128xf32, #tpu.memory_space<vmem_shared>> -> memref<640x128xf32, #tpu.memory_space<vmem_shared>>
      tpu.enqueue_dma source(%dma_start3A_37 : memref<640x128xf32, #tpu.memory_space<vmem_shared>>) target(%dma_start3A_35 : memref<640x128xf32, #tpu.memory_space<hbm>>) target_semaphore(%run_scoped3A : memref<!tpu.dma_semaphore, #tpu.memory_space<semaphore_mem>>)
      %dma_wait3A = arith.constant 0 : i32
      %dma_wait3A_38 = tpu.memref_slice %arg5[%arg0, %mul3A_33, %dma_wait3A] : memref<2x10240x128xf32, #tpu.memory_space<hbm>> -> memref<1x640x128xf32, #tpu.memory_space<hbm>>
      %dma_wait3A_39 = tpu.memref_squeeze %dma_wait3A_38 : memref<1x640x128xf32, #tpu.memory_space<hbm>> -> memref<640x128xf32, #tpu.memory_space<hbm>>
      %dma_wait3A_40 = arith.constant 0 : i32
      %dma_wait3A_41 = tpu.memref_slice %arg9[%mul3A_31, %dma_wait3A_40] : memref<10240x128xf32, #tpu.memory_space<vmem_shared>> -> memref<640x128xf32, #tpu.memory_space<vmem_shared>>
      tpu.wait_dma2 semaphore(%run_scoped3A : memref<!tpu.dma_semaphore, #tpu.memory_space<semaphore_mem>>) src(%dma_wait3A_41 : memref<640x128xf32, #tpu.memory_space<vmem_shared>>) dst(%dma_wait3A_39 : memref<640x128xf32, #tpu.memory_space<hbm>>)
      tpu.yield
    }) : () -> ()
    return
  }
}

module attributes {stable_mosaic.version = 14 : i64} {
  func.func @body(%arg0: i32, %arg1: memref<1000x2xf32, #tpu.memory_space<vmem>>, %arg2: memref<1000x128xf32, #tpu.memory_space<vmem>>, %arg3: memref<1000x1xf32, #tpu.memory_space<vmem>>, %arg4: memref<1000x128xf32, #tpu.memory_space<vmem>>) attributes {dimension_semantics = [#tpu.dimension_semantics<arbitrary>], iteration_bounds = array<i64: 10>, scalar_prefetch = 0 : i64, scratch_operands = 0 : i64, tpu.core_type = #tpu.core_type<tc>, window_params = [{transform_indices = @transform_0, window_bounds = array<i64: 1000, 2>}, {transform_indices = @transform_1, window_bounds = array<i64: 1000, 128>}, {transform_indices = @transform_2, window_bounds = array<i64: 1000, 1>}, {transform_indices = @transform_3, window_bounds = array<i64: 1000, 128>}]} {
    %get3A = arith.constant 0 : index
    %get3A_0 = arith.constant 0 : index
    %get3A_1 = vector.load %arg1[%get3A, %get3A_0] : memref<1000x2xf32, #tpu.memory_space<vmem>>, vector<1000x1xf32>
    %get3A_2 = arith.constant 0 : index
    %get3A_3 = arith.constant 1 : index
    %get3A_4 = vector.load %arg1[%get3A_2, %get3A_3] : memref<1000x2xf32, #tpu.memory_space<vmem>>, vector<1000x1xf32>
    %add3A = arith.addf %get3A_1, %get3A_4 : vector<1000x1xf32>
    %add3A_5 = arith.constant 1.000000e+00 : f32
    %add3A_6 = vector.broadcast %add3A_5 : f32 to vector<1000x1xf32>
    %add3A_7 = arith.addf %add3A, %add3A_6 : vector<1000x1xf32>
    %rsqrt3A = math.rsqrt %add3A_7 : vector<1000x1xf32>
    %swap3A = arith.constant 0 : index
    %swap3A_8 = arith.constant 0 : index
    %swap3A_9 = vector.load %arg3[%swap3A, %swap3A_8] : memref<1000x1xf32, #tpu.memory_space<vmem>>, vector<1000x1xf32>
    tpu.vector_store %arg3[%swap3A, %swap3A_8], %rsqrt3A {strides = array<i32>} : memref<1000x1xf32, #tpu.memory_space<vmem>>, vector<1000x1xf32>,
    %get3A_10 = arith.constant 0 : index
    %get3A_11 = arith.constant 0 : index
    %get3A_12 = vector.load %arg2[%get3A_10, %get3A_11] : memref<1000x128xf32, #tpu.memory_space<vmem>>, vector<1000x128xf32>
    %mul3A = vector.broadcast %rsqrt3A : vector<1000x1xf32> to vector<1000x128xf32>
    %mul3A_13 = arith.mulf %get3A_12, %mul3A : vector<1000x128xf32>
    %swap3A_14 = arith.constant 0 : index
    %swap3A_15 = arith.constant 0 : index
    %swap3A_16 = vector.load %arg4[%swap3A_14, %swap3A_15] : memref<1000x128xf32, #tpu.memory_space<vmem>>, vector<1000x128xf32>
    tpu.vector_store %arg4[%swap3A_14, %swap3A_15], %mul3A_13 {strides = array<i32>} : memref<1000x128xf32, #tpu.memory_space<vmem>>, vector<1000x128xf32>,
    return
  }
  func.func @transform_0(%arg0: i32) -> (i32, i32) {
    %c0_i32 = arith.constant 0 : i32
    %c0_i32_0 = arith.constant 0 : i32
    return %arg0, %c0_i32 : i32, i32
  }
  func.func @transform_1(%arg0: i32) -> (i32, i32) {
    %c0_i32 = arith.constant 0 : i32
    %c0_i32_0 = arith.constant 0 : i32
    return %arg0, %c0_i32 : i32, i32
  }
  func.func @transform_2(%arg0: i32) -> (i32, i32) {
    %c0_i32 = arith.constant 0 : i32
    %c0_i32_0 = arith.constant 0 : i32
    return %arg0, %c0_i32 : i32, i32
  }
  func.func @transform_3(%arg0: i32) -> (i32, i32) {
    %c0_i32 = arith.constant 0 : i32
    %c0_i32_0 = arith.constant 0 : i32
    return %arg0, %c0_i32 : i32, i32
  }
}

module attributes {stable_mosaic.version = 14 : i64} {
  func.func @body(%arg0: i32, %arg1: memref<2x1000x128xf32, #tpu.memory_space<vmem>>, %arg2: memref<1000x128xf32, #tpu.memory_space<vmem>>, %arg3: memref<1000x1xf32, #tpu.memory_space<vmem>>, %arg4: memref<3x128x128xf32, #tpu.memory_space<vmem>>, %arg5: memref<3x128xf32, #tpu.memory_space<vmem>>, %arg6: memref<3x128x128xf32, #tpu.memory_space<vmem>>, %arg7: memref<9x128xf32, #tpu.memory_space<vmem>>, %arg8: memref<9x128xf32, #tpu.memory_space<vmem>>, %arg9: memref<3x1000x128xf32, #tpu.memory_space<vmem>>) attributes {dimension_semantics = [#tpu.dimension_semantics<arbitrary>], iteration_bounds = array<i64: 10>, scalar_prefetch = 0 : i64, scratch_operands = 0 : i64, tpu.core_type = #tpu.core_type<tc>, window_params = [{transform_indices = @transform_0, window_bounds = array<i64: 2, 1000, 128>}, {transform_indices = @transform_1, window_bounds = array<i64: 1000, 128>}, {transform_indices = @transform_2, window_bounds = array<i64: 1000, 1>}, {pipeline_mode = #tpu.pipeline_mode<synchronous>, transform_indices = @transform_3, window_bounds = array<i64: 3, 128, 128>}, {pipeline_mode = #tpu.pipeline_mode<synchronous>, transform_indices = @transform_4, window_bounds = array<i64: 3, 128>}, {pipeline_mode = #tpu.pipeline_mode<synchronous>, transform_indices = @transform_5, window_bounds = array<i64: 3, 128, 128>}, {pipeline_mode = #tpu.pipeline_mode<synchronous>, transform_indices = @transform_6, window_bounds = array<i64: 9, 128>}, {pipeline_mode = #tpu.pipeline_mode<synchronous>, transform_indices = @transform_7, window_bounds = array<i64: 9, 128>}, {transform_indices = @transform_8, window_bounds = array<i64: 3, 1000, 128>}]} {
    %get3A = arith.constant 0 : index
    %get3A_0 = arith.constant 0 : index
    %get3A_1 = vector.load %arg3[%get3A, %get3A_0] : memref<1000x1xf32, #tpu.memory_space<vmem>>, vector<1000x1xf32>
    %get3A_2 = arith.constant 0 : index
    %get3A_3 = arith.constant 0 : index
    %get3A_4 = arith.constant 0 : index
    %get3A_5 = vector.load %arg1[%get3A_2, %get3A_3, %get3A_4] : memref<2x1000x128xf32, #tpu.memory_space<vmem>>, vector<1x1000x128xf32>
    %get3A_6 = vector.shape_cast %get3A_5 : vector<1x1000x128xf32> to vector<1000x128xf32>
    %get3A_7 = arith.constant 1 : index
    %get3A_8 = arith.constant 0 : index
    %get3A_9 = arith.constant 0 : index
    %get3A_10 = vector.load %arg1[%get3A_7, %get3A_8, %get3A_9] : memref<2x1000x128xf32, #tpu.memory_space<vmem>>, vector<1x1000x128xf32>
    %get3A_11 = vector.shape_cast %get3A_10 : vector<1x1000x128xf32> to vector<1000x128xf32>
    %add3A = arith.addf %get3A_6, %get3A_11 : vector<1000x128xf32>
    %get3A_12 = arith.constant 0 : index
    %get3A_13 = arith.constant 0 : index
    %get3A_14 = vector.load %arg2[%get3A_12, %get3A_13] : memref<1000x128xf32, #tpu.memory_space<vmem>>, vector<1000x128xf32>
    %add3A_15 = arith.addf %add3A, %get3A_14 : vector<1000x128xf32>
    %mul3A = vector.broadcast %get3A_1 : vector<1000x1xf32> to vector<1000x128xf32>
    %mul3A_16 = arith.mulf %mul3A, %add3A_15 : vector<1000x128xf32>
    %get3A_17 = arith.constant 0 : index
    %get3A_18 = arith.constant 0 : index
    %get3A_19 = arith.constant 0 : index
    %get3A_20 = vector.load %arg4[%get3A_17, %get3A_18, %get3A_19] : memref<3x128x128xf32, #tpu.memory_space<vmem>>, vector<1x128x128xf32>
    %get3A_21 = vector.shape_cast %get3A_20 : vector<1x128x128xf32> to vector<128x128xf32>
    %dot_general3A = arith.constant dense<0.000000e+00> : vector<1000x128xf32>
    %dot_general3A_22 = tpu.matmul %mul3A_16, %get3A_21, %dot_general3A {dimension_numbers = #tpu.dot_dimension_numbers<[1], [0], [0], [1], [0, 0, 1, 1], [], []>, transpose_lhs_hint = false} : vector<1000x128xf32>, vector<128x128xf32>, vector<1000x128xf32> -> vector<1000x128xf32>
    %get3A_23 = arith.constant 0 : index
    %get3A_24 = arith.constant 0 : index
    %get3A_25 = vector.load %arg5[%get3A_23, %get3A_24] : memref<3x128xf32, #tpu.memory_space<vmem>>, vector<1x128xf32>
    %add3A_26 = vector.broadcast %get3A_25 : vector<1x128xf32> to vector<1000x128xf32>
    %add3A_27 = arith.addf %dot_general3A_22, %add3A_26 : vector<1000x128xf32>
    %max3A = arith.constant 0.000000e+00 : f32
    %max3A_28 = vector.broadcast %max3A : f32 to vector<1000x128xf32>
    %max3A_29 = arith.maximumf %add3A_27, %max3A_28 : vector<1000x128xf32>
    %get3A_30 = arith.constant 0 : index
    %get3A_31 = arith.constant 0 : index
    %get3A_32 = vector.load %arg7[%get3A_30, %get3A_31] : memref<9x128xf32, #tpu.memory_space<vmem>>, vector<1x128xf32>
    %get3A_33 = arith.constant 0 : index
    %get3A_34 = arith.constant 0 : index
    %get3A_35 = vector.load %arg8[%get3A_33, %get3A_34] : memref<9x128xf32, #tpu.memory_space<vmem>>, vector<1x128xf32>
    %reduce_sum3A = arith.constant dense<0.000000e+00> : vector<1000xf32>
    %reduce_sum3A_36 = vector.multi_reduction <add>, %max3A_29, %reduce_sum3A [1] : vector<1000x128xf32> to vector<1000xf32>
    %broadcast_in_dim3A = vector.shape_cast %reduce_sum3A_36 : vector<1000xf32> to vector<1000x1xf32>
    %div3A = arith.constant 1.280000e+02 : f32
    %div3A_37 = vector.broadcast %div3A : f32 to vector<1000x1xf32>
    %div3A_38 = arith.divf %broadcast_in_dim3A, %div3A_37 : vector<1000x1xf32>
    %sub3A = vector.broadcast %div3A_38 : vector<1000x1xf32> to vector<1000x128xf32>
    %sub3A_39 = arith.subf %max3A_29, %sub3A : vector<1000x128xf32>
    %square3A = arith.mulf %sub3A_39, %sub3A_39 : vector<1000x128xf32>
    %reduce_sum3A_40 = arith.constant dense<0.000000e+00> : vector<1000xf32>
    %reduce_sum3A_41 = vector.multi_reduction <add>, %square3A, %reduce_sum3A_40 [1] : vector<1000x128xf32> to vector<1000xf32>
    %broadcast_in_dim3A_42 = vector.shape_cast %reduce_sum3A_41 : vector<1000xf32> to vector<1000x1xf32>
    %div3A_43 = arith.constant 1.280000e+02 : f32
    %div3A_44 = vector.broadcast %div3A_43 : f32 to vector<1000x1xf32>
    %div3A_45 = arith.divf %broadcast_in_dim3A_42, %div3A_44 : vector<1000x1xf32>
    %sub3A_46 = vector.broadcast %div3A_38 : vector<1000x1xf32> to vector<1000x128xf32>
    %sub3A_47 = arith.subf %max3A_29, %sub3A_46 : vector<1000x128xf32>
    %mul3A_48 = vector.broadcast %get3A_32 : vector<1x128xf32> to vector<1000x128xf32>
    %mul3A_49 = arith.mulf %mul3A_48, %sub3A_47 : vector<1000x128xf32>
    %add3A_50 = arith.constant 9.99999974E-6 : f32
    %add3A_51 = vector.broadcast %add3A_50 : f32 to vector<1000x1xf32>
    %add3A_52 = arith.addf %div3A_45, %add3A_51 : vector<1000x1xf32>
    %rsqrt3A = math.rsqrt %add3A_52 : vector<1000x1xf32>
    %mul3A_53 = vector.broadcast %rsqrt3A : vector<1000x1xf32> to vector<1000x128xf32>
    %mul3A_54 = arith.mulf %mul3A_49, %mul3A_53 : vector<1000x128xf32>
    %add3A_55 = vector.broadcast %get3A_35 : vector<1x128xf32> to vector<1000x128xf32>
    %add3A_56 = arith.addf %mul3A_54, %add3A_55 : vector<1000x128xf32>
    %get3A_57 = arith.constant 0 : index
    %get3A_58 = arith.constant 0 : index
    %get3A_59 = arith.constant 0 : index
    %get3A_60 = vector.load %arg6[%get3A_57, %get3A_58, %get3A_59] : memref<3x128x128xf32, #tpu.memory_space<vmem>>, vector<1x128x128xf32>
    %get3A_61 = vector.shape_cast %get3A_60 : vector<1x128x128xf32> to vector<128x128xf32>
    %dot_general3A_62 = arith.constant dense<0.000000e+00> : vector<1000x128xf32>
    %dot_general3A_63 = tpu.matmul %add3A_56, %get3A_61, %dot_general3A_62 {dimension_numbers = #tpu.dot_dimension_numbers<[1], [0], [0], [1], [0, 0, 1, 1], [], []>, transpose_lhs_hint = false} : vector<1000x128xf32>, vector<128x128xf32>, vector<1000x128xf32> -> vector<1000x128xf32>
    %mul3A_64 = vector.broadcast %get3A_1 : vector<1000x1xf32> to vector<1000x128xf32>
    %mul3A_65 = arith.mulf %dot_general3A_63, %mul3A_64 : vector<1000x128xf32>
    %swap3A = arith.constant 0 : index
    %swap3A_66 = arith.constant 0 : index
    %swap3A_67 = arith.constant 0 : index
    %swap3A_68 = vector.load %arg9[%swap3A, %swap3A_66, %swap3A_67] : memref<3x1000x128xf32, #tpu.memory_space<vmem>>, vector<1x1000x128xf32>
    %swap3A_69 = vector.shape_cast %swap3A_68 : vector<1x1000x128xf32> to vector<1000x128xf32>
    %swap3A_70 = vector.shape_cast %mul3A_65 : vector<1000x128xf32> to vector<1x1000x128xf32>
    tpu.vector_store %arg9[%swap3A, %swap3A_66, %swap3A_67], %swap3A_70 {strides = array<i32>} : memref<3x1000x128xf32, #tpu.memory_space<vmem>>, vector<1x1000x128xf32>,
    %get3A_71 = arith.constant 1 : index
    %get3A_72 = arith.constant 0 : index
    %get3A_73 = arith.constant 0 : index
    %get3A_74 = vector.load %arg4[%get3A_71, %get3A_72, %get3A_73] : memref<3x128x128xf32, #tpu.memory_space<vmem>>, vector<1x128x128xf32>
    %get3A_75 = vector.shape_cast %get3A_74 : vector<1x128x128xf32> to vector<128x128xf32>
    %dot_general3A_76 = arith.constant dense<0.000000e+00> : vector<1000x128xf32>
    %dot_general3A_77 = tpu.matmul %mul3A_16, %get3A_75, %dot_general3A_76 {dimension_numbers = #tpu.dot_dimension_numbers<[1], [0], [0], [1], [0, 0, 1, 1], [], []>, transpose_lhs_hint = false} : vector<1000x128xf32>, vector<128x128xf32>, vector<1000x128xf32> -> vector<1000x128xf32>
    %get3A_78 = arith.constant 1 : index
    %get3A_79 = arith.constant 0 : index
    %get3A_80 = vector.load %arg5[%get3A_78, %get3A_79] : memref<3x128xf32, #tpu.memory_space<vmem>>, vector<1x128xf32>
    %add3A_81 = vector.broadcast %get3A_80 : vector<1x128xf32> to vector<1000x128xf32>
    %add3A_82 = arith.addf %dot_general3A_77, %add3A_81 : vector<1000x128xf32>
    %max3A_83 = arith.constant 0.000000e+00 : f32
    %max3A_84 = vector.broadcast %max3A_83 : f32 to vector<1000x128xf32>
    %max3A_85 = arith.maximumf %add3A_82, %max3A_84 : vector<1000x128xf32>
    %get3A_86 = arith.constant 3 : index
    %get3A_87 = arith.constant 0 : index
    %get3A_88 = vector.load %arg7[%get3A_86, %get3A_87] : memref<9x128xf32, #tpu.memory_space<vmem>>, vector<1x128xf32>
    %get3A_89 = arith.constant 3 : index
    %get3A_90 = arith.constant 0 : index
    %get3A_91 = vector.load %arg8[%get3A_89, %get3A_90] : memref<9x128xf32, #tpu.memory_space<vmem>>, vector<1x128xf32>
    %reduce_sum3A_92 = arith.constant dense<0.000000e+00> : vector<1000xf32>
    %reduce_sum3A_93 = vector.multi_reduction <add>, %max3A_85, %reduce_sum3A_92 [1] : vector<1000x128xf32> to vector<1000xf32>
    %broadcast_in_dim3A_94 = vector.shape_cast %reduce_sum3A_93 : vector<1000xf32> to vector<1000x1xf32>
    %div3A_95 = arith.constant 1.280000e+02 : f32
    %div3A_96 = vector.broadcast %div3A_95 : f32 to vector<1000x1xf32>
    %div3A_97 = arith.divf %broadcast_in_dim3A_94, %div3A_96 : vector<1000x1xf32>
    %sub3A_98 = vector.broadcast %div3A_97 : vector<1000x1xf32> to vector<1000x128xf32>
    %sub3A_99 = arith.subf %max3A_85, %sub3A_98 : vector<1000x128xf32>
    %square3A_100 = arith.mulf %sub3A_99, %sub3A_99 : vector<1000x128xf32>
    %reduce_sum3A_101 = arith.constant dense<0.000000e+00> : vector<1000xf32>
    %reduce_sum3A_102 = vector.multi_reduction <add>, %square3A_100, %reduce_sum3A_101 [1] : vector<1000x128xf32> to vector<1000xf32>
    %broadcast_in_dim3A_103 = vector.shape_cast %reduce_sum3A_102 : vector<1000xf32> to vector<1000x1xf32>
    %div3A_104 = arith.constant 1.280000e+02 : f32
    %div3A_105 = vector.broadcast %div3A_104 : f32 to vector<1000x1xf32>
    %div3A_106 = arith.divf %broadcast_in_dim3A_103, %div3A_105 : vector<1000x1xf32>
    %sub3A_107 = vector.broadcast %div3A_97 : vector<1000x1xf32> to vector<1000x128xf32>
    %sub3A_108 = arith.subf %max3A_85, %sub3A_107 : vector<1000x128xf32>
    %mul3A_109 = vector.broadcast %get3A_88 : vector<1x128xf32> to vector<1000x128xf32>
    %mul3A_110 = arith.mulf %mul3A_109, %sub3A_108 : vector<1000x128xf32>
    %add3A_111 = arith.constant 9.99999974E-6 : f32
    %add3A_112 = vector.broadcast %add3A_111 : f32 to vector<1000x1xf32>
    %add3A_113 = arith.addf %div3A_106, %add3A_112 : vector<1000x1xf32>
    %rsqrt3A_114 = math.rsqrt %add3A_113 : vector<1000x1xf32>
    %mul3A_115 = vector.broadcast %rsqrt3A_114 : vector<1000x1xf32> to vector<1000x128xf32>
    %mul3A_116 = arith.mulf %mul3A_110, %mul3A_115 : vector<1000x128xf32>
    %add3A_117 = vector.broadcast %get3A_91 : vector<1x128xf32> to vector<1000x128xf32>
    %add3A_118 = arith.addf %mul3A_116, %add3A_117 : vector<1000x128xf32>
    %get3A_119 = arith.constant 1 : index
    %get3A_120 = arith.constant 0 : index
    %get3A_121 = arith.constant 0 : index
    %get3A_122 = vector.load %arg6[%get3A_119, %get3A_120, %get3A_121] : memref<3x128x128xf32, #tpu.memory_space<vmem>>, vector<1x128x128xf32>
    %get3A_123 = vector.shape_cast %get3A_122 : vector<1x128x128xf32> to vector<128x128xf32>
    %dot_general3A_124 = arith.constant dense<0.000000e+00> : vector<1000x128xf32>
    %dot_general3A_125 = tpu.matmul %add3A_118, %get3A_123, %dot_general3A_124 {dimension_numbers = #tpu.dot_dimension_numbers<[1], [0], [0], [1], [0, 0, 1, 1], [], []>, transpose_lhs_hint = false} : vector<1000x128xf32>, vector<128x128xf32>, vector<1000x128xf32> -> vector<1000x128xf32>
    %mul3A_126 = vector.broadcast %get3A_1 : vector<1000x1xf32> to vector<1000x128xf32>
    %mul3A_127 = arith.mulf %dot_general3A_125, %mul3A_126 : vector<1000x128xf32>
    %swap3A_128 = arith.constant 1 : index
    %swap3A_129 = arith.constant 0 : index
    %swap3A_130 = arith.constant 0 : index
    %swap3A_131 = vector.load %arg9[%swap3A_128, %swap3A_129, %swap3A_130] : memref<3x1000x128xf32, #tpu.memory_space<vmem>>, vector<1x1000x128xf32>
    %swap3A_132 = vector.shape_cast %swap3A_131 : vector<1x1000x128xf32> to vector<1000x128xf32>
    %swap3A_133 = vector.shape_cast %mul3A_127 : vector<1000x128xf32> to vector<1x1000x128xf32>
    tpu.vector_store %arg9[%swap3A_128, %swap3A_129, %swap3A_130], %swap3A_133 {strides = array<i32>} : memref<3x1000x128xf32, #tpu.memory_space<vmem>>, vector<1x1000x128xf32>,
    %get3A_134 = arith.constant 2 : index
    %get3A_135 = arith.constant 0 : index
    %get3A_136 = arith.constant 0 : index
    %get3A_137 = vector.load %arg4[%get3A_134, %get3A_135, %get3A_136] : memref<3x128x128xf32, #tpu.memory_space<vmem>>, vector<1x128x128xf32>
    %get3A_138 = vector.shape_cast %get3A_137 : vector<1x128x128xf32> to vector<128x128xf32>
    %dot_general3A_139 = arith.constant dense<0.000000e+00> : vector<1000x128xf32>
    %dot_general3A_140 = tpu.matmul %mul3A_16, %get3A_138, %dot_general3A_139 {dimension_numbers = #tpu.dot_dimension_numbers<[1], [0], [0], [1], [0, 0, 1, 1], [], []>, transpose_lhs_hint = false} : vector<1000x128xf32>, vector<128x128xf32>, vector<1000x128xf32> -> vector<1000x128xf32>
    %get3A_141 = arith.constant 2 : index
    %get3A_142 = arith.constant 0 : index
    %get3A_143 = vector.load %arg5[%get3A_141, %get3A_142] : memref<3x128xf32, #tpu.memory_space<vmem>>, vector<1x128xf32>
    %add3A_144 = vector.broadcast %get3A_143 : vector<1x128xf32> to vector<1000x128xf32>
    %add3A_145 = arith.addf %dot_general3A_140, %add3A_144 : vector<1000x128xf32>
    %max3A_146 = arith.constant 0.000000e+00 : f32
    %max3A_147 = vector.broadcast %max3A_146 : f32 to vector<1000x128xf32>
    %max3A_148 = arith.maximumf %add3A_145, %max3A_147 : vector<1000x128xf32>
    %get3A_149 = arith.constant 6 : index
    %get3A_150 = arith.constant 0 : index
    %get3A_151 = vector.load %arg7[%get3A_149, %get3A_150] : memref<9x128xf32, #tpu.memory_space<vmem>>, vector<1x128xf32>
    %get3A_152 = arith.constant 6 : index
    %get3A_153 = arith.constant 0 : index
    %get3A_154 = vector.load %arg8[%get3A_152, %get3A_153] : memref<9x128xf32, #tpu.memory_space<vmem>>, vector<1x128xf32>
    %reduce_sum3A_155 = arith.constant dense<0.000000e+00> : vector<1000xf32>
    %reduce_sum3A_156 = vector.multi_reduction <add>, %max3A_148, %reduce_sum3A_155 [1] : vector<1000x128xf32> to vector<1000xf32>
    %broadcast_in_dim3A_157 = vector.shape_cast %reduce_sum3A_156 : vector<1000xf32> to vector<1000x1xf32>
    %div3A_158 = arith.constant 1.280000e+02 : f32
    %div3A_159 = vector.broadcast %div3A_158 : f32 to vector<1000x1xf32>
    %div3A_160 = arith.divf %broadcast_in_dim3A_157, %div3A_159 : vector<1000x1xf32>
    %sub3A_161 = vector.broadcast %div3A_160 : vector<1000x1xf32> to vector<1000x128xf32>
    %sub3A_162 = arith.subf %max3A_148, %sub3A_161 : vector<1000x128xf32>
    %square3A_163 = arith.mulf %sub3A_162, %sub3A_162 : vector<1000x128xf32>
    %reduce_sum3A_164 = arith.constant dense<0.000000e+00> : vector<1000xf32>
    %reduce_sum3A_165 = vector.multi_reduction <add>, %square3A_163, %reduce_sum3A_164 [1] : vector<1000x128xf32> to vector<1000xf32>
    %broadcast_in_dim3A_166 = vector.shape_cast %reduce_sum3A_165 : vector<1000xf32> to vector<1000x1xf32>
    %div3A_167 = arith.constant 1.280000e+02 : f32
    %div3A_168 = vector.broadcast %div3A_167 : f32 to vector<1000x1xf32>
    %div3A_169 = arith.divf %broadcast_in_dim3A_166, %div3A_168 : vector<1000x1xf32>
    %sub3A_170 = vector.broadcast %div3A_160 : vector<1000x1xf32> to vector<1000x128xf32>
    %sub3A_171 = arith.subf %max3A_148, %sub3A_170 : vector<1000x128xf32>
    %mul3A_172 = vector.broadcast %get3A_151 : vector<1x128xf32> to vector<1000x128xf32>
    %mul3A_173 = arith.mulf %mul3A_172, %sub3A_171 : vector<1000x128xf32>
    %add3A_174 = arith.constant 9.99999974E-6 : f32
    %add3A_175 = vector.broadcast %add3A_174 : f32 to vector<1000x1xf32>
    %add3A_176 = arith.addf %div3A_169, %add3A_175 : vector<1000x1xf32>
    %rsqrt3A_177 = math.rsqrt %add3A_176 : vector<1000x1xf32>
    %mul3A_178 = vector.broadcast %rsqrt3A_177 : vector<1000x1xf32> to vector<1000x128xf32>
    %mul3A_179 = arith.mulf %mul3A_173, %mul3A_178 : vector<1000x128xf32>
    %add3A_180 = vector.broadcast %get3A_154 : vector<1x128xf32> to vector<1000x128xf32>
    %add3A_181 = arith.addf %mul3A_179, %add3A_180 : vector<1000x128xf32>
    %get3A_182 = arith.constant 2 : index
    %get3A_183 = arith.constant 0 : index
    %get3A_184 = arith.constant 0 : index
    %get3A_185 = vector.load %arg6[%get3A_182, %get3A_183, %get3A_184] : memref<3x128x128xf32, #tpu.memory_space<vmem>>, vector<1x128x128xf32>
    %get3A_186 = vector.shape_cast %get3A_185 : vector<1x128x128xf32> to vector<128x128xf32>
    %dot_general3A_187 = arith.constant dense<0.000000e+00> : vector<1000x128xf32>
    %dot_general3A_188 = tpu.matmul %add3A_181, %get3A_186, %dot_general3A_187 {dimension_numbers = #tpu.dot_dimension_numbers<[1], [0], [0], [1], [0, 0, 1, 1], [], []>, transpose_lhs_hint = false} : vector<1000x128xf32>, vector<128x128xf32>, vector<1000x128xf32> -> vector<1000x128xf32>
    %mul3A_189 = vector.broadcast %get3A_1 : vector<1000x1xf32> to vector<1000x128xf32>
    %mul3A_190 = arith.mulf %dot_general3A_188, %mul3A_189 : vector<1000x128xf32>
    %swap3A_191 = arith.constant 2 : index
    %swap3A_192 = arith.constant 0 : index
    %swap3A_193 = arith.constant 0 : index
    %swap3A_194 = vector.load %arg9[%swap3A_191, %swap3A_192, %swap3A_193] : memref<3x1000x128xf32, #tpu.memory_space<vmem>>, vector<1x1000x128xf32>
    %swap3A_195 = vector.shape_cast %swap3A_194 : vector<1x1000x128xf32> to vector<1000x128xf32>
    %swap3A_196 = vector.shape_cast %mul3A_190 : vector<1000x128xf32> to vector<1x1000x128xf32>
    tpu.vector_store %arg9[%swap3A_191, %swap3A_192, %swap3A_193], %swap3A_196 {strides = array<i32>} : memref<3x1000x128xf32, #tpu.memory_space<vmem>>, vector<1x1000x128xf32>,
    return
  }
  func.func @transform_0(%arg0: i32) -> (i32, i32, i32) {
    %c0_i32 = arith.constant 0 : i32
    %c0_i32_0 = arith.constant 0 : i32
    %c0_i32_1 = arith.constant 0 : i32
    return %c0_i32, %arg0, %c0_i32_0 : i32, i32, i32
  }
  func.func @transform_1(%arg0: i32) -> (i32, i32) {
    %c0_i32 = arith.constant 0 : i32
    %c0_i32_0 = arith.constant 0 : i32
    return %arg0, %c0_i32 : i32, i32
  }
  func.func @transform_2(%arg0: i32) -> (i32, i32) {
    %c0_i32 = arith.constant 0 : i32
    %c0_i32_0 = arith.constant 0 : i32
    return %arg0, %c0_i32 : i32, i32
  }
  func.func @transform_3(%arg0: i32) -> (i32, i32, i32) {
    %c0_i32 = arith.constant 0 : i32
    %c0_i32_0 = arith.constant 0 : i32
    %c0_i32_1 = arith.constant 0 : i32
    %c0_i32_2 = arith.constant 0 : i32
    return %c0_i32, %c0_i32_0, %c0_i32_1 : i32, i32, i32
  }
  func.func @transform_4(%arg0: i32) -> (i32, i32) {
    %c0_i32 = arith.constant 0 : i32
    %c0_i32_0 = arith.constant 0 : i32
    %c0_i32_1 = arith.constant 0 : i32
    return %c0_i32, %c0_i32_0 : i32, i32
  }
  func.func @transform_5(%arg0: i32) -> (i32, i32, i32) {
    %c0_i32 = arith.constant 0 : i32
    %c0_i32_0 = arith.constant 0 : i32
    %c0_i32_1 = arith.constant 0 : i32
    %c0_i32_2 = arith.constant 0 : i32
    return %c0_i32, %c0_i32_0, %c0_i32_1 : i32, i32, i32
  }
  func.func @transform_6(%arg0: i32) -> (i32, i32) {
    %c0_i32 = arith.constant 0 : i32
    %c0_i32_0 = arith.constant 0 : i32
    %c0_i32_1 = arith.constant 0 : i32
    return %c0_i32, %c0_i32_0 : i32, i32
  }
  func.func @transform_7(%arg0: i32) -> (i32, i32) {
    %c0_i32 = arith.constant 0 : i32
    %c0_i32_0 = arith.constant 0 : i32
    %c0_i32_1 = arith.constant 0 : i32
    return %c0_i32, %c0_i32_0 : i32, i32
  }
  func.func @transform_8(%arg0: i32) -> (i32, i32, i32) {
    %c0_i32 = arith.constant 0 : i32
    %c0_i32_0 = arith.constant 0 : i32
    %c0_i32_1 = arith.constant 0 : i32
    return %c0_i32, %arg0, %c0_i32_0 : i32, i32, i32
  }
}

module attributes {stable_mosaic.version = 14 : i64} {
  func.func @body(%arg0: memref<3x128x64xf32, #tpu.memory_space<vmem>>, %arg1: memref<3x64x64xf32, #tpu.memory_space<vmem>>, %arg2: memref<3x64xf32, #tpu.memory_space<vmem>>, %arg3: memref<1x64xf32, #tpu.memory_space<vmem>>, %arg4: memref<3x128x64xf32, #tpu.memory_space<vmem>>, %arg5: memref<1x64xf32, #tpu.memory_space<vmem>>) attributes {dimension_semantics = [], scalar_prefetch = 0 : i64, scratch_operands = 0 : i64, tpu.core_type = #tpu.core_type<tc>} {
    %get3A = arith.constant 0 : index
    %get3A_0 = arith.constant 0 : index
    %get3A_1 = vector.load %arg3[%get3A, %get3A_0] : memref<1x64xf32, #tpu.memory_space<vmem>>, vector<1x64xf32>
    %get3A_2 = arith.constant 0 : index
    %get3A_3 = arith.constant 0 : index
    %get3A_4 = arith.constant 0 : index
    %get3A_5 = vector.load %arg0[%get3A_2, %get3A_3, %get3A_4] : memref<3x128x64xf32, #tpu.memory_space<vmem>>, vector<1x128x64xf32>
    %get3A_6 = vector.shape_cast %get3A_5 : vector<1x128x64xf32> to vector<128x64xf32>
    %get3A_7 = arith.constant 0 : index
    %get3A_8 = arith.constant 0 : index
    %get3A_9 = arith.constant 0 : index
    %get3A_10 = vector.load %arg1[%get3A_7, %get3A_8, %get3A_9] : memref<3x64x64xf32, #tpu.memory_space<vmem>>, vector<1x64x64xf32>
    %get3A_11 = vector.shape_cast %get3A_10 : vector<1x64x64xf32> to vector<64x64xf32>
    %dot_general3A = arith.constant dense<0.000000e+00> : vector<128x64xf32>
    %dot_general3A_12 = tpu.matmul %get3A_6, %get3A_11, %dot_general3A {dimension_numbers = #tpu.dot_dimension_numbers<[1], [0], [0], [1], [0, 0, 1, 1], [], []>, transpose_lhs_hint = false} : vector<128x64xf32>, vector<64x64xf32>, vector<128x64xf32> -> vector<128x64xf32>
    %swap3A = arith.constant 0 : index
    %swap3A_13 = arith.constant 0 : index
    %swap3A_14 = arith.constant 0 : index
    %swap3A_15 = vector.load %arg4[%swap3A, %swap3A_13, %swap3A_14] : memref<3x128x64xf32, #tpu.memory_space<vmem>>, vector<1x128x64xf32>
    %swap3A_16 = vector.shape_cast %swap3A_15 : vector<1x128x64xf32> to vector<128x64xf32>
    %swap3A_17 = vector.shape_cast %dot_general3A_12 : vector<128x64xf32> to vector<1x128x64xf32>
    tpu.vector_store %arg4[%swap3A, %swap3A_13, %swap3A_14], %swap3A_17 {strides = array<i32>} : memref<3x128x64xf32, #tpu.memory_space<vmem>>, vector<1x128x64xf32>,
    %get3A_18 = arith.constant 0 : index
    %get3A_19 = arith.constant 0 : index
    %get3A_20 = vector.load %arg2[%get3A_18, %get3A_19] : memref<3x64xf32, #tpu.memory_space<vmem>>, vector<1x64xf32>
    %get3A_21 = arith.constant 0 : index
    %get3A_22 = arith.constant 0 : index
    %get3A_23 = arith.constant 0 : index
    %get3A_24 = vector.load %arg1[%get3A_21, %get3A_22, %get3A_23] : memref<3x64x64xf32, #tpu.memory_space<vmem>>, vector<1x64x64xf32>
    %get3A_25 = vector.shape_cast %get3A_24 : vector<1x64x64xf32> to vector<64x64xf32>
    %dot_general3A_26 = arith.constant dense<0.000000e+00> : vector<1x64xf32>
    %dot_general3A_27 = tpu.matmul %get3A_20, %get3A_25, %dot_general3A_26 {dimension_numbers = #tpu.dot_dimension_numbers<[1], [0], [0], [1], [0, 0, 1, 1], [], []>, transpose_lhs_hint = false} : vector<1x64xf32>, vector<64x64xf32>, vector<1x64xf32> -> vector<1x64xf32>
    %add3A = arith.addf %get3A_1, %dot_general3A_27 : vector<1x64xf32>
    %get3A_28 = arith.constant 1 : index
    %get3A_29 = arith.constant 0 : index
    %get3A_30 = arith.constant 0 : index
    %get3A_31 = vector.load %arg0[%get3A_28, %get3A_29, %get3A_30] : memref<3x128x64xf32, #tpu.memory_space<vmem>>, vector<1x128x64xf32>
    %get3A_32 = vector.shape_cast %get3A_31 : vector<1x128x64xf32> to vector<128x64xf32>
    %get3A_33 = arith.constant 1 : index
    %get3A_34 = arith.constant 0 : index
    %get3A_35 = arith.constant 0 : index
    %get3A_36 = vector.load %arg1[%get3A_33, %get3A_34, %get3A_35] : memref<3x64x64xf32, #tpu.memory_space<vmem>>, vector<1x64x64xf32>
    %get3A_37 = vector.shape_cast %get3A_36 : vector<1x64x64xf32> to vector<64x64xf32>
    %dot_general3A_38 = arith.constant dense<0.000000e+00> : vector<128x64xf32>
    %dot_general3A_39 = tpu.matmul %get3A_32, %get3A_37, %dot_general3A_38 {dimension_numbers = #tpu.dot_dimension_numbers<[1], [0], [0], [1], [0, 0, 1, 1], [], []>, transpose_lhs_hint = false} : vector<128x64xf32>, vector<64x64xf32>, vector<128x64xf32> -> vector<128x64xf32>
    %swap3A_40 = arith.constant 1 : index
    %swap3A_41 = arith.constant 0 : index
    %swap3A_42 = arith.constant 0 : index
    %swap3A_43 = vector.load %arg4[%swap3A_40, %swap3A_41, %swap3A_42] : memref<3x128x64xf32, #tpu.memory_space<vmem>>, vector<1x128x64xf32>
    %swap3A_44 = vector.shape_cast %swap3A_43 : vector<1x128x64xf32> to vector<128x64xf32>
    %swap3A_45 = vector.shape_cast %dot_general3A_39 : vector<128x64xf32> to vector<1x128x64xf32>
    tpu.vector_store %arg4[%swap3A_40, %swap3A_41, %swap3A_42], %swap3A_45 {strides = array<i32>} : memref<3x128x64xf32, #tpu.memory_space<vmem>>, vector<1x128x64xf32>,
    %get3A_46 = arith.constant 1 : index
    %get3A_47 = arith.constant 0 : index
    %get3A_48 = vector.load %arg2[%get3A_46, %get3A_47] : memref<3x64xf32, #tpu.memory_space<vmem>>, vector<1x64xf32>
    %get3A_49 = arith.constant 1 : index
    %get3A_50 = arith.constant 0 : index
    %get3A_51 = arith.constant 0 : index
    %get3A_52 = vector.load %arg1[%get3A_49, %get3A_50, %get3A_51] : memref<3x64x64xf32, #tpu.memory_space<vmem>>, vector<1x64x64xf32>
    %get3A_53 = vector.shape_cast %get3A_52 : vector<1x64x64xf32> to vector<64x64xf32>
    %dot_general3A_54 = arith.constant dense<0.000000e+00> : vector<1x64xf32>
    %dot_general3A_55 = tpu.matmul %get3A_48, %get3A_53, %dot_general3A_54 {dimension_numbers = #tpu.dot_dimension_numbers<[1], [0], [0], [1], [0, 0, 1, 1], [], []>, transpose_lhs_hint = false} : vector<1x64xf32>, vector<64x64xf32>, vector<1x64xf32> -> vector<1x64xf32>
    %add3A_56 = arith.addf %add3A, %dot_general3A_55 : vector<1x64xf32>
    %get3A_57 = arith.constant 2 : index
    %get3A_58 = arith.constant 0 : index
    %get3A_59 = arith.constant 0 : index
    %get3A_60 = vector.load %arg0[%get3A_57, %get3A_58, %get3A_59] : memref<3x128x64xf32, #tpu.memory_space<vmem>>, vector<1x128x64xf32>
    %get3A_61 = vector.shape_cast %get3A_60 : vector<1x128x64xf32> to vector<128x64xf32>
    %get3A_62 = arith.constant 2 : index
    %get3A_63 = arith.constant 0 : index
    %get3A_64 = arith.constant 0 : index
    %get3A_65 = vector.load %arg1[%get3A_62, %get3A_63, %get3A_64] : memref<3x64x64xf32, #tpu.memory_space<vmem>>, vector<1x64x64xf32>
    %get3A_66 = vector.shape_cast %get3A_65 : vector<1x64x64xf32> to vector<64x64xf32>
    %dot_general3A_67 = arith.constant dense<0.000000e+00> : vector<128x64xf32>
    %dot_general3A_68 = tpu.matmul %get3A_61, %get3A_66, %dot_general3A_67 {dimension_numbers = #tpu.dot_dimension_numbers<[1], [0], [0], [1], [0, 0, 1, 1], [], []>, transpose_lhs_hint = false} : vector<128x64xf32>, vector<64x64xf32>, vector<128x64xf32> -> vector<128x64xf32>
    %swap3A_69 = arith.constant 2 : index
    %swap3A_70 = arith.constant 0 : index
    %swap3A_71 = arith.constant 0 : index
    %swap3A_72 = vector.load %arg4[%swap3A_69, %swap3A_70, %swap3A_71] : memref<3x128x64xf32, #tpu.memory_space<vmem>>, vector<1x128x64xf32>
    %swap3A_73 = vector.shape_cast %swap3A_72 : vector<1x128x64xf32> to vector<128x64xf32>
    %swap3A_74 = vector.shape_cast %dot_general3A_68 : vector<128x64xf32> to vector<1x128x64xf32>
    tpu.vector_store %arg4[%swap3A_69, %swap3A_70, %swap3A_71], %swap3A_74 {strides = array<i32>} : memref<3x128x64xf32, #tpu.memory_space<vmem>>, vector<1x128x64xf32>,
    %get3A_75 = arith.constant 2 : index
    %get3A_76 = arith.constant 0 : index
    %get3A_77 = vector.load %arg2[%get3A_75, %get3A_76] : memref<3x64xf32, #tpu.memory_space<vmem>>, vector<1x64xf32>
    %get3A_78 = arith.constant 2 : index
    %get3A_79 = arith.constant 0 : index
    %get3A_80 = arith.constant 0 : index
    %get3A_81 = vector.load %arg1[%get3A_78, %get3A_79, %get3A_80] : memref<3x64x64xf32, #tpu.memory_space<vmem>>, vector<1x64x64xf32>
    %get3A_82 = vector.shape_cast %get3A_81 : vector<1x64x64xf32> to vector<64x64xf32>
    %dot_general3A_83 = arith.constant dense<0.000000e+00> : vector<1x64xf32>
    %dot_general3A_84 = tpu.matmul %get3A_77, %get3A_82, %dot_general3A_83 {dimension_numbers = #tpu.dot_dimension_numbers<[1], [0], [0], [1], [0, 0, 1, 1], [], []>, transpose_lhs_hint = false} : vector<1x64xf32>, vector<64x64xf32>, vector<1x64xf32> -> vector<1x64xf32>
    %add3A_85 = arith.addf %add3A_56, %dot_general3A_84 : vector<1x64xf32>
    %swap3A_86 = arith.constant 0 : index
    %swap3A_87 = arith.constant 0 : index
    %swap3A_88 = vector.load %arg5[%swap3A_86, %swap3A_87] : memref<1x64xf32, #tpu.memory_space<vmem>>, vector<1x64xf32>
    tpu.vector_store %arg5[%swap3A_86, %swap3A_87], %add3A_85 {strides = array<i32>} : memref<1x64xf32, #tpu.memory_space<vmem>>, vector<1x64xf32>,
    return
  }
}

module attributes {stable_mosaic.version = 14 : i64} {
  func.func @body(%arg0: i32, %arg1: memref<3x2x1000x128xf32, #tpu.memory_space<vmem>>, %arg2: memref<3x1000x128xf32, #tpu.memory_space<vmem>>, %arg3: memref<1000x1xf32, #tpu.memory_space<vmem>>, %arg4: memref<3x128xf32, #tpu.memory_space<vmem>>, %arg5: memref<3x128x64xf32, #tpu.memory_space<vmem>>, %arg6: memref<9x128xf32, #tpu.memory_space<vmem>>, %arg7: memref<9x128xf32, #tpu.memory_space<vmem>>, %arg8: memref<1000x128xf32, #tpu.memory_space<vmem>>) attributes {dimension_semantics = [#tpu.dimension_semantics<arbitrary>], iteration_bounds = array<i64: 10>, scalar_prefetch = 0 : i64, scratch_operands = 0 : i64, tpu.core_type = #tpu.core_type<tc>, window_params = [{transform_indices = @transform_0, window_bounds = array<i64: 3, 2, 1000, 128>}, {transform_indices = @transform_1, window_bounds = array<i64: 3, 1000, 128>}, {transform_indices = @transform_2, window_bounds = array<i64: 1000, 1>}, {pipeline_mode = #tpu.pipeline_mode<synchronous>, transform_indices = @transform_3, window_bounds = array<i64: 3, 128>}, {pipeline_mode = #tpu.pipeline_mode<synchronous>, transform_indices = @transform_4, window_bounds = array<i64: 3, 128, 64>}, {pipeline_mode = #tpu.pipeline_mode<synchronous>, transform_indices = @transform_5, window_bounds = array<i64: 9, 128>}, {pipeline_mode = #tpu.pipeline_mode<synchronous>, transform_indices = @transform_6, window_bounds = array<i64: 9, 128>}, {transform_indices = @transform_7, window_bounds = array<i64: 1000, 128>}]} {
    %get3A = arith.constant 0 : index
    %get3A_0 = arith.constant 0 : index
    %get3A_1 = vector.load %arg3[%get3A, %get3A_0] : memref<1000x1xf32, #tpu.memory_space<vmem>>, vector<1000x1xf32>
    %broadcast_in_dim3A = arith.constant 0.000000e+00 : f32
    %broadcast_in_dim3A_2 = vector.broadcast %broadcast_in_dim3A : f32 to vector<1000x64xf32>
    %get3A_3 = arith.constant 0 : index
    %get3A_4 = arith.constant 0 : index
    %get3A_5 = arith.constant 0 : index
    %get3A_6 = arith.constant 0 : index
    %get3A_7 = vector.load %arg1[%get3A_3, %get3A_4, %get3A_5, %get3A_6] : memref<3x2x1000x128xf32, #tpu.memory_space<vmem>>, vector<1x1x1000x128xf32>
    %get3A_8 = vector.shape_cast %get3A_7 : vector<1x1x1000x128xf32> to vector<1000x128xf32>
    %get3A_9 = arith.constant 0 : index
    %get3A_10 = arith.constant 1 : index
    %get3A_11 = arith.constant 0 : index
    %get3A_12 = arith.constant 0 : index
    %get3A_13 = vector.load %arg1[%get3A_9, %get3A_10, %get3A_11, %get3A_12] : memref<3x2x1000x128xf32, #tpu.memory_space<vmem>>, vector<1x1x1000x128xf32>
    %get3A_14 = vector.shape_cast %get3A_13 : vector<1x1x1000x128xf32> to vector<1000x128xf32>
    %add3A = arith.addf %get3A_8, %get3A_14 : vector<1000x128xf32>
    %get3A_15 = arith.constant 0 : index
    %get3A_16 = arith.constant 0 : index
    %get3A_17 = arith.constant 0 : index
    %get3A_18 = vector.load %arg2[%get3A_15, %get3A_16, %get3A_17] : memref<3x1000x128xf32, #tpu.memory_space<vmem>>, vector<1x1000x128xf32>
    %get3A_19 = vector.shape_cast %get3A_18 : vector<1x1000x128xf32> to vector<1000x128xf32>
    %add3A_20 = arith.addf %add3A, %get3A_19 : vector<1000x128xf32>
    %mul3A = vector.broadcast %get3A_1 : vector<1000x1xf32> to vector<1000x128xf32>
    %mul3A_21 = arith.mulf %mul3A, %add3A_20 : vector<1000x128xf32>
    %get3A_22 = arith.constant 0 : index
    %get3A_23 = arith.constant 0 : index
    %get3A_24 = vector.load %arg4[%get3A_22, %get3A_23] : memref<3x128xf32, #tpu.memory_space<vmem>>, vector<1x128xf32>
    %add3A_25 = vector.broadcast %get3A_24 : vector<1x128xf32> to vector<1000x128xf32>
    %add3A_26 = arith.addf %mul3A_21, %add3A_25 : vector<1000x128xf32>
    %max3A = arith.constant 0.000000e+00 : f32
    %max3A_27 = vector.broadcast %max3A : f32 to vector<1000x128xf32>
    %max3A_28 = arith.maximumf %add3A_26, %max3A_27 : vector<1000x128xf32>
    %get3A_29 = arith.constant 1 : index
    %get3A_30 = arith.constant 0 : index
    %get3A_31 = vector.load %arg6[%get3A_29, %get3A_30] : memref<9x128xf32, #tpu.memory_space<vmem>>, vector<1x128xf32>
    %get3A_32 = arith.constant 1 : index
    %get3A_33 = arith.constant 0 : index
    %get3A_34 = vector.load %arg7[%get3A_32, %get3A_33] : memref<9x128xf32, #tpu.memory_space<vmem>>, vector<1x128xf32>
    %reduce_sum3A = arith.constant dense<0.000000e+00> : vector<1000xf32>
    %reduce_sum3A_35 = vector.multi_reduction <add>, %max3A_28, %reduce_sum3A [1] : vector<1000x128xf32> to vector<1000xf32>
    %broadcast_in_dim3A_36 = vector.shape_cast %reduce_sum3A_35 : vector<1000xf32> to vector<1000x1xf32>
    %div3A = arith.constant 1.280000e+02 : f32
    %div3A_37 = vector.broadcast %div3A : f32 to vector<1000x1xf32>
    %div3A_38 = arith.divf %broadcast_in_dim3A_36, %div3A_37 : vector<1000x1xf32>
    %sub3A = vector.broadcast %div3A_38 : vector<1000x1xf32> to vector<1000x128xf32>
    %sub3A_39 = arith.subf %max3A_28, %sub3A : vector<1000x128xf32>
    %square3A = arith.mulf %sub3A_39, %sub3A_39 : vector<1000x128xf32>
    %reduce_sum3A_40 = arith.constant dense<0.000000e+00> : vector<1000xf32>
    %reduce_sum3A_41 = vector.multi_reduction <add>, %square3A, %reduce_sum3A_40 [1] : vector<1000x128xf32> to vector<1000xf32>
    %broadcast_in_dim3A_42 = vector.shape_cast %reduce_sum3A_41 : vector<1000xf32> to vector<1000x1xf32>
    %div3A_43 = arith.constant 1.280000e+02 : f32
    %div3A_44 = vector.broadcast %div3A_43 : f32 to vector<1000x1xf32>
    %div3A_45 = arith.divf %broadcast_in_dim3A_42, %div3A_44 : vector<1000x1xf32>
    %sub3A_46 = vector.broadcast %div3A_38 : vector<1000x1xf32> to vector<1000x128xf32>
    %sub3A_47 = arith.subf %max3A_28, %sub3A_46 : vector<1000x128xf32>
    %mul3A_48 = vector.broadcast %get3A_31 : vector<1x128xf32> to vector<1000x128xf32>
    %mul3A_49 = arith.mulf %mul3A_48, %sub3A_47 : vector<1000x128xf32>
    %add3A_50 = arith.constant 9.99999974E-6 : f32
    %add3A_51 = vector.broadcast %add3A_50 : f32 to vector<1000x1xf32>
    %add3A_52 = arith.addf %div3A_45, %add3A_51 : vector<1000x1xf32>
    %rsqrt3A = math.rsqrt %add3A_52 : vector<1000x1xf32>
    %mul3A_53 = vector.broadcast %rsqrt3A : vector<1000x1xf32> to vector<1000x128xf32>
    %mul3A_54 = arith.mulf %mul3A_49, %mul3A_53 : vector<1000x128xf32>
    %add3A_55 = vector.broadcast %get3A_34 : vector<1x128xf32> to vector<1000x128xf32>
    %add3A_56 = arith.addf %mul3A_54, %add3A_55 : vector<1000x128xf32>
    %get3A_57 = arith.constant 0 : index
    %get3A_58 = arith.constant 0 : index
    %get3A_59 = arith.constant 0 : index
    %get3A_60 = vector.load %arg5[%get3A_57, %get3A_58, %get3A_59] : memref<3x128x64xf32, #tpu.memory_space<vmem>>, vector<1x128x64xf32>
    %get3A_61 = vector.shape_cast %get3A_60 : vector<1x128x64xf32> to vector<128x64xf32>
    %dot_general3A = arith.constant dense<0.000000e+00> : vector<1000x64xf32>
    %dot_general3A_62 = tpu.matmul %add3A_56, %get3A_61, %dot_general3A {dimension_numbers = #tpu.dot_dimension_numbers<[1], [0], [0], [1], [0, 0, 1, 1], [], []>, transpose_lhs_hint = false} : vector<1000x128xf32>, vector<128x64xf32>, vector<1000x64xf32> -> vector<1000x64xf32>
    %add3A_63 = arith.addf %broadcast_in_dim3A_2, %dot_general3A_62 : vector<1000x64xf32>
    %get3A_64 = arith.constant 1 : index
    %get3A_65 = arith.constant 0 : index
    %get3A_66 = arith.constant 0 : index
    %get3A_67 = arith.constant 0 : index
    %get3A_68 = vector.load %arg1[%get3A_64, %get3A_65, %get3A_66, %get3A_67] : memref<3x2x1000x128xf32, #tpu.memory_space<vmem>>, vector<1x1x1000x128xf32>
    %get3A_69 = vector.shape_cast %get3A_68 : vector<1x1x1000x128xf32> to vector<1000x128xf32>
    %get3A_70 = arith.constant 1 : index
    %get3A_71 = arith.constant 1 : index
    %get3A_72 = arith.constant 0 : index
    %get3A_73 = arith.constant 0 : index
    %get3A_74 = vector.load %arg1[%get3A_70, %get3A_71, %get3A_72, %get3A_73] : memref<3x2x1000x128xf32, #tpu.memory_space<vmem>>, vector<1x1x1000x128xf32>
    %get3A_75 = vector.shape_cast %get3A_74 : vector<1x1x1000x128xf32> to vector<1000x128xf32>
    %add3A_76 = arith.addf %get3A_69, %get3A_75 : vector<1000x128xf32>
    %get3A_77 = arith.constant 1 : index
    %get3A_78 = arith.constant 0 : index
    %get3A_79 = arith.constant 0 : index
    %get3A_80 = vector.load %arg2[%get3A_77, %get3A_78, %get3A_79] : memref<3x1000x128xf32, #tpu.memory_space<vmem>>, vector<1x1000x128xf32>
    %get3A_81 = vector.shape_cast %get3A_80 : vector<1x1000x128xf32> to vector<1000x128xf32>
    %add3A_82 = arith.addf %add3A_76, %get3A_81 : vector<1000x128xf32>
    %mul3A_83 = vector.broadcast %get3A_1 : vector<1000x1xf32> to vector<1000x128xf32>
    %mul3A_84 = arith.mulf %mul3A_83, %add3A_82 : vector<1000x128xf32>
    %get3A_85 = arith.constant 1 : index
    %get3A_86 = arith.constant 0 : index
    %get3A_87 = vector.load %arg4[%get3A_85, %get3A_86] : memref<3x128xf32, #tpu.memory_space<vmem>>, vector<1x128xf32>
    %add3A_88 = vector.broadcast %get3A_87 : vector<1x128xf32> to vector<1000x128xf32>
    %add3A_89 = arith.addf %mul3A_84, %add3A_88 : vector<1000x128xf32>
    %max3A_90 = arith.constant 0.000000e+00 : f32
    %max3A_91 = vector.broadcast %max3A_90 : f32 to vector<1000x128xf32>
    %max3A_92 = arith.maximumf %add3A_89, %max3A_91 : vector<1000x128xf32>
    %get3A_93 = arith.constant 4 : index
    %get3A_94 = arith.constant 0 : index
    %get3A_95 = vector.load %arg6[%get3A_93, %get3A_94] : memref<9x128xf32, #tpu.memory_space<vmem>>, vector<1x128xf32>
    %get3A_96 = arith.constant 4 : index
    %get3A_97 = arith.constant 0 : index
    %get3A_98 = vector.load %arg7[%get3A_96, %get3A_97] : memref<9x128xf32, #tpu.memory_space<vmem>>, vector<1x128xf32>
    %reduce_sum3A_99 = arith.constant dense<0.000000e+00> : vector<1000xf32>
    %reduce_sum3A_100 = vector.multi_reduction <add>, %max3A_92, %reduce_sum3A_99 [1] : vector<1000x128xf32> to vector<1000xf32>
    %broadcast_in_dim3A_101 = vector.shape_cast %reduce_sum3A_100 : vector<1000xf32> to vector<1000x1xf32>
    %div3A_102 = arith.constant 1.280000e+02 : f32
    %div3A_103 = vector.broadcast %div3A_102 : f32 to vector<1000x1xf32>
    %div3A_104 = arith.divf %broadcast_in_dim3A_101, %div3A_103 : vector<1000x1xf32>
    %sub3A_105 = vector.broadcast %div3A_104 : vector<1000x1xf32> to vector<1000x128xf32>
    %sub3A_106 = arith.subf %max3A_92, %sub3A_105 : vector<1000x128xf32>
    %square3A_107 = arith.mulf %sub3A_106, %sub3A_106 : vector<1000x128xf32>
    %reduce_sum3A_108 = arith.constant dense<0.000000e+00> : vector<1000xf32>
    %reduce_sum3A_109 = vector.multi_reduction <add>, %square3A_107, %reduce_sum3A_108 [1] : vector<1000x128xf32> to vector<1000xf32>
    %broadcast_in_dim3A_110 = vector.shape_cast %reduce_sum3A_109 : vector<1000xf32> to vector<1000x1xf32>
    %div3A_111 = arith.constant 1.280000e+02 : f32
    %div3A_112 = vector.broadcast %div3A_111 : f32 to vector<1000x1xf32>
    %div3A_113 = arith.divf %broadcast_in_dim3A_110, %div3A_112 : vector<1000x1xf32>
    %sub3A_114 = vector.broadcast %div3A_104 : vector<1000x1xf32> to vector<1000x128xf32>
    %sub3A_115 = arith.subf %max3A_92, %sub3A_114 : vector<1000x128xf32>
    %mul3A_116 = vector.broadcast %get3A_95 : vector<1x128xf32> to vector<1000x128xf32>
    %mul3A_117 = arith.mulf %mul3A_116, %sub3A_115 : vector<1000x128xf32>
    %add3A_118 = arith.constant 9.99999974E-6 : f32
    %add3A_119 = vector.broadcast %add3A_118 : f32 to vector<1000x1xf32>
    %add3A_120 = arith.addf %div3A_113, %add3A_119 : vector<1000x1xf32>
    %rsqrt3A_121 = math.rsqrt %add3A_120 : vector<1000x1xf32>
    %mul3A_122 = vector.broadcast %rsqrt3A_121 : vector<1000x1xf32> to vector<1000x128xf32>
    %mul3A_123 = arith.mulf %mul3A_117, %mul3A_122 : vector<1000x128xf32>
    %add3A_124 = vector.broadcast %get3A_98 : vector<1x128xf32> to vector<1000x128xf32>
    %add3A_125 = arith.addf %mul3A_123, %add3A_124 : vector<1000x128xf32>
    %get3A_126 = arith.constant 1 : index
    %get3A_127 = arith.constant 0 : index
    %get3A_128 = arith.constant 0 : index
    %get3A_129 = vector.load %arg5[%get3A_126, %get3A_127, %get3A_128] : memref<3x128x64xf32, #tpu.memory_space<vmem>>, vector<1x128x64xf32>
    %get3A_130 = vector.shape_cast %get3A_129 : vector<1x128x64xf32> to vector<128x64xf32>
    %dot_general3A_131 = arith.constant dense<0.000000e+00> : vector<1000x64xf32>
    %dot_general3A_132 = tpu.matmul %add3A_125, %get3A_130, %dot_general3A_131 {dimension_numbers = #tpu.dot_dimension_numbers<[1], [0], [0], [1], [0, 0, 1, 1], [], []>, transpose_lhs_hint = false} : vector<1000x128xf32>, vector<128x64xf32>, vector<1000x64xf32> -> vector<1000x64xf32>
    %add3A_133 = arith.addf %add3A_63, %dot_general3A_132 : vector<1000x64xf32>
    %get3A_134 = arith.constant 2 : index
    %get3A_135 = arith.constant 0 : index
    %get3A_136 = arith.constant 0 : index
    %get3A_137 = arith.constant 0 : index
    %get3A_138 = vector.load %arg1[%get3A_134, %get3A_135, %get3A_136, %get3A_137] : memref<3x2x1000x128xf32, #tpu.memory_space<vmem>>, vector<1x1x1000x128xf32>
    %get3A_139 = vector.shape_cast %get3A_138 : vector<1x1x1000x128xf32> to vector<1000x128xf32>
    %get3A_140 = arith.constant 2 : index
    %get3A_141 = arith.constant 1 : index
    %get3A_142 = arith.constant 0 : index
    %get3A_143 = arith.constant 0 : index
    %get3A_144 = vector.load %arg1[%get3A_140, %get3A_141, %get3A_142, %get3A_143] : memref<3x2x1000x128xf32, #tpu.memory_space<vmem>>, vector<1x1x1000x128xf32>
    %get3A_145 = vector.shape_cast %get3A_144 : vector<1x1x1000x128xf32> to vector<1000x128xf32>
    %add3A_146 = arith.addf %get3A_139, %get3A_145 : vector<1000x128xf32>
    %get3A_147 = arith.constant 2 : index
    %get3A_148 = arith.constant 0 : index
    %get3A_149 = arith.constant 0 : index
    %get3A_150 = vector.load %arg2[%get3A_147, %get3A_148, %get3A_149] : memref<3x1000x128xf32, #tpu.memory_space<vmem>>, vector<1x1000x128xf32>
    %get3A_151 = vector.shape_cast %get3A_150 : vector<1x1000x128xf32> to vector<1000x128xf32>
    %add3A_152 = arith.addf %add3A_146, %get3A_151 : vector<1000x128xf32>
    %mul3A_153 = vector.broadcast %get3A_1 : vector<1000x1xf32> to vector<1000x128xf32>
    %mul3A_154 = arith.mulf %mul3A_153, %add3A_152 : vector<1000x128xf32>
    %get3A_155 = arith.constant 2 : index
    %get3A_156 = arith.constant 0 : index
    %get3A_157 = vector.load %arg4[%get3A_155, %get3A_156] : memref<3x128xf32, #tpu.memory_space<vmem>>, vector<1x128xf32>
    %add3A_158 = vector.broadcast %get3A_157 : vector<1x128xf32> to vector<1000x128xf32>
    %add3A_159 = arith.addf %mul3A_154, %add3A_158 : vector<1000x128xf32>
    %max3A_160 = arith.constant 0.000000e+00 : f32
    %max3A_161 = vector.broadcast %max3A_160 : f32 to vector<1000x128xf32>
    %max3A_162 = arith.maximumf %add3A_159, %max3A_161 : vector<1000x128xf32>
    %get3A_163 = arith.constant 7 : index
    %get3A_164 = arith.constant 0 : index
    %get3A_165 = vector.load %arg6[%get3A_163, %get3A_164] : memref<9x128xf32, #tpu.memory_space<vmem>>, vector<1x128xf32>
    %get3A_166 = arith.constant 7 : index
    %get3A_167 = arith.constant 0 : index
    %get3A_168 = vector.load %arg7[%get3A_166, %get3A_167] : memref<9x128xf32, #tpu.memory_space<vmem>>, vector<1x128xf32>
    %reduce_sum3A_169 = arith.constant dense<0.000000e+00> : vector<1000xf32>
    %reduce_sum3A_170 = vector.multi_reduction <add>, %max3A_162, %reduce_sum3A_169 [1] : vector<1000x128xf32> to vector<1000xf32>
    %broadcast_in_dim3A_171 = vector.shape_cast %reduce_sum3A_170 : vector<1000xf32> to vector<1000x1xf32>
    %div3A_172 = arith.constant 1.280000e+02 : f32
    %div3A_173 = vector.broadcast %div3A_172 : f32 to vector<1000x1xf32>
    %div3A_174 = arith.divf %broadcast_in_dim3A_171, %div3A_173 : vector<1000x1xf32>
    %sub3A_175 = vector.broadcast %div3A_174 : vector<1000x1xf32> to vector<1000x128xf32>
    %sub3A_176 = arith.subf %max3A_162, %sub3A_175 : vector<1000x128xf32>
    %square3A_177 = arith.mulf %sub3A_176, %sub3A_176 : vector<1000x128xf32>
    %reduce_sum3A_178 = arith.constant dense<0.000000e+00> : vector<1000xf32>
    %reduce_sum3A_179 = vector.multi_reduction <add>, %square3A_177, %reduce_sum3A_178 [1] : vector<1000x128xf32> to vector<1000xf32>
    %broadcast_in_dim3A_180 = vector.shape_cast %reduce_sum3A_179 : vector<1000xf32> to vector<1000x1xf32>
    %div3A_181 = arith.constant 1.280000e+02 : f32
    %div3A_182 = vector.broadcast %div3A_181 : f32 to vector<1000x1xf32>
    %div3A_183 = arith.divf %broadcast_in_dim3A_180, %div3A_182 : vector<1000x1xf32>
    %sub3A_184 = vector.broadcast %div3A_174 : vector<1000x1xf32> to vector<1000x128xf32>
    %sub3A_185 = arith.subf %max3A_162, %sub3A_184 : vector<1000x128xf32>
    %mul3A_186 = vector.broadcast %get3A_165 : vector<1x128xf32> to vector<1000x128xf32>
    %mul3A_187 = arith.mulf %mul3A_186, %sub3A_185 : vector<1000x128xf32>
    %add3A_188 = arith.constant 9.99999974E-6 : f32
    %add3A_189 = vector.broadcast %add3A_188 : f32 to vector<1000x1xf32>
    %add3A_190 = arith.addf %div3A_183, %add3A_189 : vector<1000x1xf32>
    %rsqrt3A_191 = math.rsqrt %add3A_190 : vector<1000x1xf32>
    %mul3A_192 = vector.broadcast %rsqrt3A_191 : vector<1000x1xf32> to vector<1000x128xf32>
    %mul3A_193 = arith.mulf %mul3A_187, %mul3A_192 : vector<1000x128xf32>
    %add3A_194 = vector.broadcast %get3A_168 : vector<1x128xf32> to vector<1000x128xf32>
    %add3A_195 = arith.addf %mul3A_193, %add3A_194 : vector<1000x128xf32>
    %get3A_196 = arith.constant 2 : index
    %get3A_197 = arith.constant 0 : index
    %get3A_198 = arith.constant 0 : index
    %get3A_199 = vector.load %arg5[%get3A_196, %get3A_197, %get3A_198] : memref<3x128x64xf32, #tpu.memory_space<vmem>>, vector<1x128x64xf32>
    %get3A_200 = vector.shape_cast %get3A_199 : vector<1x128x64xf32> to vector<128x64xf32>
    %dot_general3A_201 = arith.constant dense<0.000000e+00> : vector<1000x64xf32>
    %dot_general3A_202 = tpu.matmul %add3A_195, %get3A_200, %dot_general3A_201 {dimension_numbers = #tpu.dot_dimension_numbers<[1], [0], [0], [1], [0, 0, 1, 1], [], []>, transpose_lhs_hint = false} : vector<1000x128xf32>, vector<128x64xf32>, vector<1000x64xf32> -> vector<1000x64xf32>
    %add3A_203 = arith.addf %add3A_133, %dot_general3A_202 : vector<1000x64xf32>
    %mul3A_204 = vector.broadcast %get3A_1 : vector<1000x1xf32> to vector<1000x64xf32>
    %mul3A_205 = arith.mulf %add3A_203, %mul3A_204 : vector<1000x64xf32>
    %broadcast_in_dim3A_206 = arith.constant 0.000000e+00 : f32
    %broadcast_in_dim3A_207 = vector.broadcast %broadcast_in_dim3A_206 : f32 to vector<1000x64xf32>
    %concatenate3A = tpu.concatenate %mul3A_205, %broadcast_in_dim3A_207 in 1 : vector<1000x64xf32>, vector<1000x64xf32> -> vector<1000x128xf32>
    %swap3A = arith.constant 0 : index
    %swap3A_208 = arith.constant 0 : index
    %swap3A_209 = vector.load %arg8[%swap3A, %swap3A_208] : memref<1000x128xf32, #tpu.memory_space<vmem>>, vector<1000x128xf32>
    tpu.vector_store %arg8[%swap3A, %swap3A_208], %concatenate3A {strides = array<i32>} : memref<1000x128xf32, #tpu.memory_space<vmem>>, vector<1000x128xf32>,
    return
  }
  func.func @transform_0(%arg0: i32) -> (i32, i32, i32, i32) {
    %c0_i32 = arith.constant 0 : i32
    %c0_i32_0 = arith.constant 0 : i32
    %c0_i32_1 = arith.constant 0 : i32
    %c0_i32_2 = arith.constant 0 : i32
    return %c0_i32, %c0_i32_0, %arg0, %c0_i32_1 : i32, i32, i32, i32
  }
  func.func @transform_1(%arg0: i32) -> (i32, i32, i32) {
    %c0_i32 = arith.constant 0 : i32
    %c0_i32_0 = arith.constant 0 : i32
    %c0_i32_1 = arith.constant 0 : i32
    return %c0_i32, %arg0, %c0_i32_0 : i32, i32, i32
  }
  func.func @transform_2(%arg0: i32) -> (i32, i32) {
    %c0_i32 = arith.constant 0 : i32
    %c0_i32_0 = arith.constant 0 : i32
    return %arg0, %c0_i32 : i32, i32
  }
  func.func @transform_3(%arg0: i32) -> (i32, i32) {
    %c0_i32 = arith.constant 0 : i32
    %c0_i32_0 = arith.constant 0 : i32
    %c0_i32_1 = arith.constant 0 : i32
    return %c0_i32, %c0_i32_0 : i32, i32
  }
  func.func @transform_4(%arg0: i32) -> (i32, i32, i32) {
    %c0_i32 = arith.constant 0 : i32
    %c0_i32_0 = arith.constant 0 : i32
    %c0_i32_1 = arith.constant 0 : i32
    %c0_i32_2 = arith.constant 0 : i32
    return %c0_i32, %c0_i32_0, %c0_i32_1 : i32, i32, i32
  }
  func.func @transform_5(%arg0: i32) -> (i32, i32) {
    %c0_i32 = arith.constant 0 : i32
    %c0_i32_0 = arith.constant 0 : i32
    %c0_i32_1 = arith.constant 0 : i32
    return %c0_i32, %c0_i32_0 : i32, i32
  }
  func.func @transform_6(%arg0: i32) -> (i32, i32) {
    %c0_i32 = arith.constant 0 : i32
    %c0_i32_0 = arith.constant 0 : i32
    %c0_i32_1 = arith.constant 0 : i32
    return %c0_i32, %c0_i32_0 : i32, i32
  }
  func.func @transform_7(%arg0: i32) -> (i32, i32) {
    %c0_i32 = arith.constant 0 : i32
    %c0_i32_0 = arith.constant 0 : i32
    return %arg0, %c0_i32 : i32, i32
  }
}

module attributes {stable_mosaic.version = 14 : i64} {
  func.func @body(%arg0: i32, %arg1: memref<2x1000x128xf32, #tpu.memory_space<vmem>>, %arg2: memref<1000x128xf32, #tpu.memory_space<vmem>>, %arg3: memref<1000x1xf32, #tpu.memory_space<vmem>>, %arg4: memref<1x64xf32, #tpu.memory_space<vmem>>, %arg5: memref<1000x64xf32, #tpu.memory_space<vmem>>) attributes {dimension_semantics = [#tpu.dimension_semantics<arbitrary>], iteration_bounds = array<i64: 10>, scalar_prefetch = 0 : i64, scratch_operands = 0 : i64, tpu.core_type = #tpu.core_type<tc>, window_params = [{transform_indices = @transform_0, window_bounds = array<i64: 2, 1000, 128>}, {transform_indices = @transform_1, window_bounds = array<i64: 1000, 128>}, {transform_indices = @transform_2, window_bounds = array<i64: 1000, 1>}, {pipeline_mode = #tpu.pipeline_mode<synchronous>, transform_indices = @transform_3, window_bounds = array<i64: 1, 64>}, {transform_indices = @transform_4, window_bounds = array<i64: 1000, 64>}]} {
    %get3A = arith.constant 0 : index
    %get3A_0 = arith.constant 0 : index
    %get3A_1 = arith.constant 0 : index
    %get3A_2 = vector.load %arg1[%get3A, %get3A_0, %get3A_1] : memref<2x1000x128xf32, #tpu.memory_space<vmem>>, vector<1x1000x128xf32>
    %get3A_3 = vector.shape_cast %get3A_2 : vector<1x1000x128xf32> to vector<1000x128xf32>
    %get3A_4 = arith.constant 1 : index
    %get3A_5 = arith.constant 0 : index
    %get3A_6 = arith.constant 0 : index
    %get3A_7 = vector.load %arg1[%get3A_4, %get3A_5, %get3A_6] : memref<2x1000x128xf32, #tpu.memory_space<vmem>>, vector<1x1000x128xf32>
    %get3A_8 = vector.shape_cast %get3A_7 : vector<1x1000x128xf32> to vector<1000x128xf32>
    %add3A = arith.addf %get3A_3, %get3A_8 : vector<1000x128xf32>
    %get3A_9 = arith.constant 0 : index
    %get3A_10 = arith.constant 0 : index
    %get3A_11 = vector.load %arg2[%get3A_9, %get3A_10] : memref<1000x128xf32, #tpu.memory_space<vmem>>, vector<1000x128xf32>
    %add3A_12 = arith.addf %add3A, %get3A_11 : vector<1000x128xf32>
    %get3A_13 = arith.constant 0 : index
    %get3A_14 = arith.constant 0 : index
    %get3A_15 = vector.load %arg3[%get3A_13, %get3A_14] : memref<1000x1xf32, #tpu.memory_space<vmem>>, vector<1000x1xf32>
    %slice3A = vector.extract_strided_slice %add3A_12 {offsets = [0, 0], sizes = [1000, 64], strides = [1, 1]} : vector<1000x128xf32> to vector<1000x64xf32>
    %mul3A = vector.broadcast %get3A_15 : vector<1000x1xf32> to vector<1000x64xf32>
    %mul3A_16 = arith.mulf %mul3A, %slice3A : vector<1000x64xf32>
    %get3A_17 = arith.constant 0 : index
    %get3A_18 = arith.constant 0 : index
    %get3A_19 = vector.load %arg4[%get3A_17, %get3A_18] : memref<1x64xf32, #tpu.memory_space<vmem>>, vector<1x64xf32>
    %add3A_20 = vector.broadcast %get3A_19 : vector<1x64xf32> to vector<1000x64xf32>
    %add3A_21 = arith.addf %mul3A_16, %add3A_20 : vector<1000x64xf32>
    %swap3A = arith.constant 0 : index
    %swap3A_22 = arith.constant 0 : index
    %swap3A_23 = vector.load %arg5[%swap3A, %swap3A_22] : memref<1000x64xf32, #tpu.memory_space<vmem>>, vector<1000x64xf32>
    tpu.vector_store %arg5[%swap3A, %swap3A_22], %add3A_21 {strides = array<i32>} : memref<1000x64xf32, #tpu.memory_space<vmem>>, vector<1000x64xf32>,
    return
  }
  func.func @transform_0(%arg0: i32) -> (i32, i32, i32) {
    %c0_i32 = arith.constant 0 : i32
    %c0_i32_0 = arith.constant 0 : i32
    %c0_i32_1 = arith.constant 0 : i32
    return %c0_i32, %arg0, %c0_i32_0 : i32, i32, i32
  }
  func.func @transform_1(%arg0: i32) -> (i32, i32) {
    %c0_i32 = arith.constant 0 : i32
    %c0_i32_0 = arith.constant 0 : i32
    return %arg0, %c0_i32 : i32, i32
  }
  func.func @transform_2(%arg0: i32) -> (i32, i32) {
    %c0_i32 = arith.constant 0 : i32
    %c0_i32_0 = arith.constant 0 : i32
    return %arg0, %c0_i32 : i32, i32
  }
  func.func @transform_3(%arg0: i32) -> (i32, i32) {
    %c0_i32 = arith.constant 0 : i32
    %c0_i32_0 = arith.constant 0 : i32
    %c0_i32_1 = arith.constant 0 : i32
    return %c0_i32, %c0_i32_0 : i32, i32
  }
  func.func @transform_4(%arg0: i32) -> (i32, i32) {
    %c0_i32 = arith.constant 0 : i32
    %c0_i32_0 = arith.constant 0 : i32
    return %arg0, %c0_i32 : i32, i32
  }
}

</mosaic_0001>

<sc_bundles>
// kernel: kernel.13.cloned.1.call-start
scs
__scs_entry_jumppad:
0x0: {  	(pc) =	sbr.rel $0x88, $3  }
0x1: {  	(tag) =	ssettag $0x0;
	lr =	simm.s32 $0x1  }
0x2: {  	[smem:$0x3F95] =	sst lr;
	_ =	strace $0xD0000000  }
0x3: {  	_ = 	snop  }
0x4: {  	_ = 	snop  }
0x5: {  	_ = 	snop  }
0x6: {  	_ = 	snop  }
0x7: {  	_ = 	snop  }
__scs_overlays_trampoline_lowered:
0x8: {  	[smem:$0x3FA4] =	sst s0  }
0x9: {  	[smem:$0x3FA5] =	sst s1  }
0xa: {  	[smem:$0x3FA6] =	sst s2  }
0xb: {  	[smem:$0x3FA7] =	sst s3  }
0xc: {  	[smem:$0x3FA8] =	sst s4  }
0xd: {  	[smem:$0x3FA9] =	sst s5  }
0xe: {  	[smem:$0x3FAA] =	sst s6  }
0xf: {  	[smem:$0x3FAB] =	sst s7  }
0x10: {  	[smem:$0x3FAC] =	sst s8  }
0x11: {  	[smem:$0x3FAD] =	sst s9;
	s0 =	simm.s32 @!p0 $0x0  }
0x12: {  	s1 =	sld [smem:$0x3F93];
	s0 =	simm.s32 @p0 $0x1  }
0x13: {  	[smem:$0x3FAE] =	sst s0;
	s0 =	simm.s32 @!p1 $0x0  }
0x14: {  	s2 =	sld [smem:$0x3F92];
	s0 =	simm.s32 @p1 $0x1  }
0x15: {  	[smem:$0x3FAF] =	sst s0;
	s0 =	simm.s32 @!p2 $0x0  }
0x16: {  	s3 =	sld [smem:$0x3FDB];
	s0 =	simm.s32 @p2 $0x1  }
0x17: {  	s4 =	simm.s32 $0x1BF5;
	[smem:$0x3FB1] =	sst s0  }
0x18: {  	s0 =	sld [smem:$0x3F94];
	_ =	swait.ge [sflag:s4], $0x0  }
0x19: {  	s7 =	sld [smem:$0x3F95]  }
0x1a: {  	s8 =	sadd.s32 $0xFFFFE003, lr  }
0x1b: {  	s9 =	sadd.s32 $0xFFFFFEF7, lr;
	s5 =	simm.s32 $0xFFFFFFFF;
	p2 =	slt.u32 s8, $0xFFFFF086  }
0x1c: {  	p1 =	slt.u32 s9, $0xF7A;
	s5 =	simm.s32 @!p2 $0x0  }
0x1d: {  	s5 =	simm.s32 @p1 $0x1;
	p0 =	seq.s32 s7, s2  }
0x1e: {  	s7 =	smul.u32 @!p0 $0xF7A, s2;
	p2 =	seq.s32 @!p0 s5, $0x0  }
0x1f: {  	s9 =	smul.u32 $0xF7A, s1;
	s8 =	simm.s32 @!p0 $0x1BF5;
	p2 =	por !p2, p0  }
0x20: {  	[sflag:s8] =	ssyncset.s32 @!p0 $0xFFFFF086;
	s6 =	sadd.s32 @!p0 s3, s7;
	s7 =	simm.s32 @!p0 $0x108  }
0x21: {  	s3 =	sadd.s32 s3, s9;
	s6 =	sadd.s32 @!p0 $0x88, s6;
	s7 =	simm.s32 @p2 $0x1082  }
0x22: {  	[simem:s7], [sflag:s8] =	dma.local @!p0 [hbm:s6], $0xF7A  }
0x23: {  	s9 =	sor.u32 $0xD0000000, s2;
	s6 =	simm.s32 $0x108;
	_ =	swait.ge @!p0 [sflag:s8], $0x0  }
0x24: {  	s3 =	sadd.s32 $0x88, s3;
	s6 =	simm.s32 @!p1 $0x1082;
	[sflag:s4] =	ssyncset.s32 $0xFFFFF086  }
0x25: {  	[simem:s6], [sflag:s4] =	dma.local [hbm:s3], $0xF7A  }
0x26: {  	[smem:$0x3F95] =	sst s1;
	(tag) =	ssettag s2;
	_ =	strace s9  }
0x27: {  	s1 =	sld [smem:$0x3FA5]  }
0x28: {  	s2 =	sld [smem:$0x3FA6]  }
0x29: {  	s4 =	sld [smem:$0x3FA8]  }
0x2a: {  	p0 =	seq.s32 s5, $0x0;
	s5 =	sld [smem:$0x3FA9]  }
0x2b: {  	s6 =	sld [smem:$0x3FAA]  }
0x2c: {  	s7 =	sld [smem:$0x3FAB]  }
0x2d: {  	s3 =	simm.s32 $0x108;
	s8 =	sld [smem:$0x3FAC]  }
0x2e: {  	s3 =	simm.s32 @!p0 $0x1082;
	s9 =	sld [smem:$0x3FAD]  }
0x2f: {  	lr =	sadd.s32 s0, s3;
	s0 =	sld [smem:$0x3FA4]  }
0x30: {  	s3 =	sld [smem:$0x3FA7]  }
0x31: {  	[smem:$0x3FB0] =	sst s10  }
0x32: {  	s10 =	sld [smem:$0x3FAE];
	_ =	sdelay $0x3  }
0x33: {  	p0 =	seq.s32 s10, $0x1;
	s10 =	sld [smem:$0x3FB0];
	_ =	sdelay $0x3  }
0x34: {  	[smem:$0x3FB0] =	sst s10  }
0x35: {  	s10 =	sld [smem:$0x3FAF];
	_ =	sdelay $0x3  }
0x36: {  	p1 =	seq.s32 s10, $0x1;
	s10 =	sld [smem:$0x3FB0];
	_ =	sdelay $0x3  }
0x37: {  	[smem:$0x3FB0] =	sst s10  }
0x38: {  	s10 =	sld [smem:$0x3FB1]  }
0x39: {  	_ = 	snop;
	(pc) =	sbr.ind lr, $3  }
0x3a: {  	_ = 	snop  }
0x3b: {  	_ = 	snop  }
0x3c: {  	p2 =	seq.s32 s10, $0x1;
	s10 =	sld [smem:$0x3FB0]  }
0x3d: {  	_ =	shalt  }
0x3e: {  	_ =	shalt  }
0x3f: {  	_ =	shalt  }
0x40: {  	_ =	shalt  }
0x41: {  	_ =	shalt  }
0x42: {  	_ =	shalt  }
0x43: {  	_ =	shalt  }
0x44: {  	_ =	shalt  }
0x45: {  	_ =	shalt  }
0x46: {  	_ =	shalt  }
0x47: {  	_ =	shalt  }
0x48: {  	_ =	shalt  }
0x49: {  	_ =	shalt  }
0x4a: {  	_ =	shalt  }
0x4b: {  	_ =	shalt  }
0x4c: {  	_ =	shalt  }
0x4d: {  	_ =	shalt  }
0x4e: {  	_ =	shalt  }
0x4f: {  	_ =	shalt  }
0x50: {  	_ =	shalt  }
0x51: {  	_ =	shalt  }
0x52: {  	_ =	shalt  }
0x53: {  	_ =	shalt  }
0x54: {  	_ =	shalt  }
0x55: {  	_ =	shalt  }
0x56: {  	_ =	shalt  }
0x57: {  	_ =	shalt  }
0x58: {  	_ =	shalt  }
0x59: {  	_ =	shalt  }
0x5a: {  	_ =	shalt  }
0x5b: {  	_ =	shalt  }
0x5c: {  	_ =	shalt  }
0x5d: {  	_ =	shalt  }
0x5e: {  	_ =	shalt  }
0x5f: {  	_ =	shalt  }
0x60: {  	_ =	shalt  }
0x61: {  	_ =	shalt  }
0x62: {  	_ =	shalt  }
0x63: {  	_ =	shalt  }
0x64: {  	_ =	shalt  }
0x65: {  	_ =	shalt  }
0x66: {  	_ =	shalt  }
0x67: {  	_ =	shalt  }
0x68: {  	_ =	shalt  }
0x69: {  	_ =	shalt  }
0x6a: {  	_ =	shalt  }
0x6b: {  	_ =	shalt  }
0x6c: {  	_ =	shalt  }
0x6d: {  	_ =	shalt  }
0x6e: {  	_ =	shalt  }
0x6f: {  	_ =	shalt  }
0x70: {  	_ =	shalt  }
0x71: {  	_ =	shalt  }
0x72: {  	_ =	shalt  }
0x73: {  	_ =	shalt  }
0x74: {  	_ =	shalt  }
0x75: {  	_ =	shalt  }
0x76: {  	_ =	shalt  }
0x77: {  	_ =	shalt  }
0x78: {  	_ =	shalt  }
0x79: {  	_ =	shalt  }
0x7a: {  	_ =	shalt  }
0x7b: {  	_ =	shalt  }
0x7c: {  	_ =	shalt  }
0x7d: {  	_ =	shalt  }
0x7e: {  	_ =	shalt  }
0x7f: {  	_ =	shalt  }
0x80: {  	_ =	shalt  }
0x81: {  	_ =	shalt  }
0x82: {  	_ =	shalt  }
0x83: {  	_ =	shalt  }
0x84: {  	_ =	shalt  }
0x85: {  	_ =	shalt  }
0x86: {  	_ =	shalt  }
0x87: {  	_ =	shalt  }
.Lfunc_end0:
.L_simem_size_0:
called_computation_lowered:
.L_overlay_start_0:
0x88: {  	s2 =	sld [smem:$0x3FD9]  }
0x89: {  	s3 =	sld [smem:$0x3FFE];
	_ =	sdelay $0x1  }
0x8a: {  	s1 =	srdreg.scid  }
0x8b: {  	s0 =	sand.u32 $0x1, s1  }
0x8c: {  	s17 =	sshll.u32 s0, $0xA;
	s2 =	sadd.s32 s3, s2  }
0x8d: {  	s2 =	sadd.s32 s2, s17  }
0x8e: {  	[smem:$0x3FBC] =	sst s2  }
0x8f: {  	_ = 	snop  }
0x90: {  	s2 =	sld [smem:$0x3FD0];
	(tm) =	ssettm $0x1  }
0x91: {  	s18 =	sld [smem:$0x3FFB];
	_ =	sdelay $0x3  }
0x92: {  	_ =	strace s18  }
0x93: {  	s3 =	sld [smem:$0x3FFC];
	_ =	sdelay $0x3  }
0x94: {  	_ =	strace s3  }
0x95: {  	s3 =	sld [smem:$0x3FFD];
	_ =	sdelay $0x3  }
0x96: {  	_ =	strace s3  }
0x97: {  	_ =	strace $0x8FFFFFFF  }
0x98: {  	s19 =	sld [smem:$0x3FDB];
	_ =	sdelay $0x1  }
0x99: {  	s4 =	simm.s32 $_scs_section_size  }
0x9a: {  	s5 =	simm.s32 $_size__tile_overlayer_lowered;
	s6 =	simm.s32 $_tile_overlayer_lowered  }
0x9b: {  	s22 =	simm.s32 $0x1BFF;
	s21 =	sshll.u32 s6, $0x1;
	s3 =	sadd.s32 s4, s19  }
0x9c: {  	s7 =	simm.s32 $0x0;
	s20 =	sshll.u32 s5, $0x1;
	s5 =	sadd.s32 s21, s3  }
0x9d: {  	[timem:s7], [sflag:s22] =	dma.local [hbm:s5], s20  }
0x9e: {  	_ =	swait.ge [sflag:s22], s20  }
0x9f: {  	s4 =	ssub.s32 $0x0, s20;
	[sflag:s22] =	ssyncset.done $0x0  }
0xa0: {  	[sflag:s22] =	ssyncadd.s32 s4;
	_ =	sdelay $0x1  }
0xa1: {  	s23 =	simm.s32 $0x1B8B  }
0xa2: {  	_ =	swait.ge [sflag:s23], $0x1  }
0xa3: {  	[sflag:s23] =	ssyncset.done $0x0  }
0xa4: {  	s25 =	simm.s32 $0x1B8E;
	s24 =	sld [smem:$0x3FFE];
	[sflag:s23] =	ssyncadd.s32 $0xFFFFFFFF  }
0xa5: {  	s26 =	simm.s32 $execute0_lowered;
	[smem:$0x3FD2] =	sst s25  }
0xa6: {  	s5 =	sshll.u32 s26, $0x1;
	_ =	strace $0x80000046;
	[dreg:$0x1] =	wrdreg $0xFFFFFFFF  }
0xa7: {  	s28 =	simm.s32 $_size_execute0_lowered;
	s3 =	sadd.s32 s3, s5;
	[dreg:$0x0] =	wrdreg $0x0  }
0xa8: {  	s5 =	sshll.u32 s28, $0x1;
	[dreg:$0x2] =	wrdreg s3  }
0xa9: {  	[dreg:$0x3] =	wrdreg s5  }
0xaa: {  	[dreg:$0x4] =	wrdreg $0xC0  }
0xab: {  	_ =	task [dreg:s7], $0x5FFFF  }
0xac: {  	[dreg:$0x1] =	wrdreg $0xFFFFFFFF  }
0xad: {  	[dreg:$0x0] =	wrdreg $0x60  }
0xae: {  	[dreg:$0x2] =	wrdreg s2  }
0xaf: {  	[dreg:$0x3] =	wrdreg s24  }
0xb0: {  	[dreg:$0x4] =	wrdreg $0x2B000  }
0xb1: {  	[dreg:$0x5] =	wrdreg $0x9  }
0xb2: {  	_ =	task.clear_ibuf [dreg:s7], $0x6FFFF;
	_ =	strace $0x90000046  }
0xb3: {  	s29 =	simm.s32 $0x9;
	_ =	strace $0x80000048  }
0xb4: {  	_ =	swait.ge [sflag:s29], $0x1  }
0xb5: {  	[sflag:s29] =	ssyncadd.s32 $0xFFFFFFFF  }
0xb6: {  	_ =	strace $0x90000048  }
0xb7: {  	_ =	sfence  }
0xb8: {  	s30 =	sld [smem:$0x0];
	_ =	sdelay $0x2  }
0xb9: {  	s31 =	sshll.u32 s1, $0xD;
	s1 =	sshrl.u32 s1, $0x2  }
0xba: {  	s3 =	sand.u32 $0x4000, s31;
	s1 =	sadd.s32 s1, s30  }
0xbb: {  	s0 =	sor.u32 s3, s0;
	s1 =	sshll.u32 s1, $0x11  }
0xbc: {  	s0 =	sor.u32 s1, s0  }
0xbd: {  	s0 =	sadd.s32 $0x8F2B, s0  }
0xbe: {  	[sflag:s0] =	ssyncadd.remote.s32 $0x1  }
0xbf: {  	_ =	sfence.sel $0xFFFF  }
0xc0: {  	[dreg:$0x0] =	wrdreg $0xFFFFFFFF;
	(pc) =	sbr.abs _section_cstart, $3  }
0xc1: {  	[dreg:$0x1] =	wrdreg $0xFFFFFFFF  }
0xc2: {  	_ =	task.clear_ibuf [dreg:s7], $0x2FFFF;
	_ =	strace $0x9FFFFFFF  }
0xc3: {  	(tm) =	ssettm $0x7FFFFFFF  }
tec
execute0_lowered:
.L_overlay_start_1:
0x0: {  	(tag) =	ssettag $0x1  }
0x1: {  	s4 =	rddreg [dreg:$0x0]  }
0x2: {  	s7 =	rddreg [dreg:$0x1]  }
0x3: {  	s1 =	rddreg [dreg:$0x2]  }
0x4: {  	s2 =	srdreg.scid;
	s0 =	rddreg [dreg:$0x3]  }
0x5: {  	s3 =	simm.s32 $0x0;
	s11 =	simm.s32 $0x2800;
	s5 =	sand.u32 $0x1, s2  }
0x6: {  	s12 =	simm.s32 $0x0;
	s2 =	stileid.u32;
	s6 =	smul.u32 $0x28000, s5  }
0x7: {  	[smem:$0x7FF] =	sst s3;
	s8 =	ssub.s32 $0x2, s5;
	s9 =	smul.u32 $0x2800, s2  }
0x8: {  	_ =	strace $0x80000047;
	s31 =	smul.u32 $0x280, s2;
	s10 =	sshrl.u32 s8, $0x1  }
0x9: {  	p0 =	seq.s32 s5, $0x1;
	s8 =	ssub.s32 s8, s10;
	s6 =	sadd.s32 s9, s6  }
0xa: {  	s10 =	simm.s32 $0x4800;
	s5 =	sadd.s32 s31, s1;
	s6 =	sshrl.u32 s6, $0x3  }
0xb: {  	s9 =	sshrl.u32 s31, $0x3;
	s10 =	simm.s32 @!p0 $0x4200;
	s4 =	sadd.s32 s4, s6  }
0xc: {  	s6 =	smax.u32 s8, $0x1;
	s7 =	sadd.s32 s10, s7;
	s8 =	simm.s32 $0x1  }
0xd: {  	v0 =	vimm.f32 $1.000000000e+00;
	v1 =	vimm.f32 $0.0e+00;
	s10 =	simm.s32 $0x80;
	s7 =	sadd.s32 s7, s9;
	s9 =	simm.s32 $0x2880  }
.LBB2_1:
0xe: {  	[tilespmem:s3], [sflag:$0x1] =	stream.linear.gather [hbm4b:s4+s3], $0x2780, $0x38;
	[tilespmem:$0x2D80] =	vst v63  }
0xf: {  	_ =	swait.ge [sflag:s8], $0x2780  }
0x10: {  	[sflag:s8] =	ssyncset.done $0x0  }
0x11: {  	[sflag:s8] =	ssyncadd.s32 $0xFFFFD880  }
0x12: {  	[tilespmem:$0x2800] =	vst v0  }
0x13: {  	[tilespmem:$0x2810] =	vst v0  }
0x14: {  	[tilespmem:$0x2820] =	vst v0  }
0x15: {  	[tilespmem:$0x2830] =	vst v0  }
0x16: {  	[tilespmem:$0x2840] =	vst v0  }
0x17: {  	[tilespmem:$0x2850] =	vst v0  }
0x18: {  	[tilespmem:$0x2860] =	vst v0  }
0x19: {  	[tilespmem:$0x2870] =	vst v0  }
0x1a: {  	[tilespmem:$0x2880] =	vst v1  }
0x1b: {  	[tilespmem:$0x2890] =	vst v1  }
0x1c: {  	[tilespmem:$0x28A0] =	vst v1  }
0x1d: {  	[tilespmem:$0x28B0] =	vst v1  }
0x1e: {  	[tilespmem:$0x28C0] =	vst v1  }
0x1f: {  	[tilespmem:$0x28D0] =	vst v1  }
0x20: {  	[tilespmem:$0x28E0] =	vst v1  }
0x21: {  	[tilespmem:$0x28F0] =	vst v1  }
0x22: {  	[tilespmem:$0x2900] =	vst v1  }
0x23: {  	[tilespmem:$0x2910] =	vst v1  }
0x24: {  	[tilespmem:$0x2920] =	vst v1  }
0x25: {  	[tilespmem:$0x2930] =	vst v1  }
0x26: {  	[tilespmem:$0x2940] =	vst v1  }
0x27: {  	[tilespmem:$0x2950] =	vst v1  }
0x28: {  	[tilespmem:$0x2960] =	vst v1  }
0x29: {  	[tilespmem:$0x2970] =	vst v1  }
0x2a: {  	[tilespmem:$0x2980] =	vst v1  }
0x2b: {  	[tilespmem:$0x2990] =	vst v1  }
0x2c: {  	[tilespmem:$0x29A0] =	vst v1  }
0x2d: {  	[tilespmem:$0x29B0] =	vst v1  }
0x2e: {  	[tilespmem:$0x29C0] =	vst v1  }
0x2f: {  	[tilespmem:$0x29D0] =	vst v1  }
0x30: {  	[tilespmem:$0x29E0] =	vst v1  }
0x31: {  	[tilespmem:$0x29F0] =	vst v1  }
0x32: {  	[tilespmem:$0x2A00] =	vst v1  }
0x33: {  	[tilespmem:$0x2A10] =	vst v1  }
0x34: {  	[tilespmem:$0x2A20] =	vst v1  }
0x35: {  	[tilespmem:$0x2A30] =	vst v1  }
0x36: {  	[tilespmem:$0x2A40] =	vst v1  }
0x37: {  	[tilespmem:$0x2A50] =	vst v1  }
0x38: {  	[tilespmem:$0x2A60] =	vst v1  }
0x39: {  	[tilespmem:$0x2A70] =	vst v1  }
0x3a: {  	[tilespmem:$0x2A80] =	vst v1  }
0x3b: {  	[tilespmem:$0x2A90] =	vst v1  }
0x3c: {  	[tilespmem:$0x2AA0] =	vst v1  }
0x3d: {  	[tilespmem:$0x2AB0] =	vst v1  }
0x3e: {  	[tilespmem:$0x2AC0] =	vst v1  }
0x3f: {  	[tilespmem:$0x2AD0] =	vst v1  }
0x40: {  	[tilespmem:$0x2AE0] =	vst v1  }
0x41: {  	[tilespmem:$0x2AF0] =	vst v1  }
0x42: {  	[spmem:s5] =	stream.linear.scatter [tilespmem:s9], [sflag:$0x1], $0x280, $0x38;
	[tilespmem:$0x2D80] =	vst v63  }
0x43: {  	_ =	swait.ge [sflag:s8], $0x280  }
0x44: {  	[sflag:s8] =	ssyncset.done $0x0  }
0x45: {  	[sflag:s8] =	ssyncadd.s32 $0xFFFFFD80  }
0x46: {  	s13 =	simm.s32 $0x0;
	[bflag:$0x0] =	sbarrier.arrive $0xFFFF  }
0x47: {  	[spmem:s1] =	stream.indirect.scatter.add.f32 [tilespmem:s11], [sflag:$0x1], $0x1, s13, s10, $0xb8;
	[tilespmem:$0x2D80] =	vst v63  }
0x48: {  	_ =	swait.ge [sflag:s8], $0x80  }
0x49: {  	s13 =	simm.s32 $0x200;
	[sflag:s8] =	ssyncset.done $0x0  }
.LBB2_2:
0x4a: {  	s14 =	sshra.s32 s13, $0x2;
	[sflag:s8] =	ssyncadd.s32 $0xFFFFFF80;
	p0 =	sne.s32 s13, $0x9C00  }
0x4b: {  	[spmem:s1] =	stream.indirect.scatter.add.f32 [tilespmem:s11], [sflag:$0x1], $0x1, s14, s10, $0xb8;
	[tilespmem:$0x2D80] =	vst v63  }
.Ltmp0:
0x4c: {  	_ = 	snop;
	(pc) =	sbr.rel @p0 .LBB2_2-.Ltmp0, $4  }
0x4d: {  	_ = 	snop  }
0x4e: {  	s13 =	sadd.s32 $0x200, s13  }
0x4f: {  	_ =	swait.ge [sflag:s8], $0x80  }
0x50: {  	[sflag:s8] =	ssyncset.done $0x0  }
0x51: {  	[sflag:s8] =	ssyncadd.s32 $0xFFFFFF80  }
0x52: {  	[bflag:$0x0] =	sbarrier.arrive $0xFFFF  }
0x53: {  	[tilespmem:s9], [sflag:$0x1] =	stream.linear.gather [spmem:s5], $0x280, $0x38;
	[tilespmem:$0x2D80] =	vst v63  }
0x54: {  	s12 =	sadd.s32 $0x1, s12;
	_ =	swait.ge [sflag:s8], $0x280  }
0x55: {  	p0 =	sne.s32 s12, s6;
	[sflag:s8] =	ssyncset.done $0x0  }
.Ltmp1:
0x56: {  	[sflag:s8] =	ssyncadd.s32 $0xFFFFFD80;
	(pc) =	sbr.rel @p0 .LBB2_1-.Ltmp1, $4  }
0x57: {  	[hbm4b:s7+s3] =	stream.linear.scatter [tilespmem:s9], [sflag:$0x1], $0x280, $0x38;
	[tilespmem:$0x2D80] =	vst v63  }
0x58: {  	_ =	swait.ge [sflag:s8], $0x280  }
0x59: {  	[sflag:s8] =	ssyncset.done $0x0  }
0x5a: {  	[sflag:s8] =	ssyncadd.s32 $0xFFFFFD80  }
0x5b: {  	_ =	sfence.sel $0x180000  }
0x5c: {  	[bflag:$0x0] =	sbarrier.arrive $0xFFFF  }
0x5d: {  	p0 =	sne.s32 s2, $0x0;
	_ =	strace $0x90000047  }
0x5e: {  	s0 =	sadd.s32 @!p0 $0x100000, s0;
	[bflag:$0x2] =	sbarrier.arrive $0xFFFF  }
0x5f: {  	[sflag:s0] =	ssyncadd.tile.s32 @!p0 $0x1;
	_ =	shalt  }
.Lfunc_end2:
_tile_overlayer_lowered:
.L_overlay_start_2:
0x60: {  	(tag) =	ssettag $0x2  }
0x61: {  	s0 =	rddreg [dreg:$0x0];
	s2 =	stileid.u32  }
0x62: {  	s1 =	rddreg [dreg:$0x1];
	p0 =	sne.s32 s2, $0x0  }
0x63: {  	s3 =	rddreg [dreg:$0x2];
	[bflag:$0x3] =	sbarrier.arrive $0xFFFF;
	s2 =	simm.s32 @!p0 $0x1C01  }
0x64: {  	[timem:s3], [sflag:s2] =	dma.local @!p0 [hbm:s0], s1  }
0x65: {  	s0 =	simm.s32 @!p0 $0x1  }
0x66: {  	_ =	swait.ge @!p0 [sflag:s0], s1  }
0x67: {  	s1 =	ssub.s32 @!p0 $0x0, s1;
	[sflag:s0] =	ssyncset.done @!p0 $0x0  }
0x68: {  	[sflag:s0] =	ssyncadd.s32 @!p0 s1  }
0x69: {  	[bflag:$0x3] =	sbarrier.arrive $0xFFFF  }
0x6a: {  	_ =	shalt  }

// kernel: kernel.16.cloned.1.call-start
scs
__scs_entry_jumppad:
0x0: {  	(pc) =	sbr.rel $0x88, $3  }
0x1: {  	(tag) =	ssettag $0x0;
	lr =	simm.s32 $0x1  }
0x2: {  	[smem:$0x3F95] =	sst lr;
	_ =	strace $0xD0000000  }
0x3: {  	_ = 	snop  }
0x4: {  	_ = 	snop  }
0x5: {  	_ = 	snop  }
0x6: {  	_ = 	snop  }
0x7: {  	_ = 	snop  }
__scs_overlays_trampoline_lowered:
0x8: {  	[smem:$0x3FA4] =	sst s0  }
0x9: {  	[smem:$0x3FA5] =	sst s1  }
0xa: {  	[smem:$0x3FA6] =	sst s2  }
0xb: {  	[smem:$0x3FA7] =	sst s3  }
0xc: {  	[smem:$0x3FA8] =	sst s4  }
0xd: {  	[smem:$0x3FA9] =	sst s5  }
0xe: {  	[smem:$0x3FAA] =	sst s6  }
0xf: {  	[smem:$0x3FAB] =	sst s7  }
0x10: {  	[smem:$0x3FAC] =	sst s8  }
0x11: {  	[smem:$0x3FAD] =	sst s9;
	s0 =	simm.s32 @!p0 $0x0  }
0x12: {  	s1 =	sld [smem:$0x3F93];
	s0 =	simm.s32 @p0 $0x1  }
0x13: {  	[smem:$0x3FAE] =	sst s0;
	s0 =	simm.s32 @!p1 $0x0  }
0x14: {  	s2 =	sld [smem:$0x3F92];
	s0 =	simm.s32 @p1 $0x1  }
0x15: {  	[smem:$0x3FAF] =	sst s0;
	s0 =	simm.s32 @!p2 $0x0  }
0x16: {  	s3 =	sld [smem:$0x3FDB];
	s0 =	simm.s32 @p2 $0x1  }
0x17: {  	s4 =	simm.s32 $0x1BF5;
	[smem:$0x3FB1] =	sst s0  }
0x18: {  	s0 =	sld [smem:$0x3F94];
	_ =	swait.ge [sflag:s4], $0x0  }
0x19: {  	s7 =	sld [smem:$0x3F95]  }
0x1a: {  	s8 =	sadd.s32 $0xFFFFE003, lr  }
0x1b: {  	s9 =	sadd.s32 $0xFFFFFEF7, lr;
	s5 =	simm.s32 $0xFFFFFFFF;
	p2 =	slt.u32 s8, $0xFFFFF086  }
0x1c: {  	p1 =	slt.u32 s9, $0xF7A;
	s5 =	simm.s32 @!p2 $0x0  }
0x1d: {  	s5 =	simm.s32 @p1 $0x1;
	p0 =	seq.s32 s7, s2  }
0x1e: {  	s7 =	smul.u32 @!p0 $0xF7A, s2;
	p2 =	seq.s32 @!p0 s5, $0x0  }
0x1f: {  	s9 =	smul.u32 $0xF7A, s1;
	s8 =	simm.s32 @!p0 $0x1BF5;
	p2 =	por !p2, p0  }
0x20: {  	[sflag:s8] =	ssyncset.s32 @!p0 $0xFFFFF086;
	s6 =	sadd.s32 @!p0 s3, s7;
	s7 =	simm.s32 @!p0 $0x108  }
0x21: {  	s3 =	sadd.s32 s3, s9;
	s6 =	sadd.s32 @!p0 $0x88, s6;
	s7 =	simm.s32 @p2 $0x1082  }
0x22: {  	[simem:s7], [sflag:s8] =	dma.local @!p0 [hbm:s6], $0xF7A  }
0x23: {  	s9 =	sor.u32 $0xD0000000, s2;
	s6 =	simm.s32 $0x108;
	_ =	swait.ge @!p0 [sflag:s8], $0x0  }
0x24: {  	s3 =	sadd.s32 $0x88, s3;
	s6 =	simm.s32 @!p1 $0x1082;
	[sflag:s4] =	ssyncset.s32 $0xFFFFF086  }
0x25: {  	[simem:s6], [sflag:s4] =	dma.local [hbm:s3], $0xF7A  }
0x26: {  	[smem:$0x3F95] =	sst s1;
	(tag) =	ssettag s2;
	_ =	strace s9  }
0x27: {  	s1 =	sld [smem:$0x3FA5]  }
0x28: {  	s2 =	sld [smem:$0x3FA6]  }
0x29: {  	s4 =	sld [smem:$0x3FA8]  }
0x2a: {  	p0 =	seq.s32 s5, $0x0;
	s5 =	sld [smem:$0x3FA9]  }
0x2b: {  	s6 =	sld [smem:$0x3FAA]  }
0x2c: {  	s7 =	sld [smem:$0x3FAB]  }
0x2d: {  	s3 =	simm.s32 $0x108;
	s8 =	sld [smem:$0x3FAC]  }
0x2e: {  	s3 =	simm.s32 @!p0 $0x1082;
	s9 =	sld [smem:$0x3FAD]  }
0x2f: {  	lr =	sadd.s32 s0, s3;
	s0 =	sld [smem:$0x3FA4]  }
0x30: {  	s3 =	sld [smem:$0x3FA7]  }
0x31: {  	[smem:$0x3FB0] =	sst s10  }
0x32: {  	s10 =	sld [smem:$0x3FAE];
	_ =	sdelay $0x3  }
0x33: {  	p0 =	seq.s32 s10, $0x1;
	s10 =	sld [smem:$0x3FB0];
	_ =	sdelay $0x3  }
0x34: {  	[smem:$0x3FB0] =	sst s10  }
0x35: {  	s10 =	sld [smem:$0x3FAF];
	_ =	sdelay $0x3  }
0x36: {  	p1 =	seq.s32 s10, $0x1;
	s10 =	sld [smem:$0x3FB0];
	_ =	sdelay $0x3  }
0x37: {  	[smem:$0x3FB0] =	sst s10  }
0x38: {  	s10 =	sld [smem:$0x3FB1]  }
0x39: {  	_ = 	snop;
	(pc) =	sbr.ind lr, $3  }
0x3a: {  	_ = 	snop  }
0x3b: {  	_ = 	snop  }
0x3c: {  	p2 =	seq.s32 s10, $0x1;
	s10 =	sld [smem:$0x3FB0]  }
0x3d: {  	_ =	shalt  }
0x3e: {  	_ =	shalt  }
0x3f: {  	_ =	shalt  }
0x40: {  	_ =	shalt  }
0x41: {  	_ =	shalt  }
0x42: {  	_ =	shalt  }
0x43: {  	_ =	shalt  }
0x44: {  	_ =	shalt  }
0x45: {  	_ =	shalt  }
0x46: {  	_ =	shalt  }
0x47: {  	_ =	shalt  }
0x48: {  	_ =	shalt  }
0x49: {  	_ =	shalt  }
0x4a: {  	_ =	shalt  }
0x4b: {  	_ =	shalt  }
0x4c: {  	_ =	shalt  }
0x4d: {  	_ =	shalt  }
0x4e: {  	_ =	shalt  }
0x4f: {  	_ =	shalt  }
0x50: {  	_ =	shalt  }
0x51: {  	_ =	shalt  }
0x52: {  	_ =	shalt  }
0x53: {  	_ =	shalt  }
0x54: {  	_ =	shalt  }
0x55: {  	_ =	shalt  }
0x56: {  	_ =	shalt  }
0x57: {  	_ =	shalt  }
0x58: {  	_ =	shalt  }
0x59: {  	_ =	shalt  }
0x5a: {  	_ =	shalt  }
0x5b: {  	_ =	shalt  }
0x5c: {  	_ =	shalt  }
0x5d: {  	_ =	shalt  }
0x5e: {  	_ =	shalt  }
0x5f: {  	_ =	shalt  }
0x60: {  	_ =	shalt  }
0x61: {  	_ =	shalt  }
0x62: {  	_ =	shalt  }
0x63: {  	_ =	shalt  }
0x64: {  	_ =	shalt  }
0x65: {  	_ =	shalt  }
0x66: {  	_ =	shalt  }
0x67: {  	_ =	shalt  }
0x68: {  	_ =	shalt  }
0x69: {  	_ =	shalt  }
0x6a: {  	_ =	shalt  }
0x6b: {  	_ =	shalt  }
0x6c: {  	_ =	shalt  }
0x6d: {  	_ =	shalt  }
0x6e: {  	_ =	shalt  }
0x6f: {  	_ =	shalt  }
0x70: {  	_ =	shalt  }
0x71: {  	_ =	shalt  }
0x72: {  	_ =	shalt  }
0x73: {  	_ =	shalt  }
0x74: {  	_ =	shalt  }
0x75: {  	_ =	shalt  }
0x76: {  	_ =	shalt  }
0x77: {  	_ =	shalt  }
0x78: {  	_ =	shalt  }
0x79: {  	_ =	shalt  }
0x7a: {  	_ =	shalt  }
0x7b: {  	_ =	shalt  }
0x7c: {  	_ =	shalt  }
0x7d: {  	_ =	shalt  }
0x7e: {  	_ =	shalt  }
0x7f: {  	_ =	shalt  }
0x80: {  	_ =	shalt  }
0x81: {  	_ =	shalt  }
0x82: {  	_ =	shalt  }
0x83: {  	_ =	shalt  }
0x84: {  	_ =	shalt  }
0x85: {  	_ =	shalt  }
0x86: {  	_ =	shalt  }
0x87: {  	_ =	shalt  }
.Lfunc_end0:
.L_simem_size_0:
called_computation.1_lowered:
.L_overlay_start_0:
0x88: {  	s2 =	sld [smem:$0x3FD9]  }
0x89: {  	s3 =	sld [smem:$0x3FFE];
	_ =	sdelay $0x1  }
0x8a: {  	s1 =	srdreg.scid  }
0x8b: {  	s0 =	sand.u32 $0x1, s1  }
0x8c: {  	s17 =	sshll.u32 s0, $0xA;
	s2 =	sadd.s32 s3, s2  }
0x8d: {  	s2 =	sadd.s32 s2, s17  }
0x8e: {  	[smem:$0x3FBC] =	sst s2  }
0x8f: {  	_ = 	snop  }
0x90: {  	s2 =	sld [smem:$0x3FD0];
	(tm) =	ssettm $0x1  }
0x91: {  	s18 =	sld [smem:$0x3FFB];
	_ =	sdelay $0x3  }
0x92: {  	_ =	strace s18  }
0x93: {  	s3 =	sld [smem:$0x3FFC];
	_ =	sdelay $0x3  }
0x94: {  	_ =	strace s3  }
0x95: {  	s3 =	sld [smem:$0x3FFD];
	_ =	sdelay $0x3  }
0x96: {  	_ =	strace s3  }
0x97: {  	_ =	strace $0x8FFFFFFF  }
0x98: {  	s19 =	sld [smem:$0x3FDB];
	_ =	sdelay $0x1  }
0x99: {  	s4 =	simm.s32 $_scs_section_size  }
0x9a: {  	s5 =	simm.s32 $_size__tile_overlayer_lowered;
	s6 =	simm.s32 $_tile_overlayer_lowered  }
0x9b: {  	s22 =	simm.s32 $0x1BFF;
	s21 =	sshll.u32 s6, $0x1;
	s3 =	sadd.s32 s4, s19  }
0x9c: {  	s7 =	simm.s32 $0x0;
	s20 =	sshll.u32 s5, $0x1;
	s5 =	sadd.s32 s21, s3  }
0x9d: {  	[timem:s7], [sflag:s22] =	dma.local [hbm:s5], s20  }
0x9e: {  	_ =	swait.ge [sflag:s22], s20  }
0x9f: {  	s4 =	ssub.s32 $0x0, s20;
	[sflag:s22] =	ssyncset.done $0x0  }
0xa0: {  	[sflag:s22] =	ssyncadd.s32 s4;
	_ =	sdelay $0x1  }
0xa1: {  	s23 =	simm.s32 $0x1B8B  }
0xa2: {  	_ =	swait.ge [sflag:s23], $0x1  }
0xa3: {  	[sflag:s23] =	ssyncset.done $0x0  }
0xa4: {  	s25 =	simm.s32 $0x1B8E;
	s24 =	sld [smem:$0x3FFE];
	[sflag:s23] =	ssyncadd.s32 $0xFFFFFFFF  }
0xa5: {  	s26 =	simm.s32 $execute0_lowered;
	[smem:$0x3FD2] =	sst s25  }
0xa6: {  	s5 =	sshll.u32 s26, $0x1;
	_ =	strace $0x80000049;
	[dreg:$0x1] =	wrdreg $0xFFFFFFFF  }
0xa7: {  	s28 =	simm.s32 $_size_execute0_lowered;
	s3 =	sadd.s32 s3, s5;
	[dreg:$0x0] =	wrdreg $0x0  }
0xa8: {  	s5 =	sshll.u32 s28, $0x1;
	[dreg:$0x2] =	wrdreg s3  }
0xa9: {  	[dreg:$0x3] =	wrdreg s5  }
0xaa: {  	[dreg:$0x4] =	wrdreg $0xC0  }
0xab: {  	_ =	task [dreg:s7], $0x5FFFF  }
0xac: {  	[dreg:$0x1] =	wrdreg $0xFFFFFFFF  }
0xad: {  	[dreg:$0x0] =	wrdreg $0x60  }
0xae: {  	[dreg:$0x2] =	wrdreg s24  }
0xaf: {  	[dreg:$0x3] =	wrdreg s2  }
0xb0: {  	[dreg:$0x4] =	wrdreg $0x90000  }
0xb1: {  	[dreg:$0x5] =	wrdreg $0x9  }
0xb2: {  	_ =	task.clear_ibuf [dreg:s7], $0x6FFFF;
	_ =	strace $0x90000049  }
0xb3: {  	s29 =	simm.s32 $0x9;
	_ =	strace $0x8000004B  }
0xb4: {  	_ =	swait.ge [sflag:s29], $0x1  }
0xb5: {  	[sflag:s29] =	ssyncadd.s32 $0xFFFFFFFF  }
0xb6: {  	_ =	strace $0x9000004B  }
0xb7: {  	_ =	sfence  }
0xb8: {  	s30 =	sld [smem:$0x0];
	_ =	sdelay $0x2  }
0xb9: {  	s31 =	sshll.u32 s1, $0xD;
	s1 =	sshrl.u32 s1, $0x2  }
0xba: {  	s3 =	sand.u32 $0x4000, s31;
	s1 =	sadd.s32 s1, s30  }
0xbb: {  	s0 =	sor.u32 s3, s0;
	s1 =	sshll.u32 s1, $0x11  }
0xbc: {  	s0 =	sor.u32 s1, s0  }
0xbd: {  	s0 =	sadd.s32 $0x8F2B, s0  }
0xbe: {  	[sflag:s0] =	ssyncadd.remote.s32 $0x1  }
0xbf: {  	_ =	sfence.sel $0xFFFF  }
0xc0: {  	[dreg:$0x0] =	wrdreg $0xFFFFFFFF;
	(pc) =	sbr.abs _section_cstart, $3  }
0xc1: {  	[dreg:$0x1] =	wrdreg $0xFFFFFFFF  }
0xc2: {  	_ =	task.clear_ibuf [dreg:s7], $0x2FFFF;
	_ =	strace $0x9FFFFFFF  }
0xc3: {  	(tm) =	ssettm $0x7FFFFFFF  }
tec
execute0_lowered:
.L_overlay_start_1:
0x0: {  	(tag) =	ssettag $0x1  }
0x1: {  	s5 =	rddreg [dreg:$0x0]  }
0x2: {  	s6 =	rddreg [dreg:$0x1]  }
0x3: {  	s2 =	rddreg [dreg:$0x2]  }
0x4: {  	s0 =	srdreg.scid;
	s1 =	rddreg [dreg:$0x3]  }
0x5: {  	s3 =	simm.s32 $0x0;
	s15 =	simm.s32 $0x2800;
	s7 =	sand.u32 $0x1, s0  }
0x6: {  	s16 =	simm.s32 $0x5000;
	s0 =	stileid.u32;
	s4 =	smul.u32 $0x28000, s7  }
0x7: {  	s17 =	simm.s32 $0x80;
	s18 =	simm.s32 $0x1;
	s8 =	smul.u32 $0x2800, s0  }
0x8: {  	s21 =	simm.s32 $0x0;
	[smem:$0x7FF] =	sst s3;
	s9 =	smul.u32 $0x140000, s7  }
0x9: {  	s10 =	smul.u32 $0x14000, s0;
	_ =	strace $0x8000004A;
	s7 =	ssub.s32 $0x2, s7  }
0xa: {  	s30 =	smul.u32 $0x50000, s0;
	s19 =	sshll.u32 s0, $0x6;
	s12 =	sshrl.u32 s7, $0x1  }
0xb: {  	s19 =	sor.u32 $0x1C02, s19;
	s8 =	sadd.s32 s8, s4;
	s4 =	sadd.s32 $0xEE00, s5  }
0xc: {  	s9 =	sadd.s32 s10, s9;
	s14 =	ssub.s32 s7, s12;
	s31 =	sshrl.u32 s30, $0x2  }
0xd: {  	s8 =	sshrl.u32 s8, $0x3;
	s9 =	sshrl.u32 s9, $0x3;
	s7 =	sadd.s32 s31, s2  }
0xe: {  	s11 =	sadd.s32 s8, s5;
	s13 =	sadd.s32 s9, s5;
	s6 =	sadd.s32 s6, s8  }
0xf: {  	s8 =	sadd.s32 $0x4000, s7;
	s9 =	sadd.s32 $0x8000, s7;
	s10 =	sadd.s32 $0xC000, s7  }
0x10: {  	s20 =	sshrl.u32 s7, $0x3;
	s5 =	sadd.s32 $0x4E00, s11;
	s11 =	sadd.s32 $0x10000, s7  }
0x11: {  	v0 =	vimm.f32 $0.0e+00;
	s12 =	sadd.s32 $0x36000, s13;
	s13 =	smax.u32 s14, $0x1;
	s14 =	simm.s32 $0x2  }
.LBB2_1:
0x12: {  	[tilespmem:s3], [sflag:$0x2] =	stream.linear.gather [hbm4b:s5+s3], $0x2780, $0x38;
	[tilespmem:$0x1D000] =	vst v63  }
0x13: {  	_ =	swait.ge [sflag:s14], $0x2780  }
0x14: {  	[sflag:s14] =	ssyncset.done $0x0  }
0x15: {  	[sflag:s14] =	ssyncadd.s32 $0xFFFFD880  }
0x16: {  	[tilespmem:s15], [sflag:$0x2] =	stream.linear.gather [hbm4b:s6+s3], $0x2780, $0x38;
	[tilespmem:$0x1D000] =	vst v63  }
0x17: {  	_ =	swait.ge [sflag:s14], $0x2780  }
0x18: {  	[sflag:s14] =	ssyncset.done $0x0  }
0x19: {  	s22 =	simm.s32 $0x0;
	s23 =	simm.s32 $0x200;
	[sflag:s14] =	ssyncadd.s32 $0xFFFFD880  }
.LBB2_2:
0x1a: {  	p0 =	sne.s32 s23, $0xFE00;
	[tilespmem:s22+$0x5070] =	vst v0  }
0x1b: {  	[tilespmem:s22+$0x5000] =	vst v0  }
0x1c: {  	[tilespmem:s22+$0x5010] =	vst v0  }
.Ltmp0:
0x1d: {  	[tilespmem:s22+$0x5020] =	vst v0;
	(pc) =	sbr.rel @p0 .LBB2_2-.Ltmp0, $4  }
0x1e: {  	[tilespmem:s22+$0x5030] =	vst v0  }
0x1f: {  	[tilespmem:s22+$0x5040] =	vst v0  }
0x20: {  	[tilespmem:s22+$0x5050] =	vst v0  }
0x21: {  	[tilespmem:s22+$0x5060] =	vst v0;
	s22 =	sshra.s32 s23, $0x2;
	s23 =	sadd.s32 $0x200, s23  }
0x22: {  	[tilespmem:s22+$0x5070] =	vst v0  }
0x23: {  	[tilespmem:s22+$0x5000] =	vst v0  }
0x24: {  	[tilespmem:s22+$0x5010] =	vst v0  }
0x25: {  	[tilespmem:s22+$0x5020] =	vst v0  }
0x26: {  	[tilespmem:s22+$0x5030] =	vst v0  }
0x27: {  	[tilespmem:s22+$0x5040] =	vst v0  }
0x28: {  	[tilespmem:s22+$0x5050] =	vst v0  }
0x29: {  	[tilespmem:s22+$0x5060] =	vst v0  }
0x2a: {  	[spmem:s7] =	stream.linear.scatter [tilespmem:s16], [sflag:$0x2], $0x4000, $0x38;
	[tilespmem:$0x1D000] =	vst v63  }
0x2b: {  	_ =	swait.ge [sflag:s14], $0x4000  }
0x2c: {  	[sflag:s14] =	ssyncset.done $0x0  }
0x2d: {  	[sflag:s14] =	ssyncadd.s32 $0xFFFFC000  }
0x2e: {  	[spmem:s8] =	stream.linear.scatter [tilespmem:s16], [sflag:$0x2], $0x4000, $0x38;
	[tilespmem:$0x1D000] =	vst v63  }
0x2f: {  	_ =	swait.ge [sflag:s14], $0x4000  }
0x30: {  	[sflag:s14] =	ssyncset.done $0x0  }
0x31: {  	[sflag:s14] =	ssyncadd.s32 $0xFFFFC000  }
0x32: {  	[spmem:s9] =	stream.linear.scatter [tilespmem:s16], [sflag:$0x2], $0x4000, $0x38;
	[tilespmem:$0x1D000] =	vst v63  }
0x33: {  	_ =	swait.ge [sflag:s14], $0x4000  }
0x34: {  	[sflag:s14] =	ssyncset.done $0x0  }
0x35: {  	[sflag:s14] =	ssyncadd.s32 $0xFFFFC000  }
0x36: {  	[spmem:s10] =	stream.linear.scatter [tilespmem:s16], [sflag:$0x2], $0x4000, $0x38;
	[tilespmem:$0x1D000] =	vst v63  }
0x37: {  	_ =	swait.ge [sflag:s14], $0x4000  }
0x38: {  	[sflag:s14] =	ssyncset.done $0x0  }
0x39: {  	[sflag:s14] =	ssyncadd.s32 $0xFFFFC000  }
0x3a: {  	[spmem:s11] =	stream.linear.scatter [tilespmem:s16], [sflag:$0x2], $0x4000, $0x38;
	[tilespmem:$0x1D000] =	vst v63  }
0x3b: {  	_ =	swait.ge [sflag:s14], $0x4000  }
0x3c: {  	[sflag:s14] =	ssyncset.done $0x0  }
0x3d: {  	[sflag:s14] =	ssyncadd.s32 $0xFFFFC000  }
0x3e: {  	s30 =	simm.s32 $0x0;
	[bflag:$0x0] =	sbarrier.arrive $0xFFFF  }
0x3f: {  	[tilespmem:s16], [sflag:$0x1] =	stream.indirect.gather [hbm4b:s4+s17], $0x80, s30, s17, $0xb8;
	[tilespmem:$0x1D000] =	vst v63  }
0x40: {  	_ =	swait.ge [sflag:s18], $0x4000  }
0x41: {  	[sflag:s18] =	ssyncset.done $0x0  }
0x42: {  	s31 =	simm.s32 $0x2800;
	[sflag:s18] =	ssyncadd.s32 $0xFFFFC000  }
0x43: {  	[spmem:s2] =	stream.indirect.scatter.add.f32 [tilespmem:s16], [sflag:$0x2], $0x80, s31, s17, $0xb8;
	[tilespmem:$0x1D000] =	vst v63  }
0x44: {  	_ =	swait.ge [sflag:s14], $0x4000  }
0x45: {  	s22 =	simm.s32 $0x200;
	s23 =	simm.s32 $0x400;
	[sflag:s14] =	ssyncset.done $0x0  }
.LBB2_4:
0x46: {  	s24 =	sshra.s32 s22, $0x2  }
0x47: {  	[sflag:s14] =	ssyncadd.s32 $0xFFFFC000;
	s22 =	smov.u32 s23;
	s25 =	sadd.s32 $0x200, s23  }
0x48: {  	[tilespmem:s16], [sflag:$0x1] =	stream.indirect.gather [hbm4b:s4+s17], $0x80, s24, s17, $0xb8;
	[tilespmem:$0x1D000] =	vst v63  }
0x49: {  	p0 =	sne.s32 s23, $0x9C00;
	_ =	swait.ge [sflag:s18], $0x4000  }
.Ltmp1:
0x4a: {  	[sflag:s18] =	ssyncset.done $0x0;
	(pc) =	sbr.rel @p0 .LBB2_4-.Ltmp1, $4  }
0x4b: {  	s23 =	sadd.s32 $0x2800, s24;
	[sflag:s18] =	ssyncadd.s32 $0xFFFFC000  }
0x4c: {  	[spmem:s2] =	stream.indirect.scatter.add.f32 [tilespmem:s16], [sflag:$0x2], $0x80, s23, s17, $0xb8;
	[tilespmem:$0x1D000] =	vst v63  }
0x4d: {  	_ =	swait.ge [sflag:s14], $0x4000  }
0x4e: {  	s23 =	smov.u32 s25;
	[sflag:s14] =	ssyncset.done $0x0  }
0x4f: {  	s22 =	sshra.s32 s22, $0x2;
	[sflag:s14] =	ssyncadd.s32 $0xFFFFC000  }
0x50: {  	[tilespmem:s16], [sflag:$0x1] =	stream.indirect.gather [hbm4b:s4+s17], $0x80, s22, s17, $0xb8;
	[tilespmem:$0x1D000] =	vst v63  }
0x51: {  	_ =	swait.ge [sflag:s18], $0x4000  }
0x52: {  	[sflag:s18] =	ssyncset.done $0x0  }
0x53: {  	s22 =	sadd.s32 $0x2800, s22;
	[sflag:s18] =	ssyncadd.s32 $0xFFFFC000  }
0x54: {  	[spmem:s2] =	stream.indirect.scatter.add.f32 [tilespmem:s16], [sflag:$0x2], $0x80, s22, s17, $0xb8;
	[tilespmem:$0x1D000] =	vst v63  }
0x55: {  	_ =	swait.ge [sflag:s14], $0x4000  }
0x56: {  	s21 =	sadd.s32 $0x1, s21;
	[sflag:s14] =	ssyncset.done $0x0  }
0x57: {  	p0 =	sne.s32 s21, s13;
	[sflag:s14] =	ssyncadd.s32 $0xFFFFC000  }
.Ltmp2:
0x58: {  	[bflag:$0x0] =	sbarrier.arrive $0xFFFF;
	(pc) =	sbr.rel @p0 .LBB2_1-.Ltmp2, $4  }
0x59: {  	[hbm:s12], [sflag:s19] =	dma.local [spmem:s20], $0x2800  }
0x5a: {  	_ =	swait.ge [sflag:s14], $0x2800  }
0x5b: {  	[sflag:s14] =	ssyncset.done $0x0  }
0x5c: {  	[sflag:s14] =	ssyncadd.s32 $0xFFFFD800  }
0x5d: {  	_ =	sfence.sel $0x180000  }
0x5e: {  	[bflag:$0x0] =	sbarrier.arrive $0xFFFF  }
0x5f: {  	p0 =	sne.s32 s0, $0x0;
	_ =	strace $0x9000004A  }
0x60: {  	s0 =	sadd.s32 @!p0 $0x100000, s1;
	[bflag:$0x2] =	sbarrier.arrive $0xFFFF  }
0x61: {  	[sflag:s0] =	ssyncadd.tile.s32 @!p0 $0x1;
	_ =	shalt  }
.Lfunc_end2:
_tile_overlayer_lowered:
.L_overlay_start_2:
0x62: {  	(tag) =	ssettag $0x2  }
0x63: {  	s0 =	rddreg [dreg:$0x0];
	s2 =	stileid.u32  }
0x64: {  	s1 =	rddreg [dreg:$0x1];
	p0 =	sne.s32 s2, $0x0  }
0x65: {  	s3 =	rddreg [dreg:$0x2];
	[bflag:$0x3] =	sbarrier.arrive $0xFFFF;
	s2 =	simm.s32 @!p0 $0x1C02  }
0x66: {  	[timem:s3], [sflag:s2] =	dma.local @!p0 [hbm:s0], s1  }
0x67: {  	s0 =	simm.s32 @!p0 $0x2  }
0x68: {  	_ =	swait.ge @!p0 [sflag:s0], s1  }
0x69: {  	s1 =	ssub.s32 @!p0 $0x0, s1;
	[sflag:s0] =	ssyncset.done @!p0 $0x0  }
0x6a: {  	[sflag:s0] =	ssyncadd.s32 @!p0 s1  }
0x6b: {  	[bflag:$0x3] =	sbarrier.arrive $0xFFFF  }
0x6c: {  	_ =	shalt  }

// kernel: kernel.19.cloned.1.call-start
scs
__scs_entry_jumppad:
0x0: {  	(pc) =	sbr.rel $0x88, $3  }
0x1: {  	(tag) =	ssettag $0x0;
	lr =	simm.s32 $0x1  }
0x2: {  	[smem:$0x3F95] =	sst lr;
	_ =	strace $0xD0000000  }
0x3: {  	_ = 	snop  }
0x4: {  	_ = 	snop  }
0x5: {  	_ = 	snop  }
0x6: {  	_ = 	snop  }
0x7: {  	_ = 	snop  }
__scs_overlays_trampoline_lowered:
0x8: {  	[smem:$0x3FA4] =	sst s0  }
0x9: {  	[smem:$0x3FA5] =	sst s1  }
0xa: {  	[smem:$0x3FA6] =	sst s2  }
0xb: {  	[smem:$0x3FA7] =	sst s3  }
0xc: {  	[smem:$0x3FA8] =	sst s4  }
0xd: {  	[smem:$0x3FA9] =	sst s5  }
0xe: {  	[smem:$0x3FAA] =	sst s6  }
0xf: {  	[smem:$0x3FAB] =	sst s7  }
0x10: {  	[smem:$0x3FAC] =	sst s8  }
0x11: {  	[smem:$0x3FAD] =	sst s9;
	s0 =	simm.s32 @!p0 $0x0  }
0x12: {  	s1 =	sld [smem:$0x3F93];
	s0 =	simm.s32 @p0 $0x1  }
0x13: {  	[smem:$0x3FAE] =	sst s0;
	s0 =	simm.s32 @!p1 $0x0  }
0x14: {  	s2 =	sld [smem:$0x3F92];
	s0 =	simm.s32 @p1 $0x1  }
0x15: {  	[smem:$0x3FAF] =	sst s0;
	s0 =	simm.s32 @!p2 $0x0  }
0x16: {  	s3 =	sld [smem:$0x3FDB];
	s0 =	simm.s32 @p2 $0x1  }
0x17: {  	s4 =	simm.s32 $0x1BF5;
	[smem:$0x3FB1] =	sst s0  }
0x18: {  	s0 =	sld [smem:$0x3F94];
	_ =	swait.ge [sflag:s4], $0x0  }
0x19: {  	s7 =	sld [smem:$0x3F95]  }
0x1a: {  	s8 =	sadd.s32 $0xFFFFE003, lr  }
0x1b: {  	s9 =	sadd.s32 $0xFFFFFEF7, lr;
	s5 =	simm.s32 $0xFFFFFFFF;
	p2 =	slt.u32 s8, $0xFFFFF086  }
0x1c: {  	p1 =	slt.u32 s9, $0xF7A;
	s5 =	simm.s32 @!p2 $0x0  }
0x1d: {  	s5 =	simm.s32 @p1 $0x1;
	p0 =	seq.s32 s7, s2  }
0x1e: {  	s7 =	smul.u32 @!p0 $0xF7A, s2;
	p2 =	seq.s32 @!p0 s5, $0x0  }
0x1f: {  	s9 =	smul.u32 $0xF7A, s1;
	s8 =	simm.s32 @!p0 $0x1BF5;
	p2 =	por !p2, p0  }
0x20: {  	[sflag:s8] =	ssyncset.s32 @!p0 $0xFFFFF086;
	s6 =	sadd.s32 @!p0 s3, s7;
	s7 =	simm.s32 @!p0 $0x108  }
0x21: {  	s3 =	sadd.s32 s3, s9;
	s6 =	sadd.s32 @!p0 $0x88, s6;
	s7 =	simm.s32 @p2 $0x1082  }
0x22: {  	[simem:s7], [sflag:s8] =	dma.local @!p0 [hbm:s6], $0xF7A  }
0x23: {  	s9 =	sor.u32 $0xD0000000, s2;
	s6 =	simm.s32 $0x108;
	_ =	swait.ge @!p0 [sflag:s8], $0x0  }
0x24: {  	s3 =	sadd.s32 $0x88, s3;
	s6 =	simm.s32 @!p1 $0x1082;
	[sflag:s4] =	ssyncset.s32 $0xFFFFF086  }
0x25: {  	[simem:s6], [sflag:s4] =	dma.local [hbm:s3], $0xF7A  }
0x26: {  	[smem:$0x3F95] =	sst s1;
	(tag) =	ssettag s2;
	_ =	strace s9  }
0x27: {  	s1 =	sld [smem:$0x3FA5]  }
0x28: {  	s2 =	sld [smem:$0x3FA6]  }
0x29: {  	s4 =	sld [smem:$0x3FA8]  }
0x2a: {  	p0 =	seq.s32 s5, $0x0;
	s5 =	sld [smem:$0x3FA9]  }
0x2b: {  	s6 =	sld [smem:$0x3FAA]  }
0x2c: {  	s7 =	sld [smem:$0x3FAB]  }
0x2d: {  	s3 =	simm.s32 $0x108;
	s8 =	sld [smem:$0x3FAC]  }
0x2e: {  	s3 =	simm.s32 @!p0 $0x1082;
	s9 =	sld [smem:$0x3FAD]  }
0x2f: {  	lr =	sadd.s32 s0, s3;
	s0 =	sld [smem:$0x3FA4]  }
0x30: {  	s3 =	sld [smem:$0x3FA7]  }
0x31: {  	[smem:$0x3FB0] =	sst s10  }
0x32: {  	s10 =	sld [smem:$0x3FAE];
	_ =	sdelay $0x3  }
0x33: {  	p0 =	seq.s32 s10, $0x1;
	s10 =	sld [smem:$0x3FB0];
	_ =	sdelay $0x3  }
0x34: {  	[smem:$0x3FB0] =	sst s10  }
0x35: {  	s10 =	sld [smem:$0x3FAF];
	_ =	sdelay $0x3  }
0x36: {  	p1 =	seq.s32 s10, $0x1;
	s10 =	sld [smem:$0x3FB0];
	_ =	sdelay $0x3  }
0x37: {  	[smem:$0x3FB0] =	sst s10  }
0x38: {  	s10 =	sld [smem:$0x3FB1]  }
0x39: {  	_ = 	snop;
	(pc) =	sbr.ind lr, $3  }
0x3a: {  	_ = 	snop  }
0x3b: {  	_ = 	snop  }
0x3c: {  	p2 =	seq.s32 s10, $0x1;
	s10 =	sld [smem:$0x3FB0]  }
0x3d: {  	_ =	shalt  }
0x3e: {  	_ =	shalt  }
0x3f: {  	_ =	shalt  }
0x40: {  	_ =	shalt  }
0x41: {  	_ =	shalt  }
0x42: {  	_ =	shalt  }
0x43: {  	_ =	shalt  }
0x44: {  	_ =	shalt  }
0x45: {  	_ =	shalt  }
0x46: {  	_ =	shalt  }
0x47: {  	_ =	shalt  }
0x48: {  	_ =	shalt  }
0x49: {  	_ =	shalt  }
0x4a: {  	_ =	shalt  }
0x4b: {  	_ =	shalt  }
0x4c: {  	_ =	shalt  }
0x4d: {  	_ =	shalt  }
0x4e: {  	_ =	shalt  }
0x4f: {  	_ =	shalt  }
0x50: {  	_ =	shalt  }
0x51: {  	_ =	shalt  }
0x52: {  	_ =	shalt  }
0x53: {  	_ =	shalt  }
0x54: {  	_ =	shalt  }
0x55: {  	_ =	shalt  }
0x56: {  	_ =	shalt  }
0x57: {  	_ =	shalt  }
0x58: {  	_ =	shalt  }
0x59: {  	_ =	shalt  }
0x5a: {  	_ =	shalt  }
0x5b: {  	_ =	shalt  }
0x5c: {  	_ =	shalt  }
0x5d: {  	_ =	shalt  }
0x5e: {  	_ =	shalt  }
0x5f: {  	_ =	shalt  }
0x60: {  	_ =	shalt  }
0x61: {  	_ =	shalt  }
0x62: {  	_ =	shalt  }
0x63: {  	_ =	shalt  }
0x64: {  	_ =	shalt  }
0x65: {  	_ =	shalt  }
0x66: {  	_ =	shalt  }
0x67: {  	_ =	shalt  }
0x68: {  	_ =	shalt  }
0x69: {  	_ =	shalt  }
0x6a: {  	_ =	shalt  }
0x6b: {  	_ =	shalt  }
0x6c: {  	_ =	shalt  }
0x6d: {  	_ =	shalt  }
0x6e: {  	_ =	shalt  }
0x6f: {  	_ =	shalt  }
0x70: {  	_ =	shalt  }
0x71: {  	_ =	shalt  }
0x72: {  	_ =	shalt  }
0x73: {  	_ =	shalt  }
0x74: {  	_ =	shalt  }
0x75: {  	_ =	shalt  }
0x76: {  	_ =	shalt  }
0x77: {  	_ =	shalt  }
0x78: {  	_ =	shalt  }
0x79: {  	_ =	shalt  }
0x7a: {  	_ =	shalt  }
0x7b: {  	_ =	shalt  }
0x7c: {  	_ =	shalt  }
0x7d: {  	_ =	shalt  }
0x7e: {  	_ =	shalt  }
0x7f: {  	_ =	shalt  }
0x80: {  	_ =	shalt  }
0x81: {  	_ =	shalt  }
0x82: {  	_ =	shalt  }
0x83: {  	_ =	shalt  }
0x84: {  	_ =	shalt  }
0x85: {  	_ =	shalt  }
0x86: {  	_ =	shalt  }
0x87: {  	_ =	shalt  }
.Lfunc_end0:
.L_simem_size_0:
called_computation.2_lowered:
.L_overlay_start_0:
0x88: {  	s2 =	sld [smem:$0x3FD9]  }
0x89: {  	s3 =	sld [smem:$0x3FFE];
	_ =	sdelay $0x1  }
0x8a: {  	s1 =	srdreg.scid  }
0x8b: {  	s0 =	sand.u32 $0x1, s1  }
0x8c: {  	s17 =	sshll.u32 s0, $0xA;
	s2 =	sadd.s32 s3, s2  }
0x8d: {  	s2 =	sadd.s32 s2, s17  }
0x8e: {  	[smem:$0x3FBC] =	sst s2  }
0x8f: {  	_ = 	snop  }
0x90: {  	s2 =	sld [smem:$0x3FD0];
	(tm) =	ssettm $0x1  }
0x91: {  	s18 =	sld [smem:$0x3FFB];
	_ =	sdelay $0x3  }
0x92: {  	_ =	strace s18  }
0x93: {  	s3 =	sld [smem:$0x3FFC];
	_ =	sdelay $0x3  }
0x94: {  	_ =	strace s3  }
0x95: {  	s3 =	sld [smem:$0x3FFD];
	_ =	sdelay $0x3  }
0x96: {  	_ =	strace s3  }
0x97: {  	_ =	strace $0x8FFFFFFF  }
0x98: {  	s19 =	sld [smem:$0x3FDB];
	_ =	sdelay $0x1  }
0x99: {  	s4 =	simm.s32 $_scs_section_size  }
0x9a: {  	s5 =	simm.s32 $_size__tile_overlayer_lowered;
	s6 =	simm.s32 $_tile_overlayer_lowered  }
0x9b: {  	s22 =	simm.s32 $0x1BFF;
	s21 =	sshll.u32 s6, $0x1;
	s3 =	sadd.s32 s4, s19  }
0x9c: {  	s7 =	simm.s32 $0x0;
	s20 =	sshll.u32 s5, $0x1;
	s5 =	sadd.s32 s21, s3  }
0x9d: {  	[timem:s7], [sflag:s22] =	dma.local [hbm:s5], s20  }
0x9e: {  	_ =	swait.ge [sflag:s22], s20  }
0x9f: {  	s4 =	ssub.s32 $0x0, s20;
	[sflag:s22] =	ssyncset.done $0x0  }
0xa0: {  	[sflag:s22] =	ssyncadd.s32 s4;
	_ =	sdelay $0x1  }
0xa1: {  	s23 =	simm.s32 $0x1B8B  }
0xa2: {  	_ =	swait.ge [sflag:s23], $0x1  }
0xa3: {  	[sflag:s23] =	ssyncset.done $0x0  }
0xa4: {  	s25 =	simm.s32 $0x1B8E;
	s24 =	sld [smem:$0x3FFE];
	[sflag:s23] =	ssyncadd.s32 $0xFFFFFFFF  }
0xa5: {  	s26 =	simm.s32 $execute0_lowered;
	[smem:$0x3FD2] =	sst s25  }
0xa6: {  	s5 =	sshll.u32 s26, $0x1;
	_ =	strace $0x8000004C;
	[dreg:$0x1] =	wrdreg $0xFFFFFFFF  }
0xa7: {  	s28 =	simm.s32 $_size_execute0_lowered;
	s3 =	sadd.s32 s3, s5;
	[dreg:$0x0] =	wrdreg $0x0  }
0xa8: {  	s5 =	sshll.u32 s28, $0x1;
	[dreg:$0x2] =	wrdreg s3  }
0xa9: {  	[dreg:$0x3] =	wrdreg s5  }
0xaa: {  	[dreg:$0x4] =	wrdreg $0xC0  }
0xab: {  	_ =	task [dreg:s7], $0x5FFFF  }
0xac: {  	[dreg:$0x1] =	wrdreg $0xFFFFFFFF  }
0xad: {  	[dreg:$0x0] =	wrdreg $0x60  }
0xae: {  	[dreg:$0x2] =	wrdreg s24  }
0xaf: {  	[dreg:$0x3] =	wrdreg s2  }
0xb0: {  	[dreg:$0x4] =	wrdreg $0x90000  }
0xb1: {  	[dreg:$0x5] =	wrdreg $0x9  }
0xb2: {  	_ =	task.clear_ibuf [dreg:s7], $0x6FFFF;
	_ =	strace $0x9000004C  }
0xb3: {  	s29 =	simm.s32 $0x9;
	_ =	strace $0x8000004E  }
0xb4: {  	_ =	swait.ge [sflag:s29], $0x1  }
0xb5: {  	[sflag:s29] =	ssyncadd.s32 $0xFFFFFFFF  }
0xb6: {  	_ =	strace $0x9000004E  }
0xb7: {  	_ =	sfence  }
0xb8: {  	s30 =	sld [smem:$0x0];
	_ =	sdelay $0x2  }
0xb9: {  	s31 =	sshll.u32 s1, $0xD;
	s1 =	sshrl.u32 s1, $0x2  }
0xba: {  	s3 =	sand.u32 $0x4000, s31;
	s1 =	sadd.s32 s1, s30  }
0xbb: {  	s0 =	sor.u32 s3, s0;
	s1 =	sshll.u32 s1, $0x11  }
0xbc: {  	s0 =	sor.u32 s1, s0  }
0xbd: {  	s0 =	sadd.s32 $0x8F2B, s0  }
0xbe: {  	[sflag:s0] =	ssyncadd.remote.s32 $0x1  }
0xbf: {  	_ =	sfence.sel $0xFFFF  }
0xc0: {  	[dreg:$0x0] =	wrdreg $0xFFFFFFFF;
	(pc) =	sbr.abs _section_cstart, $3  }
0xc1: {  	[dreg:$0x1] =	wrdreg $0xFFFFFFFF  }
0xc2: {  	_ =	task.clear_ibuf [dreg:s7], $0x2FFFF;
	_ =	strace $0x9FFFFFFF  }
0xc3: {  	(tm) =	ssettm $0x7FFFFFFF  }
tec
execute0_lowered:
.L_overlay_start_1:
0x0: {  	(tag) =	ssettag $0x1  }
0x1: {  	s5 =	rddreg [dreg:$0x0]  }
0x2: {  	s6 =	rddreg [dreg:$0x1]  }
0x3: {  	s2 =	rddreg [dreg:$0x2]  }
0x4: {  	s0 =	srdreg.scid;
	s1 =	rddreg [dreg:$0x3]  }
0x5: {  	s3 =	simm.s32 $0x0;
	s15 =	simm.s32 $0x2800;
	s7 =	sand.u32 $0x1, s0  }
0x6: {  	s16 =	simm.s32 $0x5000;
	s0 =	stileid.u32;
	s4 =	smul.u32 $0x28000, s7  }
0x7: {  	s17 =	simm.s32 $0x80;
	s18 =	simm.s32 $0x1;
	s8 =	smul.u32 $0x2800, s0  }
0x8: {  	s21 =	simm.s32 $0x0;
	[smem:$0x7FF] =	sst s3;
	s9 =	smul.u32 $0x140000, s7  }
0x9: {  	s10 =	smul.u32 $0x14000, s0;
	_ =	strace $0x8000004D;
	s7 =	ssub.s32 $0x2, s7  }
0xa: {  	s30 =	smul.u32 $0x50000, s0;
	s19 =	sshll.u32 s0, $0x6;
	s12 =	sshrl.u32 s7, $0x1  }
0xb: {  	s19 =	sor.u32 $0x1C02, s19;
	s8 =	sadd.s32 s8, s4;
	s4 =	sadd.s32 $0x84200, s5  }
0xc: {  	s9 =	sadd.s32 s10, s9;
	s14 =	ssub.s32 s7, s12;
	s31 =	sshrl.u32 s30, $0x2  }
0xd: {  	s8 =	sshrl.u32 s8, $0x3;
	s9 =	sshrl.u32 s9, $0x3;
	s7 =	sadd.s32 s31, s2  }
0xe: {  	s11 =	sadd.s32 s8, s5;
	s13 =	sadd.s32 s9, s5;
	s6 =	sadd.s32 s6, s8  }
0xf: {  	s8 =	sadd.s32 $0x4000, s7;
	s9 =	sadd.s32 $0x8000, s7;
	s10 =	sadd.s32 $0xC000, s7  }
0x10: {  	s20 =	sshrl.u32 s7, $0x3;
	s5 =	sadd.s32 $0x4E00, s11;
	s11 =	sadd.s32 $0x10000, s7  }
0x11: {  	v0 =	vimm.f32 $0.0e+00;
	s12 =	sadd.s32 $0xF9800, s13;
	s13 =	smax.u32 s14, $0x1;
	s14 =	simm.s32 $0x2  }
.LBB2_1:
0x12: {  	[tilespmem:s3], [sflag:$0x2] =	stream.linear.gather [hbm4b:s5+s3], $0x2780, $0x38;
	[tilespmem:$0x1D000] =	vst v63  }
0x13: {  	_ =	swait.ge [sflag:s14], $0x2780  }
0x14: {  	[sflag:s14] =	ssyncset.done $0x0  }
0x15: {  	[sflag:s14] =	ssyncadd.s32 $0xFFFFD880  }
0x16: {  	[tilespmem:s15], [sflag:$0x2] =	stream.linear.gather [hbm4b:s6+s3], $0x2780, $0x38;
	[tilespmem:$0x1D000] =	vst v63  }
0x17: {  	_ =	swait.ge [sflag:s14], $0x2780  }
0x18: {  	[sflag:s14] =	ssyncset.done $0x0  }
0x19: {  	s22 =	simm.s32 $0x0;
	s23 =	simm.s32 $0x200;
	[sflag:s14] =	ssyncadd.s32 $0xFFFFD880  }
.LBB2_2:
0x1a: {  	p0 =	sne.s32 s23, $0xFE00;
	[tilespmem:s22+$0x5070] =	vst v0  }
0x1b: {  	[tilespmem:s22+$0x5000] =	vst v0  }
0x1c: {  	[tilespmem:s22+$0x5010] =	vst v0  }
.Ltmp0:
0x1d: {  	[tilespmem:s22+$0x5020] =	vst v0;
	(pc) =	sbr.rel @p0 .LBB2_2-.Ltmp0, $4  }
0x1e: {  	[tilespmem:s22+$0x5030] =	vst v0  }
0x1f: {  	[tilespmem:s22+$0x5040] =	vst v0  }
0x20: {  	[tilespmem:s22+$0x5050] =	vst v0  }
0x21: {  	[tilespmem:s22+$0x5060] =	vst v0;
	s22 =	sshra.s32 s23, $0x2;
	s23 =	sadd.s32 $0x200, s23  }
0x22: {  	[tilespmem:s22+$0x5070] =	vst v0  }
0x23: {  	[tilespmem:s22+$0x5000] =	vst v0  }
0x24: {  	[tilespmem:s22+$0x5010] =	vst v0  }
0x25: {  	[tilespmem:s22+$0x5020] =	vst v0  }
0x26: {  	[tilespmem:s22+$0x5030] =	vst v0  }
0x27: {  	[tilespmem:s22+$0x5040] =	vst v0  }
0x28: {  	[tilespmem:s22+$0x5050] =	vst v0  }
0x29: {  	[tilespmem:s22+$0x5060] =	vst v0  }
0x2a: {  	[spmem:s7] =	stream.linear.scatter [tilespmem:s16], [sflag:$0x2], $0x4000, $0x38;
	[tilespmem:$0x1D000] =	vst v63  }
0x2b: {  	_ =	swait.ge [sflag:s14], $0x4000  }
0x2c: {  	[sflag:s14] =	ssyncset.done $0x0  }
0x2d: {  	[sflag:s14] =	ssyncadd.s32 $0xFFFFC000  }
0x2e: {  	[spmem:s8] =	stream.linear.scatter [tilespmem:s16], [sflag:$0x2], $0x4000, $0x38;
	[tilespmem:$0x1D000] =	vst v63  }
0x2f: {  	_ =	swait.ge [sflag:s14], $0x4000  }
0x30: {  	[sflag:s14] =	ssyncset.done $0x0  }
0x31: {  	[sflag:s14] =	ssyncadd.s32 $0xFFFFC000  }
0x32: {  	[spmem:s9] =	stream.linear.scatter [tilespmem:s16], [sflag:$0x2], $0x4000, $0x38;
	[tilespmem:$0x1D000] =	vst v63  }
0x33: {  	_ =	swait.ge [sflag:s14], $0x4000  }
0x34: {  	[sflag:s14] =	ssyncset.done $0x0  }
0x35: {  	[sflag:s14] =	ssyncadd.s32 $0xFFFFC000  }
0x36: {  	[spmem:s10] =	stream.linear.scatter [tilespmem:s16], [sflag:$0x2], $0x4000, $0x38;
	[tilespmem:$0x1D000] =	vst v63  }
0x37: {  	_ =	swait.ge [sflag:s14], $0x4000  }
0x38: {  	[sflag:s14] =	ssyncset.done $0x0  }
0x39: {  	[sflag:s14] =	ssyncadd.s32 $0xFFFFC000  }
0x3a: {  	[spmem:s11] =	stream.linear.scatter [tilespmem:s16], [sflag:$0x2], $0x4000, $0x38;
	[tilespmem:$0x1D000] =	vst v63  }
0x3b: {  	_ =	swait.ge [sflag:s14], $0x4000  }
0x3c: {  	[sflag:s14] =	ssyncset.done $0x0  }
0x3d: {  	[sflag:s14] =	ssyncadd.s32 $0xFFFFC000  }
0x3e: {  	s30 =	simm.s32 $0x0;
	[bflag:$0x0] =	sbarrier.arrive $0xFFFF  }
0x3f: {  	[tilespmem:s16], [sflag:$0x1] =	stream.indirect.gather [hbm4b:s4+s17], $0x80, s30, s17, $0xb8;
	[tilespmem:$0x1D000] =	vst v63  }
0x40: {  	_ =	swait.ge [sflag:s18], $0x4000  }
0x41: {  	[sflag:s18] =	ssyncset.done $0x0  }
0x42: {  	s31 =	simm.s32 $0x2800;
	[sflag:s18] =	ssyncadd.s32 $0xFFFFC000  }
0x43: {  	[spmem:s2] =	stream.indirect.scatter.add.f32 [tilespmem:s16], [sflag:$0x2], $0x80, s31, s17, $0xb8;
	[tilespmem:$0x1D000] =	vst v63  }
0x44: {  	_ =	swait.ge [sflag:s14], $0x4000  }
0x45: {  	s22 =	simm.s32 $0x200;
	s23 =	simm.s32 $0x400;
	[sflag:s14] =	ssyncset.done $0x0  }
.LBB2_4:
0x46: {  	s24 =	sshra.s32 s22, $0x2  }
0x47: {  	[sflag:s14] =	ssyncadd.s32 $0xFFFFC000;
	s22 =	smov.u32 s23;
	s25 =	sadd.s32 $0x200, s23  }
0x48: {  	[tilespmem:s16], [sflag:$0x1] =	stream.indirect.gather [hbm4b:s4+s17], $0x80, s24, s17, $0xb8;
	[tilespmem:$0x1D000] =	vst v63  }
0x49: {  	p0 =	sne.s32 s23, $0x9C00;
	_ =	swait.ge [sflag:s18], $0x4000  }
.Ltmp1:
0x4a: {  	[sflag:s18] =	ssyncset.done $0x0;
	(pc) =	sbr.rel @p0 .LBB2_4-.Ltmp1, $4  }
0x4b: {  	s23 =	sadd.s32 $0x2800, s24;
	[sflag:s18] =	ssyncadd.s32 $0xFFFFC000  }
0x4c: {  	[spmem:s2] =	stream.indirect.scatter.add.f32 [tilespmem:s16], [sflag:$0x2], $0x80, s23, s17, $0xb8;
	[tilespmem:$0x1D000] =	vst v63  }
0x4d: {  	_ =	swait.ge [sflag:s14], $0x4000  }
0x4e: {  	s23 =	smov.u32 s25;
	[sflag:s14] =	ssyncset.done $0x0  }
0x4f: {  	s22 =	sshra.s32 s22, $0x2;
	[sflag:s14] =	ssyncadd.s32 $0xFFFFC000  }
0x50: {  	[tilespmem:s16], [sflag:$0x1] =	stream.indirect.gather [hbm4b:s4+s17], $0x80, s22, s17, $0xb8;
	[tilespmem:$0x1D000] =	vst v63  }
0x51: {  	_ =	swait.ge [sflag:s18], $0x4000  }
0x52: {  	[sflag:s18] =	ssyncset.done $0x0  }
0x53: {  	s22 =	sadd.s32 $0x2800, s22;
	[sflag:s18] =	ssyncadd.s32 $0xFFFFC000  }
0x54: {  	[spmem:s2] =	stream.indirect.scatter.add.f32 [tilespmem:s16], [sflag:$0x2], $0x80, s22, s17, $0xb8;
	[tilespmem:$0x1D000] =	vst v63  }
0x55: {  	_ =	swait.ge [sflag:s14], $0x4000  }
0x56: {  	s21 =	sadd.s32 $0x1, s21;
	[sflag:s14] =	ssyncset.done $0x0  }
0x57: {  	p0 =	sne.s32 s21, s13;
	[sflag:s14] =	ssyncadd.s32 $0xFFFFC000  }
.Ltmp2:
0x58: {  	[bflag:$0x0] =	sbarrier.arrive $0xFFFF;
	(pc) =	sbr.rel @p0 .LBB2_1-.Ltmp2, $4  }
0x59: {  	[hbm:s12], [sflag:s19] =	dma.local [spmem:s20], $0x2800  }
0x5a: {  	_ =	swait.ge [sflag:s14], $0x2800  }
0x5b: {  	[sflag:s14] =	ssyncset.done $0x0  }
0x5c: {  	[sflag:s14] =	ssyncadd.s32 $0xFFFFD800  }
0x5d: {  	_ =	sfence.sel $0x180000  }
0x5e: {  	[bflag:$0x0] =	sbarrier.arrive $0xFFFF  }
0x5f: {  	p0 =	sne.s32 s0, $0x0;
	_ =	strace $0x9000004D  }
0x60: {  	s0 =	sadd.s32 @!p0 $0x100000, s1;
	[bflag:$0x2] =	sbarrier.arrive $0xFFFF  }
0x61: {  	[sflag:s0] =	ssyncadd.tile.s32 @!p0 $0x1;
	_ =	shalt  }
.Lfunc_end2:
_tile_overlayer_lowered:
.L_overlay_start_2:
0x62: {  	(tag) =	ssettag $0x2  }
0x63: {  	s0 =	rddreg [dreg:$0x0];
	s2 =	stileid.u32  }
0x64: {  	s1 =	rddreg [dreg:$0x1];
	p0 =	sne.s32 s2, $0x0  }
0x65: {  	s3 =	rddreg [dreg:$0x2];
	[bflag:$0x3] =	sbarrier.arrive $0xFFFF;
	s2 =	simm.s32 @!p0 $0x1C02  }
0x66: {  	[timem:s3], [sflag:s2] =	dma.local @!p0 [hbm:s0], s1  }
0x67: {  	s0 =	simm.s32 @!p0 $0x2  }
0x68: {  	_ =	swait.ge @!p0 [sflag:s0], s1  }
0x69: {  	s1 =	ssub.s32 @!p0 $0x0, s1;
	[sflag:s0] =	ssyncset.done @!p0 $0x0  }
0x6a: {  	[sflag:s0] =	ssyncadd.s32 @!p0 s1  }
0x6b: {  	[bflag:$0x3] =	sbarrier.arrive $0xFFFF  }
0x6c: {  	_ =	shalt  }

// kernel: kernel.22.cloned.1.call-start
scs
__scs_entry_jumppad:
0x0: {  	(pc) =	sbr.rel $0x88, $3  }
0x1: {  	(tag) =	ssettag $0x0;
	lr =	simm.s32 $0x1  }
0x2: {  	[smem:$0x3F95] =	sst lr;
	_ =	strace $0xD0000000  }
0x3: {  	_ = 	snop  }
0x4: {  	_ = 	snop  }
0x5: {  	_ = 	snop  }
0x6: {  	_ = 	snop  }
0x7: {  	_ = 	snop  }
__scs_overlays_trampoline_lowered:
0x8: {  	[smem:$0x3FA4] =	sst s0  }
0x9: {  	[smem:$0x3FA5] =	sst s1  }
0xa: {  	[smem:$0x3FA6] =	sst s2  }
0xb: {  	[smem:$0x3FA7] =	sst s3  }
0xc: {  	[smem:$0x3FA8] =	sst s4  }
0xd: {  	[smem:$0x3FA9] =	sst s5  }
0xe: {  	[smem:$0x3FAA] =	sst s6  }
0xf: {  	[smem:$0x3FAB] =	sst s7  }
0x10: {  	[smem:$0x3FAC] =	sst s8  }
0x11: {  	[smem:$0x3FAD] =	sst s9;
	s0 =	simm.s32 @!p0 $0x0  }
0x12: {  	s1 =	sld [smem:$0x3F93];
	s0 =	simm.s32 @p0 $0x1  }
0x13: {  	[smem:$0x3FAE] =	sst s0;
	s0 =	simm.s32 @!p1 $0x0  }
0x14: {  	s2 =	sld [smem:$0x3F92];
	s0 =	simm.s32 @p1 $0x1  }
0x15: {  	[smem:$0x3FAF] =	sst s0;
	s0 =	simm.s32 @!p2 $0x0  }
0x16: {  	s3 =	sld [smem:$0x3FDB];
	s0 =	simm.s32 @p2 $0x1  }
0x17: {  	s4 =	simm.s32 $0x1BF5;
	[smem:$0x3FB1] =	sst s0  }
0x18: {  	s0 =	sld [smem:$0x3F94];
	_ =	swait.ge [sflag:s4], $0x0  }
0x19: {  	s7 =	sld [smem:$0x3F95]  }
0x1a: {  	s8 =	sadd.s32 $0xFFFFE003, lr  }
0x1b: {  	s9 =	sadd.s32 $0xFFFFFEF7, lr;
	s5 =	simm.s32 $0xFFFFFFFF;
	p2 =	slt.u32 s8, $0xFFFFF086  }
0x1c: {  	p1 =	slt.u32 s9, $0xF7A;
	s5 =	simm.s32 @!p2 $0x0  }
0x1d: {  	s5 =	simm.s32 @p1 $0x1;
	p0 =	seq.s32 s7, s2  }
0x1e: {  	s7 =	smul.u32 @!p0 $0xF7A, s2;
	p2 =	seq.s32 @!p0 s5, $0x0  }
0x1f: {  	s9 =	smul.u32 $0xF7A, s1;
	s8 =	simm.s32 @!p0 $0x1BF5;
	p2 =	por !p2, p0  }
0x20: {  	[sflag:s8] =	ssyncset.s32 @!p0 $0xFFFFF086;
	s6 =	sadd.s32 @!p0 s3, s7;
	s7 =	simm.s32 @!p0 $0x108  }
0x21: {  	s3 =	sadd.s32 s3, s9;
	s6 =	sadd.s32 @!p0 $0x88, s6;
	s7 =	simm.s32 @p2 $0x1082  }
0x22: {  	[simem:s7], [sflag:s8] =	dma.local @!p0 [hbm:s6], $0xF7A  }
0x23: {  	s9 =	sor.u32 $0xD0000000, s2;
	s6 =	simm.s32 $0x108;
	_ =	swait.ge @!p0 [sflag:s8], $0x0  }
0x24: {  	s3 =	sadd.s32 $0x88, s3;
	s6 =	simm.s32 @!p1 $0x1082;
	[sflag:s4] =	ssyncset.s32 $0xFFFFF086  }
0x25: {  	[simem:s6], [sflag:s4] =	dma.local [hbm:s3], $0xF7A  }
0x26: {  	[smem:$0x3F95] =	sst s1;
	(tag) =	ssettag s2;
	_ =	strace s9  }
0x27: {  	s1 =	sld [smem:$0x3FA5]  }
0x28: {  	s2 =	sld [smem:$0x3FA6]  }
0x29: {  	s4 =	sld [smem:$0x3FA8]  }
0x2a: {  	p0 =	seq.s32 s5, $0x0;
	s5 =	sld [smem:$0x3FA9]  }
0x2b: {  	s6 =	sld [smem:$0x3FAA]  }
0x2c: {  	s7 =	sld [smem:$0x3FAB]  }
0x2d: {  	s3 =	simm.s32 $0x108;
	s8 =	sld [smem:$0x3FAC]  }
0x2e: {  	s3 =	simm.s32 @!p0 $0x1082;
	s9 =	sld [smem:$0x3FAD]  }
0x2f: {  	lr =	sadd.s32 s0, s3;
	s0 =	sld [smem:$0x3FA4]  }
0x30: {  	s3 =	sld [smem:$0x3FA7]  }
0x31: {  	[smem:$0x3FB0] =	sst s10  }
0x32: {  	s10 =	sld [smem:$0x3FAE];
	_ =	sdelay $0x3  }
0x33: {  	p0 =	seq.s32 s10, $0x1;
	s10 =	sld [smem:$0x3FB0];
	_ =	sdelay $0x3  }
0x34: {  	[smem:$0x3FB0] =	sst s10  }
0x35: {  	s10 =	sld [smem:$0x3FAF];
	_ =	sdelay $0x3  }
0x36: {  	p1 =	seq.s32 s10, $0x1;
	s10 =	sld [smem:$0x3FB0];
	_ =	sdelay $0x3  }
0x37: {  	[smem:$0x3FB0] =	sst s10  }
0x38: {  	s10 =	sld [smem:$0x3FB1]  }
0x39: {  	_ = 	snop;
	(pc) =	sbr.ind lr, $3  }
0x3a: {  	_ = 	snop  }
0x3b: {  	_ = 	snop  }
0x3c: {  	p2 =	seq.s32 s10, $0x1;
	s10 =	sld [smem:$0x3FB0]  }
0x3d: {  	_ =	shalt  }
0x3e: {  	_ =	shalt  }
0x3f: {  	_ =	shalt  }
0x40: {  	_ =	shalt  }
0x41: {  	_ =	shalt  }
0x42: {  	_ =	shalt  }
0x43: {  	_ =	shalt  }
0x44: {  	_ =	shalt  }
0x45: {  	_ =	shalt  }
0x46: {  	_ =	shalt  }
0x47: {  	_ =	shalt  }
0x48: {  	_ =	shalt  }
0x49: {  	_ =	shalt  }
0x4a: {  	_ =	shalt  }
0x4b: {  	_ =	shalt  }
0x4c: {  	_ =	shalt  }
0x4d: {  	_ =	shalt  }
0x4e: {  	_ =	shalt  }
0x4f: {  	_ =	shalt  }
0x50: {  	_ =	shalt  }
0x51: {  	_ =	shalt  }
0x52: {  	_ =	shalt  }
0x53: {  	_ =	shalt  }
0x54: {  	_ =	shalt  }
0x55: {  	_ =	shalt  }
0x56: {  	_ =	shalt  }
0x57: {  	_ =	shalt  }
0x58: {  	_ =	shalt  }
0x59: {  	_ =	shalt  }
0x5a: {  	_ =	shalt  }
0x5b: {  	_ =	shalt  }
0x5c: {  	_ =	shalt  }
0x5d: {  	_ =	shalt  }
0x5e: {  	_ =	shalt  }
0x5f: {  	_ =	shalt  }
0x60: {  	_ =	shalt  }
0x61: {  	_ =	shalt  }
0x62: {  	_ =	shalt  }
0x63: {  	_ =	shalt  }
0x64: {  	_ =	shalt  }
0x65: {  	_ =	shalt  }
0x66: {  	_ =	shalt  }
0x67: {  	_ =	shalt  }
0x68: {  	_ =	shalt  }
0x69: {  	_ =	shalt  }
0x6a: {  	_ =	shalt  }
0x6b: {  	_ =	shalt  }
0x6c: {  	_ =	shalt  }
0x6d: {  	_ =	shalt  }
0x6e: {  	_ =	shalt  }
0x6f: {  	_ =	shalt  }
0x70: {  	_ =	shalt  }
0x71: {  	_ =	shalt  }
0x72: {  	_ =	shalt  }
0x73: {  	_ =	shalt  }
0x74: {  	_ =	shalt  }
0x75: {  	_ =	shalt  }
0x76: {  	_ =	shalt  }
0x77: {  	_ =	shalt  }
0x78: {  	_ =	shalt  }
0x79: {  	_ =	shalt  }
0x7a: {  	_ =	shalt  }
0x7b: {  	_ =	shalt  }
0x7c: {  	_ =	shalt  }
0x7d: {  	_ =	shalt  }
0x7e: {  	_ =	shalt  }
0x7f: {  	_ =	shalt  }
0x80: {  	_ =	shalt  }
0x81: {  	_ =	shalt  }
0x82: {  	_ =	shalt  }
0x83: {  	_ =	shalt  }
0x84: {  	_ =	shalt  }
0x85: {  	_ =	shalt  }
0x86: {  	_ =	shalt  }
0x87: {  	_ =	shalt  }
.Lfunc_end0:
.L_simem_size_0:
called_computation.3_lowered:
.L_overlay_start_0:
0x88: {  	s2 =	sld [smem:$0x3FD9]  }
0x89: {  	s3 =	sld [smem:$0x3FFE];
	_ =	sdelay $0x1  }
0x8a: {  	s1 =	srdreg.scid  }
0x8b: {  	s0 =	sand.u32 $0x1, s1  }
0x8c: {  	s17 =	sshll.u32 s0, $0xA;
	s2 =	sadd.s32 s3, s2  }
0x8d: {  	s2 =	sadd.s32 s2, s17  }
0x8e: {  	[smem:$0x3FBC] =	sst s2  }
0x8f: {  	_ = 	snop  }
0x90: {  	s18 =	sld [smem:$0x3FD0];
	(tm) =	ssettm $0x1  }
0x91: {  	s19 =	sld [smem:$0x3FFB];
	_ =	sdelay $0x3  }
0x92: {  	_ =	strace s19  }
0x93: {  	s2 =	sld [smem:$0x3FFC];
	_ =	sdelay $0x3  }
0x94: {  	_ =	strace s2  }
0x95: {  	s2 =	sld [smem:$0x3FFD];
	_ =	sdelay $0x3  }
0x96: {  	_ =	strace s2  }
0x97: {  	_ =	strace $0x8FFFFFFF  }
0x98: {  	s20 =	sld [smem:$0x3FDB];
	_ =	sdelay $0x1  }
0x99: {  	s4 =	simm.s32 $_scs_section_size  }
0x9a: {  	s5 =	simm.s32 $_size__tile_overlayer_lowered;
	s6 =	simm.s32 $_tile_overlayer_lowered  }
0x9b: {  	s7 =	simm.s32 $0x1BFF;
	s21 =	sshll.u32 s6, $0x1;
	s4 =	sadd.s32 s4, s20  }
0x9c: {  	s22 =	simm.s32 $0x0;
	s5 =	sshll.u32 s5, $0x1;
	s6 =	sadd.s32 s21, s4  }
0x9d: {  	[timem:s22], [sflag:s7] =	dma.local [hbm:s6], s5  }
0x9e: {  	_ =	swait.ge [sflag:s7], s5  }
0x9f: {  	s5 =	ssub.s32 $0x0, s5;
	[sflag:s7] =	ssyncset.done $0x0  }
0xa0: {  	[sflag:s7] =	ssyncadd.s32 s5;
	_ =	sdelay $0x1  }
0xa1: {  	s23 =	simm.s32 $0x1B8B  }
0xa2: {  	_ =	swait.ge [sflag:s23], $0x1  }
0xa3: {  	[sflag:s23] =	ssyncset.done $0x0  }
0xa4: {  	[sflag:s23] =	ssyncadd.s32 $0xFFFFFFFF  }
0xa5: {  	s5 =	sld [smem:$0x0]  }
0xa6: {  	s6 =	sand.u32 $0xFFFFFFFE, s1  }
0xa7: {  	p0 =	sne.s32 s1, s6  }
0xa8: {  	s6 =	sshll.u32 @p0 s6, $0xE  }
0xa9: {  	s6 =	sadd.s32 @p0 $0x11B8D, s6;
	s7 =	sshll.u32 @p0 s5, $0x11  }
0xaa: {  	s6 =	sor.u32 @p0 s7, s6  }
0xab: {  	[sflag:s6] =	ssyncadd.remote.s32 @p0 $0x1;
	_ =	sdelay $0x1  }
0xac: {  	s6 =	simm.s32 @p0 $0x1B8D  }
0xad: {  	_ =	swait.eq @p0 [sflag:s6], $0x1  }
0xae: {  	[sflag:s6] =	ssyncadd.s32 @p0 $0xFFFFFFFF  }
0xaf: {  	s7 =	sshll.u32 @!p0 s1, $0xE  }
0xb0: {  	s7 =	sor.u32 @!p0 $0x4000, s7;
	s6 =	simm.s32 @!p0 $0x1B8D  }
0xb1: {  	s5 =	sshll.u32 @!p0 s5, $0x11;
	s7 =	sadd.s32 @!p0 $0x11B8D, s7;
	_ =	swait.eq @!p0 [sflag:s6], $0x1  }
0xb2: {  	s5 =	sor.u32 @!p0 s5, s7;
	[sflag:s6] =	ssyncadd.s32 @!p0 $0xFFFFFFFF  }
0xb3: {  	s25 =	simm.s32 $0x1B8E;
	s24 =	sld [smem:$0x3FFE];
	[sflag:s5] =	ssyncadd.remote.s32 @!p0 $0x1  }
0xb4: {  	s26 =	simm.s32 $execute0_lowered;
	[smem:$0x3FD2] =	sst s25  }
0xb5: {  	s6 =	sshll.u32 s26, $0x1;
	_ =	strace $0x8000004F;
	[dreg:$0x1] =	wrdreg $0xFFFFFFFF  }
0xb6: {  	s28 =	simm.s32 $_size_execute0_lowered;
	s4 =	sadd.s32 s4, s6;
	[dreg:$0x0] =	wrdreg $0x0  }
0xb7: {  	s6 =	sshll.u32 s28, $0x1;
	[dreg:$0x2] =	wrdreg s4  }
0xb8: {  	[dreg:$0x3] =	wrdreg s6  }
0xb9: {  	[dreg:$0x4] =	wrdreg $0xC0  }
0xba: {  	_ =	task [dreg:s22], $0x5FFFF  }
0xbb: {  	[dreg:$0x1] =	wrdreg $0xFFFFFFFF  }
0xbc: {  	[dreg:$0x0] =	wrdreg $0x60  }
0xbd: {  	[dreg:$0x2] =	wrdreg s24  }
0xbe: {  	[dreg:$0x3] =	wrdreg s18  }
0xbf: {  	[dreg:$0x4] =	wrdreg $0x90000  }
0xc0: {  	[dreg:$0x5] =	wrdreg $0xA  }
0xc1: {  	_ =	task.clear_ibuf [dreg:s22], $0x6FFFF;
	_ =	strace $0x9000004F  }
0xc2: {  	s29 =	simm.s32 $0xA;
	_ =	strace $0x80000051  }
0xc3: {  	_ =	swait.ge [sflag:s29], $0x1  }
0xc4: {  	[sflag:s29] =	ssyncadd.s32 $0xFFFFFFFF  }
0xc5: {  	_ =	strace $0x90000051  }
0xc6: {  	_ =	sfence  }
0xc7: {  	s30 =	sld [smem:$0x0];
	_ =	sdelay $0x2  }
0xc8: {  	s31 =	sshll.u32 s1, $0xD;
	s1 =	sshrl.u32 s1, $0x2  }
0xc9: {  	s4 =	sand.u32 $0x4000, s31;
	s1 =	sadd.s32 s1, s30  }
0xca: {  	s0 =	sor.u32 s4, s0;
	s1 =	sshll.u32 s1, $0x11  }
0xcb: {  	s0 =	sor.u32 s1, s0  }
0xcc: {  	s0 =	sadd.s32 $0x8F2B, s0  }
0xcd: {  	[sflag:s0] =	ssyncadd.remote.s32 $0x1  }
0xce: {  	_ =	sfence.sel $0xFFFF  }
0xcf: {  	[dreg:$0x0] =	wrdreg $0xFFFFFFFF;
	(pc) =	sbr.abs _section_cstart, $3  }
0xd0: {  	[dreg:$0x1] =	wrdreg $0xFFFFFFFF  }
0xd1: {  	_ =	task.clear_ibuf [dreg:s22], $0x2FFFF;
	_ =	strace $0x9FFFFFFF  }
0xd2: {  	(tm) =	ssettm $0x7FFFFFFF  }
0xd3: {  	_ =	shalt  }
tec
execute0_lowered:
.L_overlay_start_1:
0x0: {  	(tag) =	ssettag $0x1  }
0x1: {  	s5 =	rddreg [dreg:$0x0]  }
0x2: {  	s6 =	rddreg [dreg:$0x1]  }
0x3: {  	s2 =	rddreg [dreg:$0x2]  }
0x4: {  	s0 =	srdreg.scid;
	s1 =	rddreg [dreg:$0x3]  }
0x5: {  	s3 =	simm.s32 $0x0;
	s15 =	simm.s32 $0x2800;
	s7 =	sand.u32 $0x1, s0  }
0x6: {  	s16 =	simm.s32 $0x5000;
	s0 =	stileid.u32;
	s4 =	smul.u32 $0x28000, s7  }
0x7: {  	s17 =	simm.s32 $0x80;
	s18 =	simm.s32 $0x1;
	s8 =	smul.u32 $0x2800, s0  }
0x8: {  	s21 =	simm.s32 $0x0;
	[smem:$0x7FF] =	sst s3;
	s9 =	smul.u32 $0x140000, s7  }
0x9: {  	s10 =	smul.u32 $0x14000, s0;
	_ =	strace $0x80000050;
	s7 =	ssub.s32 $0x2, s7  }
0xa: {  	s30 =	smul.u32 $0x50000, s0;
	s19 =	sshll.u32 s0, $0x6;
	s12 =	sshrl.u32 s7, $0x1  }
0xb: {  	s19 =	sor.u32 $0x1C02, s19;
	s8 =	sadd.s32 s8, s4;
	s4 =	sadd.s32 $0xAB400, s5  }
0xc: {  	s9 =	sadd.s32 s10, s9;
	s14 =	ssub.s32 s7, s12;
	s31 =	sshrl.u32 s30, $0x2  }
0xd: {  	s8 =	sshrl.u32 s8, $0x3;
	s9 =	sshrl.u32 s9, $0x3;
	s7 =	sadd.s32 s31, s2  }
0xe: {  	s11 =	sadd.s32 s8, s5;
	s13 =	sadd.s32 s9, s5;
	s6 =	sadd.s32 s6, s8  }
0xf: {  	s8 =	sadd.s32 $0x4000, s7;
	s9 =	sadd.s32 $0x8000, s7;
	s10 =	sadd.s32 $0xC000, s7  }
0x10: {  	s20 =	sshrl.u32 s7, $0x3;
	s5 =	sadd.s32 $0x4E00, s11;
	s11 =	sadd.s32 $0x10000, s7  }
0x11: {  	v0 =	vimm.f32 $0.0e+00;
	s12 =	sadd.s32 $0x149800, s13;
	s13 =	smax.u32 s14, $0x1;
	s14 =	simm.s32 $0x2  }
.LBB2_1:
0x12: {  	[tilespmem:s3], [sflag:$0x2] =	stream.linear.gather [hbm4b:s5+s3], $0x2780, $0x38;
	[tilespmem:$0x1D000] =	vst v63  }
0x13: {  	_ =	swait.ge [sflag:s14], $0x2780  }
0x14: {  	[sflag:s14] =	ssyncset.done $0x0  }
0x15: {  	[sflag:s14] =	ssyncadd.s32 $0xFFFFD880  }
0x16: {  	[tilespmem:s15], [sflag:$0x2] =	stream.linear.gather [hbm4b:s6+s3], $0x2780, $0x38;
	[tilespmem:$0x1D000] =	vst v63  }
0x17: {  	_ =	swait.ge [sflag:s14], $0x2780  }
0x18: {  	[sflag:s14] =	ssyncset.done $0x0  }
0x19: {  	s22 =	simm.s32 $0x0;
	s23 =	simm.s32 $0x200;
	[sflag:s14] =	ssyncadd.s32 $0xFFFFD880  }
.LBB2_2:
0x1a: {  	p0 =	sne.s32 s23, $0xFE00;
	[tilespmem:s22+$0x5070] =	vst v0  }
0x1b: {  	[tilespmem:s22+$0x5000] =	vst v0  }
0x1c: {  	[tilespmem:s22+$0x5010] =	vst v0  }
.Ltmp0:
0x1d: {  	[tilespmem:s22+$0x5020] =	vst v0;
	(pc) =	sbr.rel @p0 .LBB2_2-.Ltmp0, $4  }
0x1e: {  	[tilespmem:s22+$0x5030] =	vst v0  }
0x1f: {  	[tilespmem:s22+$0x5040] =	vst v0  }
0x20: {  	[tilespmem:s22+$0x5050] =	vst v0  }
0x21: {  	[tilespmem:s22+$0x5060] =	vst v0;
	s22 =	sshra.s32 s23, $0x2;
	s23 =	sadd.s32 $0x200, s23  }
0x22: {  	[tilespmem:s22+$0x5070] =	vst v0  }
0x23: {  	[tilespmem:s22+$0x5000] =	vst v0  }
0x24: {  	[tilespmem:s22+$0x5010] =	vst v0  }
0x25: {  	[tilespmem:s22+$0x5020] =	vst v0  }
0x26: {  	[tilespmem:s22+$0x5030] =	vst v0  }
0x27: {  	[tilespmem:s22+$0x5040] =	vst v0  }
0x28: {  	[tilespmem:s22+$0x5050] =	vst v0  }
0x29: {  	[tilespmem:s22+$0x5060] =	vst v0  }
0x2a: {  	[spmem:s7] =	stream.linear.scatter [tilespmem:s16], [sflag:$0x2], $0x4000, $0x38;
	[tilespmem:$0x1D000] =	vst v63  }
0x2b: {  	_ =	swait.ge [sflag:s14], $0x4000  }
0x2c: {  	[sflag:s14] =	ssyncset.done $0x0  }
0x2d: {  	[sflag:s14] =	ssyncadd.s32 $0xFFFFC000  }
0x2e: {  	[spmem:s8] =	stream.linear.scatter [tilespmem:s16], [sflag:$0x2], $0x4000, $0x38;
	[tilespmem:$0x1D000] =	vst v63  }
0x2f: {  	_ =	swait.ge [sflag:s14], $0x4000  }
0x30: {  	[sflag:s14] =	ssyncset.done $0x0  }
0x31: {  	[sflag:s14] =	ssyncadd.s32 $0xFFFFC000  }
0x32: {  	[spmem:s9] =	stream.linear.scatter [tilespmem:s16], [sflag:$0x2], $0x4000, $0x38;
	[tilespmem:$0x1D000] =	vst v63  }
0x33: {  	_ =	swait.ge [sflag:s14], $0x4000  }
0x34: {  	[sflag:s14] =	ssyncset.done $0x0  }
0x35: {  	[sflag:s14] =	ssyncadd.s32 $0xFFFFC000  }
0x36: {  	[spmem:s10] =	stream.linear.scatter [tilespmem:s16], [sflag:$0x2], $0x4000, $0x38;
	[tilespmem:$0x1D000] =	vst v63  }
0x37: {  	_ =	swait.ge [sflag:s14], $0x4000  }
0x38: {  	[sflag:s14] =	ssyncset.done $0x0  }
0x39: {  	[sflag:s14] =	ssyncadd.s32 $0xFFFFC000  }
0x3a: {  	[spmem:s11] =	stream.linear.scatter [tilespmem:s16], [sflag:$0x2], $0x4000, $0x38;
	[tilespmem:$0x1D000] =	vst v63  }
0x3b: {  	_ =	swait.ge [sflag:s14], $0x4000  }
0x3c: {  	[sflag:s14] =	ssyncset.done $0x0  }
0x3d: {  	[sflag:s14] =	ssyncadd.s32 $0xFFFFC000  }
0x3e: {  	s30 =	simm.s32 $0x0;
	[bflag:$0x0] =	sbarrier.arrive $0xFFFF  }
0x3f: {  	[tilespmem:s16], [sflag:$0x1] =	stream.indirect.gather [hbm4b:s4+s17], $0x80, s30, s17, $0xb8;
	[tilespmem:$0x1D000] =	vst v63  }
0x40: {  	_ =	swait.ge [sflag:s18], $0x4000  }
0x41: {  	[sflag:s18] =	ssyncset.done $0x0  }
0x42: {  	s31 =	simm.s32 $0x2800;
	[sflag:s18] =	ssyncadd.s32 $0xFFFFC000  }
0x43: {  	[spmem:s2] =	stream.indirect.scatter.add.f32 [tilespmem:s16], [sflag:$0x2], $0x80, s31, s17, $0xb8;
	[tilespmem:$0x1D000] =	vst v63  }
0x44: {  	_ =	swait.ge [sflag:s14], $0x4000  }
0x45: {  	s22 =	simm.s32 $0x200;
	s23 =	simm.s32 $0x400;
	[sflag:s14] =	ssyncset.done $0x0  }
.LBB2_4:
0x46: {  	s24 =	sshra.s32 s22, $0x2  }
0x47: {  	[sflag:s14] =	ssyncadd.s32 $0xFFFFC000;
	s22 =	smov.u32 s23;
	s25 =	sadd.s32 $0x200, s23  }
0x48: {  	[tilespmem:s16], [sflag:$0x1] =	stream.indirect.gather [hbm4b:s4+s17], $0x80, s24, s17, $0xb8;
	[tilespmem:$0x1D000] =	vst v63  }
0x49: {  	p0 =	sne.s32 s23, $0x9C00;
	_ =	swait.ge [sflag:s18], $0x4000  }
.Ltmp1:
0x4a: {  	[sflag:s18] =	ssyncset.done $0x0;
	(pc) =	sbr.rel @p0 .LBB2_4-.Ltmp1, $4  }
0x4b: {  	s23 =	sadd.s32 $0x2800, s24;
	[sflag:s18] =	ssyncadd.s32 $0xFFFFC000  }
0x4c: {  	[spmem:s2] =	stream.indirect.scatter.add.f32 [tilespmem:s16], [sflag:$0x2], $0x80, s23, s17, $0xb8;
	[tilespmem:$0x1D000] =	vst v63  }
0x4d: {  	_ =	swait.ge [sflag:s14], $0x4000  }
0x4e: {  	s23 =	smov.u32 s25;
	[sflag:s14] =	ssyncset.done $0x0  }
0x4f: {  	s22 =	sshra.s32 s22, $0x2;
	[sflag:s14] =	ssyncadd.s32 $0xFFFFC000  }
0x50: {  	[tilespmem:s16], [sflag:$0x1] =	stream.indirect.gather [hbm4b:s4+s17], $0x80, s22, s17, $0xb8;
	[tilespmem:$0x1D000] =	vst v63  }
0x51: {  	_ =	swait.ge [sflag:s18], $0x4000  }
0x52: {  	[sflag:s18] =	ssyncset.done $0x0  }
0x53: {  	s22 =	sadd.s32 $0x2800, s22;
	[sflag:s18] =	ssyncadd.s32 $0xFFFFC000  }
0x54: {  	[spmem:s2] =	stream.indirect.scatter.add.f32 [tilespmem:s16], [sflag:$0x2], $0x80, s22, s17, $0xb8;
	[tilespmem:$0x1D000] =	vst v63  }
0x55: {  	_ =	swait.ge [sflag:s14], $0x4000  }
0x56: {  	s21 =	sadd.s32 $0x1, s21;
	[sflag:s14] =	ssyncset.done $0x0  }
0x57: {  	p0 =	sne.s32 s21, s13;
	[sflag:s14] =	ssyncadd.s32 $0xFFFFC000  }
.Ltmp2:
0x58: {  	[bflag:$0x0] =	sbarrier.arrive $0xFFFF;
	(pc) =	sbr.rel @p0 .LBB2_1-.Ltmp2, $4  }
0x59: {  	[hbm:s12], [sflag:s19] =	dma.local [spmem:s20], $0x2800  }
0x5a: {  	_ =	swait.ge [sflag:s14], $0x2800  }
0x5b: {  	[sflag:s14] =	ssyncset.done $0x0  }
0x5c: {  	[sflag:s14] =	ssyncadd.s32 $0xFFFFD800  }
0x5d: {  	_ =	sfence.sel $0x180000  }
0x5e: {  	[bflag:$0x0] =	sbarrier.arrive $0xFFFF  }
0x5f: {  	p0 =	sne.s32 s0, $0x0;
	_ =	strace $0x90000050  }
0x60: {  	s0 =	sadd.s32 @!p0 $0x100000, s1;
	[bflag:$0x2] =	sbarrier.arrive $0xFFFF  }
0x61: {  	[sflag:s0] =	ssyncadd.tile.s32 @!p0 $0x1;
	_ =	shalt  }
.Lfunc_end2:
_tile_overlayer_lowered:
.L_overlay_start_2:
0x62: {  	(tag) =	ssettag $0x2  }
0x63: {  	s0 =	rddreg [dreg:$0x0];
	s2 =	stileid.u32  }
0x64: {  	s1 =	rddreg [dreg:$0x1];
	p0 =	sne.s32 s2, $0x0  }
0x65: {  	s3 =	rddreg [dreg:$0x2];
	[bflag:$0x3] =	sbarrier.arrive $0xFFFF;
	s2 =	simm.s32 @!p0 $0x1C02  }
0x66: {  	[timem:s3], [sflag:s2] =	dma.local @!p0 [hbm:s0], s1  }
0x67: {  	s0 =	simm.s32 @!p0 $0x2  }
0x68: {  	_ =	swait.ge @!p0 [sflag:s0], s1  }
0x69: {  	s1 =	ssub.s32 @!p0 $0x0, s1;
	[sflag:s0] =	ssyncset.done @!p0 $0x0  }
0x6a: {  	[sflag:s0] =	ssyncadd.s32 @!p0 s1  }
0x6b: {  	[bflag:$0x3] =	sbarrier.arrive $0xFFFF  }
0x6c: {  	_ =	shalt  }

// kernel: kernel.25.cloned.1.call-start
scs
__scs_entry_jumppad:
0x0: {  	(pc) =	sbr.rel $0x88, $3  }
0x1: {  	(tag) =	ssettag $0x0;
	lr =	simm.s32 $0x1  }
0x2: {  	[smem:$0x3F95] =	sst lr;
	_ =	strace $0xD0000000  }
0x3: {  	_ = 	snop  }
0x4: {  	_ = 	snop  }
0x5: {  	_ = 	snop  }
0x6: {  	_ = 	snop  }
0x7: {  	_ = 	snop  }
__scs_overlays_trampoline_lowered:
0x8: {  	[smem:$0x3FA4] =	sst s0  }
0x9: {  	[smem:$0x3FA5] =	sst s1  }
0xa: {  	[smem:$0x3FA6] =	sst s2  }
0xb: {  	[smem:$0x3FA7] =	sst s3  }
0xc: {  	[smem:$0x3FA8] =	sst s4  }
0xd: {  	[smem:$0x3FA9] =	sst s5  }
0xe: {  	[smem:$0x3FAA] =	sst s6  }
0xf: {  	[smem:$0x3FAB] =	sst s7  }
0x10: {  	[smem:$0x3FAC] =	sst s8  }
0x11: {  	[smem:$0x3FAD] =	sst s9;
	s0 =	simm.s32 @!p0 $0x0  }
0x12: {  	s1 =	sld [smem:$0x3F93];
	s0 =	simm.s32 @p0 $0x1  }
0x13: {  	[smem:$0x3FAE] =	sst s0;
	s0 =	simm.s32 @!p1 $0x0  }
0x14: {  	s2 =	sld [smem:$0x3F92];
	s0 =	simm.s32 @p1 $0x1  }
0x15: {  	[smem:$0x3FAF] =	sst s0;
	s0 =	simm.s32 @!p2 $0x0  }
0x16: {  	s3 =	sld [smem:$0x3FDB];
	s0 =	simm.s32 @p2 $0x1  }
0x17: {  	s4 =	simm.s32 $0x1BF5;
	[smem:$0x3FB1] =	sst s0  }
0x18: {  	s0 =	sld [smem:$0x3F94];
	_ =	swait.ge [sflag:s4], $0x0  }
0x19: {  	s7 =	sld [smem:$0x3F95]  }
0x1a: {  	s8 =	sadd.s32 $0xFFFFE003, lr  }
0x1b: {  	s9 =	sadd.s32 $0xFFFFFEF7, lr;
	s5 =	simm.s32 $0xFFFFFFFF;
	p2 =	slt.u32 s8, $0xFFFFF086  }
0x1c: {  	p1 =	slt.u32 s9, $0xF7A;
	s5 =	simm.s32 @!p2 $0x0  }
0x1d: {  	s5 =	simm.s32 @p1 $0x1;
	p0 =	seq.s32 s7, s2  }
0x1e: {  	s7 =	smul.u32 @!p0 $0xF7A, s2;
	p2 =	seq.s32 @!p0 s5, $0x0  }
0x1f: {  	s9 =	smul.u32 $0xF7A, s1;
	s8 =	simm.s32 @!p0 $0x1BF5;
	p2 =	por !p2, p0  }
0x20: {  	[sflag:s8] =	ssyncset.s32 @!p0 $0xFFFFF086;
	s6 =	sadd.s32 @!p0 s3, s7;
	s7 =	simm.s32 @!p0 $0x108  }
0x21: {  	s3 =	sadd.s32 s3, s9;
	s6 =	sadd.s32 @!p0 $0x88, s6;
	s7 =	simm.s32 @p2 $0x1082  }
0x22: {  	[simem:s7], [sflag:s8] =	dma.local @!p0 [hbm:s6], $0xF7A  }
0x23: {  	s9 =	sor.u32 $0xD0000000, s2;
	s6 =	simm.s32 $0x108;
	_ =	swait.ge @!p0 [sflag:s8], $0x0  }
0x24: {  	s3 =	sadd.s32 $0x88, s3;
	s6 =	simm.s32 @!p1 $0x1082;
	[sflag:s4] =	ssyncset.s32 $0xFFFFF086  }
0x25: {  	[simem:s6], [sflag:s4] =	dma.local [hbm:s3], $0xF7A  }
0x26: {  	[smem:$0x3F95] =	sst s1;
	(tag) =	ssettag s2;
	_ =	strace s9  }
0x27: {  	s1 =	sld [smem:$0x3FA5]  }
0x28: {  	s2 =	sld [smem:$0x3FA6]  }
0x29: {  	s4 =	sld [smem:$0x3FA8]  }
0x2a: {  	p0 =	seq.s32 s5, $0x0;
	s5 =	sld [smem:$0x3FA9]  }
0x2b: {  	s6 =	sld [smem:$0x3FAA]  }
0x2c: {  	s7 =	sld [smem:$0x3FAB]  }
0x2d: {  	s3 =	simm.s32 $0x108;
	s8 =	sld [smem:$0x3FAC]  }
0x2e: {  	s3 =	simm.s32 @!p0 $0x1082;
	s9 =	sld [smem:$0x3FAD]  }
0x2f: {  	lr =	sadd.s32 s0, s3;
	s0 =	sld [smem:$0x3FA4]  }
0x30: {  	s3 =	sld [smem:$0x3FA7]  }
0x31: {  	[smem:$0x3FB0] =	sst s10  }
0x32: {  	s10 =	sld [smem:$0x3FAE];
	_ =	sdelay $0x3  }
0x33: {  	p0 =	seq.s32 s10, $0x1;
	s10 =	sld [smem:$0x3FB0];
	_ =	sdelay $0x3  }
0x34: {  	[smem:$0x3FB0] =	sst s10  }
0x35: {  	s10 =	sld [smem:$0x3FAF];
	_ =	sdelay $0x3  }
0x36: {  	p1 =	seq.s32 s10, $0x1;
	s10 =	sld [smem:$0x3FB0];
	_ =	sdelay $0x3  }
0x37: {  	[smem:$0x3FB0] =	sst s10  }
0x38: {  	s10 =	sld [smem:$0x3FB1]  }
0x39: {  	_ = 	snop;
	(pc) =	sbr.ind lr, $3  }
0x3a: {  	_ = 	snop  }
0x3b: {  	_ = 	snop  }
0x3c: {  	p2 =	seq.s32 s10, $0x1;
	s10 =	sld [smem:$0x3FB0]  }
0x3d: {  	_ =	shalt  }
0x3e: {  	_ =	shalt  }
0x3f: {  	_ =	shalt  }
0x40: {  	_ =	shalt  }
0x41: {  	_ =	shalt  }
0x42: {  	_ =	shalt  }
0x43: {  	_ =	shalt  }
0x44: {  	_ =	shalt  }
0x45: {  	_ =	shalt  }
0x46: {  	_ =	shalt  }
0x47: {  	_ =	shalt  }
0x48: {  	_ =	shalt  }
0x49: {  	_ =	shalt  }
0x4a: {  	_ =	shalt  }
0x4b: {  	_ =	shalt  }
0x4c: {  	_ =	shalt  }
0x4d: {  	_ =	shalt  }
0x4e: {  	_ =	shalt  }
0x4f: {  	_ =	shalt  }
0x50: {  	_ =	shalt  }
0x51: {  	_ =	shalt  }
0x52: {  	_ =	shalt  }
0x53: {  	_ =	shalt  }
0x54: {  	_ =	shalt  }
0x55: {  	_ =	shalt  }
0x56: {  	_ =	shalt  }
0x57: {  	_ =	shalt  }
0x58: {  	_ =	shalt  }
0x59: {  	_ =	shalt  }
0x5a: {  	_ =	shalt  }
0x5b: {  	_ =	shalt  }
0x5c: {  	_ =	shalt  }
0x5d: {  	_ =	shalt  }
0x5e: {  	_ =	shalt  }
0x5f: {  	_ =	shalt  }
0x60: {  	_ =	shalt  }
0x61: {  	_ =	shalt  }
0x62: {  	_ =	shalt  }
0x63: {  	_ =	shalt  }
0x64: {  	_ =	shalt  }
0x65: {  	_ =	shalt  }
0x66: {  	_ =	shalt  }
0x67: {  	_ =	shalt  }
0x68: {  	_ =	shalt  }
0x69: {  	_ =	shalt  }
0x6a: {  	_ =	shalt  }
0x6b: {  	_ =	shalt  }
0x6c: {  	_ =	shalt  }
0x6d: {  	_ =	shalt  }
0x6e: {  	_ =	shalt  }
0x6f: {  	_ =	shalt  }
0x70: {  	_ =	shalt  }
0x71: {  	_ =	shalt  }
0x72: {  	_ =	shalt  }
0x73: {  	_ =	shalt  }
0x74: {  	_ =	shalt  }
0x75: {  	_ =	shalt  }
0x76: {  	_ =	shalt  }
0x77: {  	_ =	shalt  }
0x78: {  	_ =	shalt  }
0x79: {  	_ =	shalt  }
0x7a: {  	_ =	shalt  }
0x7b: {  	_ =	shalt  }
0x7c: {  	_ =	shalt  }
0x7d: {  	_ =	shalt  }
0x7e: {  	_ =	shalt  }
0x7f: {  	_ =	shalt  }
0x80: {  	_ =	shalt  }
0x81: {  	_ =	shalt  }
0x82: {  	_ =	shalt  }
0x83: {  	_ =	shalt  }
0x84: {  	_ =	shalt  }
0x85: {  	_ =	shalt  }
0x86: {  	_ =	shalt  }
0x87: {  	_ =	shalt  }
.Lfunc_end0:
.L_simem_size_0:
called_computation.4_lowered:
.L_overlay_start_0:
0x88: {  	s2 =	sld [smem:$0x3FD9]  }
0x89: {  	s3 =	sld [smem:$0x3FFE];
	_ =	sdelay $0x1  }
0x8a: {  	s1 =	srdreg.scid  }
0x8b: {  	s0 =	sand.u32 $0x1, s1  }
0x8c: {  	s17 =	sshll.u32 s0, $0xA;
	s2 =	sadd.s32 s3, s2  }
0x8d: {  	s2 =	sadd.s32 s2, s17  }
0x8e: {  	[smem:$0x3FBC] =	sst s2  }
0x8f: {  	_ = 	snop  }
0x90: {  	s18 =	sld [smem:$0x3FD0];
	(tm) =	ssettm $0x1  }
0x91: {  	s19 =	sld [smem:$0x3FFB];
	_ =	sdelay $0x3  }
0x92: {  	_ =	strace s19  }
0x93: {  	s2 =	sld [smem:$0x3FFC];
	_ =	sdelay $0x3  }
0x94: {  	_ =	strace s2  }
0x95: {  	s2 =	sld [smem:$0x3FFD];
	_ =	sdelay $0x3  }
0x96: {  	_ =	strace s2  }
0x97: {  	_ =	strace $0x8FFFFFFF  }
0x98: {  	s20 =	sld [smem:$0x3FDB];
	_ =	sdelay $0x1  }
0x99: {  	s4 =	simm.s32 $_scs_section_size  }
0x9a: {  	s5 =	simm.s32 $_size__tile_overlayer_lowered;
	s6 =	simm.s32 $_tile_overlayer_lowered  }
0x9b: {  	s7 =	simm.s32 $0x1BFF;
	s21 =	sshll.u32 s6, $0x1;
	s4 =	sadd.s32 s4, s20  }
0x9c: {  	s22 =	simm.s32 $0x0;
	s5 =	sshll.u32 s5, $0x1;
	s6 =	sadd.s32 s21, s4  }
0x9d: {  	[timem:s22], [sflag:s7] =	dma.local [hbm:s6], s5  }
0x9e: {  	_ =	swait.ge [sflag:s7], s5  }
0x9f: {  	s5 =	ssub.s32 $0x0, s5;
	[sflag:s7] =	ssyncset.done $0x0  }
0xa0: {  	[sflag:s7] =	ssyncadd.s32 s5;
	_ =	sdelay $0x1  }
0xa1: {  	s23 =	simm.s32 $0x1B8B  }
0xa2: {  	_ =	swait.ge [sflag:s23], $0x1  }
0xa3: {  	[sflag:s23] =	ssyncset.done $0x0  }
0xa4: {  	[sflag:s23] =	ssyncadd.s32 $0xFFFFFFFF  }
0xa5: {  	s5 =	sld [smem:$0x0]  }
0xa6: {  	s6 =	sand.u32 $0xFFFFFFFE, s1  }
0xa7: {  	p0 =	sne.s32 s1, s6  }
0xa8: {  	s6 =	sshll.u32 @p0 s6, $0xE  }
0xa9: {  	s6 =	sadd.s32 @p0 $0x11B8D, s6;
	s7 =	sshll.u32 @p0 s5, $0x11  }
0xaa: {  	s6 =	sor.u32 @p0 s7, s6  }
0xab: {  	[sflag:s6] =	ssyncadd.remote.s32 @p0 $0x1;
	_ =	sdelay $0x1  }
0xac: {  	s6 =	simm.s32 @p0 $0x1B8D  }
0xad: {  	_ =	swait.eq @p0 [sflag:s6], $0x1  }
0xae: {  	[sflag:s6] =	ssyncadd.s32 @p0 $0xFFFFFFFF  }
0xaf: {  	s7 =	sshll.u32 @!p0 s1, $0xE  }
0xb0: {  	s7 =	sor.u32 @!p0 $0x4000, s7;
	s6 =	simm.s32 @!p0 $0x1B8D  }
0xb1: {  	s5 =	sshll.u32 @!p0 s5, $0x11;
	s7 =	sadd.s32 @!p0 $0x11B8D, s7;
	_ =	swait.eq @!p0 [sflag:s6], $0x1  }
0xb2: {  	s5 =	sor.u32 @!p0 s5, s7;
	[sflag:s6] =	ssyncadd.s32 @!p0 $0xFFFFFFFF  }
0xb3: {  	s25 =	simm.s32 $0x1B8E;
	s24 =	sld [smem:$0x3FFE];
	[sflag:s5] =	ssyncadd.remote.s32 @!p0 $0x1  }
0xb4: {  	s26 =	simm.s32 $execute0_lowered;
	[smem:$0x3FD2] =	sst s25  }
0xb5: {  	s6 =	sshll.u32 s26, $0x1;
	_ =	strace $0x80000052;
	[dreg:$0x1] =	wrdreg $0xFFFFFFFF  }
0xb6: {  	s28 =	simm.s32 $_size_execute0_lowered;
	s4 =	sadd.s32 s4, s6;
	[dreg:$0x0] =	wrdreg $0x0  }
0xb7: {  	s6 =	sshll.u32 s28, $0x1;
	[dreg:$0x2] =	wrdreg s4  }
0xb8: {  	[dreg:$0x3] =	wrdreg s6  }
0xb9: {  	[dreg:$0x4] =	wrdreg $0xC0  }
0xba: {  	_ =	task [dreg:s22], $0x5FFFF  }
0xbb: {  	[dreg:$0x1] =	wrdreg $0xFFFFFFFF  }
0xbc: {  	[dreg:$0x0] =	wrdreg $0x60  }
0xbd: {  	[dreg:$0x2] =	wrdreg s24  }
0xbe: {  	[dreg:$0x3] =	wrdreg s18  }
0xbf: {  	[dreg:$0x4] =	wrdreg $0x90000  }
0xc0: {  	[dreg:$0x5] =	wrdreg $0xB  }
0xc1: {  	_ =	task.clear_ibuf [dreg:s22], $0x6FFFF;
	_ =	strace $0x90000052  }
0xc2: {  	s29 =	simm.s32 $0xB;
	_ =	strace $0x80000054  }
0xc3: {  	_ =	swait.ge [sflag:s29], $0x1  }
0xc4: {  	[sflag:s29] =	ssyncadd.s32 $0xFFFFFFFF  }
0xc5: {  	_ =	strace $0x90000054  }
0xc6: {  	_ =	sfence  }
0xc7: {  	s30 =	sld [smem:$0x0];
	_ =	sdelay $0x2  }
0xc8: {  	s31 =	sshll.u32 s1, $0xD;
	s1 =	sshrl.u32 s1, $0x2  }
0xc9: {  	s4 =	sand.u32 $0x4000, s31;
	s1 =	sadd.s32 s1, s30  }
0xca: {  	s0 =	sor.u32 s4, s0;
	s1 =	sshll.u32 s1, $0x11  }
0xcb: {  	s0 =	sor.u32 s1, s0  }
0xcc: {  	s0 =	sadd.s32 $0x8F2B, s0  }
0xcd: {  	[sflag:s0] =	ssyncadd.remote.s32 $0x1  }
0xce: {  	_ =	sfence.sel $0xFFFF  }
0xcf: {  	[dreg:$0x0] =	wrdreg $0xFFFFFFFF;
	(pc) =	sbr.abs _section_cstart, $3  }
0xd0: {  	[dreg:$0x1] =	wrdreg $0xFFFFFFFF  }
0xd1: {  	_ =	task.clear_ibuf [dreg:s22], $0x2FFFF;
	_ =	strace $0x9FFFFFFF  }
0xd2: {  	(tm) =	ssettm $0x7FFFFFFF  }
0xd3: {  	_ =	shalt  }
tec
execute0_lowered:
.L_overlay_start_1:
0x0: {  	(tag) =	ssettag $0x1  }
0x1: {  	s5 =	rddreg [dreg:$0x0]  }
0x2: {  	s6 =	rddreg [dreg:$0x1]  }
0x3: {  	s2 =	rddreg [dreg:$0x2]  }
0x4: {  	s0 =	srdreg.scid;
	s1 =	rddreg [dreg:$0x3]  }
0x5: {  	s3 =	simm.s32 $0x0;
	s15 =	simm.s32 $0x2800;
	s7 =	sand.u32 $0x1, s0  }
0x6: {  	s16 =	simm.s32 $0x5000;
	s0 =	stileid.u32;
	s4 =	smul.u32 $0x28000, s7  }
0x7: {  	s17 =	simm.s32 $0x80;
	s18 =	simm.s32 $0x1;
	s8 =	smul.u32 $0x2800, s0  }
0x8: {  	s21 =	simm.s32 $0x0;
	[smem:$0x7FF] =	sst s3;
	s9 =	smul.u32 $0x140000, s7  }
0x9: {  	s10 =	smul.u32 $0x14000, s0;
	_ =	strace $0x80000053;
	s7 =	ssub.s32 $0x2, s7  }
0xa: {  	s30 =	smul.u32 $0x50000, s0;
	s19 =	sshll.u32 s0, $0x6;
	s12 =	sshrl.u32 s7, $0x1  }
0xb: {  	s19 =	sor.u32 $0x1C02, s19;
	s8 =	sadd.s32 s8, s4;
	s4 =	sadd.s32 $0xD2600, s5  }
0xc: {  	s9 =	sadd.s32 s10, s9;
	s14 =	ssub.s32 s7, s12;
	s31 =	sshrl.u32 s30, $0x2  }
0xd: {  	s8 =	sshrl.u32 s8, $0x3;
	s9 =	sshrl.u32 s9, $0x3;
	s7 =	sadd.s32 s31, s2  }
0xe: {  	s11 =	sadd.s32 s8, s5;
	s13 =	sadd.s32 s9, s5;
	s6 =	sadd.s32 s6, s8  }
0xf: {  	s8 =	sadd.s32 $0x4000, s7;
	s9 =	sadd.s32 $0x8000, s7;
	s10 =	sadd.s32 $0xC000, s7  }
0x10: {  	s20 =	sshrl.u32 s7, $0x3;
	s5 =	sadd.s32 $0x4E00, s11;
	s11 =	sadd.s32 $0x10000, s7  }
0x11: {  	v0 =	vimm.f32 $0.0e+00;
	s12 =	sadd.s32 $0x199800, s13;
	s13 =	smax.u32 s14, $0x1;
	s14 =	simm.s32 $0x2  }
.LBB2_1:
0x12: {  	[tilespmem:s3], [sflag:$0x2] =	stream.linear.gather [hbm4b:s5+s3], $0x2780, $0x38;
	[tilespmem:$0x1D000] =	vst v63  }
0x13: {  	_ =	swait.ge [sflag:s14], $0x2780  }
0x14: {  	[sflag:s14] =	ssyncset.done $0x0  }
0x15: {  	[sflag:s14] =	ssyncadd.s32 $0xFFFFD880  }
0x16: {  	[tilespmem:s15], [sflag:$0x2] =	stream.linear.gather [hbm4b:s6+s3], $0x2780, $0x38;
	[tilespmem:$0x1D000] =	vst v63  }
0x17: {  	_ =	swait.ge [sflag:s14], $0x2780  }
0x18: {  	[sflag:s14] =	ssyncset.done $0x0  }
0x19: {  	s22 =	simm.s32 $0x0;
	s23 =	simm.s32 $0x200;
	[sflag:s14] =	ssyncadd.s32 $0xFFFFD880  }
.LBB2_2:
0x1a: {  	p0 =	sne.s32 s23, $0xFE00;
	[tilespmem:s22+$0x5070] =	vst v0  }
0x1b: {  	[tilespmem:s22+$0x5000] =	vst v0  }
0x1c: {  	[tilespmem:s22+$0x5010] =	vst v0  }
.Ltmp0:
0x1d: {  	[tilespmem:s22+$0x5020] =	vst v0;
	(pc) =	sbr.rel @p0 .LBB2_2-.Ltmp0, $4  }
0x1e: {  	[tilespmem:s22+$0x5030] =	vst v0  }
0x1f: {  	[tilespmem:s22+$0x5040] =	vst v0  }
0x20: {  	[tilespmem:s22+$0x5050] =	vst v0  }
0x21: {  	[tilespmem:s22+$0x5060] =	vst v0;
	s22 =	sshra.s32 s23, $0x2;
	s23 =	sadd.s32 $0x200, s23  }
0x22: {  	[tilespmem:s22+$0x5070] =	vst v0  }
0x23: {  	[tilespmem:s22+$0x5000] =	vst v0  }
0x24: {  	[tilespmem:s22+$0x5010] =	vst v0  }
0x25: {  	[tilespmem:s22+$0x5020] =	vst v0  }
0x26: {  	[tilespmem:s22+$0x5030] =	vst v0  }
0x27: {  	[tilespmem:s22+$0x5040] =	vst v0  }
0x28: {  	[tilespmem:s22+$0x5050] =	vst v0  }
0x29: {  	[tilespmem:s22+$0x5060] =	vst v0  }
0x2a: {  	[spmem:s7] =	stream.linear.scatter [tilespmem:s16], [sflag:$0x2], $0x4000, $0x38;
	[tilespmem:$0x1D000] =	vst v63  }
0x2b: {  	_ =	swait.ge [sflag:s14], $0x4000  }
0x2c: {  	[sflag:s14] =	ssyncset.done $0x0  }
0x2d: {  	[sflag:s14] =	ssyncadd.s32 $0xFFFFC000  }
0x2e: {  	[spmem:s8] =	stream.linear.scatter [tilespmem:s16], [sflag:$0x2], $0x4000, $0x38;
	[tilespmem:$0x1D000] =	vst v63  }
0x2f: {  	_ =	swait.ge [sflag:s14], $0x4000  }
0x30: {  	[sflag:s14] =	ssyncset.done $0x0  }
0x31: {  	[sflag:s14] =	ssyncadd.s32 $0xFFFFC000  }
0x32: {  	[spmem:s9] =	stream.linear.scatter [tilespmem:s16], [sflag:$0x2], $0x4000, $0x38;
	[tilespmem:$0x1D000] =	vst v63  }
0x33: {  	_ =	swait.ge [sflag:s14], $0x4000  }
0x34: {  	[sflag:s14] =	ssyncset.done $0x0  }
0x35: {  	[sflag:s14] =	ssyncadd.s32 $0xFFFFC000  }
0x36: {  	[spmem:s10] =	stream.linear.scatter [tilespmem:s16], [sflag:$0x2], $0x4000, $0x38;
	[tilespmem:$0x1D000] =	vst v63  }
0x37: {  	_ =	swait.ge [sflag:s14], $0x4000  }
0x38: {  	[sflag:s14] =	ssyncset.done $0x0  }
0x39: {  	[sflag:s14] =	ssyncadd.s32 $0xFFFFC000  }
0x3a: {  	[spmem:s11] =	stream.linear.scatter [tilespmem:s16], [sflag:$0x2], $0x4000, $0x38;
	[tilespmem:$0x1D000] =	vst v63  }
0x3b: {  	_ =	swait.ge [sflag:s14], $0x4000  }
0x3c: {  	[sflag:s14] =	ssyncset.done $0x0  }
0x3d: {  	[sflag:s14] =	ssyncadd.s32 $0xFFFFC000  }
0x3e: {  	s30 =	simm.s32 $0x0;
	[bflag:$0x0] =	sbarrier.arrive $0xFFFF  }
0x3f: {  	[tilespmem:s16], [sflag:$0x1] =	stream.indirect.gather [hbm4b:s4+s17], $0x80, s30, s17, $0xb8;
	[tilespmem:$0x1D000] =	vst v63  }
0x40: {  	_ =	swait.ge [sflag:s18], $0x4000  }
0x41: {  	[sflag:s18] =	ssyncset.done $0x0  }
0x42: {  	s31 =	simm.s32 $0x2800;
	[sflag:s18] =	ssyncadd.s32 $0xFFFFC000  }
0x43: {  	[spmem:s2] =	stream.indirect.scatter.add.f32 [tilespmem:s16], [sflag:$0x2], $0x80, s31, s17, $0xb8;
	[tilespmem:$0x1D000] =	vst v63  }
0x44: {  	_ =	swait.ge [sflag:s14], $0x4000  }
0x45: {  	s22 =	simm.s32 $0x200;
	s23 =	simm.s32 $0x400;
	[sflag:s14] =	ssyncset.done $0x0  }
.LBB2_4:
0x46: {  	s24 =	sshra.s32 s22, $0x2  }
0x47: {  	[sflag:s14] =	ssyncadd.s32 $0xFFFFC000;
	s22 =	smov.u32 s23;
	s25 =	sadd.s32 $0x200, s23  }
0x48: {  	[tilespmem:s16], [sflag:$0x1] =	stream.indirect.gather [hbm4b:s4+s17], $0x80, s24, s17, $0xb8;
	[tilespmem:$0x1D000] =	vst v63  }
0x49: {  	p0 =	sne.s32 s23, $0x9C00;
	_ =	swait.ge [sflag:s18], $0x4000  }
.Ltmp1:
0x4a: {  	[sflag:s18] =	ssyncset.done $0x0;
	(pc) =	sbr.rel @p0 .LBB2_4-.Ltmp1, $4  }
0x4b: {  	s23 =	sadd.s32 $0x2800, s24;
	[sflag:s18] =	ssyncadd.s32 $0xFFFFC000  }
0x4c: {  	[spmem:s2] =	stream.indirect.scatter.add.f32 [tilespmem:s16], [sflag:$0x2], $0x80, s23, s17, $0xb8;
	[tilespmem:$0x1D000] =	vst v63  }
0x4d: {  	_ =	swait.ge [sflag:s14], $0x4000  }
0x4e: {  	s23 =	smov.u32 s25;
	[sflag:s14] =	ssyncset.done $0x0  }
0x4f: {  	s22 =	sshra.s32 s22, $0x2;
	[sflag:s14] =	ssyncadd.s32 $0xFFFFC000  }
0x50: {  	[tilespmem:s16], [sflag:$0x1] =	stream.indirect.gather [hbm4b:s4+s17], $0x80, s22, s17, $0xb8;
	[tilespmem:$0x1D000] =	vst v63  }
0x51: {  	_ =	swait.ge [sflag:s18], $0x4000  }
0x52: {  	[sflag:s18] =	ssyncset.done $0x0  }
0x53: {  	s22 =	sadd.s32 $0x2800, s22;
	[sflag:s18] =	ssyncadd.s32 $0xFFFFC000  }
0x54: {  	[spmem:s2] =	stream.indirect.scatter.add.f32 [tilespmem:s16], [sflag:$0x2], $0x80, s22, s17, $0xb8;
	[tilespmem:$0x1D000] =	vst v63  }
0x55: {  	_ =	swait.ge [sflag:s14], $0x4000  }
0x56: {  	s21 =	sadd.s32 $0x1, s21;
	[sflag:s14] =	ssyncset.done $0x0  }
0x57: {  	p0 =	sne.s32 s21, s13;
	[sflag:s14] =	ssyncadd.s32 $0xFFFFC000  }
.Ltmp2:
0x58: {  	[bflag:$0x0] =	sbarrier.arrive $0xFFFF;
	(pc) =	sbr.rel @p0 .LBB2_1-.Ltmp2, $4  }
0x59: {  	[hbm:s12], [sflag:s19] =	dma.local [spmem:s20], $0x2800  }
0x5a: {  	_ =	swait.ge [sflag:s14], $0x2800  }
0x5b: {  	[sflag:s14] =	ssyncset.done $0x0  }
0x5c: {  	[sflag:s14] =	ssyncadd.s32 $0xFFFFD800  }
0x5d: {  	_ =	sfence.sel $0x180000  }
0x5e: {  	[bflag:$0x0] =	sbarrier.arrive $0xFFFF  }
0x5f: {  	p0 =	sne.s32 s0, $0x0;
	_ =	strace $0x90000053  }
0x60: {  	s0 =	sadd.s32 @!p0 $0x100000, s1;
	[bflag:$0x2] =	sbarrier.arrive $0xFFFF  }
0x61: {  	[sflag:s0] =	ssyncadd.tile.s32 @!p0 $0x1;
	_ =	shalt  }
.Lfunc_end2:
_tile_overlayer_lowered:
.L_overlay_start_2:
0x62: {  	(tag) =	ssettag $0x2  }
0x63: {  	s0 =	rddreg [dreg:$0x0];
	s2 =	stileid.u32  }
0x64: {  	s1 =	rddreg [dreg:$0x1];
	p0 =	sne.s32 s2, $0x0  }
0x65: {  	s3 =	rddreg [dreg:$0x2];
	[bflag:$0x3] =	sbarrier.arrive $0xFFFF;
	s2 =	simm.s32 @!p0 $0x1C02  }
0x66: {  	[timem:s3], [sflag:s2] =	dma.local @!p0 [hbm:s0], s1  }
0x67: {  	s0 =	simm.s32 @!p0 $0x2  }
0x68: {  	_ =	swait.ge @!p0 [sflag:s0], s1  }
0x69: {  	s1 =	ssub.s32 @!p0 $0x0, s1;
	[sflag:s0] =	ssyncset.done @!p0 $0x0  }
0x6a: {  	[sflag:s0] =	ssyncadd.s32 @!p0 s1  }
0x6b: {  	[bflag:$0x3] =	sbarrier.arrive $0xFFFF  }
0x6c: {  	_ =	shalt  }

// kernel: kernel.28.cloned.1.call-start
scs
__scs_entry_jumppad:
0x0: {  	(pc) =	sbr.rel $0x88, $3  }
0x1: {  	(tag) =	ssettag $0x0;
	lr =	simm.s32 $0x1  }
0x2: {  	[smem:$0x3F95] =	sst lr;
	_ =	strace $0xD0000000  }
0x3: {  	_ = 	snop  }
0x4: {  	_ = 	snop  }
0x5: {  	_ = 	snop  }
0x6: {  	_ = 	snop  }
0x7: {  	_ = 	snop  }
__scs_overlays_trampoline_lowered:
0x8: {  	[smem:$0x3FA4] =	sst s0  }
0x9: {  	[smem:$0x3FA5] =	sst s1  }
0xa: {  	[smem:$0x3FA6] =	sst s2  }
0xb: {  	[smem:$0x3FA7] =	sst s3  }
0xc: {  	[smem:$0x3FA8] =	sst s4  }
0xd: {  	[smem:$0x3FA9] =	sst s5  }
0xe: {  	[smem:$0x3FAA] =	sst s6  }
0xf: {  	[smem:$0x3FAB] =	sst s7  }
0x10: {  	[smem:$0x3FAC] =	sst s8  }
0x11: {  	[smem:$0x3FAD] =	sst s9;
	s0 =	simm.s32 @!p0 $0x0  }
0x12: {  	s1 =	sld [smem:$0x3F93];
	s0 =	simm.s32 @p0 $0x1  }
0x13: {  	[smem:$0x3FAE] =	sst s0;
	s0 =	simm.s32 @!p1 $0x0  }
0x14: {  	s2 =	sld [smem:$0x3F92];
	s0 =	simm.s32 @p1 $0x1  }
0x15: {  	[smem:$0x3FAF] =	sst s0;
	s0 =	simm.s32 @!p2 $0x0  }
0x16: {  	s3 =	sld [smem:$0x3FDB];
	s0 =	simm.s32 @p2 $0x1  }
0x17: {  	s4 =	simm.s32 $0x1BF5;
	[smem:$0x3FB1] =	sst s0  }
0x18: {  	s0 =	sld [smem:$0x3F94];
	_ =	swait.ge [sflag:s4], $0x0  }
0x19: {  	s7 =	sld [smem:$0x3F95]  }
0x1a: {  	s8 =	sadd.s32 $0xFFFFE003, lr  }
0x1b: {  	s9 =	sadd.s32 $0xFFFFFEF7, lr;
	s5 =	simm.s32 $0xFFFFFFFF;
	p2 =	slt.u32 s8, $0xFFFFF086  }
0x1c: {  	p1 =	slt.u32 s9, $0xF7A;
	s5 =	simm.s32 @!p2 $0x0  }
0x1d: {  	s5 =	simm.s32 @p1 $0x1;
	p0 =	seq.s32 s7, s2  }
0x1e: {  	s7 =	smul.u32 @!p0 $0xF7A, s2;
	p2 =	seq.s32 @!p0 s5, $0x0  }
0x1f: {  	s9 =	smul.u32 $0xF7A, s1;
	s8 =	simm.s32 @!p0 $0x1BF5;
	p2 =	por !p2, p0  }
0x20: {  	[sflag:s8] =	ssyncset.s32 @!p0 $0xFFFFF086;
	s6 =	sadd.s32 @!p0 s3, s7;
	s7 =	simm.s32 @!p0 $0x108  }
0x21: {  	s3 =	sadd.s32 s3, s9;
	s6 =	sadd.s32 @!p0 $0x88, s6;
	s7 =	simm.s32 @p2 $0x1082  }
0x22: {  	[simem:s7], [sflag:s8] =	dma.local @!p0 [hbm:s6], $0xF7A  }
0x23: {  	s9 =	sor.u32 $0xD0000000, s2;
	s6 =	simm.s32 $0x108;
	_ =	swait.ge @!p0 [sflag:s8], $0x0  }
0x24: {  	s3 =	sadd.s32 $0x88, s3;
	s6 =	simm.s32 @!p1 $0x1082;
	[sflag:s4] =	ssyncset.s32 $0xFFFFF086  }
0x25: {  	[simem:s6], [sflag:s4] =	dma.local [hbm:s3], $0xF7A  }
0x26: {  	[smem:$0x3F95] =	sst s1;
	(tag) =	ssettag s2;
	_ =	strace s9  }
0x27: {  	s1 =	sld [smem:$0x3FA5]  }
0x28: {  	s2 =	sld [smem:$0x3FA6]  }
0x29: {  	s4 =	sld [smem:$0x3FA8]  }
0x2a: {  	p0 =	seq.s32 s5, $0x0;
	s5 =	sld [smem:$0x3FA9]  }
0x2b: {  	s6 =	sld [smem:$0x3FAA]  }
0x2c: {  	s7 =	sld [smem:$0x3FAB]  }
0x2d: {  	s3 =	simm.s32 $0x108;
	s8 =	sld [smem:$0x3FAC]  }
0x2e: {  	s3 =	simm.s32 @!p0 $0x1082;
	s9 =	sld [smem:$0x3FAD]  }
0x2f: {  	lr =	sadd.s32 s0, s3;
	s0 =	sld [smem:$0x3FA4]  }
0x30: {  	s3 =	sld [smem:$0x3FA7]  }
0x31: {  	[smem:$0x3FB0] =	sst s10  }
0x32: {  	s10 =	sld [smem:$0x3FAE];
	_ =	sdelay $0x3  }
0x33: {  	p0 =	seq.s32 s10, $0x1;
	s10 =	sld [smem:$0x3FB0];
	_ =	sdelay $0x3  }
0x34: {  	[smem:$0x3FB0] =	sst s10  }
0x35: {  	s10 =	sld [smem:$0x3FAF];
	_ =	sdelay $0x3  }
0x36: {  	p1 =	seq.s32 s10, $0x1;
	s10 =	sld [smem:$0x3FB0];
	_ =	sdelay $0x3  }
0x37: {  	[smem:$0x3FB0] =	sst s10  }
0x38: {  	s10 =	sld [smem:$0x3FB1]  }
0x39: {  	_ = 	snop;
	(pc) =	sbr.ind lr, $3  }
0x3a: {  	_ = 	snop  }
0x3b: {  	_ = 	snop  }
0x3c: {  	p2 =	seq.s32 s10, $0x1;
	s10 =	sld [smem:$0x3FB0]  }
0x3d: {  	_ =	shalt  }
0x3e: {  	_ =	shalt  }
0x3f: {  	_ =	shalt  }
0x40: {  	_ =	shalt  }
0x41: {  	_ =	shalt  }
0x42: {  	_ =	shalt  }
0x43: {  	_ =	shalt  }
0x44: {  	_ =	shalt  }
0x45: {  	_ =	shalt  }
0x46: {  	_ =	shalt  }
0x47: {  	_ =	shalt  }
0x48: {  	_ =	shalt  }
0x49: {  	_ =	shalt  }
0x4a: {  	_ =	shalt  }
0x4b: {  	_ =	shalt  }
0x4c: {  	_ =	shalt  }
0x4d: {  	_ =	shalt  }
0x4e: {  	_ =	shalt  }
0x4f: {  	_ =	shalt  }
0x50: {  	_ =	shalt  }
0x51: {  	_ =	shalt  }
0x52: {  	_ =	shalt  }
0x53: {  	_ =	shalt  }
0x54: {  	_ =	shalt  }
0x55: {  	_ =	shalt  }
0x56: {  	_ =	shalt  }
0x57: {  	_ =	shalt  }
0x58: {  	_ =	shalt  }
0x59: {  	_ =	shalt  }
0x5a: {  	_ =	shalt  }
0x5b: {  	_ =	shalt  }
0x5c: {  	_ =	shalt  }
0x5d: {  	_ =	shalt  }
0x5e: {  	_ =	shalt  }
0x5f: {  	_ =	shalt  }
0x60: {  	_ =	shalt  }
0x61: {  	_ =	shalt  }
0x62: {  	_ =	shalt  }
0x63: {  	_ =	shalt  }
0x64: {  	_ =	shalt  }
0x65: {  	_ =	shalt  }
0x66: {  	_ =	shalt  }
0x67: {  	_ =	shalt  }
0x68: {  	_ =	shalt  }
0x69: {  	_ =	shalt  }
0x6a: {  	_ =	shalt  }
0x6b: {  	_ =	shalt  }
0x6c: {  	_ =	shalt  }
0x6d: {  	_ =	shalt  }
0x6e: {  	_ =	shalt  }
0x6f: {  	_ =	shalt  }
0x70: {  	_ =	shalt  }
0x71: {  	_ =	shalt  }
0x72: {  	_ =	shalt  }
0x73: {  	_ =	shalt  }
0x74: {  	_ =	shalt  }
0x75: {  	_ =	shalt  }
0x76: {  	_ =	shalt  }
0x77: {  	_ =	shalt  }
0x78: {  	_ =	shalt  }
0x79: {  	_ =	shalt  }
0x7a: {  	_ =	shalt  }
0x7b: {  	_ =	shalt  }
0x7c: {  	_ =	shalt  }
0x7d: {  	_ =	shalt  }
0x7e: {  	_ =	shalt  }
0x7f: {  	_ =	shalt  }
0x80: {  	_ =	shalt  }
0x81: {  	_ =	shalt  }
0x82: {  	_ =	shalt  }
0x83: {  	_ =	shalt  }
0x84: {  	_ =	shalt  }
0x85: {  	_ =	shalt  }
0x86: {  	_ =	shalt  }
0x87: {  	_ =	shalt  }
.Lfunc_end0:
.L_simem_size_0:
called_computation.5_lowered:
.L_overlay_start_0:
0x88: {  	s2 =	sld [smem:$0x3FD9]  }
0x89: {  	s3 =	sld [smem:$0x3FFE];
	_ =	sdelay $0x1  }
0x8a: {  	s1 =	srdreg.scid  }
0x8b: {  	s0 =	sand.u32 $0x1, s1  }
0x8c: {  	s17 =	sshll.u32 s0, $0xA;
	s2 =	sadd.s32 s3, s2  }
0x8d: {  	s2 =	sadd.s32 s2, s17  }
0x8e: {  	[smem:$0x3FBC] =	sst s2  }
0x8f: {  	_ = 	snop  }
0x90: {  	s2 =	sld [smem:$0x3FD0];
	(tm) =	ssettm $0x1  }
0x91: {  	s18 =	sld [smem:$0x3FFB];
	_ =	sdelay $0x3  }
0x92: {  	_ =	strace s18  }
0x93: {  	s3 =	sld [smem:$0x3FFC];
	_ =	sdelay $0x3  }
0x94: {  	_ =	strace s3  }
0x95: {  	s3 =	sld [smem:$0x3FFD];
	_ =	sdelay $0x3  }
0x96: {  	_ =	strace s3  }
0x97: {  	_ =	strace $0x8FFFFFFF  }
0x98: {  	s19 =	sld [smem:$0x3FDB];
	_ =	sdelay $0x1  }
0x99: {  	s4 =	simm.s32 $_scs_section_size  }
0x9a: {  	s5 =	simm.s32 $_size__tile_overlayer_lowered;
	s6 =	simm.s32 $_tile_overlayer_lowered  }
0x9b: {  	s22 =	simm.s32 $0x1BFF;
	s21 =	sshll.u32 s6, $0x1;
	s3 =	sadd.s32 s4, s19  }
0x9c: {  	s7 =	simm.s32 $0x0;
	s20 =	sshll.u32 s5, $0x1;
	s5 =	sadd.s32 s21, s3  }
0x9d: {  	[timem:s7], [sflag:s22] =	dma.local [hbm:s5], s20  }
0x9e: {  	_ =	swait.ge [sflag:s22], s20  }
0x9f: {  	s4 =	ssub.s32 $0x0, s20;
	[sflag:s22] =	ssyncset.done $0x0  }
0xa0: {  	[sflag:s22] =	ssyncadd.s32 s4;
	_ =	sdelay $0x1  }
0xa1: {  	s23 =	simm.s32 $0x1B8B  }
0xa2: {  	_ =	swait.ge [sflag:s23], $0x1  }
0xa3: {  	[sflag:s23] =	ssyncset.done $0x0  }
0xa4: {  	s25 =	simm.s32 $0x1B8E;
	s24 =	sld [smem:$0x3FFE];
	[sflag:s23] =	ssyncadd.s32 $0xFFFFFFFF  }
0xa5: {  	s26 =	simm.s32 $execute0_lowered;
	[smem:$0x3FD2] =	sst s25  }
0xa6: {  	s5 =	sshll.u32 s26, $0x1;
	_ =	strace $0x80000055;
	[dreg:$0x1] =	wrdreg $0xFFFFFFFF  }
0xa7: {  	s28 =	simm.s32 $_size_execute0_lowered;
	s3 =	sadd.s32 s3, s5;
	[dreg:$0x0] =	wrdreg $0x0  }
0xa8: {  	s5 =	sshll.u32 s28, $0x1;
	[dreg:$0x2] =	wrdreg s3  }
0xa9: {  	[dreg:$0x3] =	wrdreg s5  }
0xaa: {  	[dreg:$0x4] =	wrdreg $0xC0  }
0xab: {  	_ =	task [dreg:s7], $0x5FFFF  }
0xac: {  	[dreg:$0x1] =	wrdreg $0xFFFFFFFF  }
0xad: {  	[dreg:$0x0] =	wrdreg $0x60  }
0xae: {  	[dreg:$0x2] =	wrdreg s24  }
0xaf: {  	[dreg:$0x3] =	wrdreg s2  }
0xb0: {  	[dreg:$0x4] =	wrdreg $0x90000  }
0xb1: {  	[dreg:$0x5] =	wrdreg $0x9  }
0xb2: {  	_ =	task.clear_ibuf [dreg:s7], $0x6FFFF;
	_ =	strace $0x90000055  }
0xb3: {  	s29 =	simm.s32 $0x9;
	_ =	strace $0x80000057  }
0xb4: {  	_ =	swait.ge [sflag:s29], $0x1  }
0xb5: {  	[sflag:s29] =	ssyncadd.s32 $0xFFFFFFFF  }
0xb6: {  	_ =	strace $0x90000057  }
0xb7: {  	_ =	sfence  }
0xb8: {  	s30 =	sld [smem:$0x0];
	_ =	sdelay $0x2  }
0xb9: {  	s31 =	sshll.u32 s1, $0xD;
	s1 =	sshrl.u32 s1, $0x2  }
0xba: {  	s3 =	sand.u32 $0x4000, s31;
	s1 =	sadd.s32 s1, s30  }
0xbb: {  	s0 =	sor.u32 s3, s0;
	s1 =	sshll.u32 s1, $0x11  }
0xbc: {  	s0 =	sor.u32 s1, s0  }
0xbd: {  	s0 =	sadd.s32 $0x8F2B, s0  }
0xbe: {  	[sflag:s0] =	ssyncadd.remote.s32 $0x1  }
0xbf: {  	_ =	sfence.sel $0xFFFF  }
0xc0: {  	[dreg:$0x0] =	wrdreg $0xFFFFFFFF;
	(pc) =	sbr.abs _section_cstart, $3  }
0xc1: {  	[dreg:$0x1] =	wrdreg $0xFFFFFFFF  }
0xc2: {  	_ =	task.clear_ibuf [dreg:s7], $0x2FFFF;
	_ =	strace $0x9FFFFFFF  }
0xc3: {  	(tm) =	ssettm $0x7FFFFFFF  }
tec
execute0_lowered:
.L_overlay_start_1:
0x0: {  	(tag) =	ssettag $0x1  }
0x1: {  	s5 =	rddreg [dreg:$0x0]  }
0x2: {  	s6 =	rddreg [dreg:$0x1]  }
0x3: {  	s2 =	rddreg [dreg:$0x2]  }
0x4: {  	s0 =	srdreg.scid;
	s1 =	rddreg [dreg:$0x3]  }
0x5: {  	s3 =	simm.s32 $0x0;
	s15 =	simm.s32 $0x2800;
	s7 =	sand.u32 $0x1, s0  }
0x6: {  	s16 =	simm.s32 $0x5000;
	s0 =	stileid.u32;
	s4 =	smul.u32 $0x28000, s7  }
0x7: {  	s17 =	simm.s32 $0x80;
	s18 =	simm.s32 $0x1;
	s8 =	smul.u32 $0x2800, s0  }
0x8: {  	s21 =	simm.s32 $0x0;
	[smem:$0x7FF] =	sst s3;
	s9 =	smul.u32 $0x140000, s7  }
0x9: {  	s10 =	smul.u32 $0x14000, s0;
	_ =	strace $0x80000056;
	s7 =	ssub.s32 $0x2, s7  }
0xa: {  	s30 =	smul.u32 $0x50000, s0;
	s19 =	sshll.u32 s0, $0x6;
	s12 =	sshrl.u32 s7, $0x1  }
0xb: {  	s19 =	sor.u32 $0x1C02, s19;
	s8 =	sadd.s32 s8, s4;
	s4 =	sadd.s32 $0xEE00, s5  }
0xc: {  	s9 =	sadd.s32 s10, s9;
	s14 =	ssub.s32 s7, s12;
	s31 =	sshrl.u32 s30, $0x2  }
0xd: {  	s8 =	sshrl.u32 s8, $0x3;
	s9 =	sshrl.u32 s9, $0x3;
	s7 =	sadd.s32 s31, s2  }
0xe: {  	s11 =	sadd.s32 s8, s5;
	s13 =	sadd.s32 s9, s5;
	s6 =	sadd.s32 s6, s8  }
0xf: {  	s8 =	sadd.s32 $0x4000, s7;
	s9 =	sadd.s32 $0x8000, s7;
	s10 =	sadd.s32 $0xC000, s7  }
0x10: {  	s20 =	sshrl.u32 s7, $0x3;
	s5 =	sadd.s32 $0x4E00, s11;
	s11 =	sadd.s32 $0x10000, s7  }
0x11: {  	v0 =	vimm.f32 $0.0e+00;
	s12 =	sadd.s32 $0x36000, s13;
	s13 =	smax.u32 s14, $0x1;
	s14 =	simm.s32 $0x2  }
.LBB2_1:
0x12: {  	[tilespmem:s3], [sflag:$0x2] =	stream.linear.gather [hbm4b:s5+s3], $0x2780, $0x38;
	[tilespmem:$0x1D000] =	vst v63  }
0x13: {  	_ =	swait.ge [sflag:s14], $0x2780  }
0x14: {  	[sflag:s14] =	ssyncset.done $0x0  }
0x15: {  	[sflag:s14] =	ssyncadd.s32 $0xFFFFD880  }
0x16: {  	[tilespmem:s15], [sflag:$0x2] =	stream.linear.gather [hbm4b:s6+s3], $0x2780, $0x38;
	[tilespmem:$0x1D000] =	vst v63  }
0x17: {  	_ =	swait.ge [sflag:s14], $0x2780  }
0x18: {  	[sflag:s14] =	ssyncset.done $0x0  }
0x19: {  	s22 =	simm.s32 $0x0;
	s23 =	simm.s32 $0x200;
	[sflag:s14] =	ssyncadd.s32 $0xFFFFD880  }
.LBB2_2:
0x1a: {  	p0 =	sne.s32 s23, $0xFE00;
	[tilespmem:s22+$0x5070] =	vst v0  }
0x1b: {  	[tilespmem:s22+$0x5000] =	vst v0  }
0x1c: {  	[tilespmem:s22+$0x5010] =	vst v0  }
.Ltmp0:
0x1d: {  	[tilespmem:s22+$0x5020] =	vst v0;
	(pc) =	sbr.rel @p0 .LBB2_2-.Ltmp0, $4  }
0x1e: {  	[tilespmem:s22+$0x5030] =	vst v0  }
0x1f: {  	[tilespmem:s22+$0x5040] =	vst v0  }
0x20: {  	[tilespmem:s22+$0x5050] =	vst v0  }
0x21: {  	[tilespmem:s22+$0x5060] =	vst v0;
	s22 =	sshra.s32 s23, $0x2;
	s23 =	sadd.s32 $0x200, s23  }
0x22: {  	[tilespmem:s22+$0x5070] =	vst v0  }
0x23: {  	[tilespmem:s22+$0x5000] =	vst v0  }
0x24: {  	[tilespmem:s22+$0x5010] =	vst v0  }
0x25: {  	[tilespmem:s22+$0x5020] =	vst v0  }
0x26: {  	[tilespmem:s22+$0x5030] =	vst v0  }
0x27: {  	[tilespmem:s22+$0x5040] =	vst v0  }
0x28: {  	[tilespmem:s22+$0x5050] =	vst v0  }
0x29: {  	[tilespmem:s22+$0x5060] =	vst v0  }
0x2a: {  	[spmem:s7] =	stream.linear.scatter [tilespmem:s16], [sflag:$0x2], $0x4000, $0x38;
	[tilespmem:$0x1D000] =	vst v63  }
0x2b: {  	_ =	swait.ge [sflag:s14], $0x4000  }
0x2c: {  	[sflag:s14] =	ssyncset.done $0x0  }
0x2d: {  	[sflag:s14] =	ssyncadd.s32 $0xFFFFC000  }
0x2e: {  	[spmem:s8] =	stream.linear.scatter [tilespmem:s16], [sflag:$0x2], $0x4000, $0x38;
	[tilespmem:$0x1D000] =	vst v63  }
0x2f: {  	_ =	swait.ge [sflag:s14], $0x4000  }
0x30: {  	[sflag:s14] =	ssyncset.done $0x0  }
0x31: {  	[sflag:s14] =	ssyncadd.s32 $0xFFFFC000  }
0x32: {  	[spmem:s9] =	stream.linear.scatter [tilespmem:s16], [sflag:$0x2], $0x4000, $0x38;
	[tilespmem:$0x1D000] =	vst v63  }
0x33: {  	_ =	swait.ge [sflag:s14], $0x4000  }
0x34: {  	[sflag:s14] =	ssyncset.done $0x0  }
0x35: {  	[sflag:s14] =	ssyncadd.s32 $0xFFFFC000  }
0x36: {  	[spmem:s10] =	stream.linear.scatter [tilespmem:s16], [sflag:$0x2], $0x4000, $0x38;
	[tilespmem:$0x1D000] =	vst v63  }
0x37: {  	_ =	swait.ge [sflag:s14], $0x4000  }
0x38: {  	[sflag:s14] =	ssyncset.done $0x0  }
0x39: {  	[sflag:s14] =	ssyncadd.s32 $0xFFFFC000  }
0x3a: {  	[spmem:s11] =	stream.linear.scatter [tilespmem:s16], [sflag:$0x2], $0x4000, $0x38;
	[tilespmem:$0x1D000] =	vst v63  }
0x3b: {  	_ =	swait.ge [sflag:s14], $0x4000  }
0x3c: {  	[sflag:s14] =	ssyncset.done $0x0  }
0x3d: {  	[sflag:s14] =	ssyncadd.s32 $0xFFFFC000  }
0x3e: {  	s30 =	simm.s32 $0x0;
	[bflag:$0x0] =	sbarrier.arrive $0xFFFF  }
0x3f: {  	[tilespmem:s16], [sflag:$0x1] =	stream.indirect.gather [hbm4b:s4+s17], $0x80, s30, s17, $0xb8;
	[tilespmem:$0x1D000] =	vst v63  }
0x40: {  	_ =	swait.ge [sflag:s18], $0x4000  }
0x41: {  	[sflag:s18] =	ssyncset.done $0x0  }
0x42: {  	s31 =	simm.s32 $0x2800;
	[sflag:s18] =	ssyncadd.s32 $0xFFFFC000  }
0x43: {  	[spmem:s2] =	stream.indirect.scatter.add.f32 [tilespmem:s16], [sflag:$0x2], $0x80, s31, s17, $0xb8;
	[tilespmem:$0x1D000] =	vst v63  }
0x44: {  	_ =	swait.ge [sflag:s14], $0x4000  }
0x45: {  	s22 =	simm.s32 $0x200;
	s23 =	simm.s32 $0x400;
	[sflag:s14] =	ssyncset.done $0x0  }
.LBB2_4:
0x46: {  	s24 =	sshra.s32 s22, $0x2  }
0x47: {  	[sflag:s14] =	ssyncadd.s32 $0xFFFFC000;
	s22 =	smov.u32 s23;
	s25 =	sadd.s32 $0x200, s23  }
0x48: {  	[tilespmem:s16], [sflag:$0x1] =	stream.indirect.gather [hbm4b:s4+s17], $0x80, s24, s17, $0xb8;
	[tilespmem:$0x1D000] =	vst v63  }
0x49: {  	p0 =	sne.s32 s23, $0x9C00;
	_ =	swait.ge [sflag:s18], $0x4000  }
.Ltmp1:
0x4a: {  	[sflag:s18] =	ssyncset.done $0x0;
	(pc) =	sbr.rel @p0 .LBB2_4-.Ltmp1, $4  }
0x4b: {  	s23 =	sadd.s32 $0x2800, s24;
	[sflag:s18] =	ssyncadd.s32 $0xFFFFC000  }
0x4c: {  	[spmem:s2] =	stream.indirect.scatter.add.f32 [tilespmem:s16], [sflag:$0x2], $0x80, s23, s17, $0xb8;
	[tilespmem:$0x1D000] =	vst v63  }
0x4d: {  	_ =	swait.ge [sflag:s14], $0x4000  }
0x4e: {  	s23 =	smov.u32 s25;
	[sflag:s14] =	ssyncset.done $0x0  }
0x4f: {  	s22 =	sshra.s32 s22, $0x2;
	[sflag:s14] =	ssyncadd.s32 $0xFFFFC000  }
0x50: {  	[tilespmem:s16], [sflag:$0x1] =	stream.indirect.gather [hbm4b:s4+s17], $0x80, s22, s17, $0xb8;
	[tilespmem:$0x1D000] =	vst v63  }
0x51: {  	_ =	swait.ge [sflag:s18], $0x4000  }
0x52: {  	[sflag:s18] =	ssyncset.done $0x0  }
0x53: {  	s22 =	sadd.s32 $0x2800, s22;
	[sflag:s18] =	ssyncadd.s32 $0xFFFFC000  }
0x54: {  	[spmem:s2] =	stream.indirect.scatter.add.f32 [tilespmem:s16], [sflag:$0x2], $0x80, s22, s17, $0xb8;
	[tilespmem:$0x1D000] =	vst v63  }
0x55: {  	_ =	swait.ge [sflag:s14], $0x4000  }
0x56: {  	s21 =	sadd.s32 $0x1, s21;
	[sflag:s14] =	ssyncset.done $0x0  }
0x57: {  	p0 =	sne.s32 s21, s13;
	[sflag:s14] =	ssyncadd.s32 $0xFFFFC000  }
.Ltmp2:
0x58: {  	[bflag:$0x0] =	sbarrier.arrive $0xFFFF;
	(pc) =	sbr.rel @p0 .LBB2_1-.Ltmp2, $4  }
0x59: {  	[hbm:s12], [sflag:s19] =	dma.local [spmem:s20], $0x2800  }
0x5a: {  	_ =	swait.ge [sflag:s14], $0x2800  }
0x5b: {  	[sflag:s14] =	ssyncset.done $0x0  }
0x5c: {  	[sflag:s14] =	ssyncadd.s32 $0xFFFFD800  }
0x5d: {  	_ =	sfence.sel $0x180000  }
0x5e: {  	[bflag:$0x0] =	sbarrier.arrive $0xFFFF  }
0x5f: {  	p0 =	sne.s32 s0, $0x0;
	_ =	strace $0x90000056  }
0x60: {  	s0 =	sadd.s32 @!p0 $0x100000, s1;
	[bflag:$0x2] =	sbarrier.arrive $0xFFFF  }
0x61: {  	[sflag:s0] =	ssyncadd.tile.s32 @!p0 $0x1;
	_ =	shalt  }
.Lfunc_end2:
_tile_overlayer_lowered:
.L_overlay_start_2:
0x62: {  	(tag) =	ssettag $0x2  }
0x63: {  	s0 =	rddreg [dreg:$0x0];
	s2 =	stileid.u32  }
0x64: {  	s1 =	rddreg [dreg:$0x1];
	p0 =	sne.s32 s2, $0x0  }
0x65: {  	s3 =	rddreg [dreg:$0x2];
	[bflag:$0x3] =	sbarrier.arrive $0xFFFF;
	s2 =	simm.s32 @!p0 $0x1C02  }
0x66: {  	[timem:s3], [sflag:s2] =	dma.local @!p0 [hbm:s0], s1  }
0x67: {  	s0 =	simm.s32 @!p0 $0x2  }
0x68: {  	_ =	swait.ge @!p0 [sflag:s0], s1  }
0x69: {  	s1 =	ssub.s32 @!p0 $0x0, s1;
	[sflag:s0] =	ssyncset.done @!p0 $0x0  }
0x6a: {  	[sflag:s0] =	ssyncadd.s32 @!p0 s1  }
0x6b: {  	[bflag:$0x3] =	sbarrier.arrive $0xFFFF  }
0x6c: {  	_ =	shalt  }

</sc_bundles>
